<compile_context>
chip_gen: v7x
topology: tpu7x:2x2x1
jax: 0.10.2.dev20260603
libtpu: 0.0.44.dev20260713+nightly
codegen_flags: <defaults>
</compile_context>

<pallas_src>
import functools

import jax
import jax.numpy as jnp
from jax import lax
from jax.experimental import pallas as pl
from jax.experimental.pallas import tpu as pltpu
from jax.experimental.pallas import tpu_sc as plsc

EPS = 1.0 + 1e-06

NC = 2
NS = 16
CH = 64
NB = 3
UNROLL = 4


def _tc_prep(x, W_lower, W_upper, W_lin, A_lower, A_upper, blk):
    n, d = x.shape
    nblk = n // blk

    def body(x_ref, wl_ref, wu_ref, wn_ref, al_ref, au_ref,
             xm_ref, wx_ref, aux_ref):
        xb = x_ref[...]
        xml = jnp.dot(xb, wl_ref[...], preferred_element_type=jnp.float32)
        xmu = jnp.dot(xb, wu_ref[...], preferred_element_type=jnp.float32)
        xm_ref[0] = xml
        xm_ref[1] = xmu
        wx_ref[...] = jnp.dot(xb, wn_ref[...],
                              preferred_element_type=jnp.float32) * EPS
        aux_ref[...] = (jnp.dot(xml, al_ref[...],
                                preferred_element_type=jnp.float32) +
                        jnp.dot(xmu, au_ref[...],
                                preferred_element_type=jnp.float32))

    return pl.pallas_call(
        body,
        grid=(nblk,),
        in_specs=[
            pl.BlockSpec((blk, d), lambda i: (i, 0)),
            pl.BlockSpec((d, d), lambda i: (0, 0)),
            pl.BlockSpec((d, d), lambda i: (0, 0)),
            pl.BlockSpec((d, d), lambda i: (0, 0)),
            pl.BlockSpec((d, 8), lambda i: (0, 0)),
            pl.BlockSpec((d, 8), lambda i: (0, 0)),
        ],
        out_specs=[
            pl.BlockSpec((2, blk, d), lambda i: (0, i, 0)),
            pl.BlockSpec((blk, d), lambda i: (i, 0)),
            pl.BlockSpec((blk, 8), lambda i: (i, 0)),
        ],
        out_shape=[
            jax.ShapeDtypeStruct((2, n, d), jnp.float32),
            jax.ShapeDtypeStruct((n, d), jnp.float32),
            jax.ShapeDtypeStruct((n, 8), jnp.float32),
        ],
    )(x, W_lower, W_upper, W_lin, A_lower, A_upper)


def _sc_message_pass(xm_all, s_all, t_all, edata, n, d, nchunks):
    ept = nchunks * CH
    rpt = -(-n // (NS * 8)) * 8
    n_acc = NS * rpt
    nfull = rpt // CH
    rem = rpt - nfull * CH

    mesh = plsc.VectorSubcoreMesh(core_axis_name="c", subcore_axis_name="s",
                                  num_cores=NC, num_subcores=NS)

    scratch = (
        [pltpu.VMEM((n,), jnp.float32)] * 2 +
        [pltpu.VMEM((3, CH), jnp.int32)] * NB +
        [pltpu.VMEM((CH,), jnp.int32)] * NB +
        [pltpu.VMEM((CH,), jnp.int32)] * NB +
        [pltpu.VMEM((CH,), jnp.float32)] * NB +
        [pltpu.VMEM((CH, 128), jnp.float32)] * NB +
        [pltpu.VMEM_SHARED((n_acc, 128), jnp.float32)] +
        [pltpu.SemaphoreType.DMA] * (3 * NB)
    )

    @functools.partial(
        pl.kernel,
        out_type=[jax.ShapeDtypeStruct((n_acc, d), jnp.float32),
                  jax.ShapeDtypeStruct((n_acc, d), jnp.float32)],
        mesh=mesh,
        compiler_params=pltpu.CompilerParams(needs_layout_passes=False),
        scratch_types=scratch,
    )
    def k(xm_h, s_h, t_h, ed_h, out0_h, out1_h, s_v, t_v, *bufs):
        ebs = bufs[0:NB]
        tscs = bufs[NB:2 * NB]
        gscs = bufs[2 * NB:3 * NB]
        ews = bufs[3 * NB:4 * NB]
        rows = bufs[4 * NB:5 * NB]
        acc = bufs[5 * NB]
        sem_e = bufs[5 * NB + 1:5 * NB + 1 + NB]
        sem_r = bufs[5 * NB + 1 + NB:5 * NB + 1 + 2 * NB]
        sem_s = bufs[5 * NB + 1 + 2 * NB:5 * NB + 1 + 3 * NB]
        c = lax.axis_index("c")
        sid = lax.axis_index("s")
        base = sid * rpt

        pltpu.sync_copy(s_h.at[pl.ds(c * n, n)], s_v)
        pltpu.sync_copy(t_h.at[pl.ds(c * n, n)], t_v)

        def zero_rows(i, _):
            for kk in range(8):
                rows[0][i, pl.ds(kk * 16, 16)] = jnp.zeros((16,), jnp.float32)
            return 0
        lax.fori_loop(0, CH, zero_rows, 0)
        for j in range(nfull):
            pltpu.sync_copy(rows[0], acc.at[pl.ds(base + j * CH, CH)])
        if rem:
            pltpu.sync_copy(rows[0].at[pl.ds(0, rem)],
                            acc.at[pl.ds(base + nfull * CH, rem)])
        plsc.subcore_barrier()

        chunk_base = (c * NS + sid) * nchunks

        def issue_edata(j, b):
            pltpu.async_copy(ed_h.at[chunk_base + j], ebs[b], sem_e[b])

        def scale_and_scatter(bp):
            rowp = rows[bp]
            ewp = ews[bp]

            @plsc.parallel_loop(0, CH, unroll=UNROLL)
            def _(e2):
                ew16 = plsc.load_gather(ewp, [lax.broadcast(e2, (16,))])
                for kk in range(8):
                    slk = pl.ds(kk * 16, 16)
                    rowp[e2, slk] = rowp[e2, slk] * ew16
            pltpu.async_copy(rowp, acc.at[tscs[bp]], sem_s[bp], add=True)

        def wait_gather(bp):
            pltpu.make_async_copy(xm_h.at[gscs[bp]], rows[bp], sem_r[bp]).wait()

        def process(i, b):
            j = NB * i + b
            eb = ebs[b]
            tsc = tscs[b]
            gsc = gscs[b]
            ew_v = ews[b]
            row = rows[b]
            pltpu.make_async_copy(ed_h.at[chunk_base], eb, sem_e[b]).wait()
            @pl.when(i >= 1)
            def _():
                pltpu.make_async_copy(row, acc.at[tsc], sem_s[b]).wait()
            for i16 in range(CH // 16):
                sl = pl.ds(i16 * 16, 16)
                sv = eb[0, sl]
                tv = eb[1, sl]
                a = (plsc.load_gather(s_v, [sv - c * n]) +
                     plsc.load_gather(t_v, [tv]))
                att = jnp.where(a > 0.0, a, jnp.exp(a) - 1.0)
                ew_v[sl] = att * plsc.bitcast(eb[2, sl], jnp.float32)
                tsc[sl] = tv
                gsc[sl] = sv
            pltpu.async_copy(xm_h.at[gsc], row, sem_r[b])
            @pl.when(j + NB < nchunks)
            def _():
                issue_edata(j + NB, b)
            if b == 0:
                @pl.when(i >= 1)
                def _():
                    wait_gather(NB - 1)
                    scale_and_scatter(NB - 1)
            else:
                wait_gather(b - 1)
                scale_and_scatter(b - 1)

        for b in range(NB):
            issue_edata(b, b)

        def ring(i, _):
            for b in range(NB):
                process(i, b)
            return 0
        lax.fori_loop(0, nchunks // NB, ring, 0)

        wait_gather(NB - 1)
        scale_and_scatter(NB - 1)
        for b in range(NB):
            pltpu.make_async_copy(rows[b], acc.at[tscs[b]], sem_s[b]).wait()
        plsc.subcore_barrier()

        def writeout(out_h):
            for j in range(nfull):
                pltpu.sync_copy(acc.at[pl.ds(base + j * CH, CH)], rows[0])
                pltpu.sync_copy(rows[0], out_h.at[pl.ds(base + j * CH, CH)])
            if rem:
                pltpu.sync_copy(acc.at[pl.ds(base + nfull * CH, rem)],
                                rows[0].at[pl.ds(0, rem)])
                pltpu.sync_copy(rows[0].at[pl.ds(0, rem)],
                                out_h.at[pl.ds(base + nfull * CH, rem)])

        @pl.when(c == 0)
        def _():
            writeout(out0_h)

        @pl.when(c == 1)
        def _():
            writeout(out1_h)

    return k(xm_all, s_all, t_all, edata)


def _tc_combine(p0, p1, wx, blk):
    n, d = wx.shape
    nblk = n // blk

    def body(p0_ref, p1_ref, wx_ref, out_ref):
        out_ref[...] = jnp.maximum(
            p0_ref[...] + p1_ref[...] + wx_ref[...], 0.0)

    return pl.pallas_call(
        body,
        grid=(nblk,),
        in_specs=[
            pl.BlockSpec((blk, d), lambda i: (i, 0)),
            pl.BlockSpec((blk, d), lambda i: (i, 0)),
            pl.BlockSpec((blk, d), lambda i: (i, 0)),
        ],
        out_specs=pl.BlockSpec((blk, d), lambda i: (i, 0)),
        out_shape=jax.ShapeDtypeStruct((n, d), jnp.float32),
    )(p0, p1, wx)


def kernel(x, lower_neighborhood_indices, lower_neighborhood_values,
           upper_neighborhood_indices, upper_neighborhood_values,
           W_lower, att_lower, W_upper, att_upper, W_lin):
    n, d = x.shape
    e = lower_neighborhood_values.shape[0]

    A_lower = jnp.zeros((d, 8), jnp.float32)
    A_lower = A_lower.at[:, 0].set(att_lower[:d]).at[:, 1].set(att_lower[d:])
    A_upper = jnp.zeros((d, 8), jnp.float32)
    A_upper = A_upper.at[:, 2].set(att_upper[:d]).at[:, 3].set(att_upper[d:])

    xm3, wx, aux = _tc_prep(x, W_lower, W_upper, W_lin,
                            A_lower, A_upper, blk=400)

    xm_all = xm3.reshape(NC * n, d)
    s_all = jnp.concatenate([aux[:, 0], aux[:, 2]])
    t_all = jnp.concatenate([aux[:, 1], aux[:, 3]])

    nchunks = -(-(-(-e // (NS * CH))) // NB) * NB
    e_pad = NS * CH * nchunks
    pad = e_pad - e

    def prep(idx, vals, node_off):
        tgt = jnp.concatenate([idx[0], jnp.zeros((pad,), jnp.int32)])
        src = jnp.concatenate([idx[1], jnp.zeros((pad,), jnp.int32)]) + node_off
        v = jax.lax.bitcast_convert_type(
            jnp.concatenate([vals, jnp.zeros((pad,), jnp.float32)]), jnp.int32)
        return jnp.stack([src.reshape(NS * nchunks, CH),
                          tgt.reshape(NS * nchunks, CH),
                          v.reshape(NS * nchunks, CH)], axis=1)

    ed_lo = prep(lower_neighborhood_indices, lower_neighborhood_values, 0)
    ed_up = prep(upper_neighborhood_indices, upper_neighborhood_values, n)
    edata = jnp.concatenate([ed_lo, ed_up])

    p0, p1 = _sc_message_pass(xm_all, s_all, t_all, edata, n, d, nchunks)

    return _tc_combine(p0, p1, wx, blk=400)

# --- scband reference (transcript-rebuilt; emitter-appended) ---
"""Pipeline reference for scband-canlayer-15599321219072 (READ-ONLY COPY).

The authoritative reference and input builder live on the scoring server;
editing this copy changes nothing except your own understanding.
"""

import jax, jax.numpy as jnp
import numpy as np

N = 10000
E = 320000
D = 128
EPS = 1.0 + 1e-06


def setup_inputs(seed: int = 0) -> dict:
    key = jax.random.key(seed)
    ks = jax.random.split(key, 10)
    x = jax.random.normal(ks[0], (N, D), dtype=jnp.float32)
    lower_neighborhood_indices = jax.random.randint(ks[1], (2, E), 0, N, dtype=jnp.int32)
    lower_neighborhood_values = jax.random.uniform(ks[2], (E,), dtype=jnp.float32)
    upper_neighborhood_indices = jax.random.randint(ks[3], (2, E), 0, N, dtype=jnp.int32)
    upper_neighborhood_values = jax.random.uniform(ks[4], (E,), dtype=jnp.float32)
    s = float(np.sqrt(6.0 / (D + D)))
    sa = float(np.sqrt(6.0 / (2 * D + 1)))
    W_lower = jax.random.uniform(ks[5], (D, D), minval=-s, maxval=s, dtype=jnp.float32)
    att_lower = jax.random.uniform(ks[6], (2 * D,), minval=-sa, maxval=sa, dtype=jnp.float32)
    W_upper = jax.random.uniform(ks[7], (D, D), minval=-s, maxval=s, dtype=jnp.float32)
    att_upper = jax.random.uniform(ks[8], (2 * D,), minval=-sa, maxval=sa, dtype=jnp.float32)
    W_lin = jax.random.uniform(ks[9], (D, D), minval=-s, maxval=s, dtype=jnp.float32)
    return {
        "x": x,
        "lower_neighborhood_indices": lower_neighborhood_indices,
        "lower_neighborhood_values": lower_neighborhood_values,
        "upper_neighborhood_indices": upper_neighborhood_indices,
        "upper_neighborhood_values": upper_neighborhood_values,
        "W_lower": W_lower,
        "att_lower": att_lower,
        "W_upper": W_upper,
        "att_upper": att_upper,
        "W_lin": W_lin,
    }


def _conv_att(x, edge_index, values, W, att_w, n_nodes):
    # topomodelx Conv(att=True): x_message = x @ W; per-edge attention = elu([xm_src||xm_tgt] . att_w)
    # then sparse matmul with (attention * neighborhood.values) as edge weights, scatter-add to target.
    xm = x @ W
    tgt = edge_index[0]
    src = edge_index[1]
    xm_src = jnp.take(xm, src, axis=0)
    xm_tgt = jnp.take(xm, tgt, axis=0)
    cat = jnp.concatenate([xm_src, xm_tgt], axis=1)
    att = jax.nn.elu(cat @ att_w)
    ew = att * values
    out = jax.ops.segment_sum(ew[:, None] * xm_src, tgt, num_segments=n_nodes)
    return out


def reference(x, lower_neighborhood_indices, lower_neighborhood_values, upper_neighborhood_indices, upper_neighborhood_values, W_lower, att_lower, W_upper, att_upper, W_lin):
    n = x.shape[0]
    lower_x = _conv_att(x, lower_neighborhood_indices, lower_neighborhood_values, W_lower, att_lower, n)
    upper_x = _conv_att(x, upper_neighborhood_indices, upper_neighborhood_values, W_upper, att_upper, n)
    w_x = (x @ W_lin) * EPS
    # Aggregation(aggr_func='sum', update_func='relu')
    out = lower_x + upper_x + w_x
    return jax.nn.relu(out)

if __name__ == "__main__":
    import jax
    _d = setup_inputs()
    print(jax.jit(kernel)(*tuple(_d.values())))

</pallas_src>

<mosaic_0001>
#map = affine_map<(d0, d1) -> (0, 0)>
#map1 = affine_map<(d0, d1) -> (0)>
#map2 = affine_map<(d0, d1) -> (0, 0, 0)>
module attributes {stable_mosaic.version = 14 : i64} {
  func.func @k(%arg0: i32, %arg1: i32, %arg2: memref<20000x128xf32, #tpu.memory_space<hbm>>, %arg3: memref<20000xf32, #tpu.memory_space<hbm>>, %arg4: memref<20000xf32, #tpu.memory_space<hbm>>, %arg5: memref<10080x3x64xi32, #tpu.memory_space<hbm>>, %arg6: memref<10112x128xf32, #tpu.memory_space<hbm>>, %arg7: memref<10112x128xf32, #tpu.memory_space<hbm>>, %arg8: memref<10000xf32, #tpu.memory_space<vmem>>, %arg9: memref<10000xf32, #tpu.memory_space<vmem>>, %arg10: memref<3x64xi32, #tpu.memory_space<vmem>>, %arg11: memref<3x64xi32, #tpu.memory_space<vmem>>, %arg12: memref<3x64xi32, #tpu.memory_space<vmem>>, %arg13: memref<64xi32, #tpu.memory_space<vmem>>, %arg14: memref<64xi32, #tpu.memory_space<vmem>>, %arg15: memref<64xi32, #tpu.memory_space<vmem>>, %arg16: memref<64xi32, #tpu.memory_space<vmem>>, %arg17: memref<64xi32, #tpu.memory_space<vmem>>, %arg18: memref<64xi32, #tpu.memory_space<vmem>>, %arg19: memref<64xf32, #tpu.memory_space<vmem>>, %arg20: memref<64xf32, #tpu.memory_space<vmem>>, %arg21: memref<64xf32, #tpu.memory_space<vmem>>, %arg22: memref<64x128xf32, #tpu.memory_space<vmem>>, %arg23: memref<64x128xf32, #tpu.memory_space<vmem>>, %arg24: memref<64x128xf32, #tpu.memory_space<vmem>>, %arg25: memref<10112x128xf32, #tpu.memory_space<vmem_shared>>, %arg26: memref<!tpu.dma_semaphore, #tpu.memory_space<semaphore_mem>>, %arg27: memref<!tpu.dma_semaphore, #tpu.memory_space<semaphore_mem>>, %arg28: memref<!tpu.dma_semaphore, #tpu.memory_space<semaphore_mem>>, %arg29: memref<!tpu.dma_semaphore, #tpu.memory_space<semaphore_mem>>, %arg30: memref<!tpu.dma_semaphore, #tpu.memory_space<semaphore_mem>>, %arg31: memref<!tpu.dma_semaphore, #tpu.memory_space<semaphore_mem>>, %arg32: memref<!tpu.dma_semaphore, #tpu.memory_space<semaphore_mem>>, %arg33: memref<!tpu.dma_semaphore, #tpu.memory_space<semaphore_mem>>, %arg34: memref<!tpu.dma_semaphore, #tpu.memory_space<semaphore_mem>>) attributes {dimension_semantics = [#tpu.dimension_semantics<core_parallel>, #tpu.dimension_semantics<subcore_parallel>], iteration_bounds = array<i64: 2, 16>, scalar_prefetch = 0 : i64, scratch_operands = 27 : i64, tpu.core_type = #tpu.core_type<sc_vector_subcore>, window_params = [{transform_indices = #map}, {transform_indices = #map1}, {transform_indices = #map1}, {transform_indices = #map2}, {transform_indices = #map}, {transform_indices = #map}]} {
    %mul3A = arith.constant 632 : i32
    %mul3A_0 = arith.muli %arg1, %mul3A : i32
    %mul3A_1 = arith.constant 10000 : i32
    %mul3A_2 = arith.muli %arg0, %mul3A_1 : i32
    "tpu.region"() ({
      %run_scoped3A = tpu.sem_alloc : memref<!tpu.dma_semaphore, #tpu.memory_space<semaphore_mem>>
      %dma_start3A_95 = tpu.memref_slice %arg3[%mul3A_2] : memref<20000xf32, #tpu.memory_space<hbm>> -> memref<10000xf32, #tpu.memory_space<hbm>>
      %dma_start3A_96 = tpu.memref_slice %arg3[%mul3A_2] : memref<20000xf32, #tpu.memory_space<hbm>> -> memref<10000xf32, #tpu.memory_space<hbm>>
      tpu.enqueue_dma source(%dma_start3A_96 : memref<10000xf32, #tpu.memory_space<hbm>>) target(%arg8 : memref<10000xf32, #tpu.memory_space<vmem>>) target_semaphore(%run_scoped3A : memref<!tpu.dma_semaphore, #tpu.memory_space<semaphore_mem>>)
      %dma_wait3A_97 = tpu.memref_slice %arg3[%mul3A_2] : memref<20000xf32, #tpu.memory_space<hbm>> -> memref<10000xf32, #tpu.memory_space<hbm>>
      %dma_wait3A_98 = tpu.memref_slice %arg3[%mul3A_2] : memref<20000xf32, #tpu.memory_space<hbm>> -> memref<10000xf32, #tpu.memory_space<hbm>>
      tpu.wait_dma2 semaphore(%run_scoped3A : memref<!tpu.dma_semaphore, #tpu.memory_space<semaphore_mem>>) src(%dma_wait3A_98 : memref<10000xf32, #tpu.memory_space<hbm>>) dst(%arg8 : memref<10000xf32, #tpu.memory_space<vmem>>)
      tpu.yield
    }) : () -> ()
    %mul3A_3 = arith.constant 10000 : i32
    %mul3A_4 = arith.muli %arg0, %mul3A_3 : i32
    "tpu.region"() ({
      %run_scoped3A = tpu.sem_alloc : memref<!tpu.dma_semaphore, #tpu.memory_space<semaphore_mem>>
      %dma_start3A_95 = tpu.memref_slice %arg4[%mul3A_4] : memref<20000xf32, #tpu.memory_space<hbm>> -> memref<10000xf32, #tpu.memory_space<hbm>>
      %dma_start3A_96 = tpu.memref_slice %arg4[%mul3A_4] : memref<20000xf32, #tpu.memory_space<hbm>> -> memref<10000xf32, #tpu.memory_space<hbm>>
      tpu.enqueue_dma source(%dma_start3A_96 : memref<10000xf32, #tpu.memory_space<hbm>>) target(%arg9 : memref<10000xf32, #tpu.memory_space<vmem>>) target_semaphore(%run_scoped3A : memref<!tpu.dma_semaphore, #tpu.memory_space<semaphore_mem>>)
      %dma_wait3A_97 = tpu.memref_slice %arg4[%mul3A_4] : memref<20000xf32, #tpu.memory_space<hbm>> -> memref<10000xf32, #tpu.memory_space<hbm>>
      %dma_wait3A_98 = tpu.memref_slice %arg4[%mul3A_4] : memref<20000xf32, #tpu.memory_space<hbm>> -> memref<10000xf32, #tpu.memory_space<hbm>>
      tpu.wait_dma2 semaphore(%run_scoped3A : memref<!tpu.dma_semaphore, #tpu.memory_space<semaphore_mem>>) src(%dma_wait3A_98 : memref<10000xf32, #tpu.memory_space<hbm>>) dst(%arg9 : memref<10000xf32, #tpu.memory_space<vmem>>)
      tpu.yield
    }) : () -> ()
    %scan3A = arith.constant 0 : i32
    %scan3A_5 = arith.constant 0 : i32
    %scan3A_6 = arith.constant 64 : i32
    %scan3A_7 = arith.addi %scan3A_5, %scan3A_6 : i32
    %scan3A_8 = arith.constant 1 : i32
    %scan3A_9 = scf.for %scan3A_95 = %scan3A_5 to %scan3A_7 step %scan3A_8 iter_args(%scan3A_96 = %scan3A) -> (i32)  : i32 {
      %broadcast_in_dim3A = arith.constant 0.000000e+00 : f32
      %broadcast_in_dim3A_97 = vector.broadcast %broadcast_in_dim3A : f32 to vector<16xf32>
      %swap3A = arith.index_cast %scan3A_95 : i32 to index
      %swap3A_98 = arith.constant 0 : index
      %swap3A_99 = tpu.vector_load %arg22[%swap3A, %swap3A_98] {strides = array<i32>} : memref<64x128xf32, #tpu.memory_space<vmem>>, vector<16xf32>,
      tpu.vector_store %arg22[%swap3A, %swap3A_98], %broadcast_in_dim3A_97 {strides = array<i32>} : memref<64x128xf32, #tpu.memory_space<vmem>>, vector<16xf32>,
      %broadcast_in_dim3A_100 = arith.constant 0.000000e+00 : f32
      %broadcast_in_dim3A_101 = vector.broadcast %broadcast_in_dim3A_100 : f32 to vector<16xf32>
      %swap3A_102 = arith.index_cast %scan3A_95 : i32 to index
      %swap3A_103 = arith.constant 16 : index
      %swap3A_104 = tpu.vector_load %arg22[%swap3A_102, %swap3A_103] {strides = array<i32>} : memref<64x128xf32, #tpu.memory_space<vmem>>, vector<16xf32>,
      tpu.vector_store %arg22[%swap3A_102, %swap3A_103], %broadcast_in_dim3A_101 {strides = array<i32>} : memref<64x128xf32, #tpu.memory_space<vmem>>, vector<16xf32>,
      %broadcast_in_dim3A_105 = arith.constant 0.000000e+00 : f32
      %broadcast_in_dim3A_106 = vector.broadcast %broadcast_in_dim3A_105 : f32 to vector<16xf32>
      %swap3A_107 = arith.index_cast %scan3A_95 : i32 to index
      %swap3A_108 = arith.constant 32 : index
      %swap3A_109 = tpu.vector_load %arg22[%swap3A_107, %swap3A_108] {strides = array<i32>} : memref<64x128xf32, #tpu.memory_space<vmem>>, vector<16xf32>,
      tpu.vector_store %arg22[%swap3A_107, %swap3A_108], %broadcast_in_dim3A_106 {strides = array<i32>} : memref<64x128xf32, #tpu.memory_space<vmem>>, vector<16xf32>,
      %broadcast_in_dim3A_110 = arith.constant 0.000000e+00 : f32
      %broadcast_in_dim3A_111 = vector.broadcast %broadcast_in_dim3A_110 : f32 to vector<16xf32>
      %swap3A_112 = arith.index_cast %scan3A_95 : i32 to index
      %swap3A_113 = arith.constant 48 : index
      %swap3A_114 = tpu.vector_load %arg22[%swap3A_112, %swap3A_113] {strides = array<i32>} : memref<64x128xf32, #tpu.memory_space<vmem>>, vector<16xf32>,
      tpu.vector_store %arg22[%swap3A_112, %swap3A_113], %broadcast_in_dim3A_111 {strides = array<i32>} : memref<64x128xf32, #tpu.memory_space<vmem>>, vector<16xf32>,
      %broadcast_in_dim3A_115 = arith.constant 0.000000e+00 : f32
      %broadcast_in_dim3A_116 = vector.broadcast %broadcast_in_dim3A_115 : f32 to vector<16xf32>
      %swap3A_117 = arith.index_cast %scan3A_95 : i32 to index
      %swap3A_118 = arith.constant 64 : index
      %swap3A_119 = tpu.vector_load %arg22[%swap3A_117, %swap3A_118] {strides = array<i32>} : memref<64x128xf32, #tpu.memory_space<vmem>>, vector<16xf32>,
      tpu.vector_store %arg22[%swap3A_117, %swap3A_118], %broadcast_in_dim3A_116 {strides = array<i32>} : memref<64x128xf32, #tpu.memory_space<vmem>>, vector<16xf32>,
      %broadcast_in_dim3A_120 = arith.constant 0.000000e+00 : f32
      %broadcast_in_dim3A_121 = vector.broadcast %broadcast_in_dim3A_120 : f32 to vector<16xf32>
      %swap3A_122 = arith.index_cast %scan3A_95 : i32 to index
      %swap3A_123 = arith.constant 80 : index
      %swap3A_124 = tpu.vector_load %arg22[%swap3A_122, %swap3A_123] {strides = array<i32>} : memref<64x128xf32, #tpu.memory_space<vmem>>, vector<16xf32>,
      tpu.vector_store %arg22[%swap3A_122, %swap3A_123], %broadcast_in_dim3A_121 {strides = array<i32>} : memref<64x128xf32, #tpu.memory_space<vmem>>, vector<16xf32>,
      %broadcast_in_dim3A_125 = arith.constant 0.000000e+00 : f32
      %broadcast_in_dim3A_126 = vector.broadcast %broadcast_in_dim3A_125 : f32 to vector<16xf32>
      %swap3A_127 = arith.index_cast %scan3A_95 : i32 to index
      %swap3A_128 = arith.constant 96 : index
      %swap3A_129 = tpu.vector_load %arg22[%swap3A_127, %swap3A_128] {strides = array<i32>} : memref<64x128xf32, #tpu.memory_space<vmem>>, vector<16xf32>,
      tpu.vector_store %arg22[%swap3A_127, %swap3A_128], %broadcast_in_dim3A_126 {strides = array<i32>} : memref<64x128xf32, #tpu.memory_space<vmem>>, vector<16xf32>,
      %broadcast_in_dim3A_130 = arith.constant 0.000000e+00 : f32
      %broadcast_in_dim3A_131 = vector.broadcast %broadcast_in_dim3A_130 : f32 to vector<16xf32>
      %swap3A_132 = arith.index_cast %scan3A_95 : i32 to index
      %swap3A_133 = arith.constant 112 : index
      %swap3A_134 = tpu.vector_load %arg22[%swap3A_132, %swap3A_133] {strides = array<i32>} : memref<64x128xf32, #tpu.memory_space<vmem>>, vector<16xf32>,
      tpu.vector_store %arg22[%swap3A_132, %swap3A_133], %broadcast_in_dim3A_131 {strides = array<i32>} : memref<64x128xf32, #tpu.memory_space<vmem>>, vector<16xf32>,
      %scan3A_135 = arith.constant 0 : i32
      scf.yield %scan3A_135 : i32
    }
    %scan3A_10 = arith.constant 64 : i32
    %add3A = arith.constant 0 : i32
    %add3A_11 = arith.addi %mul3A_0, %add3A : i32
    "tpu.region"() ({
      %run_scoped3A = tpu.sem_alloc : memref<!tpu.dma_semaphore, #tpu.memory_space<semaphore_mem>>
      %dma_start3A_95 = arith.constant 0 : i32
      %dma_start3A_96 = tpu.memref_slice %arg25[%add3A_11, %dma_start3A_95] : memref<10112x128xf32, #tpu.memory_space<vmem_shared>> -> memref<64x128xf32, #tpu.memory_space<vmem_shared>>
      %dma_start3A_97 = arith.constant 0 : i32
      %dma_start3A_98 = tpu.memref_slice %arg25[%add3A_11, %dma_start3A_97] : memref<10112x128xf32, #tpu.memory_space<vmem_shared>> -> memref<64x128xf32, #tpu.memory_space<vmem_shared>>
      tpu.enqueue_dma source(%arg22 : memref<64x128xf32, #tpu.memory_space<vmem>>) target(%dma_start3A_98 : memref<64x128xf32, #tpu.memory_space<vmem_shared>>) target_semaphore(%run_scoped3A : memref<!tpu.dma_semaphore, #tpu.memory_space<semaphore_mem>>)
      %dma_wait3A_99 = arith.constant 0 : i32
      %dma_wait3A_100 = tpu.memref_slice %arg25[%add3A_11, %dma_wait3A_99] : memref<10112x128xf32, #tpu.memory_space<vmem_shared>> -> memref<64x128xf32, #tpu.memory_space<vmem_shared>>
      %dma_wait3A_101 = arith.constant 0 : i32
      %dma_wait3A_102 = tpu.memref_slice %arg25[%add3A_11, %dma_wait3A_101] : memref<10112x128xf32, #tpu.memory_space<vmem_shared>> -> memref<64x128xf32, #tpu.memory_space<vmem_shared>>
      tpu.wait_dma2 semaphore(%run_scoped3A : memref<!tpu.dma_semaphore, #tpu.memory_space<semaphore_mem>>) src(%arg22 : memref<64x128xf32, #tpu.memory_space<vmem>>) dst(%dma_wait3A_102 : memref<64x128xf32, #tpu.memory_space<vmem_shared>>)
      tpu.yield
    }) : () -> ()
    %add3A_12 = arith.constant 64 : i32
    %add3A_13 = arith.addi %mul3A_0, %add3A_12 : i32
    "tpu.region"() ({
      %run_scoped3A = tpu.sem_alloc : memref<!tpu.dma_semaphore, #tpu.memory_space<semaphore_mem>>
      %dma_start3A_95 = arith.constant 0 : i32
      %dma_start3A_96 = tpu.memref_slice %arg25[%add3A_13, %dma_start3A_95] : memref<10112x128xf32, #tpu.memory_space<vmem_shared>> -> memref<64x128xf32, #tpu.memory_space<vmem_shared>>
      %dma_start3A_97 = arith.constant 0 : i32
      %dma_start3A_98 = tpu.memref_slice %arg25[%add3A_13, %dma_start3A_97] : memref<10112x128xf32, #tpu.memory_space<vmem_shared>> -> memref<64x128xf32, #tpu.memory_space<vmem_shared>>
      tpu.enqueue_dma source(%arg22 : memref<64x128xf32, #tpu.memory_space<vmem>>) target(%dma_start3A_98 : memref<64x128xf32, #tpu.memory_space<vmem_shared>>) target_semaphore(%run_scoped3A : memref<!tpu.dma_semaphore, #tpu.memory_space<semaphore_mem>>)
      %dma_wait3A_99 = arith.constant 0 : i32
      %dma_wait3A_100 = tpu.memref_slice %arg25[%add3A_13, %dma_wait3A_99] : memref<10112x128xf32, #tpu.memory_space<vmem_shared>> -> memref<64x128xf32, #tpu.memory_space<vmem_shared>>
      %dma_wait3A_101 = arith.constant 0 : i32
      %dma_wait3A_102 = tpu.memref_slice %arg25[%add3A_13, %dma_wait3A_101] : memref<10112x128xf32, #tpu.memory_space<vmem_shared>> -> memref<64x128xf32, #tpu.memory_space<vmem_shared>>
      tpu.wait_dma2 semaphore(%run_scoped3A : memref<!tpu.dma_semaphore, #tpu.memory_space<semaphore_mem>>) src(%arg22 : memref<64x128xf32, #tpu.memory_space<vmem>>) dst(%dma_wait3A_102 : memref<64x128xf32, #tpu.memory_space<vmem_shared>>)
      tpu.yield
    }) : () -> ()
    %add3A_14 = arith.constant 128 : i32
    %add3A_15 = arith.addi %mul3A_0, %add3A_14 : i32
    "tpu.region"() ({
      %run_scoped3A = tpu.sem_alloc : memref<!tpu.dma_semaphore, #tpu.memory_space<semaphore_mem>>
      %dma_start3A_95 = arith.constant 0 : i32
      %dma_start3A_96 = tpu.memref_slice %arg25[%add3A_15, %dma_start3A_95] : memref<10112x128xf32, #tpu.memory_space<vmem_shared>> -> memref<64x128xf32, #tpu.memory_space<vmem_shared>>
      %dma_start3A_97 = arith.constant 0 : i32
      %dma_start3A_98 = tpu.memref_slice %arg25[%add3A_15, %dma_start3A_97] : memref<10112x128xf32, #tpu.memory_space<vmem_shared>> -> memref<64x128xf32, #tpu.memory_space<vmem_shared>>
      tpu.enqueue_dma source(%arg22 : memref<64x128xf32, #tpu.memory_space<vmem>>) target(%dma_start3A_98 : memref<64x128xf32, #tpu.memory_space<vmem_shared>>) target_semaphore(%run_scoped3A : memref<!tpu.dma_semaphore, #tpu.memory_space<semaphore_mem>>)
      %dma_wait3A_99 = arith.constant 0 : i32
      %dma_wait3A_100 = tpu.memref_slice %arg25[%add3A_15, %dma_wait3A_99] : memref<10112x128xf32, #tpu.memory_space<vmem_shared>> -> memref<64x128xf32, #tpu.memory_space<vmem_shared>>
      %dma_wait3A_101 = arith.constant 0 : i32
      %dma_wait3A_102 = tpu.memref_slice %arg25[%add3A_15, %dma_wait3A_101] : memref<10112x128xf32, #tpu.memory_space<vmem_shared>> -> memref<64x128xf32, #tpu.memory_space<vmem_shared>>
      tpu.wait_dma2 semaphore(%run_scoped3A : memref<!tpu.dma_semaphore, #tpu.memory_space<semaphore_mem>>) src(%arg22 : memref<64x128xf32, #tpu.memory_space<vmem>>) dst(%dma_wait3A_102 : memref<64x128xf32, #tpu.memory_space<vmem_shared>>)
      tpu.yield
    }) : () -> ()
    %add3A_16 = arith.constant 192 : i32
    %add3A_17 = arith.addi %mul3A_0, %add3A_16 : i32
    "tpu.region"() ({
      %run_scoped3A = tpu.sem_alloc : memref<!tpu.dma_semaphore, #tpu.memory_space<semaphore_mem>>
      %dma_start3A_95 = arith.constant 0 : i32
      %dma_start3A_96 = tpu.memref_slice %arg25[%add3A_17, %dma_start3A_95] : memref<10112x128xf32, #tpu.memory_space<vmem_shared>> -> memref<64x128xf32, #tpu.memory_space<vmem_shared>>
      %dma_start3A_97 = arith.constant 0 : i32
      %dma_start3A_98 = tpu.memref_slice %arg25[%add3A_17, %dma_start3A_97] : memref<10112x128xf32, #tpu.memory_space<vmem_shared>> -> memref<64x128xf32, #tpu.memory_space<vmem_shared>>
      tpu.enqueue_dma source(%arg22 : memref<64x128xf32, #tpu.memory_space<vmem>>) target(%dma_start3A_98 : memref<64x128xf32, #tpu.memory_space<vmem_shared>>) target_semaphore(%run_scoped3A : memref<!tpu.dma_semaphore, #tpu.memory_space<semaphore_mem>>)
      %dma_wait3A_99 = arith.constant 0 : i32
      %dma_wait3A_100 = tpu.memref_slice %arg25[%add3A_17, %dma_wait3A_99] : memref<10112x128xf32, #tpu.memory_space<vmem_shared>> -> memref<64x128xf32, #tpu.memory_space<vmem_shared>>
      %dma_wait3A_101 = arith.constant 0 : i32
      %dma_wait3A_102 = tpu.memref_slice %arg25[%add3A_17, %dma_wait3A_101] : memref<10112x128xf32, #tpu.memory_space<vmem_shared>> -> memref<64x128xf32, #tpu.memory_space<vmem_shared>>
      tpu.wait_dma2 semaphore(%run_scoped3A : memref<!tpu.dma_semaphore, #tpu.memory_space<semaphore_mem>>) src(%arg22 : memref<64x128xf32, #tpu.memory_space<vmem>>) dst(%dma_wait3A_102 : memref<64x128xf32, #tpu.memory_space<vmem_shared>>)
      tpu.yield
    }) : () -> ()
    %add3A_18 = arith.constant 256 : i32
    %add3A_19 = arith.addi %mul3A_0, %add3A_18 : i32
    "tpu.region"() ({
      %run_scoped3A = tpu.sem_alloc : memref<!tpu.dma_semaphore, #tpu.memory_space<semaphore_mem>>
      %dma_start3A_95 = arith.constant 0 : i32
      %dma_start3A_96 = tpu.memref_slice %arg25[%add3A_19, %dma_start3A_95] : memref<10112x128xf32, #tpu.memory_space<vmem_shared>> -> memref<64x128xf32, #tpu.memory_space<vmem_shared>>
      %dma_start3A_97 = arith.constant 0 : i32
      %dma_start3A_98 = tpu.memref_slice %arg25[%add3A_19, %dma_start3A_97] : memref<10112x128xf32, #tpu.memory_space<vmem_shared>> -> memref<64x128xf32, #tpu.memory_space<vmem_shared>>
      tpu.enqueue_dma source(%arg22 : memref<64x128xf32, #tpu.memory_space<vmem>>) target(%dma_start3A_98 : memref<64x128xf32, #tpu.memory_space<vmem_shared>>) target_semaphore(%run_scoped3A : memref<!tpu.dma_semaphore, #tpu.memory_space<semaphore_mem>>)
      %dma_wait3A_99 = arith.constant 0 : i32
      %dma_wait3A_100 = tpu.memref_slice %arg25[%add3A_19, %dma_wait3A_99] : memref<10112x128xf32, #tpu.memory_space<vmem_shared>> -> memref<64x128xf32, #tpu.memory_space<vmem_shared>>
      %dma_wait3A_101 = arith.constant 0 : i32
      %dma_wait3A_102 = tpu.memref_slice %arg25[%add3A_19, %dma_wait3A_101] : memref<10112x128xf32, #tpu.memory_space<vmem_shared>> -> memref<64x128xf32, #tpu.memory_space<vmem_shared>>
      tpu.wait_dma2 semaphore(%run_scoped3A : memref<!tpu.dma_semaphore, #tpu.memory_space<semaphore_mem>>) src(%arg22 : memref<64x128xf32, #tpu.memory_space<vmem>>) dst(%dma_wait3A_102 : memref<64x128xf32, #tpu.memory_space<vmem_shared>>)
      tpu.yield
    }) : () -> ()
    %add3A_20 = arith.constant 320 : i32
    %add3A_21 = arith.addi %mul3A_0, %add3A_20 : i32
    "tpu.region"() ({
      %run_scoped3A = tpu.sem_alloc : memref<!tpu.dma_semaphore, #tpu.memory_space<semaphore_mem>>
      %dma_start3A_95 = arith.constant 0 : i32
      %dma_start3A_96 = tpu.memref_slice %arg25[%add3A_21, %dma_start3A_95] : memref<10112x128xf32, #tpu.memory_space<vmem_shared>> -> memref<64x128xf32, #tpu.memory_space<vmem_shared>>
      %dma_start3A_97 = arith.constant 0 : i32
      %dma_start3A_98 = tpu.memref_slice %arg25[%add3A_21, %dma_start3A_97] : memref<10112x128xf32, #tpu.memory_space<vmem_shared>> -> memref<64x128xf32, #tpu.memory_space<vmem_shared>>
      tpu.enqueue_dma source(%arg22 : memref<64x128xf32, #tpu.memory_space<vmem>>) target(%dma_start3A_98 : memref<64x128xf32, #tpu.memory_space<vmem_shared>>) target_semaphore(%run_scoped3A : memref<!tpu.dma_semaphore, #tpu.memory_space<semaphore_mem>>)
      %dma_wait3A_99 = arith.constant 0 : i32
      %dma_wait3A_100 = tpu.memref_slice %arg25[%add3A_21, %dma_wait3A_99] : memref<10112x128xf32, #tpu.memory_space<vmem_shared>> -> memref<64x128xf32, #tpu.memory_space<vmem_shared>>
      %dma_wait3A_101 = arith.constant 0 : i32
      %dma_wait3A_102 = tpu.memref_slice %arg25[%add3A_21, %dma_wait3A_101] : memref<10112x128xf32, #tpu.memory_space<vmem_shared>> -> memref<64x128xf32, #tpu.memory_space<vmem_shared>>
      tpu.wait_dma2 semaphore(%run_scoped3A : memref<!tpu.dma_semaphore, #tpu.memory_space<semaphore_mem>>) src(%arg22 : memref<64x128xf32, #tpu.memory_space<vmem>>) dst(%dma_wait3A_102 : memref<64x128xf32, #tpu.memory_space<vmem_shared>>)
      tpu.yield
    }) : () -> ()
    %add3A_22 = arith.constant 384 : i32
    %add3A_23 = arith.addi %mul3A_0, %add3A_22 : i32
    "tpu.region"() ({
      %run_scoped3A = tpu.sem_alloc : memref<!tpu.dma_semaphore, #tpu.memory_space<semaphore_mem>>
      %dma_start3A_95 = arith.constant 0 : i32
      %dma_start3A_96 = tpu.memref_slice %arg25[%add3A_23, %dma_start3A_95] : memref<10112x128xf32, #tpu.memory_space<vmem_shared>> -> memref<64x128xf32, #tpu.memory_space<vmem_shared>>
      %dma_start3A_97 = arith.constant 0 : i32
      %dma_start3A_98 = tpu.memref_slice %arg25[%add3A_23, %dma_start3A_97] : memref<10112x128xf32, #tpu.memory_space<vmem_shared>> -> memref<64x128xf32, #tpu.memory_space<vmem_shared>>
      tpu.enqueue_dma source(%arg22 : memref<64x128xf32, #tpu.memory_space<vmem>>) target(%dma_start3A_98 : memref<64x128xf32, #tpu.memory_space<vmem_shared>>) target_semaphore(%run_scoped3A : memref<!tpu.dma_semaphore, #tpu.memory_space<semaphore_mem>>)
      %dma_wait3A_99 = arith.constant 0 : i32
      %dma_wait3A_100 = tpu.memref_slice %arg25[%add3A_23, %dma_wait3A_99] : memref<10112x128xf32, #tpu.memory_space<vmem_shared>> -> memref<64x128xf32, #tpu.memory_space<vmem_shared>>
      %dma_wait3A_101 = arith.constant 0 : i32
      %dma_wait3A_102 = tpu.memref_slice %arg25[%add3A_23, %dma_wait3A_101] : memref<10112x128xf32, #tpu.memory_space<vmem_shared>> -> memref<64x128xf32, #tpu.memory_space<vmem_shared>>
      tpu.wait_dma2 semaphore(%run_scoped3A : memref<!tpu.dma_semaphore, #tpu.memory_space<semaphore_mem>>) src(%arg22 : memref<64x128xf32, #tpu.memory_space<vmem>>) dst(%dma_wait3A_102 : memref<64x128xf32, #tpu.memory_space<vmem_shared>>)
      tpu.yield
    }) : () -> ()
    %add3A_24 = arith.constant 448 : i32
    %add3A_25 = arith.addi %mul3A_0, %add3A_24 : i32
    "tpu.region"() ({
      %run_scoped3A = tpu.sem_alloc : memref<!tpu.dma_semaphore, #tpu.memory_space<semaphore_mem>>
      %dma_start3A_95 = arith.constant 0 : i32
      %dma_start3A_96 = tpu.memref_slice %arg25[%add3A_25, %dma_start3A_95] : memref<10112x128xf32, #tpu.memory_space<vmem_shared>> -> memref<64x128xf32, #tpu.memory_space<vmem_shared>>
      %dma_start3A_97 = arith.constant 0 : i32
      %dma_start3A_98 = tpu.memref_slice %arg25[%add3A_25, %dma_start3A_97] : memref<10112x128xf32, #tpu.memory_space<vmem_shared>> -> memref<64x128xf32, #tpu.memory_space<vmem_shared>>
      tpu.enqueue_dma source(%arg22 : memref<64x128xf32, #tpu.memory_space<vmem>>) target(%dma_start3A_98 : memref<64x128xf32, #tpu.memory_space<vmem_shared>>) target_semaphore(%run_scoped3A : memref<!tpu.dma_semaphore, #tpu.memory_space<semaphore_mem>>)
      %dma_wait3A_99 = arith.constant 0 : i32
      %dma_wait3A_100 = tpu.memref_slice %arg25[%add3A_25, %dma_wait3A_99] : memref<10112x128xf32, #tpu.memory_space<vmem_shared>> -> memref<64x128xf32, #tpu.memory_space<vmem_shared>>
      %dma_wait3A_101 = arith.constant 0 : i32
      %dma_wait3A_102 = tpu.memref_slice %arg25[%add3A_25, %dma_wait3A_101] : memref<10112x128xf32, #tpu.memory_space<vmem_shared>> -> memref<64x128xf32, #tpu.memory_space<vmem_shared>>
      tpu.wait_dma2 semaphore(%run_scoped3A : memref<!tpu.dma_semaphore, #tpu.memory_space<semaphore_mem>>) src(%arg22 : memref<64x128xf32, #tpu.memory_space<vmem>>) dst(%dma_wait3A_102 : memref<64x128xf32, #tpu.memory_space<vmem_shared>>)
      tpu.yield
    }) : () -> ()
    %add3A_26 = arith.constant 512 : i32
    %add3A_27 = arith.addi %mul3A_0, %add3A_26 : i32
    "tpu.region"() ({
      %run_scoped3A = tpu.sem_alloc : memref<!tpu.dma_semaphore, #tpu.memory_space<semaphore_mem>>
      %dma_start3A_95 = arith.constant 0 : i32
      %dma_start3A_96 = tpu.memref_slice %arg25[%add3A_27, %dma_start3A_95] : memref<10112x128xf32, #tpu.memory_space<vmem_shared>> -> memref<64x128xf32, #tpu.memory_space<vmem_shared>>
      %dma_start3A_97 = arith.constant 0 : i32
      %dma_start3A_98 = tpu.memref_slice %arg25[%add3A_27, %dma_start3A_97] : memref<10112x128xf32, #tpu.memory_space<vmem_shared>> -> memref<64x128xf32, #tpu.memory_space<vmem_shared>>
      tpu.enqueue_dma source(%arg22 : memref<64x128xf32, #tpu.memory_space<vmem>>) target(%dma_start3A_98 : memref<64x128xf32, #tpu.memory_space<vmem_shared>>) target_semaphore(%run_scoped3A : memref<!tpu.dma_semaphore, #tpu.memory_space<semaphore_mem>>)
      %dma_wait3A_99 = arith.constant 0 : i32
      %dma_wait3A_100 = tpu.memref_slice %arg25[%add3A_27, %dma_wait3A_99] : memref<10112x128xf32, #tpu.memory_space<vmem_shared>> -> memref<64x128xf32, #tpu.memory_space<vmem_shared>>
      %dma_wait3A_101 = arith.constant 0 : i32
      %dma_wait3A_102 = tpu.memref_slice %arg25[%add3A_27, %dma_wait3A_101] : memref<10112x128xf32, #tpu.memory_space<vmem_shared>> -> memref<64x128xf32, #tpu.memory_space<vmem_shared>>
      tpu.wait_dma2 semaphore(%run_scoped3A : memref<!tpu.dma_semaphore, #tpu.memory_space<semaphore_mem>>) src(%arg22 : memref<64x128xf32, #tpu.memory_space<vmem>>) dst(%dma_wait3A_102 : memref<64x128xf32, #tpu.memory_space<vmem_shared>>)
      tpu.yield
    }) : () -> ()
    %add3A_28 = arith.constant 576 : i32
    %add3A_29 = arith.addi %mul3A_0, %add3A_28 : i32
    "tpu.region"() ({
      %run_scoped3A = tpu.sem_alloc : memref<!tpu.dma_semaphore, #tpu.memory_space<semaphore_mem>>
      %dma_start3A_95 = arith.constant 0 : i32
      %dma_start3A_96 = arith.constant 0 : i32
      %dma_start3A_97 = tpu.memref_slice %arg22[%dma_start3A_95, %dma_start3A_96] : memref<64x128xf32, #tpu.memory_space<vmem>> -> memref<56x128xf32, #tpu.memory_space<vmem>>
      %dma_start3A_98 = arith.constant 0 : i32
      %dma_start3A_99 = tpu.memref_slice %arg25[%add3A_29, %dma_start3A_98] : memref<10112x128xf32, #tpu.memory_space<vmem_shared>> -> memref<56x128xf32, #tpu.memory_space<vmem_shared>>
      %dma_start3A_100 = arith.constant 0 : i32
      %dma_start3A_101 = tpu.memref_slice %arg25[%add3A_29, %dma_start3A_100] : memref<10112x128xf32, #tpu.memory_space<vmem_shared>> -> memref<56x128xf32, #tpu.memory_space<vmem_shared>>
      %dma_start3A_102 = arith.constant 0 : i32
      %dma_start3A_103 = arith.constant 0 : i32
      %dma_start3A_104 = tpu.memref_slice %arg22[%dma_start3A_102, %dma_start3A_103] : memref<64x128xf32, #tpu.memory_space<vmem>> -> memref<56x128xf32, #tpu.memory_space<vmem>>
      tpu.enqueue_dma source(%dma_start3A_104 : memref<56x128xf32, #tpu.memory_space<vmem>>) target(%dma_start3A_101 : memref<56x128xf32, #tpu.memory_space<vmem_shared>>) target_semaphore(%run_scoped3A : memref<!tpu.dma_semaphore, #tpu.memory_space<semaphore_mem>>)
      %dma_wait3A_105 = arith.constant 0 : i32
      %dma_wait3A_106 = arith.constant 0 : i32
      %dma_wait3A_107 = tpu.memref_slice %arg22[%dma_wait3A_105, %dma_wait3A_106] : memref<64x128xf32, #tpu.memory_space<vmem>> -> memref<56x128xf32, #tpu.memory_space<vmem>>
      %dma_wait3A_108 = arith.constant 0 : i32
      %dma_wait3A_109 = tpu.memref_slice %arg25[%add3A_29, %dma_wait3A_108] : memref<10112x128xf32, #tpu.memory_space<vmem_shared>> -> memref<56x128xf32, #tpu.memory_space<vmem_shared>>
      %dma_wait3A_110 = arith.constant 0 : i32
      %dma_wait3A_111 = tpu.memref_slice %arg25[%add3A_29, %dma_wait3A_110] : memref<10112x128xf32, #tpu.memory_space<vmem_shared>> -> memref<56x128xf32, #tpu.memory_space<vmem_shared>>
      %dma_wait3A_112 = arith.constant 0 : i32
      %dma_wait3A_113 = arith.constant 0 : i32
      %dma_wait3A_114 = tpu.memref_slice %arg22[%dma_wait3A_112, %dma_wait3A_113] : memref<64x128xf32, #tpu.memory_space<vmem>> -> memref<56x128xf32, #tpu.memory_space<vmem>>
      tpu.wait_dma2 semaphore(%run_scoped3A : memref<!tpu.dma_semaphore, #tpu.memory_space<semaphore_mem>>) src(%dma_wait3A_114 : memref<56x128xf32, #tpu.memory_space<vmem>>) dst(%dma_wait3A_111 : memref<56x128xf32, #tpu.memory_space<vmem_shared>>)
      tpu.yield
    }) : () -> ()
    %barrier3A = arith.constant 0 : index
    tpu.barrier barrier_id(%barrier3A)
    %mul3A_30 = arith.constant 16 : i32
    %mul3A_31 = arith.muli %arg0, %mul3A_30 : i32
    %add3A_32 = arith.addi %mul3A_31, %arg1 : i32
    %mul3A_33 = arith.constant 315 : i32
    %mul3A_34 = arith.muli %add3A_32, %mul3A_33 : i32
    %add3A_35 = arith.constant 0 : i32
    %add3A_36 = arith.addi %mul3A_34, %add3A_35 : i32
    %dma_start3A = arith.constant 0 : i32
    %dma_start3A_37 = arith.constant 0 : i32
    %dma_start3A_38 = tpu.memref_slice %arg5[%add3A_36, %dma_start3A, %dma_start3A_37] : memref<10080x3x64xi32, #tpu.memory_space<hbm>> -> memref<1x3x64xi32, #tpu.memory_space<hbm>>
    %dma_start3A_39 = tpu.memref_squeeze %dma_start3A_38 : memref<1x3x64xi32, #tpu.memory_space<hbm>> -> memref<3x64xi32, #tpu.memory_space<hbm>>
    %dma_start3A_40 = arith.constant 0 : i32
    %dma_start3A_41 = arith.constant 0 : i32
    %dma_start3A_42 = tpu.memref_slice %arg5[%add3A_36, %dma_start3A_40, %dma_start3A_41] : memref<10080x3x64xi32, #tpu.memory_space<hbm>> -> memref<1x3x64xi32, #tpu.memory_space<hbm>>
    %dma_start3A_43 = tpu.memref_squeeze %dma_start3A_42 : memref<1x3x64xi32, #tpu.memory_space<hbm>> -> memref<3x64xi32, #tpu.memory_space<hbm>>
    tpu.enqueue_dma source(%dma_start3A_43 : memref<3x64xi32, #tpu.memory_space<hbm>>) target(%arg10 : memref<3x64xi32, #tpu.memory_space<vmem>>) target_semaphore(%arg26 : memref<!tpu.dma_semaphore, #tpu.memory_space<semaphore_mem>>)
    %add3A_44 = arith.constant 1 : i32
    %add3A_45 = arith.addi %mul3A_34, %add3A_44 : i32
    %dma_start3A_46 = arith.constant 0 : i32
    %dma_start3A_47 = arith.constant 0 : i32
    %dma_start3A_48 = tpu.memref_slice %arg5[%add3A_45, %dma_start3A_46, %dma_start3A_47] : memref<10080x3x64xi32, #tpu.memory_space<hbm>> -> memref<1x3x64xi32, #tpu.memory_space<hbm>>
    %dma_start3A_49 = tpu.memref_squeeze %dma_start3A_48 : memref<1x3x64xi32, #tpu.memory_space<hbm>> -> memref<3x64xi32, #tpu.memory_space<hbm>>
    %dma_start3A_50 = arith.constant 0 : i32
    %dma_start3A_51 = arith.constant 0 : i32
    %dma_start3A_52 = tpu.memref_slice %arg5[%add3A_45, %dma_start3A_50, %dma_start3A_51] : memref<10080x3x64xi32, #tpu.memory_space<hbm>> -> memref<1x3x64xi32, #tpu.memory_space<hbm>>
    %dma_start3A_53 = tpu.memref_squeeze %dma_start3A_52 : memref<1x3x64xi32, #tpu.memory_space<hbm>> -> memref<3x64xi32, #tpu.memory_space<hbm>>
    tpu.enqueue_dma source(%dma_start3A_53 : memref<3x64xi32, #tpu.memory_space<hbm>>) target(%arg11 : memref<3x64xi32, #tpu.memory_space<vmem>>) target_semaphore(%arg27 : memref<!tpu.dma_semaphore, #tpu.memory_space<semaphore_mem>>)
    %add3A_54 = arith.constant 2 : i32
    %add3A_55 = arith.addi %mul3A_34, %add3A_54 : i32
    %dma_start3A_56 = arith.constant 0 : i32
    %dma_start3A_57 = arith.constant 0 : i32
    %dma_start3A_58 = tpu.memref_slice %arg5[%add3A_55, %dma_start3A_56, %dma_start3A_57] : memref<10080x3x64xi32, #tpu.memory_space<hbm>> -> memref<1x3x64xi32, #tpu.memory_space<hbm>>
    %dma_start3A_59 = tpu.memref_squeeze %dma_start3A_58 : memref<1x3x64xi32, #tpu.memory_space<hbm>> -> memref<3x64xi32, #tpu.memory_space<hbm>>
    %dma_start3A_60 = arith.constant 0 : i32
    %dma_start3A_61 = arith.constant 0 : i32
    %dma_start3A_62 = tpu.memref_slice %arg5[%add3A_55, %dma_start3A_60, %dma_start3A_61] : memref<10080x3x64xi32, #tpu.memory_space<hbm>> -> memref<1x3x64xi32, #tpu.memory_space<hbm>>
    %dma_start3A_63 = tpu.memref_squeeze %dma_start3A_62 : memref<1x3x64xi32, #tpu.memory_space<hbm>> -> memref<3x64xi32, #tpu.memory_space<hbm>>
    tpu.enqueue_dma source(%dma_start3A_63 : memref<3x64xi32, #tpu.memory_space<hbm>>) target(%arg12 : memref<3x64xi32, #tpu.memory_space<vmem>>) target_semaphore(%arg28 : memref<!tpu.dma_semaphore, #tpu.memory_space<semaphore_mem>>)
    %scan3A_64 = arith.constant 0 : i32
    %scan3A_65 = arith.constant 0 : i32
    %scan3A_66 = arith.constant 105 : i32
    %scan3A_67 = arith.addi %scan3A_65, %scan3A_66 : i32
    %scan3A_68 = arith.constant 1 : i32
    %scan3A_69 = scf.for %scan3A_95 = %scan3A_65 to %scan3A_67 step %scan3A_68 iter_args(%scan3A_96 = %scan3A_64) -> (i32)  : i32 {
      %mul3A_97 = arith.constant 3 : i32
      %mul3A_98 = arith.muli %mul3A_97, %scan3A_95 : i32
      %add3A_99 = arith.constant 0 : i32
      %add3A_100 = arith.addi %mul3A_98, %add3A_99 : i32
      %dma_wait3A_101 = arith.constant 0 : i32
      %dma_wait3A_102 = arith.constant 0 : i32
      %dma_wait3A_103 = tpu.memref_slice %arg5[%mul3A_34, %dma_wait3A_101, %dma_wait3A_102] : memref<10080x3x64xi32, #tpu.memory_space<hbm>> -> memref<1x3x64xi32, #tpu.memory_space<hbm>>
      %dma_wait3A_104 = tpu.memref_squeeze %dma_wait3A_103 : memref<1x3x64xi32, #tpu.memory_space<hbm>> -> memref<3x64xi32, #tpu.memory_space<hbm>>
      %dma_wait3A_105 = arith.constant 0 : i32
      %dma_wait3A_106 = arith.constant 0 : i32
      %dma_wait3A_107 = tpu.memref_slice %arg5[%mul3A_34, %dma_wait3A_105, %dma_wait3A_106] : memref<10080x3x64xi32, #tpu.memory_space<hbm>> -> memref<1x3x64xi32, #tpu.memory_space<hbm>>
      %dma_wait3A_108 = tpu.memref_squeeze %dma_wait3A_107 : memref<1x3x64xi32, #tpu.memory_space<hbm>> -> memref<3x64xi32, #tpu.memory_space<hbm>>
      tpu.wait_dma2 semaphore(%arg26 : memref<!tpu.dma_semaphore, #tpu.memory_space<semaphore_mem>>) src(%dma_wait3A_108 : memref<3x64xi32, #tpu.memory_space<hbm>>) dst(%arg10 : memref<3x64xi32, #tpu.memory_space<vmem>>)
      %ge3A = arith.constant 1 : i32
      %ge3A_109 = arith.cmpi sge, %scan3A_95, %ge3A : i32
      %convert_element_type3A_110 = arith.extui %ge3A_109 : i1 to i32
      %cond3A_111 = arith.constant 0 : i32
      %cond3A_112 = arith.cmpi ne, %convert_element_type3A_110, %cond3A_111 : i32
      scf.if %cond3A_112 {
        %dma_wait3A_612 = arith.constant 0 : i32
        %dma_wait3A_613 = arith.constant 0 : i32
        %dma_wait3A_614 = tpu.memref_slice %arg25[%dma_wait3A_612, %dma_wait3A_613] : memref<10112x128xf32, #tpu.memory_space<vmem_shared>> -> memref<10112x128xf32, #tpu.memory_space<vmem_shared>>
        tpu.wait_indirect_dma semaphore(%arg32 : memref<!tpu.dma_semaphore, #tpu.memory_space<semaphore_mem>>) src(%arg22 : memref<64x128xf32, #tpu.memory_space<vmem>>) dst(%dma_wait3A_614 : memref<10112x128xf32, #tpu.memory_space<vmem_shared>>)
      } else {
      }
      %get3A = arith.constant 0 : i32
      %get3A_113 = arith.index_cast %get3A : i32 to index
      %get3A_114 = arith.constant 0 : index
      %get3A_115 = tpu.vector_load %arg10[%get3A_113, %get3A_114] {strides = array<i32>} : memref<3x64xi32, #tpu.memory_space<vmem>>, vector<16xi32>,
      %get3A_116 = arith.constant 1 : i32
      %get3A_117 = arith.index_cast %get3A_116 : i32 to index
      %get3A_118 = arith.constant 0 : index
      %get3A_119 = tpu.vector_load %arg10[%get3A_117, %get3A_118] {strides = array<i32>} : memref<3x64xi32, #tpu.memory_space<vmem>>, vector<16xi32>,
      %mul3A_120 = arith.constant 10000 : i32
      %mul3A_121 = arith.muli %arg0, %mul3A_120 : i32
      %sub3A = vector.broadcast %mul3A_121 : i32 to vector<16xi32>
      %sub3A_122 = arith.subi %get3A_115, %sub3A : vector<16xi32>
      %gather3A = tpu.vector_load_idx %arg8[%sub3A_122] : memref<10000xf32, #tpu.memory_space<vmem>>[vector<16xi32>], vector<16xf32>,
      %gather3A_123 = tpu.vector_load_idx %arg9[%get3A_119] : memref<10000xf32, #tpu.memory_space<vmem>>[vector<16xi32>], vector<16xf32>,
      %add3A_124 = arith.addf %gather3A, %gather3A_123 : vector<16xf32>
      %gt3A = arith.constant 0.000000e+00 : f32
      %gt3A_125 = vector.broadcast %gt3A : f32 to vector<16xf32>
      %gt3A_126 = arith.cmpf ogt, %add3A_124, %gt3A_125 : vector<16xf32>
      %exp3A = math.exp %add3A_124 : vector<16xf32>
      %sub3A_127 = arith.constant 1.000000e+00 : f32
      %sub3A_128 = vector.broadcast %sub3A_127 : f32 to vector<16xf32>
      %sub3A_129 = arith.subf %exp3A, %sub3A_128 : vector<16xf32>
      %select_n3A = arith.select %gt3A_126, %add3A_124, %sub3A_129 : vector<16xi1>, vector<16xf32>
      %get3A_130 = arith.constant 2 : i32
      %get3A_131 = arith.index_cast %get3A_130 : i32 to index
      %get3A_132 = arith.constant 0 : index
      %get3A_133 = tpu.vector_load %arg10[%get3A_131, %get3A_132] {strides = array<i32>} : memref<3x64xi32, #tpu.memory_space<vmem>>, vector<16xi32>,
      %bitcast3A = vector.bitcast %get3A_133 : vector<16xi32> to vector<16xf32>
      %mul3A_134 = arith.mulf %select_n3A, %bitcast3A : vector<16xf32>
      %swap3A = arith.constant 0 : index
      %swap3A_135 = tpu.vector_load %arg19[%swap3A] {strides = array<i32>} : memref<64xf32, #tpu.memory_space<vmem>>, vector<16xf32>,
      tpu.vector_store %arg19[%swap3A], %mul3A_134 {strides = array<i32>} : memref<64xf32, #tpu.memory_space<vmem>>, vector<16xf32>,
      %swap3A_136 = arith.constant 0 : index
      %swap3A_137 = tpu.vector_load %arg13[%swap3A_136] {strides = array<i32>} : memref<64xi32, #tpu.memory_space<vmem>>, vector<16xi32>,
      tpu.vector_store %arg13[%swap3A_136], %get3A_119 {strides = array<i32>} : memref<64xi32, #tpu.memory_space<vmem>>, vector<16xi32>,
      %swap3A_138 = arith.constant 0 : index
      %swap3A_139 = tpu.vector_load %arg16[%swap3A_138] {strides = array<i32>} : memref<64xi32, #tpu.memory_space<vmem>>, vector<16xi32>,
      tpu.vector_store %arg16[%swap3A_138], %get3A_115 {strides = array<i32>} : memref<64xi32, #tpu.memory_space<vmem>>, vector<16xi32>,
      %get3A_140 = arith.constant 0 : i32
      %get3A_141 = arith.index_cast %get3A_140 : i32 to index
      %get3A_142 = arith.constant 16 : index
      %get3A_143 = tpu.vector_load %arg10[%get3A_141, %get3A_142] {strides = array<i32>} : memref<3x64xi32, #tpu.memory_space<vmem>>, vector<16xi32>,
      %get3A_144 = arith.constant 1 : i32
      %get3A_145 = arith.index_cast %get3A_144 : i32 to index
      %get3A_146 = arith.constant 16 : index
      %get3A_147 = tpu.vector_load %arg10[%get3A_145, %get3A_146] {strides = array<i32>} : memref<3x64xi32, #tpu.memory_space<vmem>>, vector<16xi32>,
      %mul3A_148 = arith.constant 10000 : i32
      %mul3A_149 = arith.muli %arg0, %mul3A_148 : i32
      %sub3A_150 = vector.broadcast %mul3A_149 : i32 to vector<16xi32>
      %sub3A_151 = arith.subi %get3A_143, %sub3A_150 : vector<16xi32>
      %gather3A_152 = tpu.vector_load_idx %arg8[%sub3A_151] : memref<10000xf32, #tpu.memory_space<vmem>>[vector<16xi32>], vector<16xf32>,
      %gather3A_153 = tpu.vector_load_idx %arg9[%get3A_147] : memref<10000xf32, #tpu.memory_space<vmem>>[vector<16xi32>], vector<16xf32>,
      %add3A_154 = arith.addf %gather3A_152, %gather3A_153 : vector<16xf32>
      %gt3A_155 = arith.constant 0.000000e+00 : f32
      %gt3A_156 = vector.broadcast %gt3A_155 : f32 to vector<16xf32>
      %gt3A_157 = arith.cmpf ogt, %add3A_154, %gt3A_156 : vector<16xf32>
      %exp3A_158 = math.exp %add3A_154 : vector<16xf32>
      %sub3A_159 = arith.constant 1.000000e+00 : f32
      %sub3A_160 = vector.broadcast %sub3A_159 : f32 to vector<16xf32>
      %sub3A_161 = arith.subf %exp3A_158, %sub3A_160 : vector<16xf32>
      %select_n3A_162 = arith.select %gt3A_157, %add3A_154, %sub3A_161 : vector<16xi1>, vector<16xf32>
      %get3A_163 = arith.constant 2 : i32
      %get3A_164 = arith.index_cast %get3A_163 : i32 to index
      %get3A_165 = arith.constant 16 : index
      %get3A_166 = tpu.vector_load %arg10[%get3A_164, %get3A_165] {strides = array<i32>} : memref<3x64xi32, #tpu.memory_space<vmem>>, vector<16xi32>,
      %bitcast3A_167 = vector.bitcast %get3A_166 : vector<16xi32> to vector<16xf32>
      %mul3A_168 = arith.mulf %select_n3A_162, %bitcast3A_167 : vector<16xf32>
      %swap3A_169 = arith.constant 16 : index
      %swap3A_170 = tpu.vector_load %arg19[%swap3A_169] {strides = array<i32>} : memref<64xf32, #tpu.memory_space<vmem>>, vector<16xf32>,
      tpu.vector_store %arg19[%swap3A_169], %mul3A_168 {strides = array<i32>} : memref<64xf32, #tpu.memory_space<vmem>>, vector<16xf32>,
      %swap3A_171 = arith.constant 16 : index
      %swap3A_172 = tpu.vector_load %arg13[%swap3A_171] {strides = array<i32>} : memref<64xi32, #tpu.memory_space<vmem>>, vector<16xi32>,
      tpu.vector_store %arg13[%swap3A_171], %get3A_147 {strides = array<i32>} : memref<64xi32, #tpu.memory_space<vmem>>, vector<16xi32>,
      %swap3A_173 = arith.constant 16 : index
      %swap3A_174 = tpu.vector_load %arg16[%swap3A_173] {strides = array<i32>} : memref<64xi32, #tpu.memory_space<vmem>>, vector<16xi32>,
      tpu.vector_store %arg16[%swap3A_173], %get3A_143 {strides = array<i32>} : memref<64xi32, #tpu.memory_space<vmem>>, vector<16xi32>,
      %get3A_175 = arith.constant 0 : i32
      %get3A_176 = arith.index_cast %get3A_175 : i32 to index
      %get3A_177 = arith.constant 32 : index
      %get3A_178 = tpu.vector_load %arg10[%get3A_176, %get3A_177] {strides = array<i32>} : memref<3x64xi32, #tpu.memory_space<vmem>>, vector<16xi32>,
      %get3A_179 = arith.constant 1 : i32
      %get3A_180 = arith.index_cast %get3A_179 : i32 to index
      %get3A_181 = arith.constant 32 : index
      %get3A_182 = tpu.vector_load %arg10[%get3A_180, %get3A_181] {strides = array<i32>} : memref<3x64xi32, #tpu.memory_space<vmem>>, vector<16xi32>,
      %mul3A_183 = arith.constant 10000 : i32
      %mul3A_184 = arith.muli %arg0, %mul3A_183 : i32
      %sub3A_185 = vector.broadcast %mul3A_184 : i32 to vector<16xi32>
      %sub3A_186 = arith.subi %get3A_178, %sub3A_185 : vector<16xi32>
      %gather3A_187 = tpu.vector_load_idx %arg8[%sub3A_186] : memref<10000xf32, #tpu.memory_space<vmem>>[vector<16xi32>], vector<16xf32>,
      %gather3A_188 = tpu.vector_load_idx %arg9[%get3A_182] : memref<10000xf32, #tpu.memory_space<vmem>>[vector<16xi32>], vector<16xf32>,
      %add3A_189 = arith.addf %gather3A_187, %gather3A_188 : vector<16xf32>
      %gt3A_190 = arith.constant 0.000000e+00 : f32
      %gt3A_191 = vector.broadcast %gt3A_190 : f32 to vector<16xf32>
      %gt3A_192 = arith.cmpf ogt, %add3A_189, %gt3A_191 : vector<16xf32>
      %exp3A_193 = math.exp %add3A_189 : vector<16xf32>
      %sub3A_194 = arith.constant 1.000000e+00 : f32
      %sub3A_195 = vector.broadcast %sub3A_194 : f32 to vector<16xf32>
      %sub3A_196 = arith.subf %exp3A_193, %sub3A_195 : vector<16xf32>
      %select_n3A_197 = arith.select %gt3A_192, %add3A_189, %sub3A_196 : vector<16xi1>, vector<16xf32>
      %get3A_198 = arith.constant 2 : i32
      %get3A_199 = arith.index_cast %get3A_198 : i32 to index
      %get3A_200 = arith.constant 32 : index
      %get3A_201 = tpu.vector_load %arg10[%get3A_199, %get3A_200] {strides = array<i32>} : memref<3x64xi32, #tpu.memory_space<vmem>>, vector<16xi32>,
      %bitcast3A_202 = vector.bitcast %get3A_201 : vector<16xi32> to vector<16xf32>
      %mul3A_203 = arith.mulf %select_n3A_197, %bitcast3A_202 : vector<16xf32>
      %swap3A_204 = arith.constant 32 : index
      %swap3A_205 = tpu.vector_load %arg19[%swap3A_204] {strides = array<i32>} : memref<64xf32, #tpu.memory_space<vmem>>, vector<16xf32>,
      tpu.vector_store %arg19[%swap3A_204], %mul3A_203 {strides = array<i32>} : memref<64xf32, #tpu.memory_space<vmem>>, vector<16xf32>,
      %swap3A_206 = arith.constant 32 : index
      %swap3A_207 = tpu.vector_load %arg13[%swap3A_206] {strides = array<i32>} : memref<64xi32, #tpu.memory_space<vmem>>, vector<16xi32>,
      tpu.vector_store %arg13[%swap3A_206], %get3A_182 {strides = array<i32>} : memref<64xi32, #tpu.memory_space<vmem>>, vector<16xi32>,
      %swap3A_208 = arith.constant 32 : index
      %swap3A_209 = tpu.vector_load %arg16[%swap3A_208] {strides = array<i32>} : memref<64xi32, #tpu.memory_space<vmem>>, vector<16xi32>,
      tpu.vector_store %arg16[%swap3A_208], %get3A_178 {strides = array<i32>} : memref<64xi32, #tpu.memory_space<vmem>>, vector<16xi32>,
      %get3A_210 = arith.constant 0 : i32
      %get3A_211 = arith.index_cast %get3A_210 : i32 to index
      %get3A_212 = arith.constant 48 : index
      %get3A_213 = tpu.vector_load %arg10[%get3A_211, %get3A_212] {strides = array<i32>} : memref<3x64xi32, #tpu.memory_space<vmem>>, vector<16xi32>,
      %get3A_214 = arith.constant 1 : i32
      %get3A_215 = arith.index_cast %get3A_214 : i32 to index
      %get3A_216 = arith.constant 48 : index
      %get3A_217 = tpu.vector_load %arg10[%get3A_215, %get3A_216] {strides = array<i32>} : memref<3x64xi32, #tpu.memory_space<vmem>>, vector<16xi32>,
      %mul3A_218 = arith.constant 10000 : i32
      %mul3A_219 = arith.muli %arg0, %mul3A_218 : i32
      %sub3A_220 = vector.broadcast %mul3A_219 : i32 to vector<16xi32>
      %sub3A_221 = arith.subi %get3A_213, %sub3A_220 : vector<16xi32>
      %gather3A_222 = tpu.vector_load_idx %arg8[%sub3A_221] : memref<10000xf32, #tpu.memory_space<vmem>>[vector<16xi32>], vector<16xf32>,
      %gather3A_223 = tpu.vector_load_idx %arg9[%get3A_217] : memref<10000xf32, #tpu.memory_space<vmem>>[vector<16xi32>], vector<16xf32>,
      %add3A_224 = arith.addf %gather3A_222, %gather3A_223 : vector<16xf32>
      %gt3A_225 = arith.constant 0.000000e+00 : f32
      %gt3A_226 = vector.broadcast %gt3A_225 : f32 to vector<16xf32>
      %gt3A_227 = arith.cmpf ogt, %add3A_224, %gt3A_226 : vector<16xf32>
      %exp3A_228 = math.exp %add3A_224 : vector<16xf32>
      %sub3A_229 = arith.constant 1.000000e+00 : f32
      %sub3A_230 = vector.broadcast %sub3A_229 : f32 to vector<16xf32>
      %sub3A_231 = arith.subf %exp3A_228, %sub3A_230 : vector<16xf32>
      %select_n3A_232 = arith.select %gt3A_227, %add3A_224, %sub3A_231 : vector<16xi1>, vector<16xf32>
      %get3A_233 = arith.constant 2 : i32
      %get3A_234 = arith.index_cast %get3A_233 : i32 to index
      %get3A_235 = arith.constant 48 : index
      %get3A_236 = tpu.vector_load %arg10[%get3A_234, %get3A_235] {strides = array<i32>} : memref<3x64xi32, #tpu.memory_space<vmem>>, vector<16xi32>,
      %bitcast3A_237 = vector.bitcast %get3A_236 : vector<16xi32> to vector<16xf32>
      %mul3A_238 = arith.mulf %select_n3A_232, %bitcast3A_237 : vector<16xf32>
      %swap3A_239 = arith.constant 48 : index
      %swap3A_240 = tpu.vector_load %arg19[%swap3A_239] {strides = array<i32>} : memref<64xf32, #tpu.memory_space<vmem>>, vector<16xf32>,
      tpu.vector_store %arg19[%swap3A_239], %mul3A_238 {strides = array<i32>} : memref<64xf32, #tpu.memory_space<vmem>>, vector<16xf32>,
      %swap3A_241 = arith.constant 48 : index
      %swap3A_242 = tpu.vector_load %arg13[%swap3A_241] {strides = array<i32>} : memref<64xi32, #tpu.memory_space<vmem>>, vector<16xi32>,
      tpu.vector_store %arg13[%swap3A_241], %get3A_217 {strides = array<i32>} : memref<64xi32, #tpu.memory_space<vmem>>, vector<16xi32>,
      %swap3A_243 = arith.constant 48 : index
      %swap3A_244 = tpu.vector_load %arg16[%swap3A_243] {strides = array<i32>} : memref<64xi32, #tpu.memory_space<vmem>>, vector<16xi32>,
      tpu.vector_store %arg16[%swap3A_243], %get3A_213 {strides = array<i32>} : memref<64xi32, #tpu.memory_space<vmem>>, vector<16xi32>,
      %dma_start3A_245 = arith.constant 0 : i32
      %dma_start3A_246 = arith.constant 0 : i32
      %dma_start3A_247 = tpu.memref_slice %arg2[%dma_start3A_245, %dma_start3A_246] : memref<20000x128xf32, #tpu.memory_space<hbm>> -> memref<20000x128xf32, #tpu.memory_space<hbm>>
      tpu.enqueue_indirect_dma source(%dma_start3A_247 : memref<20000x128xf32, #tpu.memory_space<hbm>>) target(%arg22 : memref<64x128xf32, #tpu.memory_space<vmem>>) offsets(%arg16 : memref<64xi32, #tpu.memory_space<vmem>>) semaphore(%arg29 : memref<!tpu.dma_semaphore, #tpu.memory_space<semaphore_mem>>)
      %add3A_248 = arith.constant 3 : i32
      %add3A_249 = arith.addi %add3A_100, %add3A_248 : i32
      %lt3A = arith.constant 315 : i32
      %lt3A_250 = arith.cmpi slt, %add3A_249, %lt3A : i32
      %convert_element_type3A_251 = arith.extui %lt3A_250 : i1 to i32
      %cond3A_252 = arith.constant 0 : i32
      %cond3A_253 = arith.cmpi ne, %convert_element_type3A_251, %cond3A_252 : i32
      scf.if %cond3A_253 {
        %add3A_612 = arith.constant 3 : i32
        %add3A_613 = arith.addi %add3A_100, %add3A_612 : i32
        %add3A_614 = arith.addi %mul3A_34, %add3A_613 : i32
        %dma_start3A_615 = arith.constant 0 : i32
        %dma_start3A_616 = arith.constant 0 : i32
        %dma_start3A_617 = tpu.memref_slice %arg5[%add3A_614, %dma_start3A_615, %dma_start3A_616] : memref<10080x3x64xi32, #tpu.memory_space<hbm>> -> memref<1x3x64xi32, #tpu.memory_space<hbm>>
        %dma_start3A_618 = tpu.memref_squeeze %dma_start3A_617 : memref<1x3x64xi32, #tpu.memory_space<hbm>> -> memref<3x64xi32, #tpu.memory_space<hbm>>
        %dma_start3A_619 = arith.constant 0 : i32
        %dma_start3A_620 = arith.constant 0 : i32
        %dma_start3A_621 = tpu.memref_slice %arg5[%add3A_614, %dma_start3A_619, %dma_start3A_620] : memref<10080x3x64xi32, #tpu.memory_space<hbm>> -> memref<1x3x64xi32, #tpu.memory_space<hbm>>
        %dma_start3A_622 = tpu.memref_squeeze %dma_start3A_621 : memref<1x3x64xi32, #tpu.memory_space<hbm>> -> memref<3x64xi32, #tpu.memory_space<hbm>>
        tpu.enqueue_dma source(%dma_start3A_622 : memref<3x64xi32, #tpu.memory_space<hbm>>) target(%arg10 : memref<3x64xi32, #tpu.memory_space<vmem>>) target_semaphore(%arg26 : memref<!tpu.dma_semaphore, #tpu.memory_space<semaphore_mem>>)
      } else {
      }
      %ge3A_254 = arith.constant 1 : i32
      %ge3A_255 = arith.cmpi sge, %scan3A_95, %ge3A_254 : i32
      %convert_element_type3A_256 = arith.extui %ge3A_255 : i1 to i32
      %cond3A_257 = arith.constant 0 : i32
      %cond3A_258 = arith.cmpi ne, %convert_element_type3A_256, %cond3A_257 : i32
      scf.if %cond3A_258 {
        %dma_wait3A_612 = arith.constant 0 : i32
        %dma_wait3A_613 = arith.constant 0 : i32
        %dma_wait3A_614 = tpu.memref_slice %arg2[%dma_wait3A_612, %dma_wait3A_613] : memref<20000x128xf32, #tpu.memory_space<hbm>> -> memref<20000x128xf32, #tpu.memory_space<hbm>>
        tpu.wait_indirect_dma semaphore(%arg31 : memref<!tpu.dma_semaphore, #tpu.memory_space<semaphore_mem>>) src(%dma_wait3A_614 : memref<20000x128xf32, #tpu.memory_space<hbm>>) dst(%arg24 : memref<64x128xf32, #tpu.memory_space<vmem>>)
        %parallel_loop3A_615 = arith.constant 0 : i32
        %parallel_loop3A_616 = arith.constant 64 : i32
        %parallel_loop3A_617 = arith.constant 1 : i32
        scf.for %parallel_loop3A_621 = %parallel_loop3A_615 to %parallel_loop3A_616 step %parallel_loop3A_617  : i32 {
          %parallel_loop3A_622 = vector.broadcast %parallel_loop3A_621 : i32 to vector<16xi32>
          %parallel_loop3A_623 = tpu.vector_load_idx %arg21[%parallel_loop3A_622] : memref<64xf32, #tpu.memory_space<vmem>>[vector<16xi32>], vector<16xf32>,
          %parallel_loop3A_624 = arith.index_cast %parallel_loop3A_621 : i32 to index
          %parallel_loop3A_625 = arith.constant 0 : index
          %parallel_loop3A_626 = tpu.vector_load %arg24[%parallel_loop3A_624, %parallel_loop3A_625] {strides = array<i32>} : memref<64x128xf32, #tpu.memory_space<vmem>>, vector<16xf32>,
          %parallel_loop3A_627 = arith.mulf %parallel_loop3A_626, %parallel_loop3A_623 : vector<16xf32>
          %parallel_loop3A_628 = arith.index_cast %parallel_loop3A_621 : i32 to index
          %parallel_loop3A_629 = arith.constant 0 : index
          %parallel_loop3A_630 = tpu.vector_load %arg24[%parallel_loop3A_628, %parallel_loop3A_629] {strides = array<i32>} : memref<64x128xf32, #tpu.memory_space<vmem>>, vector<16xf32>,
          tpu.vector_store %arg24[%parallel_loop3A_628, %parallel_loop3A_629], %parallel_loop3A_627 {strides = array<i32>} : memref<64x128xf32, #tpu.memory_space<vmem>>, vector<16xf32>,
          %parallel_loop3A_631 = arith.index_cast %parallel_loop3A_621 : i32 to index
          %parallel_loop3A_632 = arith.constant 16 : index
          %parallel_loop3A_633 = tpu.vector_load %arg24[%parallel_loop3A_631, %parallel_loop3A_632] {strides = array<i32>} : memref<64x128xf32, #tpu.memory_space<vmem>>, vector<16xf32>,
          %parallel_loop3A_634 = arith.mulf %parallel_loop3A_633, %parallel_loop3A_623 : vector<16xf32>
          %parallel_loop3A_635 = arith.index_cast %parallel_loop3A_621 : i32 to index
          %parallel_loop3A_636 = arith.constant 16 : index
          %parallel_loop3A_637 = tpu.vector_load %arg24[%parallel_loop3A_635, %parallel_loop3A_636] {strides = array<i32>} : memref<64x128xf32, #tpu.memory_space<vmem>>, vector<16xf32>,
          tpu.vector_store %arg24[%parallel_loop3A_635, %parallel_loop3A_636], %parallel_loop3A_634 {strides = array<i32>} : memref<64x128xf32, #tpu.memory_space<vmem>>, vector<16xf32>,
          %parallel_loop3A_638 = arith.index_cast %parallel_loop3A_621 : i32 to index
          %parallel_loop3A_639 = arith.constant 32 : index
          %parallel_loop3A_640 = tpu.vector_load %arg24[%parallel_loop3A_638, %parallel_loop3A_639] {strides = array<i32>} : memref<64x128xf32, #tpu.memory_space<vmem>>, vector<16xf32>,
          %parallel_loop3A_641 = arith.mulf %parallel_loop3A_640, %parallel_loop3A_623 : vector<16xf32>
          %parallel_loop3A_642 = arith.index_cast %parallel_loop3A_621 : i32 to index
          %parallel_loop3A_643 = arith.constant 32 : index
          %parallel_loop3A_644 = tpu.vector_load %arg24[%parallel_loop3A_642, %parallel_loop3A_643] {strides = array<i32>} : memref<64x128xf32, #tpu.memory_space<vmem>>, vector<16xf32>,
          tpu.vector_store %arg24[%parallel_loop3A_642, %parallel_loop3A_643], %parallel_loop3A_641 {strides = array<i32>} : memref<64x128xf32, #tpu.memory_space<vmem>>, vector<16xf32>,
          %parallel_loop3A_645 = arith.index_cast %parallel_loop3A_621 : i32 to index
          %parallel_loop3A_646 = arith.constant 48 : index
          %parallel_loop3A_647 = tpu.vector_load %arg24[%parallel_loop3A_645, %parallel_loop3A_646] {strides = array<i32>} : memref<64x128xf32, #tpu.memory_space<vmem>>, vector<16xf32>,
          %parallel_loop3A_648 = arith.mulf %parallel_loop3A_647, %parallel_loop3A_623 : vector<16xf32>
          %parallel_loop3A_649 = arith.index_cast %parallel_loop3A_621 : i32 to index
          %parallel_loop3A_650 = arith.constant 48 : index
          %parallel_loop3A_651 = tpu.vector_load %arg24[%parallel_loop3A_649, %parallel_loop3A_650] {strides = array<i32>} : memref<64x128xf32, #tpu.memory_space<vmem>>, vector<16xf32>,
          tpu.vector_store %arg24[%parallel_loop3A_649, %parallel_loop3A_650], %parallel_loop3A_648 {strides = array<i32>} : memref<64x128xf32, #tpu.memory_space<vmem>>, vector<16xf32>,
          %parallel_loop3A_652 = arith.index_cast %parallel_loop3A_621 : i32 to index
          %parallel_loop3A_653 = arith.constant 64 : index
          %parallel_loop3A_654 = tpu.vector_load %arg24[%parallel_loop3A_652, %parallel_loop3A_653] {strides = array<i32>} : memref<64x128xf32, #tpu.memory_space<vmem>>, vector<16xf32>,
          %parallel_loop3A_655 = arith.mulf %parallel_loop3A_654, %parallel_loop3A_623 : vector<16xf32>
          %parallel_loop3A_656 = arith.index_cast %parallel_loop3A_621 : i32 to index
          %parallel_loop3A_657 = arith.constant 64 : index
          %parallel_loop3A_658 = tpu.vector_load %arg24[%parallel_loop3A_656, %parallel_loop3A_657] {strides = array<i32>} : memref<64x128xf32, #tpu.memory_space<vmem>>, vector<16xf32>,
          tpu.vector_store %arg24[%parallel_loop3A_656, %parallel_loop3A_657], %parallel_loop3A_655 {strides = array<i32>} : memref<64x128xf32, #tpu.memory_space<vmem>>, vector<16xf32>,
          %parallel_loop3A_659 = arith.index_cast %parallel_loop3A_621 : i32 to index
          %parallel_loop3A_660 = arith.constant 80 : index
          %parallel_loop3A_661 = tpu.vector_load %arg24[%parallel_loop3A_659, %parallel_loop3A_660] {strides = array<i32>} : memref<64x128xf32, #tpu.memory_space<vmem>>, vector<16xf32>,
          %parallel_loop3A_662 = arith.mulf %parallel_loop3A_661, %parallel_loop3A_623 : vector<16xf32>
          %parallel_loop3A_663 = arith.index_cast %parallel_loop3A_621 : i32 to index
          %parallel_loop3A_664 = arith.constant 80 : index
          %parallel_loop3A_665 = tpu.vector_load %arg24[%parallel_loop3A_663, %parallel_loop3A_664] {strides = array<i32>} : memref<64x128xf32, #tpu.memory_space<vmem>>, vector<16xf32>,
          tpu.vector_store %arg24[%parallel_loop3A_663, %parallel_loop3A_664], %parallel_loop3A_662 {strides = array<i32>} : memref<64x128xf32, #tpu.memory_space<vmem>>, vector<16xf32>,
          %parallel_loop3A_666 = arith.index_cast %parallel_loop3A_621 : i32 to index
          %parallel_loop3A_667 = arith.constant 96 : index
          %parallel_loop3A_668 = tpu.vector_load %arg24[%parallel_loop3A_666, %parallel_loop3A_667] {strides = array<i32>} : memref<64x128xf32, #tpu.memory_space<vmem>>, vector<16xf32>,
          %parallel_loop3A_669 = arith.mulf %parallel_loop3A_668, %parallel_loop3A_623 : vector<16xf32>
          %parallel_loop3A_670 = arith.index_cast %parallel_loop3A_621 : i32 to index
          %parallel_loop3A_671 = arith.constant 96 : index
          %parallel_loop3A_672 = tpu.vector_load %arg24[%parallel_loop3A_670, %parallel_loop3A_671] {strides = array<i32>} : memref<64x128xf32, #tpu.memory_space<vmem>>, vector<16xf32>,
          tpu.vector_store %arg24[%parallel_loop3A_670, %parallel_loop3A_671], %parallel_loop3A_669 {strides = array<i32>} : memref<64x128xf32, #tpu.memory_space<vmem>>, vector<16xf32>,
          %parallel_loop3A_673 = arith.index_cast %parallel_loop3A_621 : i32 to index
          %parallel_loop3A_674 = arith.constant 112 : index
          %parallel_loop3A_675 = tpu.vector_load %arg24[%parallel_loop3A_673, %parallel_loop3A_674] {strides = array<i32>} : memref<64x128xf32, #tpu.memory_space<vmem>>, vector<16xf32>,
          %parallel_loop3A_676 = arith.mulf %parallel_loop3A_675, %parallel_loop3A_623 : vector<16xf32>
          %parallel_loop3A_677 = arith.index_cast %parallel_loop3A_621 : i32 to index
          %parallel_loop3A_678 = arith.constant 112 : index
          %parallel_loop3A_679 = tpu.vector_load %arg24[%parallel_loop3A_677, %parallel_loop3A_678] {strides = array<i32>} : memref<64x128xf32, #tpu.memory_space<vmem>>, vector<16xf32>,
          tpu.vector_store %arg24[%parallel_loop3A_677, %parallel_loop3A_678], %parallel_loop3A_676 {strides = array<i32>} : memref<64x128xf32, #tpu.memory_space<vmem>>, vector<16xf32>,
        } {sc.loop_unroll_factor = 4 : i64, sc.parallel_access}
        %dma_start3A_618 = arith.constant 0 : i32
        %dma_start3A_619 = arith.constant 0 : i32
        %dma_start3A_620 = tpu.memref_slice %arg25[%dma_start3A_618, %dma_start3A_619] : memref<10112x128xf32, #tpu.memory_space<vmem_shared>> -> memref<10112x128xf32, #tpu.memory_space<vmem_shared>>
        tpu.enqueue_indirect_dma source(%arg24 : memref<64x128xf32, #tpu.memory_space<vmem>>) target(%dma_start3A_620 : memref<10112x128xf32, #tpu.memory_space<vmem_shared>>) offsets(%arg15 : memref<64xi32, #tpu.memory_space<vmem>>) semaphore(%arg34 : memref<!tpu.dma_semaphore, #tpu.memory_space<semaphore_mem>>) {add = true}
      } else {
      }
      %mul3A_259 = arith.constant 3 : i32
      %mul3A_260 = arith.muli %mul3A_259, %scan3A_95 : i32
      %add3A_261 = arith.constant 1 : i32
      %add3A_262 = arith.addi %mul3A_260, %add3A_261 : i32
      %dma_wait3A_263 = arith.constant 0 : i32
      %dma_wait3A_264 = arith.constant 0 : i32
      %dma_wait3A_265 = tpu.memref_slice %arg5[%mul3A_34, %dma_wait3A_263, %dma_wait3A_264] : memref<10080x3x64xi32, #tpu.memory_space<hbm>> -> memref<1x3x64xi32, #tpu.memory_space<hbm>>
      %dma_wait3A_266 = tpu.memref_squeeze %dma_wait3A_265 : memref<1x3x64xi32, #tpu.memory_space<hbm>> -> memref<3x64xi32, #tpu.memory_space<hbm>>
      %dma_wait3A_267 = arith.constant 0 : i32
      %dma_wait3A_268 = arith.constant 0 : i32
      %dma_wait3A_269 = tpu.memref_slice %arg5[%mul3A_34, %dma_wait3A_267, %dma_wait3A_268] : memref<10080x3x64xi32, #tpu.memory_space<hbm>> -> memref<1x3x64xi32, #tpu.memory_space<hbm>>
      %dma_wait3A_270 = tpu.memref_squeeze %dma_wait3A_269 : memref<1x3x64xi32, #tpu.memory_space<hbm>> -> memref<3x64xi32, #tpu.memory_space<hbm>>
      tpu.wait_dma2 semaphore(%arg27 : memref<!tpu.dma_semaphore, #tpu.memory_space<semaphore_mem>>) src(%dma_wait3A_270 : memref<3x64xi32, #tpu.memory_space<hbm>>) dst(%arg11 : memref<3x64xi32, #tpu.memory_space<vmem>>)
      %ge3A_271 = arith.constant 1 : i32
      %ge3A_272 = arith.cmpi sge, %scan3A_95, %ge3A_271 : i32
      %convert_element_type3A_273 = arith.extui %ge3A_272 : i1 to i32
      %cond3A_274 = arith.constant 0 : i32
      %cond3A_275 = arith.cmpi ne, %convert_element_type3A_273, %cond3A_274 : i32
      scf.if %cond3A_275 {
        %dma_wait3A_612 = arith.constant 0 : i32
        %dma_wait3A_613 = arith.constant 0 : i32
        %dma_wait3A_614 = tpu.memref_slice %arg25[%dma_wait3A_612, %dma_wait3A_613] : memref<10112x128xf32, #tpu.memory_space<vmem_shared>> -> memref<10112x128xf32, #tpu.memory_space<vmem_shared>>
        tpu.wait_indirect_dma semaphore(%arg33 : memref<!tpu.dma_semaphore, #tpu.memory_space<semaphore_mem>>) src(%arg23 : memref<64x128xf32, #tpu.memory_space<vmem>>) dst(%dma_wait3A_614 : memref<10112x128xf32, #tpu.memory_space<vmem_shared>>)
      } else {
      }
      %get3A_276 = arith.constant 0 : i32
      %get3A_277 = arith.index_cast %get3A_276 : i32 to index
      %get3A_278 = arith.constant 0 : index
      %get3A_279 = tpu.vector_load %arg11[%get3A_277, %get3A_278] {strides = array<i32>} : memref<3x64xi32, #tpu.memory_space<vmem>>, vector<16xi32>,
      %get3A_280 = arith.constant 1 : i32
      %get3A_281 = arith.index_cast %get3A_280 : i32 to index
      %get3A_282 = arith.constant 0 : index
      %get3A_283 = tpu.vector_load %arg11[%get3A_281, %get3A_282] {strides = array<i32>} : memref<3x64xi32, #tpu.memory_space<vmem>>, vector<16xi32>,
      %mul3A_284 = arith.constant 10000 : i32
      %mul3A_285 = arith.muli %arg0, %mul3A_284 : i32
      %sub3A_286 = vector.broadcast %mul3A_285 : i32 to vector<16xi32>
      %sub3A_287 = arith.subi %get3A_279, %sub3A_286 : vector<16xi32>
      %gather3A_288 = tpu.vector_load_idx %arg8[%sub3A_287] : memref<10000xf32, #tpu.memory_space<vmem>>[vector<16xi32>], vector<16xf32>,
      %gather3A_289 = tpu.vector_load_idx %arg9[%get3A_283] : memref<10000xf32, #tpu.memory_space<vmem>>[vector<16xi32>], vector<16xf32>,
      %add3A_290 = arith.addf %gather3A_288, %gather3A_289 : vector<16xf32>
      %gt3A_291 = arith.constant 0.000000e+00 : f32
      %gt3A_292 = vector.broadcast %gt3A_291 : f32 to vector<16xf32>
      %gt3A_293 = arith.cmpf ogt, %add3A_290, %gt3A_292 : vector<16xf32>
      %exp3A_294 = math.exp %add3A_290 : vector<16xf32>
      %sub3A_295 = arith.constant 1.000000e+00 : f32
      %sub3A_296 = vector.broadcast %sub3A_295 : f32 to vector<16xf32>
      %sub3A_297 = arith.subf %exp3A_294, %sub3A_296 : vector<16xf32>
      %select_n3A_298 = arith.select %gt3A_293, %add3A_290, %sub3A_297 : vector<16xi1>, vector<16xf32>
      %get3A_299 = arith.constant 2 : i32
      %get3A_300 = arith.index_cast %get3A_299 : i32 to index
      %get3A_301 = arith.constant 0 : index
      %get3A_302 = tpu.vector_load %arg11[%get3A_300, %get3A_301] {strides = array<i32>} : memref<3x64xi32, #tpu.memory_space<vmem>>, vector<16xi32>,
      %bitcast3A_303 = vector.bitcast %get3A_302 : vector<16xi32> to vector<16xf32>
      %mul3A_304 = arith.mulf %select_n3A_298, %bitcast3A_303 : vector<16xf32>
      %swap3A_305 = arith.constant 0 : index
      %swap3A_306 = tpu.vector_load %arg20[%swap3A_305] {strides = array<i32>} : memref<64xf32, #tpu.memory_space<vmem>>, vector<16xf32>,
      tpu.vector_store %arg20[%swap3A_305], %mul3A_304 {strides = array<i32>} : memref<64xf32, #tpu.memory_space<vmem>>, vector<16xf32>,
      %swap3A_307 = arith.constant 0 : index
      %swap3A_308 = tpu.vector_load %arg14[%swap3A_307] {strides = array<i32>} : memref<64xi32, #tpu.memory_space<vmem>>, vector<16xi32>,
      tpu.vector_store %arg14[%swap3A_307], %get3A_283 {strides = array<i32>} : memref<64xi32, #tpu.memory_space<vmem>>, vector<16xi32>,
      %swap3A_309 = arith.constant 0 : index
      %swap3A_310 = tpu.vector_load %arg17[%swap3A_309] {strides = array<i32>} : memref<64xi32, #tpu.memory_space<vmem>>, vector<16xi32>,
      tpu.vector_store %arg17[%swap3A_309], %get3A_279 {strides = array<i32>} : memref<64xi32, #tpu.memory_space<vmem>>, vector<16xi32>,
      %get3A_311 = arith.constant 0 : i32
      %get3A_312 = arith.index_cast %get3A_311 : i32 to index
      %get3A_313 = arith.constant 16 : index
      %get3A_314 = tpu.vector_load %arg11[%get3A_312, %get3A_313] {strides = array<i32>} : memref<3x64xi32, #tpu.memory_space<vmem>>, vector<16xi32>,
      %get3A_315 = arith.constant 1 : i32
      %get3A_316 = arith.index_cast %get3A_315 : i32 to index
      %get3A_317 = arith.constant 16 : index
      %get3A_318 = tpu.vector_load %arg11[%get3A_316, %get3A_317] {strides = array<i32>} : memref<3x64xi32, #tpu.memory_space<vmem>>, vector<16xi32>,
      %mul3A_319 = arith.constant 10000 : i32
      %mul3A_320 = arith.muli %arg0, %mul3A_319 : i32
      %sub3A_321 = vector.broadcast %mul3A_320 : i32 to vector<16xi32>
      %sub3A_322 = arith.subi %get3A_314, %sub3A_321 : vector<16xi32>
      %gather3A_323 = tpu.vector_load_idx %arg8[%sub3A_322] : memref<10000xf32, #tpu.memory_space<vmem>>[vector<16xi32>], vector<16xf32>,
      %gather3A_324 = tpu.vector_load_idx %arg9[%get3A_318] : memref<10000xf32, #tpu.memory_space<vmem>>[vector<16xi32>], vector<16xf32>,
      %add3A_325 = arith.addf %gather3A_323, %gather3A_324 : vector<16xf32>
      %gt3A_326 = arith.constant 0.000000e+00 : f32
      %gt3A_327 = vector.broadcast %gt3A_326 : f32 to vector<16xf32>
      %gt3A_328 = arith.cmpf ogt, %add3A_325, %gt3A_327 : vector<16xf32>
      %exp3A_329 = math.exp %add3A_325 : vector<16xf32>
      %sub3A_330 = arith.constant 1.000000e+00 : f32
      %sub3A_331 = vector.broadcast %sub3A_330 : f32 to vector<16xf32>
      %sub3A_332 = arith.subf %exp3A_329, %sub3A_331 : vector<16xf32>
      %select_n3A_333 = arith.select %gt3A_328, %add3A_325, %sub3A_332 : vector<16xi1>, vector<16xf32>
      %get3A_334 = arith.constant 2 : i32
      %get3A_335 = arith.index_cast %get3A_334 : i32 to index
      %get3A_336 = arith.constant 16 : index
      %get3A_337 = tpu.vector_load %arg11[%get3A_335, %get3A_336] {strides = array<i32>} : memref<3x64xi32, #tpu.memory_space<vmem>>, vector<16xi32>,
      %bitcast3A_338 = vector.bitcast %get3A_337 : vector<16xi32> to vector<16xf32>
      %mul3A_339 = arith.mulf %select_n3A_333, %bitcast3A_338 : vector<16xf32>
      %swap3A_340 = arith.constant 16 : index
      %swap3A_341 = tpu.vector_load %arg20[%swap3A_340] {strides = array<i32>} : memref<64xf32, #tpu.memory_space<vmem>>, vector<16xf32>,
      tpu.vector_store %arg20[%swap3A_340], %mul3A_339 {strides = array<i32>} : memref<64xf32, #tpu.memory_space<vmem>>, vector<16xf32>,
      %swap3A_342 = arith.constant 16 : index
      %swap3A_343 = tpu.vector_load %arg14[%swap3A_342] {strides = array<i32>} : memref<64xi32, #tpu.memory_space<vmem>>, vector<16xi32>,
      tpu.vector_store %arg14[%swap3A_342], %get3A_318 {strides = array<i32>} : memref<64xi32, #tpu.memory_space<vmem>>, vector<16xi32>,
      %swap3A_344 = arith.constant 16 : index
      %swap3A_345 = tpu.vector_load %arg17[%swap3A_344] {strides = array<i32>} : memref<64xi32, #tpu.memory_space<vmem>>, vector<16xi32>,
      tpu.vector_store %arg17[%swap3A_344], %get3A_314 {strides = array<i32>} : memref<64xi32, #tpu.memory_space<vmem>>, vector<16xi32>,
      %get3A_346 = arith.constant 0 : i32
      %get3A_347 = arith.index_cast %get3A_346 : i32 to index
      %get3A_348 = arith.constant 32 : index
      %get3A_349 = tpu.vector_load %arg11[%get3A_347, %get3A_348] {strides = array<i32>} : memref<3x64xi32, #tpu.memory_space<vmem>>, vector<16xi32>,
      %get3A_350 = arith.constant 1 : i32
      %get3A_351 = arith.index_cast %get3A_350 : i32 to index
      %get3A_352 = arith.constant 32 : index
      %get3A_353 = tpu.vector_load %arg11[%get3A_351, %get3A_352] {strides = array<i32>} : memref<3x64xi32, #tpu.memory_space<vmem>>, vector<16xi32>,
      %mul3A_354 = arith.constant 10000 : i32
      %mul3A_355 = arith.muli %arg0, %mul3A_354 : i32
      %sub3A_356 = vector.broadcast %mul3A_355 : i32 to vector<16xi32>
      %sub3A_357 = arith.subi %get3A_349, %sub3A_356 : vector<16xi32>
      %gather3A_358 = tpu.vector_load_idx %arg8[%sub3A_357] : memref<10000xf32, #tpu.memory_space<vmem>>[vector<16xi32>], vector<16xf32>,
      %gather3A_359 = tpu.vector_load_idx %arg9[%get3A_353] : memref<10000xf32, #tpu.memory_space<vmem>>[vector<16xi32>], vector<16xf32>,
      %add3A_360 = arith.addf %gather3A_358, %gather3A_359 : vector<16xf32>
      %gt3A_361 = arith.constant 0.000000e+00 : f32
      %gt3A_362 = vector.broadcast %gt3A_361 : f32 to vector<16xf32>
      %gt3A_363 = arith.cmpf ogt, %add3A_360, %gt3A_362 : vector<16xf32>
      %exp3A_364 = math.exp %add3A_360 : vector<16xf32>
      %sub3A_365 = arith.constant 1.000000e+00 : f32
      %sub3A_366 = vector.broadcast %sub3A_365 : f32 to vector<16xf32>
      %sub3A_367 = arith.subf %exp3A_364, %sub3A_366 : vector<16xf32>
      %select_n3A_368 = arith.select %gt3A_363, %add3A_360, %sub3A_367 : vector<16xi1>, vector<16xf32>
      %get3A_369 = arith.constant 2 : i32
      %get3A_370 = arith.index_cast %get3A_369 : i32 to index
      %get3A_371 = arith.constant 32 : index
      %get3A_372 = tpu.vector_load %arg11[%get3A_370, %get3A_371] {strides = array<i32>} : memref<3x64xi32, #tpu.memory_space<vmem>>, vector<16xi32>,
      %bitcast3A_373 = vector.bitcast %get3A_372 : vector<16xi32> to vector<16xf32>
      %mul3A_374 = arith.mulf %select_n3A_368, %bitcast3A_373 : vector<16xf32>
      %swap3A_375 = arith.constant 32 : index
      %swap3A_376 = tpu.vector_load %arg20[%swap3A_375] {strides = array<i32>} : memref<64xf32, #tpu.memory_space<vmem>>, vector<16xf32>,
      tpu.vector_store %arg20[%swap3A_375], %mul3A_374 {strides = array<i32>} : memref<64xf32, #tpu.memory_space<vmem>>, vector<16xf32>,
      %swap3A_377 = arith.constant 32 : index
      %swap3A_378 = tpu.vector_load %arg14[%swap3A_377] {strides = array<i32>} : memref<64xi32, #tpu.memory_space<vmem>>, vector<16xi32>,
      tpu.vector_store %arg14[%swap3A_377], %get3A_353 {strides = array<i32>} : memref<64xi32, #tpu.memory_space<vmem>>, vector<16xi32>,
      %swap3A_379 = arith.constant 32 : index
      %swap3A_380 = tpu.vector_load %arg17[%swap3A_379] {strides = array<i32>} : memref<64xi32, #tpu.memory_space<vmem>>, vector<16xi32>,
      tpu.vector_store %arg17[%swap3A_379], %get3A_349 {strides = array<i32>} : memref<64xi32, #tpu.memory_space<vmem>>, vector<16xi32>,
      %get3A_381 = arith.constant 0 : i32
      %get3A_382 = arith.index_cast %get3A_381 : i32 to index
      %get3A_383 = arith.constant 48 : index
      %get3A_384 = tpu.vector_load %arg11[%get3A_382, %get3A_383] {strides = array<i32>} : memref<3x64xi32, #tpu.memory_space<vmem>>, vector<16xi32>,
      %get3A_385 = arith.constant 1 : i32
      %get3A_386 = arith.index_cast %get3A_385 : i32 to index
      %get3A_387 = arith.constant 48 : index
      %get3A_388 = tpu.vector_load %arg11[%get3A_386, %get3A_387] {strides = array<i32>} : memref<3x64xi32, #tpu.memory_space<vmem>>, vector<16xi32>,
      %mul3A_389 = arith.constant 10000 : i32
      %mul3A_390 = arith.muli %arg0, %mul3A_389 : i32
      %sub3A_391 = vector.broadcast %mul3A_390 : i32 to vector<16xi32>
      %sub3A_392 = arith.subi %get3A_384, %sub3A_391 : vector<16xi32>
      %gather3A_393 = tpu.vector_load_idx %arg8[%sub3A_392] : memref<10000xf32, #tpu.memory_space<vmem>>[vector<16xi32>], vector<16xf32>,
      %gather3A_394 = tpu.vector_load_idx %arg9[%get3A_388] : memref<10000xf32, #tpu.memory_space<vmem>>[vector<16xi32>], vector<16xf32>,
      %add3A_395 = arith.addf %gather3A_393, %gather3A_394 : vector<16xf32>
      %gt3A_396 = arith.constant 0.000000e+00 : f32
      %gt3A_397 = vector.broadcast %gt3A_396 : f32 to vector<16xf32>
      %gt3A_398 = arith.cmpf ogt, %add3A_395, %gt3A_397 : vector<16xf32>
      %exp3A_399 = math.exp %add3A_395 : vector<16xf32>
      %sub3A_400 = arith.constant 1.000000e+00 : f32
      %sub3A_401 = vector.broadcast %sub3A_400 : f32 to vector<16xf32>
      %sub3A_402 = arith.subf %exp3A_399, %sub3A_401 : vector<16xf32>
      %select_n3A_403 = arith.select %gt3A_398, %add3A_395, %sub3A_402 : vector<16xi1>, vector<16xf32>
      %get3A_404 = arith.constant 2 : i32
      %get3A_405 = arith.index_cast %get3A_404 : i32 to index
      %get3A_406 = arith.constant 48 : index
      %get3A_407 = tpu.vector_load %arg11[%get3A_405, %get3A_406] {strides = array<i32>} : memref<3x64xi32, #tpu.memory_space<vmem>>, vector<16xi32>,
      %bitcast3A_408 = vector.bitcast %get3A_407 : vector<16xi32> to vector<16xf32>
      %mul3A_409 = arith.mulf %select_n3A_403, %bitcast3A_408 : vector<16xf32>
      %swap3A_410 = arith.constant 48 : index
      %swap3A_411 = tpu.vector_load %arg20[%swap3A_410] {strides = array<i32>} : memref<64xf32, #tpu.memory_space<vmem>>, vector<16xf32>,
      tpu.vector_store %arg20[%swap3A_410], %mul3A_409 {strides = array<i32>} : memref<64xf32, #tpu.memory_space<vmem>>, vector<16xf32>,
      %swap3A_412 = arith.constant 48 : index
      %swap3A_413 = tpu.vector_load %arg14[%swap3A_412] {strides = array<i32>} : memref<64xi32, #tpu.memory_space<vmem>>, vector<16xi32>,
      tpu.vector_store %arg14[%swap3A_412], %get3A_388 {strides = array<i32>} : memref<64xi32, #tpu.memory_space<vmem>>, vector<16xi32>,
      %swap3A_414 = arith.constant 48 : index
      %swap3A_415 = tpu.vector_load %arg17[%swap3A_414] {strides = array<i32>} : memref<64xi32, #tpu.memory_space<vmem>>, vector<16xi32>,
      tpu.vector_store %arg17[%swap3A_414], %get3A_384 {strides = array<i32>} : memref<64xi32, #tpu.memory_space<vmem>>, vector<16xi32>,
      %dma_start3A_416 = arith.constant 0 : i32
      %dma_start3A_417 = arith.constant 0 : i32
      %dma_start3A_418 = tpu.memref_slice %arg2[%dma_start3A_416, %dma_start3A_417] : memref<20000x128xf32, #tpu.memory_space<hbm>> -> memref<20000x128xf32, #tpu.memory_space<hbm>>
      tpu.enqueue_indirect_dma source(%dma_start3A_418 : memref<20000x128xf32, #tpu.memory_space<hbm>>) target(%arg23 : memref<64x128xf32, #tpu.memory_space<vmem>>) offsets(%arg17 : memref<64xi32, #tpu.memory_space<vmem>>) semaphore(%arg30 : memref<!tpu.dma_semaphore, #tpu.memory_space<semaphore_mem>>)
      %add3A_419 = arith.constant 3 : i32
      %add3A_420 = arith.addi %add3A_262, %add3A_419 : i32
      %lt3A_421 = arith.constant 315 : i32
      %lt3A_422 = arith.cmpi slt, %add3A_420, %lt3A_421 : i32
      %convert_element_type3A_423 = arith.extui %lt3A_422 : i1 to i32
      %cond3A_424 = arith.constant 0 : i32
      %cond3A_425 = arith.cmpi ne, %convert_element_type3A_423, %cond3A_424 : i32
      scf.if %cond3A_425 {
        %add3A_612 = arith.constant 3 : i32
        %add3A_613 = arith.addi %add3A_262, %add3A_612 : i32
        %add3A_614 = arith.addi %mul3A_34, %add3A_613 : i32
        %dma_start3A_615 = arith.constant 0 : i32
        %dma_start3A_616 = arith.constant 0 : i32
        %dma_start3A_617 = tpu.memref_slice %arg5[%add3A_614, %dma_start3A_615, %dma_start3A_616] : memref<10080x3x64xi32, #tpu.memory_space<hbm>> -> memref<1x3x64xi32, #tpu.memory_space<hbm>>
        %dma_start3A_618 = tpu.memref_squeeze %dma_start3A_617 : memref<1x3x64xi32, #tpu.memory_space<hbm>> -> memref<3x64xi32, #tpu.memory_space<hbm>>
        %dma_start3A_619 = arith.constant 0 : i32
        %dma_start3A_620 = arith.constant 0 : i32
        %dma_start3A_621 = tpu.memref_slice %arg5[%add3A_614, %dma_start3A_619, %dma_start3A_620] : memref<10080x3x64xi32, #tpu.memory_space<hbm>> -> memref<1x3x64xi32, #tpu.memory_space<hbm>>
        %dma_start3A_622 = tpu.memref_squeeze %dma_start3A_621 : memref<1x3x64xi32, #tpu.memory_space<hbm>> -> memref<3x64xi32, #tpu.memory_space<hbm>>
        tpu.enqueue_dma source(%dma_start3A_622 : memref<3x64xi32, #tpu.memory_space<hbm>>) target(%arg11 : memref<3x64xi32, #tpu.memory_space<vmem>>) target_semaphore(%arg27 : memref<!tpu.dma_semaphore, #tpu.memory_space<semaphore_mem>>)
      } else {
      }
      %dma_wait3A_426 = arith.constant 0 : i32
      %dma_wait3A_427 = arith.constant 0 : i32
      %dma_wait3A_428 = tpu.memref_slice %arg2[%dma_wait3A_426, %dma_wait3A_427] : memref<20000x128xf32, #tpu.memory_space<hbm>> -> memref<20000x128xf32, #tpu.memory_space<hbm>>
      tpu.wait_indirect_dma semaphore(%arg29 : memref<!tpu.dma_semaphore, #tpu.memory_space<semaphore_mem>>) src(%dma_wait3A_428 : memref<20000x128xf32, #tpu.memory_space<hbm>>) dst(%arg22 : memref<64x128xf32, #tpu.memory_space<vmem>>)
      %parallel_loop3A_429 = arith.constant 0 : i32
      %parallel_loop3A_430 = arith.constant 64 : i32
      %parallel_loop3A_431 = arith.constant 1 : i32
      scf.for %parallel_loop3A_612 = %parallel_loop3A_429 to %parallel_loop3A_430 step %parallel_loop3A_431  : i32 {
        %parallel_loop3A_613 = vector.broadcast %parallel_loop3A_612 : i32 to vector<16xi32>
        %parallel_loop3A_614 = tpu.vector_load_idx %arg19[%parallel_loop3A_613] : memref<64xf32, #tpu.memory_space<vmem>>[vector<16xi32>], vector<16xf32>,
        %parallel_loop3A_615 = arith.index_cast %parallel_loop3A_612 : i32 to index
        %parallel_loop3A_616 = arith.constant 0 : index
        %parallel_loop3A_617 = tpu.vector_load %arg22[%parallel_loop3A_615, %parallel_loop3A_616] {strides = array<i32>} : memref<64x128xf32, #tpu.memory_space<vmem>>, vector<16xf32>,
        %parallel_loop3A_618 = arith.mulf %parallel_loop3A_617, %parallel_loop3A_614 : vector<16xf32>
        %parallel_loop3A_619 = arith.index_cast %parallel_loop3A_612 : i32 to index
        %parallel_loop3A_620 = arith.constant 0 : index
        %parallel_loop3A_621 = tpu.vector_load %arg22[%parallel_loop3A_619, %parallel_loop3A_620] {strides = array<i32>} : memref<64x128xf32, #tpu.memory_space<vmem>>, vector<16xf32>,
        tpu.vector_store %arg22[%parallel_loop3A_619, %parallel_loop3A_620], %parallel_loop3A_618 {strides = array<i32>} : memref<64x128xf32, #tpu.memory_space<vmem>>, vector<16xf32>,
        %parallel_loop3A_622 = arith.index_cast %parallel_loop3A_612 : i32 to index
        %parallel_loop3A_623 = arith.constant 16 : index
        %parallel_loop3A_624 = tpu.vector_load %arg22[%parallel_loop3A_622, %parallel_loop3A_623] {strides = array<i32>} : memref<64x128xf32, #tpu.memory_space<vmem>>, vector<16xf32>,
        %parallel_loop3A_625 = arith.mulf %parallel_loop3A_624, %parallel_loop3A_614 : vector<16xf32>
        %parallel_loop3A_626 = arith.index_cast %parallel_loop3A_612 : i32 to index
        %parallel_loop3A_627 = arith.constant 16 : index
        %parallel_loop3A_628 = tpu.vector_load %arg22[%parallel_loop3A_626, %parallel_loop3A_627] {strides = array<i32>} : memref<64x128xf32, #tpu.memory_space<vmem>>, vector<16xf32>,
        tpu.vector_store %arg22[%parallel_loop3A_626, %parallel_loop3A_627], %parallel_loop3A_625 {strides = array<i32>} : memref<64x128xf32, #tpu.memory_space<vmem>>, vector<16xf32>,
        %parallel_loop3A_629 = arith.index_cast %parallel_loop3A_612 : i32 to index
        %parallel_loop3A_630 = arith.constant 32 : index
        %parallel_loop3A_631 = tpu.vector_load %arg22[%parallel_loop3A_629, %parallel_loop3A_630] {strides = array<i32>} : memref<64x128xf32, #tpu.memory_space<vmem>>, vector<16xf32>,
        %parallel_loop3A_632 = arith.mulf %parallel_loop3A_631, %parallel_loop3A_614 : vector<16xf32>
        %parallel_loop3A_633 = arith.index_cast %parallel_loop3A_612 : i32 to index
        %parallel_loop3A_634 = arith.constant 32 : index
        %parallel_loop3A_635 = tpu.vector_load %arg22[%parallel_loop3A_633, %parallel_loop3A_634] {strides = array<i32>} : memref<64x128xf32, #tpu.memory_space<vmem>>, vector<16xf32>,
        tpu.vector_store %arg22[%parallel_loop3A_633, %parallel_loop3A_634], %parallel_loop3A_632 {strides = array<i32>} : memref<64x128xf32, #tpu.memory_space<vmem>>, vector<16xf32>,
        %parallel_loop3A_636 = arith.index_cast %parallel_loop3A_612 : i32 to index
        %parallel_loop3A_637 = arith.constant 48 : index
        %parallel_loop3A_638 = tpu.vector_load %arg22[%parallel_loop3A_636, %parallel_loop3A_637] {strides = array<i32>} : memref<64x128xf32, #tpu.memory_space<vmem>>, vector<16xf32>,
        %parallel_loop3A_639 = arith.mulf %parallel_loop3A_638, %parallel_loop3A_614 : vector<16xf32>
        %parallel_loop3A_640 = arith.index_cast %parallel_loop3A_612 : i32 to index
        %parallel_loop3A_641 = arith.constant 48 : index
        %parallel_loop3A_642 = tpu.vector_load %arg22[%parallel_loop3A_640, %parallel_loop3A_641] {strides = array<i32>} : memref<64x128xf32, #tpu.memory_space<vmem>>, vector<16xf32>,
        tpu.vector_store %arg22[%parallel_loop3A_640, %parallel_loop3A_641], %parallel_loop3A_639 {strides = array<i32>} : memref<64x128xf32, #tpu.memory_space<vmem>>, vector<16xf32>,
        %parallel_loop3A_643 = arith.index_cast %parallel_loop3A_612 : i32 to index
        %parallel_loop3A_644 = arith.constant 64 : index
        %parallel_loop3A_645 = tpu.vector_load %arg22[%parallel_loop3A_643, %parallel_loop3A_644] {strides = array<i32>} : memref<64x128xf32, #tpu.memory_space<vmem>>, vector<16xf32>,
        %parallel_loop3A_646 = arith.mulf %parallel_loop3A_645, %parallel_loop3A_614 : vector<16xf32>
        %parallel_loop3A_647 = arith.index_cast %parallel_loop3A_612 : i32 to index
        %parallel_loop3A_648 = arith.constant 64 : index
        %parallel_loop3A_649 = tpu.vector_load %arg22[%parallel_loop3A_647, %parallel_loop3A_648] {strides = array<i32>} : memref<64x128xf32, #tpu.memory_space<vmem>>, vector<16xf32>,
        tpu.vector_store %arg22[%parallel_loop3A_647, %parallel_loop3A_648], %parallel_loop3A_646 {strides = array<i32>} : memref<64x128xf32, #tpu.memory_space<vmem>>, vector<16xf32>,
        %parallel_loop3A_650 = arith.index_cast %parallel_loop3A_612 : i32 to index
        %parallel_loop3A_651 = arith.constant 80 : index
        %parallel_loop3A_652 = tpu.vector_load %arg22[%parallel_loop3A_650, %parallel_loop3A_651] {strides = array<i32>} : memref<64x128xf32, #tpu.memory_space<vmem>>, vector<16xf32>,
        %parallel_loop3A_653 = arith.mulf %parallel_loop3A_652, %parallel_loop3A_614 : vector<16xf32>
        %parallel_loop3A_654 = arith.index_cast %parallel_loop3A_612 : i32 to index
        %parallel_loop3A_655 = arith.constant 80 : index
        %parallel_loop3A_656 = tpu.vector_load %arg22[%parallel_loop3A_654, %parallel_loop3A_655] {strides = array<i32>} : memref<64x128xf32, #tpu.memory_space<vmem>>, vector<16xf32>,
        tpu.vector_store %arg22[%parallel_loop3A_654, %parallel_loop3A_655], %parallel_loop3A_653 {strides = array<i32>} : memref<64x128xf32, #tpu.memory_space<vmem>>, vector<16xf32>,
        %parallel_loop3A_657 = arith.index_cast %parallel_loop3A_612 : i32 to index
        %parallel_loop3A_658 = arith.constant 96 : index
        %parallel_loop3A_659 = tpu.vector_load %arg22[%parallel_loop3A_657, %parallel_loop3A_658] {strides = array<i32>} : memref<64x128xf32, #tpu.memory_space<vmem>>, vector<16xf32>,
        %parallel_loop3A_660 = arith.mulf %parallel_loop3A_659, %parallel_loop3A_614 : vector<16xf32>
        %parallel_loop3A_661 = arith.index_cast %parallel_loop3A_612 : i32 to index
        %parallel_loop3A_662 = arith.constant 96 : index
        %parallel_loop3A_663 = tpu.vector_load %arg22[%parallel_loop3A_661, %parallel_loop3A_662] {strides = array<i32>} : memref<64x128xf32, #tpu.memory_space<vmem>>, vector<16xf32>,
        tpu.vector_store %arg22[%parallel_loop3A_661, %parallel_loop3A_662], %parallel_loop3A_660 {strides = array<i32>} : memref<64x128xf32, #tpu.memory_space<vmem>>, vector<16xf32>,
        %parallel_loop3A_664 = arith.index_cast %parallel_loop3A_612 : i32 to index
        %parallel_loop3A_665 = arith.constant 112 : index
        %parallel_loop3A_666 = tpu.vector_load %arg22[%parallel_loop3A_664, %parallel_loop3A_665] {strides = array<i32>} : memref<64x128xf32, #tpu.memory_space<vmem>>, vector<16xf32>,
        %parallel_loop3A_667 = arith.mulf %parallel_loop3A_666, %parallel_loop3A_614 : vector<16xf32>
        %parallel_loop3A_668 = arith.index_cast %parallel_loop3A_612 : i32 to index
        %parallel_loop3A_669 = arith.constant 112 : index
        %parallel_loop3A_670 = tpu.vector_load %arg22[%parallel_loop3A_668, %parallel_loop3A_669] {strides = array<i32>} : memref<64x128xf32, #tpu.memory_space<vmem>>, vector<16xf32>,
        tpu.vector_store %arg22[%parallel_loop3A_668, %parallel_loop3A_669], %parallel_loop3A_667 {strides = array<i32>} : memref<64x128xf32, #tpu.memory_space<vmem>>, vector<16xf32>,
      } {sc.loop_unroll_factor = 4 : i64, sc.parallel_access}
      %dma_start3A_432 = arith.constant 0 : i32
      %dma_start3A_433 = arith.constant 0 : i32
      %dma_start3A_434 = tpu.memref_slice %arg25[%dma_start3A_432, %dma_start3A_433] : memref<10112x128xf32, #tpu.memory_space<vmem_shared>> -> memref<10112x128xf32, #tpu.memory_space<vmem_shared>>
      tpu.enqueue_indirect_dma source(%arg22 : memref<64x128xf32, #tpu.memory_space<vmem>>) target(%dma_start3A_434 : memref<10112x128xf32, #tpu.memory_space<vmem_shared>>) offsets(%arg13 : memref<64xi32, #tpu.memory_space<vmem>>) semaphore(%arg32 : memref<!tpu.dma_semaphore, #tpu.memory_space<semaphore_mem>>) {add = true}
      %mul3A_435 = arith.constant 3 : i32
      %mul3A_436 = arith.muli %mul3A_435, %scan3A_95 : i32
      %add3A_437 = arith.constant 2 : i32
      %add3A_438 = arith.addi %mul3A_436, %add3A_437 : i32
      %dma_wait3A_439 = arith.constant 0 : i32
      %dma_wait3A_440 = arith.constant 0 : i32
      %dma_wait3A_441 = tpu.memref_slice %arg5[%mul3A_34, %dma_wait3A_439, %dma_wait3A_440] : memref<10080x3x64xi32, #tpu.memory_space<hbm>> -> memref<1x3x64xi32, #tpu.memory_space<hbm>>
      %dma_wait3A_442 = tpu.memref_squeeze %dma_wait3A_441 : memref<1x3x64xi32, #tpu.memory_space<hbm>> -> memref<3x64xi32, #tpu.memory_space<hbm>>
      %dma_wait3A_443 = arith.constant 0 : i32
      %dma_wait3A_444 = arith.constant 0 : i32
      %dma_wait3A_445 = tpu.memref_slice %arg5[%mul3A_34, %dma_wait3A_443, %dma_wait3A_444] : memref<10080x3x64xi32, #tpu.memory_space<hbm>> -> memref<1x3x64xi32, #tpu.memory_space<hbm>>
      %dma_wait3A_446 = tpu.memref_squeeze %dma_wait3A_445 : memref<1x3x64xi32, #tpu.memory_space<hbm>> -> memref<3x64xi32, #tpu.memory_space<hbm>>
      tpu.wait_dma2 semaphore(%arg28 : memref<!tpu.dma_semaphore, #tpu.memory_space<semaphore_mem>>) src(%dma_wait3A_446 : memref<3x64xi32, #tpu.memory_space<hbm>>) dst(%arg12 : memref<3x64xi32, #tpu.memory_space<vmem>>)
      %ge3A_447 = arith.constant 1 : i32
      %ge3A_448 = arith.cmpi sge, %scan3A_95, %ge3A_447 : i32
      %convert_element_type3A_449 = arith.extui %ge3A_448 : i1 to i32
      %cond3A_450 = arith.constant 0 : i32
      %cond3A_451 = arith.cmpi ne, %convert_element_type3A_449, %cond3A_450 : i32
      scf.if %cond3A_451 {
        %dma_wait3A_612 = arith.constant 0 : i32
        %dma_wait3A_613 = arith.constant 0 : i32
        %dma_wait3A_614 = tpu.memref_slice %arg25[%dma_wait3A_612, %dma_wait3A_613] : memref<10112x128xf32, #tpu.memory_space<vmem_shared>> -> memref<10112x128xf32, #tpu.memory_space<vmem_shared>>
        tpu.wait_indirect_dma semaphore(%arg34 : memref<!tpu.dma_semaphore, #tpu.memory_space<semaphore_mem>>) src(%arg24 : memref<64x128xf32, #tpu.memory_space<vmem>>) dst(%dma_wait3A_614 : memref<10112x128xf32, #tpu.memory_space<vmem_shared>>)
      } else {
      }
      %get3A_452 = arith.constant 0 : i32
      %get3A_453 = arith.index_cast %get3A_452 : i32 to index
      %get3A_454 = arith.constant 0 : index
      %get3A_455 = tpu.vector_load %arg12[%get3A_453, %get3A_454] {strides = array<i32>} : memref<3x64xi32, #tpu.memory_space<vmem>>, vector<16xi32>,
      %get3A_456 = arith.constant 1 : i32
      %get3A_457 = arith.index_cast %get3A_456 : i32 to index
      %get3A_458 = arith.constant 0 : index
      %get3A_459 = tpu.vector_load %arg12[%get3A_457, %get3A_458] {strides = array<i32>} : memref<3x64xi32, #tpu.memory_space<vmem>>, vector<16xi32>,
      %mul3A_460 = arith.constant 10000 : i32
      %mul3A_461 = arith.muli %arg0, %mul3A_460 : i32
      %sub3A_462 = vector.broadcast %mul3A_461 : i32 to vector<16xi32>
      %sub3A_463 = arith.subi %get3A_455, %sub3A_462 : vector<16xi32>
      %gather3A_464 = tpu.vector_load_idx %arg8[%sub3A_463] : memref<10000xf32, #tpu.memory_space<vmem>>[vector<16xi32>], vector<16xf32>,
      %gather3A_465 = tpu.vector_load_idx %arg9[%get3A_459] : memref<10000xf32, #tpu.memory_space<vmem>>[vector<16xi32>], vector<16xf32>,
      %add3A_466 = arith.addf %gather3A_464, %gather3A_465 : vector<16xf32>
      %gt3A_467 = arith.constant 0.000000e+00 : f32
      %gt3A_468 = vector.broadcast %gt3A_467 : f32 to vector<16xf32>
      %gt3A_469 = arith.cmpf ogt, %add3A_466, %gt3A_468 : vector<16xf32>
      %exp3A_470 = math.exp %add3A_466 : vector<16xf32>
      %sub3A_471 = arith.constant 1.000000e+00 : f32
      %sub3A_472 = vector.broadcast %sub3A_471 : f32 to vector<16xf32>
      %sub3A_473 = arith.subf %exp3A_470, %sub3A_472 : vector<16xf32>
      %select_n3A_474 = arith.select %gt3A_469, %add3A_466, %sub3A_473 : vector<16xi1>, vector<16xf32>
      %get3A_475 = arith.constant 2 : i32
      %get3A_476 = arith.index_cast %get3A_475 : i32 to index
      %get3A_477 = arith.constant 0 : index
      %get3A_478 = tpu.vector_load %arg12[%get3A_476, %get3A_477] {strides = array<i32>} : memref<3x64xi32, #tpu.memory_space<vmem>>, vector<16xi32>,
      %bitcast3A_479 = vector.bitcast %get3A_478 : vector<16xi32> to vector<16xf32>
      %mul3A_480 = arith.mulf %select_n3A_474, %bitcast3A_479 : vector<16xf32>
      %swap3A_481 = arith.constant 0 : index
      %swap3A_482 = tpu.vector_load %arg21[%swap3A_481] {strides = array<i32>} : memref<64xf32, #tpu.memory_space<vmem>>, vector<16xf32>,
      tpu.vector_store %arg21[%swap3A_481], %mul3A_480 {strides = array<i32>} : memref<64xf32, #tpu.memory_space<vmem>>, vector<16xf32>,
      %swap3A_483 = arith.constant 0 : index
      %swap3A_484 = tpu.vector_load %arg15[%swap3A_483] {strides = array<i32>} : memref<64xi32, #tpu.memory_space<vmem>>, vector<16xi32>,
      tpu.vector_store %arg15[%swap3A_483], %get3A_459 {strides = array<i32>} : memref<64xi32, #tpu.memory_space<vmem>>, vector<16xi32>,
      %swap3A_485 = arith.constant 0 : index
      %swap3A_486 = tpu.vector_load %arg18[%swap3A_485] {strides = array<i32>} : memref<64xi32, #tpu.memory_space<vmem>>, vector<16xi32>,
      tpu.vector_store %arg18[%swap3A_485], %get3A_455 {strides = array<i32>} : memref<64xi32, #tpu.memory_space<vmem>>, vector<16xi32>,
      %get3A_487 = arith.constant 0 : i32
      %get3A_488 = arith.index_cast %get3A_487 : i32 to index
      %get3A_489 = arith.constant 16 : index
      %get3A_490 = tpu.vector_load %arg12[%get3A_488, %get3A_489] {strides = array<i32>} : memref<3x64xi32, #tpu.memory_space<vmem>>, vector<16xi32>,
      %get3A_491 = arith.constant 1 : i32
      %get3A_492 = arith.index_cast %get3A_491 : i32 to index
      %get3A_493 = arith.constant 16 : index
      %get3A_494 = tpu.vector_load %arg12[%get3A_492, %get3A_493] {strides = array<i32>} : memref<3x64xi32, #tpu.memory_space<vmem>>, vector<16xi32>,
      %mul3A_495 = arith.constant 10000 : i32
      %mul3A_496 = arith.muli %arg0, %mul3A_495 : i32
      %sub3A_497 = vector.broadcast %mul3A_496 : i32 to vector<16xi32>
      %sub3A_498 = arith.subi %get3A_490, %sub3A_497 : vector<16xi32>
      %gather3A_499 = tpu.vector_load_idx %arg8[%sub3A_498] : memref<10000xf32, #tpu.memory_space<vmem>>[vector<16xi32>], vector<16xf32>,
      %gather3A_500 = tpu.vector_load_idx %arg9[%get3A_494] : memref<10000xf32, #tpu.memory_space<vmem>>[vector<16xi32>], vector<16xf32>,
      %add3A_501 = arith.addf %gather3A_499, %gather3A_500 : vector<16xf32>
      %gt3A_502 = arith.constant 0.000000e+00 : f32
      %gt3A_503 = vector.broadcast %gt3A_502 : f32 to vector<16xf32>
      %gt3A_504 = arith.cmpf ogt, %add3A_501, %gt3A_503 : vector<16xf32>
      %exp3A_505 = math.exp %add3A_501 : vector<16xf32>
      %sub3A_506 = arith.constant 1.000000e+00 : f32
      %sub3A_507 = vector.broadcast %sub3A_506 : f32 to vector<16xf32>
      %sub3A_508 = arith.subf %exp3A_505, %sub3A_507 : vector<16xf32>
      %select_n3A_509 = arith.select %gt3A_504, %add3A_501, %sub3A_508 : vector<16xi1>, vector<16xf32>
      %get3A_510 = arith.constant 2 : i32
      %get3A_511 = arith.index_cast %get3A_510 : i32 to index
      %get3A_512 = arith.constant 16 : index
      %get3A_513 = tpu.vector_load %arg12[%get3A_511, %get3A_512] {strides = array<i32>} : memref<3x64xi32, #tpu.memory_space<vmem>>, vector<16xi32>,
      %bitcast3A_514 = vector.bitcast %get3A_513 : vector<16xi32> to vector<16xf32>
      %mul3A_515 = arith.mulf %select_n3A_509, %bitcast3A_514 : vector<16xf32>
      %swap3A_516 = arith.constant 16 : index
      %swap3A_517 = tpu.vector_load %arg21[%swap3A_516] {strides = array<i32>} : memref<64xf32, #tpu.memory_space<vmem>>, vector<16xf32>,
      tpu.vector_store %arg21[%swap3A_516], %mul3A_515 {strides = array<i32>} : memref<64xf32, #tpu.memory_space<vmem>>, vector<16xf32>,
      %swap3A_518 = arith.constant 16 : index
      %swap3A_519 = tpu.vector_load %arg15[%swap3A_518] {strides = array<i32>} : memref<64xi32, #tpu.memory_space<vmem>>, vector<16xi32>,
      tpu.vector_store %arg15[%swap3A_518], %get3A_494 {strides = array<i32>} : memref<64xi32, #tpu.memory_space<vmem>>, vector<16xi32>,
      %swap3A_520 = arith.constant 16 : index
      %swap3A_521 = tpu.vector_load %arg18[%swap3A_520] {strides = array<i32>} : memref<64xi32, #tpu.memory_space<vmem>>, vector<16xi32>,
      tpu.vector_store %arg18[%swap3A_520], %get3A_490 {strides = array<i32>} : memref<64xi32, #tpu.memory_space<vmem>>, vector<16xi32>,
      %get3A_522 = arith.constant 0 : i32
      %get3A_523 = arith.index_cast %get3A_522 : i32 to index
      %get3A_524 = arith.constant 32 : index
      %get3A_525 = tpu.vector_load %arg12[%get3A_523, %get3A_524] {strides = array<i32>} : memref<3x64xi32, #tpu.memory_space<vmem>>, vector<16xi32>,
      %get3A_526 = arith.constant 1 : i32
      %get3A_527 = arith.index_cast %get3A_526 : i32 to index
      %get3A_528 = arith.constant 32 : index
      %get3A_529 = tpu.vector_load %arg12[%get3A_527, %get3A_528] {strides = array<i32>} : memref<3x64xi32, #tpu.memory_space<vmem>>, vector<16xi32>,
      %mul3A_530 = arith.constant 10000 : i32
      %mul3A_531 = arith.muli %arg0, %mul3A_530 : i32
      %sub3A_532 = vector.broadcast %mul3A_531 : i32 to vector<16xi32>
      %sub3A_533 = arith.subi %get3A_525, %sub3A_532 : vector<16xi32>
      %gather3A_534 = tpu.vector_load_idx %arg8[%sub3A_533] : memref<10000xf32, #tpu.memory_space<vmem>>[vector<16xi32>], vector<16xf32>,
      %gather3A_535 = tpu.vector_load_idx %arg9[%get3A_529] : memref<10000xf32, #tpu.memory_space<vmem>>[vector<16xi32>], vector<16xf32>,
      %add3A_536 = arith.addf %gather3A_534, %gather3A_535 : vector<16xf32>
      %gt3A_537 = arith.constant 0.000000e+00 : f32
      %gt3A_538 = vector.broadcast %gt3A_537 : f32 to vector<16xf32>
      %gt3A_539 = arith.cmpf ogt, %add3A_536, %gt3A_538 : vector<16xf32>
      %exp3A_540 = math.exp %add3A_536 : vector<16xf32>
      %sub3A_541 = arith.constant 1.000000e+00 : f32
      %sub3A_542 = vector.broadcast %sub3A_541 : f32 to vector<16xf32>
      %sub3A_543 = arith.subf %exp3A_540, %sub3A_542 : vector<16xf32>
      %select_n3A_544 = arith.select %gt3A_539, %add3A_536, %sub3A_543 : vector<16xi1>, vector<16xf32>
      %get3A_545 = arith.constant 2 : i32
      %get3A_546 = arith.index_cast %get3A_545 : i32 to index
      %get3A_547 = arith.constant 32 : index
      %get3A_548 = tpu.vector_load %arg12[%get3A_546, %get3A_547] {strides = array<i32>} : memref<3x64xi32, #tpu.memory_space<vmem>>, vector<16xi32>,
      %bitcast3A_549 = vector.bitcast %get3A_548 : vector<16xi32> to vector<16xf32>
      %mul3A_550 = arith.mulf %select_n3A_544, %bitcast3A_549 : vector<16xf32>
      %swap3A_551 = arith.constant 32 : index
      %swap3A_552 = tpu.vector_load %arg21[%swap3A_551] {strides = array<i32>} : memref<64xf32, #tpu.memory_space<vmem>>, vector<16xf32>,
      tpu.vector_store %arg21[%swap3A_551], %mul3A_550 {strides = array<i32>} : memref<64xf32, #tpu.memory_space<vmem>>, vector<16xf32>,
      %swap3A_553 = arith.constant 32 : index
      %swap3A_554 = tpu.vector_load %arg15[%swap3A_553] {strides = array<i32>} : memref<64xi32, #tpu.memory_space<vmem>>, vector<16xi32>,
      tpu.vector_store %arg15[%swap3A_553], %get3A_529 {strides = array<i32>} : memref<64xi32, #tpu.memory_space<vmem>>, vector<16xi32>,
      %swap3A_555 = arith.constant 32 : index
      %swap3A_556 = tpu.vector_load %arg18[%swap3A_555] {strides = array<i32>} : memref<64xi32, #tpu.memory_space<vmem>>, vector<16xi32>,
      tpu.vector_store %arg18[%swap3A_555], %get3A_525 {strides = array<i32>} : memref<64xi32, #tpu.memory_space<vmem>>, vector<16xi32>,
      %get3A_557 = arith.constant 0 : i32
      %get3A_558 = arith.index_cast %get3A_557 : i32 to index
      %get3A_559 = arith.constant 48 : index
      %get3A_560 = tpu.vector_load %arg12[%get3A_558, %get3A_559] {strides = array<i32>} : memref<3x64xi32, #tpu.memory_space<vmem>>, vector<16xi32>,
      %get3A_561 = arith.constant 1 : i32
      %get3A_562 = arith.index_cast %get3A_561 : i32 to index
      %get3A_563 = arith.constant 48 : index
      %get3A_564 = tpu.vector_load %arg12[%get3A_562, %get3A_563] {strides = array<i32>} : memref<3x64xi32, #tpu.memory_space<vmem>>, vector<16xi32>,
      %mul3A_565 = arith.constant 10000 : i32
      %mul3A_566 = arith.muli %arg0, %mul3A_565 : i32
      %sub3A_567 = vector.broadcast %mul3A_566 : i32 to vector<16xi32>
      %sub3A_568 = arith.subi %get3A_560, %sub3A_567 : vector<16xi32>
      %gather3A_569 = tpu.vector_load_idx %arg8[%sub3A_568] : memref<10000xf32, #tpu.memory_space<vmem>>[vector<16xi32>], vector<16xf32>,
      %gather3A_570 = tpu.vector_load_idx %arg9[%get3A_564] : memref<10000xf32, #tpu.memory_space<vmem>>[vector<16xi32>], vector<16xf32>,
      %add3A_571 = arith.addf %gather3A_569, %gather3A_570 : vector<16xf32>
      %gt3A_572 = arith.constant 0.000000e+00 : f32
      %gt3A_573 = vector.broadcast %gt3A_572 : f32 to vector<16xf32>
      %gt3A_574 = arith.cmpf ogt, %add3A_571, %gt3A_573 : vector<16xf32>
      %exp3A_575 = math.exp %add3A_571 : vector<16xf32>
      %sub3A_576 = arith.constant 1.000000e+00 : f32
      %sub3A_577 = vector.broadcast %sub3A_576 : f32 to vector<16xf32>
      %sub3A_578 = arith.subf %exp3A_575, %sub3A_577 : vector<16xf32>
      %select_n3A_579 = arith.select %gt3A_574, %add3A_571, %sub3A_578 : vector<16xi1>, vector<16xf32>
      %get3A_580 = arith.constant 2 : i32
      %get3A_581 = arith.index_cast %get3A_580 : i32 to index
      %get3A_582 = arith.constant 48 : index
      %get3A_583 = tpu.vector_load %arg12[%get3A_581, %get3A_582] {strides = array<i32>} : memref<3x64xi32, #tpu.memory_space<vmem>>, vector<16xi32>,
      %bitcast3A_584 = vector.bitcast %get3A_583 : vector<16xi32> to vector<16xf32>
      %mul3A_585 = arith.mulf %select_n3A_579, %bitcast3A_584 : vector<16xf32>
      %swap3A_586 = arith.constant 48 : index
      %swap3A_587 = tpu.vector_load %arg21[%swap3A_586] {strides = array<i32>} : memref<64xf32, #tpu.memory_space<vmem>>, vector<16xf32>,
      tpu.vector_store %arg21[%swap3A_586], %mul3A_585 {strides = array<i32>} : memref<64xf32, #tpu.memory_space<vmem>>, vector<16xf32>,
      %swap3A_588 = arith.constant 48 : index
      %swap3A_589 = tpu.vector_load %arg15[%swap3A_588] {strides = array<i32>} : memref<64xi32, #tpu.memory_space<vmem>>, vector<16xi32>,
      tpu.vector_store %arg15[%swap3A_588], %get3A_564 {strides = array<i32>} : memref<64xi32, #tpu.memory_space<vmem>>, vector<16xi32>,
      %swap3A_590 = arith.constant 48 : index
      %swap3A_591 = tpu.vector_load %arg18[%swap3A_590] {strides = array<i32>} : memref<64xi32, #tpu.memory_space<vmem>>, vector<16xi32>,
      tpu.vector_store %arg18[%swap3A_590], %get3A_560 {strides = array<i32>} : memref<64xi32, #tpu.memory_space<vmem>>, vector<16xi32>,
      %dma_start3A_592 = arith.constant 0 : i32
      %dma_start3A_593 = arith.constant 0 : i32
      %dma_start3A_594 = tpu.memref_slice %arg2[%dma_start3A_592, %dma_start3A_593] : memref<20000x128xf32, #tpu.memory_space<hbm>> -> memref<20000x128xf32, #tpu.memory_space<hbm>>
      tpu.enqueue_indirect_dma source(%dma_start3A_594 : memref<20000x128xf32, #tpu.memory_space<hbm>>) target(%arg24 : memref<64x128xf32, #tpu.memory_space<vmem>>) offsets(%arg18 : memref<64xi32, #tpu.memory_space<vmem>>) semaphore(%arg31 : memref<!tpu.dma_semaphore, #tpu.memory_space<semaphore_mem>>)
      %add3A_595 = arith.constant 3 : i32
      %add3A_596 = arith.addi %add3A_438, %add3A_595 : i32
      %lt3A_597 = arith.constant 315 : i32
      %lt3A_598 = arith.cmpi slt, %add3A_596, %lt3A_597 : i32
      %convert_element_type3A_599 = arith.extui %lt3A_598 : i1 to i32
      %cond3A_600 = arith.constant 0 : i32
      %cond3A_601 = arith.cmpi ne, %convert_element_type3A_599, %cond3A_600 : i32
      scf.if %cond3A_601 {
        %add3A_612 = arith.constant 3 : i32
        %add3A_613 = arith.addi %add3A_438, %add3A_612 : i32
        %add3A_614 = arith.addi %mul3A_34, %add3A_613 : i32
        %dma_start3A_615 = arith.constant 0 : i32
        %dma_start3A_616 = arith.constant 0 : i32
        %dma_start3A_617 = tpu.memref_slice %arg5[%add3A_614, %dma_start3A_615, %dma_start3A_616] : memref<10080x3x64xi32, #tpu.memory_space<hbm>> -> memref<1x3x64xi32, #tpu.memory_space<hbm>>
        %dma_start3A_618 = tpu.memref_squeeze %dma_start3A_617 : memref<1x3x64xi32, #tpu.memory_space<hbm>> -> memref<3x64xi32, #tpu.memory_space<hbm>>
        %dma_start3A_619 = arith.constant 0 : i32
        %dma_start3A_620 = arith.constant 0 : i32
        %dma_start3A_621 = tpu.memref_slice %arg5[%add3A_614, %dma_start3A_619, %dma_start3A_620] : memref<10080x3x64xi32, #tpu.memory_space<hbm>> -> memref<1x3x64xi32, #tpu.memory_space<hbm>>
        %dma_start3A_622 = tpu.memref_squeeze %dma_start3A_621 : memref<1x3x64xi32, #tpu.memory_space<hbm>> -> memref<3x64xi32, #tpu.memory_space<hbm>>
        tpu.enqueue_dma source(%dma_start3A_622 : memref<3x64xi32, #tpu.memory_space<hbm>>) target(%arg12 : memref<3x64xi32, #tpu.memory_space<vmem>>) target_semaphore(%arg28 : memref<!tpu.dma_semaphore, #tpu.memory_space<semaphore_mem>>)
      } else {
      }
      %dma_wait3A_602 = arith.constant 0 : i32
      %dma_wait3A_603 = arith.constant 0 : i32
      %dma_wait3A_604 = tpu.memref_slice %arg2[%dma_wait3A_602, %dma_wait3A_603] : memref<20000x128xf32, #tpu.memory_space<hbm>> -> memref<20000x128xf32, #tpu.memory_space<hbm>>
      tpu.wait_indirect_dma semaphore(%arg30 : memref<!tpu.dma_semaphore, #tpu.memory_space<semaphore_mem>>) src(%dma_wait3A_604 : memref<20000x128xf32, #tpu.memory_space<hbm>>) dst(%arg23 : memref<64x128xf32, #tpu.memory_space<vmem>>)
      %parallel_loop3A_605 = arith.constant 0 : i32
      %parallel_loop3A_606 = arith.constant 64 : i32
      %parallel_loop3A_607 = arith.constant 1 : i32
      scf.for %parallel_loop3A_612 = %parallel_loop3A_605 to %parallel_loop3A_606 step %parallel_loop3A_607  : i32 {
        %parallel_loop3A_613 = vector.broadcast %parallel_loop3A_612 : i32 to vector<16xi32>
        %parallel_loop3A_614 = tpu.vector_load_idx %arg20[%parallel_loop3A_613] : memref<64xf32, #tpu.memory_space<vmem>>[vector<16xi32>], vector<16xf32>,
        %parallel_loop3A_615 = arith.index_cast %parallel_loop3A_612 : i32 to index
        %parallel_loop3A_616 = arith.constant 0 : index
        %parallel_loop3A_617 = tpu.vector_load %arg23[%parallel_loop3A_615, %parallel_loop3A_616] {strides = array<i32>} : memref<64x128xf32, #tpu.memory_space<vmem>>, vector<16xf32>,
        %parallel_loop3A_618 = arith.mulf %parallel_loop3A_617, %parallel_loop3A_614 : vector<16xf32>
        %parallel_loop3A_619 = arith.index_cast %parallel_loop3A_612 : i32 to index
        %parallel_loop3A_620 = arith.constant 0 : index
        %parallel_loop3A_621 = tpu.vector_load %arg23[%parallel_loop3A_619, %parallel_loop3A_620] {strides = array<i32>} : memref<64x128xf32, #tpu.memory_space<vmem>>, vector<16xf32>,
        tpu.vector_store %arg23[%parallel_loop3A_619, %parallel_loop3A_620], %parallel_loop3A_618 {strides = array<i32>} : memref<64x128xf32, #tpu.memory_space<vmem>>, vector<16xf32>,
        %parallel_loop3A_622 = arith.index_cast %parallel_loop3A_612 : i32 to index
        %parallel_loop3A_623 = arith.constant 16 : index
        %parallel_loop3A_624 = tpu.vector_load %arg23[%parallel_loop3A_622, %parallel_loop3A_623] {strides = array<i32>} : memref<64x128xf32, #tpu.memory_space<vmem>>, vector<16xf32>,
        %parallel_loop3A_625 = arith.mulf %parallel_loop3A_624, %parallel_loop3A_614 : vector<16xf32>
        %parallel_loop3A_626 = arith.index_cast %parallel_loop3A_612 : i32 to index
        %parallel_loop3A_627 = arith.constant 16 : index
        %parallel_loop3A_628 = tpu.vector_load %arg23[%parallel_loop3A_626, %parallel_loop3A_627] {strides = array<i32>} : memref<64x128xf32, #tpu.memory_space<vmem>>, vector<16xf32>,
        tpu.vector_store %arg23[%parallel_loop3A_626, %parallel_loop3A_627], %parallel_loop3A_625 {strides = array<i32>} : memref<64x128xf32, #tpu.memory_space<vmem>>, vector<16xf32>,
        %parallel_loop3A_629 = arith.index_cast %parallel_loop3A_612 : i32 to index
        %parallel_loop3A_630 = arith.constant 32 : index
        %parallel_loop3A_631 = tpu.vector_load %arg23[%parallel_loop3A_629, %parallel_loop3A_630] {strides = array<i32>} : memref<64x128xf32, #tpu.memory_space<vmem>>, vector<16xf32>,
        %parallel_loop3A_632 = arith.mulf %parallel_loop3A_631, %parallel_loop3A_614 : vector<16xf32>
        %parallel_loop3A_633 = arith.index_cast %parallel_loop3A_612 : i32 to index
        %parallel_loop3A_634 = arith.constant 32 : index
        %parallel_loop3A_635 = tpu.vector_load %arg23[%parallel_loop3A_633, %parallel_loop3A_634] {strides = array<i32>} : memref<64x128xf32, #tpu.memory_space<vmem>>, vector<16xf32>,
        tpu.vector_store %arg23[%parallel_loop3A_633, %parallel_loop3A_634], %parallel_loop3A_632 {strides = array<i32>} : memref<64x128xf32, #tpu.memory_space<vmem>>, vector<16xf32>,
        %parallel_loop3A_636 = arith.index_cast %parallel_loop3A_612 : i32 to index
        %parallel_loop3A_637 = arith.constant 48 : index
        %parallel_loop3A_638 = tpu.vector_load %arg23[%parallel_loop3A_636, %parallel_loop3A_637] {strides = array<i32>} : memref<64x128xf32, #tpu.memory_space<vmem>>, vector<16xf32>,
        %parallel_loop3A_639 = arith.mulf %parallel_loop3A_638, %parallel_loop3A_614 : vector<16xf32>
        %parallel_loop3A_640 = arith.index_cast %parallel_loop3A_612 : i32 to index
        %parallel_loop3A_641 = arith.constant 48 : index
        %parallel_loop3A_642 = tpu.vector_load %arg23[%parallel_loop3A_640, %parallel_loop3A_641] {strides = array<i32>} : memref<64x128xf32, #tpu.memory_space<vmem>>, vector<16xf32>,
        tpu.vector_store %arg23[%parallel_loop3A_640, %parallel_loop3A_641], %parallel_loop3A_639 {strides = array<i32>} : memref<64x128xf32, #tpu.memory_space<vmem>>, vector<16xf32>,
        %parallel_loop3A_643 = arith.index_cast %parallel_loop3A_612 : i32 to index
        %parallel_loop3A_644 = arith.constant 64 : index
        %parallel_loop3A_645 = tpu.vector_load %arg23[%parallel_loop3A_643, %parallel_loop3A_644] {strides = array<i32>} : memref<64x128xf32, #tpu.memory_space<vmem>>, vector<16xf32>,
        %parallel_loop3A_646 = arith.mulf %parallel_loop3A_645, %parallel_loop3A_614 : vector<16xf32>
        %parallel_loop3A_647 = arith.index_cast %parallel_loop3A_612 : i32 to index
        %parallel_loop3A_648 = arith.constant 64 : index
        %parallel_loop3A_649 = tpu.vector_load %arg23[%parallel_loop3A_647, %parallel_loop3A_648] {strides = array<i32>} : memref<64x128xf32, #tpu.memory_space<vmem>>, vector<16xf32>,
        tpu.vector_store %arg23[%parallel_loop3A_647, %parallel_loop3A_648], %parallel_loop3A_646 {strides = array<i32>} : memref<64x128xf32, #tpu.memory_space<vmem>>, vector<16xf32>,
        %parallel_loop3A_650 = arith.index_cast %parallel_loop3A_612 : i32 to index
        %parallel_loop3A_651 = arith.constant 80 : index
        %parallel_loop3A_652 = tpu.vector_load %arg23[%parallel_loop3A_650, %parallel_loop3A_651] {strides = array<i32>} : memref<64x128xf32, #tpu.memory_space<vmem>>, vector<16xf32>,
        %parallel_loop3A_653 = arith.mulf %parallel_loop3A_652, %parallel_loop3A_614 : vector<16xf32>
        %parallel_loop3A_654 = arith.index_cast %parallel_loop3A_612 : i32 to index
        %parallel_loop3A_655 = arith.constant 80 : index
        %parallel_loop3A_656 = tpu.vector_load %arg23[%parallel_loop3A_654, %parallel_loop3A_655] {strides = array<i32>} : memref<64x128xf32, #tpu.memory_space<vmem>>, vector<16xf32>,
        tpu.vector_store %arg23[%parallel_loop3A_654, %parallel_loop3A_655], %parallel_loop3A_653 {strides = array<i32>} : memref<64x128xf32, #tpu.memory_space<vmem>>, vector<16xf32>,
        %parallel_loop3A_657 = arith.index_cast %parallel_loop3A_612 : i32 to index
        %parallel_loop3A_658 = arith.constant 96 : index
        %parallel_loop3A_659 = tpu.vector_load %arg23[%parallel_loop3A_657, %parallel_loop3A_658] {strides = array<i32>} : memref<64x128xf32, #tpu.memory_space<vmem>>, vector<16xf32>,
        %parallel_loop3A_660 = arith.mulf %parallel_loop3A_659, %parallel_loop3A_614 : vector<16xf32>
        %parallel_loop3A_661 = arith.index_cast %parallel_loop3A_612 : i32 to index
        %parallel_loop3A_662 = arith.constant 96 : index
        %parallel_loop3A_663 = tpu.vector_load %arg23[%parallel_loop3A_661, %parallel_loop3A_662] {strides = array<i32>} : memref<64x128xf32, #tpu.memory_space<vmem>>, vector<16xf32>,
        tpu.vector_store %arg23[%parallel_loop3A_661, %parallel_loop3A_662], %parallel_loop3A_660 {strides = array<i32>} : memref<64x128xf32, #tpu.memory_space<vmem>>, vector<16xf32>,
        %parallel_loop3A_664 = arith.index_cast %parallel_loop3A_612 : i32 to index
        %parallel_loop3A_665 = arith.constant 112 : index
        %parallel_loop3A_666 = tpu.vector_load %arg23[%parallel_loop3A_664, %parallel_loop3A_665] {strides = array<i32>} : memref<64x128xf32, #tpu.memory_space<vmem>>, vector<16xf32>,
        %parallel_loop3A_667 = arith.mulf %parallel_loop3A_666, %parallel_loop3A_614 : vector<16xf32>
        %parallel_loop3A_668 = arith.index_cast %parallel_loop3A_612 : i32 to index
        %parallel_loop3A_669 = arith.constant 112 : index
        %parallel_loop3A_670 = tpu.vector_load %arg23[%parallel_loop3A_668, %parallel_loop3A_669] {strides = array<i32>} : memref<64x128xf32, #tpu.memory_space<vmem>>, vector<16xf32>,
        tpu.vector_store %arg23[%parallel_loop3A_668, %parallel_loop3A_669], %parallel_loop3A_667 {strides = array<i32>} : memref<64x128xf32, #tpu.memory_space<vmem>>, vector<16xf32>,
      } {sc.loop_unroll_factor = 4 : i64, sc.parallel_access}
      %dma_start3A_608 = arith.constant 0 : i32
      %dma_start3A_609 = arith.constant 0 : i32
      %dma_start3A_610 = tpu.memref_slice %arg25[%dma_start3A_608, %dma_start3A_609] : memref<10112x128xf32, #tpu.memory_space<vmem_shared>> -> memref<10112x128xf32, #tpu.memory_space<vmem_shared>>
      tpu.enqueue_indirect_dma source(%arg23 : memref<64x128xf32, #tpu.memory_space<vmem>>) target(%dma_start3A_610 : memref<10112x128xf32, #tpu.memory_space<vmem_shared>>) offsets(%arg14 : memref<64xi32, #tpu.memory_space<vmem>>) semaphore(%arg33 : memref<!tpu.dma_semaphore, #tpu.memory_space<semaphore_mem>>) {add = true}
      %scan3A_611 = arith.constant 0 : i32
      scf.yield %scan3A_611 : i32
    }
    %scan3A_70 = arith.constant 105 : i32
    %dma_wait3A = arith.constant 0 : i32
    %dma_wait3A_71 = arith.constant 0 : i32
    %dma_wait3A_72 = tpu.memref_slice %arg2[%dma_wait3A, %dma_wait3A_71] : memref<20000x128xf32, #tpu.memory_space<hbm>> -> memref<20000x128xf32, #tpu.memory_space<hbm>>
    tpu.wait_indirect_dma semaphore(%arg31 : memref<!tpu.dma_semaphore, #tpu.memory_space<semaphore_mem>>) src(%dma_wait3A_72 : memref<20000x128xf32, #tpu.memory_space<hbm>>) dst(%arg24 : memref<64x128xf32, #tpu.memory_space<vmem>>)
    %parallel_loop3A = arith.constant 0 : i32
    %parallel_loop3A_73 = arith.constant 64 : i32
    %parallel_loop3A_74 = arith.constant 1 : i32
    scf.for %parallel_loop3A_95 = %parallel_loop3A to %parallel_loop3A_73 step %parallel_loop3A_74  : i32 {
      %parallel_loop3A_96 = vector.broadcast %parallel_loop3A_95 : i32 to vector<16xi32>
      %parallel_loop3A_97 = tpu.vector_load_idx %arg21[%parallel_loop3A_96] : memref<64xf32, #tpu.memory_space<vmem>>[vector<16xi32>], vector<16xf32>,
      %parallel_loop3A_98 = arith.index_cast %parallel_loop3A_95 : i32 to index
      %parallel_loop3A_99 = arith.constant 0 : index
      %parallel_loop3A_100 = tpu.vector_load %arg24[%parallel_loop3A_98, %parallel_loop3A_99] {strides = array<i32>} : memref<64x128xf32, #tpu.memory_space<vmem>>, vector<16xf32>,
      %parallel_loop3A_101 = arith.mulf %parallel_loop3A_100, %parallel_loop3A_97 : vector<16xf32>
      %parallel_loop3A_102 = arith.index_cast %parallel_loop3A_95 : i32 to index
      %parallel_loop3A_103 = arith.constant 0 : index
      %parallel_loop3A_104 = tpu.vector_load %arg24[%parallel_loop3A_102, %parallel_loop3A_103] {strides = array<i32>} : memref<64x128xf32, #tpu.memory_space<vmem>>, vector<16xf32>,
      tpu.vector_store %arg24[%parallel_loop3A_102, %parallel_loop3A_103], %parallel_loop3A_101 {strides = array<i32>} : memref<64x128xf32, #tpu.memory_space<vmem>>, vector<16xf32>,
      %parallel_loop3A_105 = arith.index_cast %parallel_loop3A_95 : i32 to index
      %parallel_loop3A_106 = arith.constant 16 : index
      %parallel_loop3A_107 = tpu.vector_load %arg24[%parallel_loop3A_105, %parallel_loop3A_106] {strides = array<i32>} : memref<64x128xf32, #tpu.memory_space<vmem>>, vector<16xf32>,
      %parallel_loop3A_108 = arith.mulf %parallel_loop3A_107, %parallel_loop3A_97 : vector<16xf32>
      %parallel_loop3A_109 = arith.index_cast %parallel_loop3A_95 : i32 to index
      %parallel_loop3A_110 = arith.constant 16 : index
      %parallel_loop3A_111 = tpu.vector_load %arg24[%parallel_loop3A_109, %parallel_loop3A_110] {strides = array<i32>} : memref<64x128xf32, #tpu.memory_space<vmem>>, vector<16xf32>,
      tpu.vector_store %arg24[%parallel_loop3A_109, %parallel_loop3A_110], %parallel_loop3A_108 {strides = array<i32>} : memref<64x128xf32, #tpu.memory_space<vmem>>, vector<16xf32>,
      %parallel_loop3A_112 = arith.index_cast %parallel_loop3A_95 : i32 to index
      %parallel_loop3A_113 = arith.constant 32 : index
      %parallel_loop3A_114 = tpu.vector_load %arg24[%parallel_loop3A_112, %parallel_loop3A_113] {strides = array<i32>} : memref<64x128xf32, #tpu.memory_space<vmem>>, vector<16xf32>,
      %parallel_loop3A_115 = arith.mulf %parallel_loop3A_114, %parallel_loop3A_97 : vector<16xf32>
      %parallel_loop3A_116 = arith.index_cast %parallel_loop3A_95 : i32 to index
      %parallel_loop3A_117 = arith.constant 32 : index
      %parallel_loop3A_118 = tpu.vector_load %arg24[%parallel_loop3A_116, %parallel_loop3A_117] {strides = array<i32>} : memref<64x128xf32, #tpu.memory_space<vmem>>, vector<16xf32>,
      tpu.vector_store %arg24[%parallel_loop3A_116, %parallel_loop3A_117], %parallel_loop3A_115 {strides = array<i32>} : memref<64x128xf32, #tpu.memory_space<vmem>>, vector<16xf32>,
      %parallel_loop3A_119 = arith.index_cast %parallel_loop3A_95 : i32 to index
      %parallel_loop3A_120 = arith.constant 48 : index
      %parallel_loop3A_121 = tpu.vector_load %arg24[%parallel_loop3A_119, %parallel_loop3A_120] {strides = array<i32>} : memref<64x128xf32, #tpu.memory_space<vmem>>, vector<16xf32>,
      %parallel_loop3A_122 = arith.mulf %parallel_loop3A_121, %parallel_loop3A_97 : vector<16xf32>
      %parallel_loop3A_123 = arith.index_cast %parallel_loop3A_95 : i32 to index
      %parallel_loop3A_124 = arith.constant 48 : index
      %parallel_loop3A_125 = tpu.vector_load %arg24[%parallel_loop3A_123, %parallel_loop3A_124] {strides = array<i32>} : memref<64x128xf32, #tpu.memory_space<vmem>>, vector<16xf32>,
      tpu.vector_store %arg24[%parallel_loop3A_123, %parallel_loop3A_124], %parallel_loop3A_122 {strides = array<i32>} : memref<64x128xf32, #tpu.memory_space<vmem>>, vector<16xf32>,
      %parallel_loop3A_126 = arith.index_cast %parallel_loop3A_95 : i32 to index
      %parallel_loop3A_127 = arith.constant 64 : index
      %parallel_loop3A_128 = tpu.vector_load %arg24[%parallel_loop3A_126, %parallel_loop3A_127] {strides = array<i32>} : memref<64x128xf32, #tpu.memory_space<vmem>>, vector<16xf32>,
      %parallel_loop3A_129 = arith.mulf %parallel_loop3A_128, %parallel_loop3A_97 : vector<16xf32>
      %parallel_loop3A_130 = arith.index_cast %parallel_loop3A_95 : i32 to index
      %parallel_loop3A_131 = arith.constant 64 : index
      %parallel_loop3A_132 = tpu.vector_load %arg24[%parallel_loop3A_130, %parallel_loop3A_131] {strides = array<i32>} : memref<64x128xf32, #tpu.memory_space<vmem>>, vector<16xf32>,
      tpu.vector_store %arg24[%parallel_loop3A_130, %parallel_loop3A_131], %parallel_loop3A_129 {strides = array<i32>} : memref<64x128xf32, #tpu.memory_space<vmem>>, vector<16xf32>,
      %parallel_loop3A_133 = arith.index_cast %parallel_loop3A_95 : i32 to index
      %parallel_loop3A_134 = arith.constant 80 : index
      %parallel_loop3A_135 = tpu.vector_load %arg24[%parallel_loop3A_133, %parallel_loop3A_134] {strides = array<i32>} : memref<64x128xf32, #tpu.memory_space<vmem>>, vector<16xf32>,
      %parallel_loop3A_136 = arith.mulf %parallel_loop3A_135, %parallel_loop3A_97 : vector<16xf32>
      %parallel_loop3A_137 = arith.index_cast %parallel_loop3A_95 : i32 to index
      %parallel_loop3A_138 = arith.constant 80 : index
      %parallel_loop3A_139 = tpu.vector_load %arg24[%parallel_loop3A_137, %parallel_loop3A_138] {strides = array<i32>} : memref<64x128xf32, #tpu.memory_space<vmem>>, vector<16xf32>,
      tpu.vector_store %arg24[%parallel_loop3A_137, %parallel_loop3A_138], %parallel_loop3A_136 {strides = array<i32>} : memref<64x128xf32, #tpu.memory_space<vmem>>, vector<16xf32>,
      %parallel_loop3A_140 = arith.index_cast %parallel_loop3A_95 : i32 to index
      %parallel_loop3A_141 = arith.constant 96 : index
      %parallel_loop3A_142 = tpu.vector_load %arg24[%parallel_loop3A_140, %parallel_loop3A_141] {strides = array<i32>} : memref<64x128xf32, #tpu.memory_space<vmem>>, vector<16xf32>,
      %parallel_loop3A_143 = arith.mulf %parallel_loop3A_142, %parallel_loop3A_97 : vector<16xf32>
      %parallel_loop3A_144 = arith.index_cast %parallel_loop3A_95 : i32 to index
      %parallel_loop3A_145 = arith.constant 96 : index
      %parallel_loop3A_146 = tpu.vector_load %arg24[%parallel_loop3A_144, %parallel_loop3A_145] {strides = array<i32>} : memref<64x128xf32, #tpu.memory_space<vmem>>, vector<16xf32>,
      tpu.vector_store %arg24[%parallel_loop3A_144, %parallel_loop3A_145], %parallel_loop3A_143 {strides = array<i32>} : memref<64x128xf32, #tpu.memory_space<vmem>>, vector<16xf32>,
      %parallel_loop3A_147 = arith.index_cast %parallel_loop3A_95 : i32 to index
      %parallel_loop3A_148 = arith.constant 112 : index
      %parallel_loop3A_149 = tpu.vector_load %arg24[%parallel_loop3A_147, %parallel_loop3A_148] {strides = array<i32>} : memref<64x128xf32, #tpu.memory_space<vmem>>, vector<16xf32>,
      %parallel_loop3A_150 = arith.mulf %parallel_loop3A_149, %parallel_loop3A_97 : vector<16xf32>
      %parallel_loop3A_151 = arith.index_cast %parallel_loop3A_95 : i32 to index
      %parallel_loop3A_152 = arith.constant 112 : index
      %parallel_loop3A_153 = tpu.vector_load %arg24[%parallel_loop3A_151, %parallel_loop3A_152] {strides = array<i32>} : memref<64x128xf32, #tpu.memory_space<vmem>>, vector<16xf32>,
      tpu.vector_store %arg24[%parallel_loop3A_151, %parallel_loop3A_152], %parallel_loop3A_150 {strides = array<i32>} : memref<64x128xf32, #tpu.memory_space<vmem>>, vector<16xf32>,
    } {sc.loop_unroll_factor = 4 : i64, sc.parallel_access}
    %dma_start3A_75 = arith.constant 0 : i32
    %dma_start3A_76 = arith.constant 0 : i32
    %dma_start3A_77 = tpu.memref_slice %arg25[%dma_start3A_75, %dma_start3A_76] : memref<10112x128xf32, #tpu.memory_space<vmem_shared>> -> memref<10112x128xf32, #tpu.memory_space<vmem_shared>>
    tpu.enqueue_indirect_dma source(%arg24 : memref<64x128xf32, #tpu.memory_space<vmem>>) target(%dma_start3A_77 : memref<10112x128xf32, #tpu.memory_space<vmem_shared>>) offsets(%arg15 : memref<64xi32, #tpu.memory_space<vmem>>) semaphore(%arg34 : memref<!tpu.dma_semaphore, #tpu.memory_space<semaphore_mem>>) {add = true}
    %dma_wait3A_78 = arith.constant 0 : i32
    %dma_wait3A_79 = arith.constant 0 : i32
    %dma_wait3A_80 = tpu.memref_slice %arg25[%dma_wait3A_78, %dma_wait3A_79] : memref<10112x128xf32, #tpu.memory_space<vmem_shared>> -> memref<10112x128xf32, #tpu.memory_space<vmem_shared>>
    tpu.wait_indirect_dma semaphore(%arg32 : memref<!tpu.dma_semaphore, #tpu.memory_space<semaphore_mem>>) src(%arg22 : memref<64x128xf32, #tpu.memory_space<vmem>>) dst(%dma_wait3A_80 : memref<10112x128xf32, #tpu.memory_space<vmem_shared>>)
    %dma_wait3A_81 = arith.constant 0 : i32
    %dma_wait3A_82 = arith.constant 0 : i32
    %dma_wait3A_83 = tpu.memref_slice %arg25[%dma_wait3A_81, %dma_wait3A_82] : memref<10112x128xf32, #tpu.memory_space<vmem_shared>> -> memref<10112x128xf32, #tpu.memory_space<vmem_shared>>
    tpu.wait_indirect_dma semaphore(%arg33 : memref<!tpu.dma_semaphore, #tpu.memory_space<semaphore_mem>>) src(%arg23 : memref<64x128xf32, #tpu.memory_space<vmem>>) dst(%dma_wait3A_83 : memref<10112x128xf32, #tpu.memory_space<vmem_shared>>)
    %dma_wait3A_84 = arith.constant 0 : i32
    %dma_wait3A_85 = arith.constant 0 : i32
    %dma_wait3A_86 = tpu.memref_slice %arg25[%dma_wait3A_84, %dma_wait3A_85] : memref<10112x128xf32, #tpu.memory_space<vmem_shared>> -> memref<10112x128xf32, #tpu.memory_space<vmem_shared>>
    tpu.wait_indirect_dma semaphore(%arg34 : memref<!tpu.dma_semaphore, #tpu.memory_space<semaphore_mem>>) src(%arg24 : memref<64x128xf32, #tpu.memory_space<vmem>>) dst(%dma_wait3A_86 : memref<10112x128xf32, #tpu.memory_space<vmem_shared>>)
    %barrier3A_87 = arith.constant 0 : index
    tpu.barrier barrier_id(%barrier3A_87)
    %eq3A = arith.constant 0 : i32
    %eq3A_88 = arith.cmpi eq, %arg0, %eq3A : i32
    %convert_element_type3A = arith.extui %eq3A_88 : i1 to i32
    %cond3A = arith.constant 0 : i32
    %cond3A_89 = arith.cmpi ne, %convert_element_type3A, %cond3A : i32
    scf.if %cond3A_89 {
      %add3A_95 = arith.constant 0 : i32
      %add3A_96 = arith.addi %mul3A_0, %add3A_95 : i32
      "tpu.region"() ({
        %run_scoped3A = tpu.sem_alloc : memref<!tpu.dma_semaphore, #tpu.memory_space<semaphore_mem>>
        %dma_start3A_135 = arith.constant 0 : i32
        %dma_start3A_136 = tpu.memref_slice %arg25[%add3A_96, %dma_start3A_135] : memref<10112x128xf32, #tpu.memory_space<vmem_shared>> -> memref<64x128xf32, #tpu.memory_space<vmem_shared>>
        %dma_start3A_137 = arith.constant 0 : i32
        %dma_start3A_138 = tpu.memref_slice %arg25[%add3A_96, %dma_start3A_137] : memref<10112x128xf32, #tpu.memory_space<vmem_shared>> -> memref<64x128xf32, #tpu.memory_space<vmem_shared>>
        tpu.enqueue_dma source(%dma_start3A_138 : memref<64x128xf32, #tpu.memory_space<vmem_shared>>) target(%arg22 : memref<64x128xf32, #tpu.memory_space<vmem>>) target_semaphore(%run_scoped3A : memref<!tpu.dma_semaphore, #tpu.memory_space<semaphore_mem>>)
        %dma_wait3A_139 = arith.constant 0 : i32
        %dma_wait3A_140 = tpu.memref_slice %arg25[%add3A_96, %dma_wait3A_139] : memref<10112x128xf32, #tpu.memory_space<vmem_shared>> -> memref<64x128xf32, #tpu.memory_space<vmem_shared>>
        %dma_wait3A_141 = arith.constant 0 : i32
        %dma_wait3A_142 = tpu.memref_slice %arg25[%add3A_96, %dma_wait3A_141] : memref<10112x128xf32, #tpu.memory_space<vmem_shared>> -> memref<64x128xf32, #tpu.memory_space<vmem_shared>>
        tpu.wait_dma2 semaphore(%run_scoped3A : memref<!tpu.dma_semaphore, #tpu.memory_space<semaphore_mem>>) src(%dma_wait3A_142 : memref<64x128xf32, #tpu.memory_space<vmem_shared>>) dst(%arg22 : memref<64x128xf32, #tpu.memory_space<vmem>>)
        tpu.yield
      }) : () -> ()
      %add3A_97 = arith.constant 0 : i32
      %add3A_98 = arith.addi %mul3A_0, %add3A_97 : i32
      "tpu.region"() ({
        %run_scoped3A = tpu.sem_alloc : memref<!tpu.dma_semaphore, #tpu.memory_space<semaphore_mem>>
        %dma_start3A_135 = arith.constant 0 : i32
        %dma_start3A_136 = tpu.memref_slice %arg6[%add3A_98, %dma_start3A_135] : memref<10112x128xf32, #tpu.memory_space<hbm>> -> memref<64x128xf32, #tpu.memory_space<hbm>>
        %dma_start3A_137 = arith.constant 0 : i32
        %dma_start3A_138 = tpu.memref_slice %arg6[%add3A_98, %dma_start3A_137] : memref<10112x128xf32, #tpu.memory_space<hbm>> -> memref<64x128xf32, #tpu.memory_space<hbm>>
        tpu.enqueue_dma source(%arg22 : memref<64x128xf32, #tpu.memory_space<vmem>>) target(%dma_start3A_138 : memref<64x128xf32, #tpu.memory_space<hbm>>) target_semaphore(%run_scoped3A : memref<!tpu.dma_semaphore, #tpu.memory_space<semaphore_mem>>)
        %dma_wait3A_139 = arith.constant 0 : i32
        %dma_wait3A_140 = tpu.memref_slice %arg6[%add3A_98, %dma_wait3A_139] : memref<10112x128xf32, #tpu.memory_space<hbm>> -> memref<64x128xf32, #tpu.memory_space<hbm>>
        %dma_wait3A_141 = arith.constant 0 : i32
        %dma_wait3A_142 = tpu.memref_slice %arg6[%add3A_98, %dma_wait3A_141] : memref<10112x128xf32, #tpu.memory_space<hbm>> -> memref<64x128xf32, #tpu.memory_space<hbm>>
        tpu.wait_dma2 semaphore(%run_scoped3A : memref<!tpu.dma_semaphore, #tpu.memory_space<semaphore_mem>>) src(%arg22 : memref<64x128xf32, #tpu.memory_space<vmem>>) dst(%dma_wait3A_142 : memref<64x128xf32, #tpu.memory_space<hbm>>)
        tpu.yield
      }) : () -> ()
      %add3A_99 = arith.constant 64 : i32
      %add3A_100 = arith.addi %mul3A_0, %add3A_99 : i32
      "tpu.region"() ({
        %run_scoped3A = tpu.sem_alloc : memref<!tpu.dma_semaphore, #tpu.memory_space<semaphore_mem>>
        %dma_start3A_135 = arith.constant 0 : i32
        %dma_start3A_136 = tpu.memref_slice %arg25[%add3A_100, %dma_start3A_135] : memref<10112x128xf32, #tpu.memory_space<vmem_shared>> -> memref<64x128xf32, #tpu.memory_space<vmem_shared>>
        %dma_start3A_137 = arith.constant 0 : i32
        %dma_start3A_138 = tpu.memref_slice %arg25[%add3A_100, %dma_start3A_137] : memref<10112x128xf32, #tpu.memory_space<vmem_shared>> -> memref<64x128xf32, #tpu.memory_space<vmem_shared>>
        tpu.enqueue_dma source(%dma_start3A_138 : memref<64x128xf32, #tpu.memory_space<vmem_shared>>) target(%arg22 : memref<64x128xf32, #tpu.memory_space<vmem>>) target_semaphore(%run_scoped3A : memref<!tpu.dma_semaphore, #tpu.memory_space<semaphore_mem>>)
        %dma_wait3A_139 = arith.constant 0 : i32
        %dma_wait3A_140 = tpu.memref_slice %arg25[%add3A_100, %dma_wait3A_139] : memref<10112x128xf32, #tpu.memory_space<vmem_shared>> -> memref<64x128xf32, #tpu.memory_space<vmem_shared>>
        %dma_wait3A_141 = arith.constant 0 : i32
        %dma_wait3A_142 = tpu.memref_slice %arg25[%add3A_100, %dma_wait3A_141] : memref<10112x128xf32, #tpu.memory_space<vmem_shared>> -> memref<64x128xf32, #tpu.memory_space<vmem_shared>>
        tpu.wait_dma2 semaphore(%run_scoped3A : memref<!tpu.dma_semaphore, #tpu.memory_space<semaphore_mem>>) src(%dma_wait3A_142 : memref<64x128xf32, #tpu.memory_space<vmem_shared>>) dst(%arg22 : memref<64x128xf32, #tpu.memory_space<vmem>>)
        tpu.yield
      }) : () -> ()
      %add3A_101 = arith.constant 64 : i32
      %add3A_102 = arith.addi %mul3A_0, %add3A_101 : i32
      "tpu.region"() ({
        %run_scoped3A = tpu.sem_alloc : memref<!tpu.dma_semaphore, #tpu.memory_space<semaphore_mem>>
        %dma_start3A_135 = arith.constant 0 : i32
        %dma_start3A_136 = tpu.memref_slice %arg6[%add3A_102, %dma_start3A_135] : memref<10112x128xf32, #tpu.memory_space<hbm>> -> memref<64x128xf32, #tpu.memory_space<hbm>>
        %dma_start3A_137 = arith.constant 0 : i32
        %dma_start3A_138 = tpu.memref_slice %arg6[%add3A_102, %dma_start3A_137] : memref<10112x128xf32, #tpu.memory_space<hbm>> -> memref<64x128xf32, #tpu.memory_space<hbm>>
        tpu.enqueue_dma source(%arg22 : memref<64x128xf32, #tpu.memory_space<vmem>>) target(%dma_start3A_138 : memref<64x128xf32, #tpu.memory_space<hbm>>) target_semaphore(%run_scoped3A : memref<!tpu.dma_semaphore, #tpu.memory_space<semaphore_mem>>)
        %dma_wait3A_139 = arith.constant 0 : i32
        %dma_wait3A_140 = tpu.memref_slice %arg6[%add3A_102, %dma_wait3A_139] : memref<10112x128xf32, #tpu.memory_space<hbm>> -> memref<64x128xf32, #tpu.memory_space<hbm>>
        %dma_wait3A_141 = arith.constant 0 : i32
        %dma_wait3A_142 = tpu.memref_slice %arg6[%add3A_102, %dma_wait3A_141] : memref<10112x128xf32, #tpu.memory_space<hbm>> -> memref<64x128xf32, #tpu.memory_space<hbm>>
        tpu.wait_dma2 semaphore(%run_scoped3A : memref<!tpu.dma_semaphore, #tpu.memory_space<semaphore_mem>>) src(%arg22 : memref<64x128xf32, #tpu.memory_space<vmem>>) dst(%dma_wait3A_142 : memref<64x128xf32, #tpu.memory_space<hbm>>)
        tpu.yield
      }) : () -> ()
      %add3A_103 = arith.constant 128 : i32
      %add3A_104 = arith.addi %mul3A_0, %add3A_103 : i32
      "tpu.region"() ({
        %run_scoped3A = tpu.sem_alloc : memref<!tpu.dma_semaphore, #tpu.memory_space<semaphore_mem>>
        %dma_start3A_135 = arith.constant 0 : i32
        %dma_start3A_136 = tpu.memref_slice %arg25[%add3A_104, %dma_start3A_135] : memref<10112x128xf32, #tpu.memory_space<vmem_shared>> -> memref<64x128xf32, #tpu.memory_space<vmem_shared>>
        %dma_start3A_137 = arith.constant 0 : i32
        %dma_start3A_138 = tpu.memref_slice %arg25[%add3A_104, %dma_start3A_137] : memref<10112x128xf32, #tpu.memory_space<vmem_shared>> -> memref<64x128xf32, #tpu.memory_space<vmem_shared>>
        tpu.enqueue_dma source(%dma_start3A_138 : memref<64x128xf32, #tpu.memory_space<vmem_shared>>) target(%arg22 : memref<64x128xf32, #tpu.memory_space<vmem>>) target_semaphore(%run_scoped3A : memref<!tpu.dma_semaphore, #tpu.memory_space<semaphore_mem>>)
        %dma_wait3A_139 = arith.constant 0 : i32
        %dma_wait3A_140 = tpu.memref_slice %arg25[%add3A_104, %dma_wait3A_139] : memref<10112x128xf32, #tpu.memory_space<vmem_shared>> -> memref<64x128xf32, #tpu.memory_space<vmem_shared>>
        %dma_wait3A_141 = arith.constant 0 : i32
        %dma_wait3A_142 = tpu.memref_slice %arg25[%add3A_104, %dma_wait3A_141] : memref<10112x128xf32, #tpu.memory_space<vmem_shared>> -> memref<64x128xf32, #tpu.memory_space<vmem_shared>>
        tpu.wait_dma2 semaphore(%run_scoped3A : memref<!tpu.dma_semaphore, #tpu.memory_space<semaphore_mem>>) src(%dma_wait3A_142 : memref<64x128xf32, #tpu.memory_space<vmem_shared>>) dst(%arg22 : memref<64x128xf32, #tpu.memory_space<vmem>>)
        tpu.yield
      }) : () -> ()
      %add3A_105 = arith.constant 128 : i32
      %add3A_106 = arith.addi %mul3A_0, %add3A_105 : i32
      "tpu.region"() ({
        %run_scoped3A = tpu.sem_alloc : memref<!tpu.dma_semaphore, #tpu.memory_space<semaphore_mem>>
        %dma_start3A_135 = arith.constant 0 : i32
        %dma_start3A_136 = tpu.memref_slice %arg6[%add3A_106, %dma_start3A_135] : memref<10112x128xf32, #tpu.memory_space<hbm>> -> memref<64x128xf32, #tpu.memory_space<hbm>>
        %dma_start3A_137 = arith.constant 0 : i32
        %dma_start3A_138 = tpu.memref_slice %arg6[%add3A_106, %dma_start3A_137] : memref<10112x128xf32, #tpu.memory_space<hbm>> -> memref<64x128xf32, #tpu.memory_space<hbm>>
        tpu.enqueue_dma source(%arg22 : memref<64x128xf32, #tpu.memory_space<vmem>>) target(%dma_start3A_138 : memref<64x128xf32, #tpu.memory_space<hbm>>) target_semaphore(%run_scoped3A : memref<!tpu.dma_semaphore, #tpu.memory_space<semaphore_mem>>)
        %dma_wait3A_139 = arith.constant 0 : i32
        %dma_wait3A_140 = tpu.memref_slice %arg6[%add3A_106, %dma_wait3A_139] : memref<10112x128xf32, #tpu.memory_space<hbm>> -> memref<64x128xf32, #tpu.memory_space<hbm>>
        %dma_wait3A_141 = arith.constant 0 : i32
        %dma_wait3A_142 = tpu.memref_slice %arg6[%add3A_106, %dma_wait3A_141] : memref<10112x128xf32, #tpu.memory_space<hbm>> -> memref<64x128xf32, #tpu.memory_space<hbm>>
        tpu.wait_dma2 semaphore(%run_scoped3A : memref<!tpu.dma_semaphore, #tpu.memory_space<semaphore_mem>>) src(%arg22 : memref<64x128xf32, #tpu.memory_space<vmem>>) dst(%dma_wait3A_142 : memref<64x128xf32, #tpu.memory_space<hbm>>)
        tpu.yield
      }) : () -> ()
      %add3A_107 = arith.constant 192 : i32
      %add3A_108 = arith.addi %mul3A_0, %add3A_107 : i32
      "tpu.region"() ({
        %run_scoped3A = tpu.sem_alloc : memref<!tpu.dma_semaphore, #tpu.memory_space<semaphore_mem>>
        %dma_start3A_135 = arith.constant 0 : i32
        %dma_start3A_136 = tpu.memref_slice %arg25[%add3A_108, %dma_start3A_135] : memref<10112x128xf32, #tpu.memory_space<vmem_shared>> -> memref<64x128xf32, #tpu.memory_space<vmem_shared>>
        %dma_start3A_137 = arith.constant 0 : i32
        %dma_start3A_138 = tpu.memref_slice %arg25[%add3A_108, %dma_start3A_137] : memref<10112x128xf32, #tpu.memory_space<vmem_shared>> -> memref<64x128xf32, #tpu.memory_space<vmem_shared>>
        tpu.enqueue_dma source(%dma_start3A_138 : memref<64x128xf32, #tpu.memory_space<vmem_shared>>) target(%arg22 : memref<64x128xf32, #tpu.memory_space<vmem>>) target_semaphore(%run_scoped3A : memref<!tpu.dma_semaphore, #tpu.memory_space<semaphore_mem>>)
        %dma_wait3A_139 = arith.constant 0 : i32
        %dma_wait3A_140 = tpu.memref_slice %arg25[%add3A_108, %dma_wait3A_139] : memref<10112x128xf32, #tpu.memory_space<vmem_shared>> -> memref<64x128xf32, #tpu.memory_space<vmem_shared>>
        %dma_wait3A_141 = arith.constant 0 : i32
        %dma_wait3A_142 = tpu.memref_slice %arg25[%add3A_108, %dma_wait3A_141] : memref<10112x128xf32, #tpu.memory_space<vmem_shared>> -> memref<64x128xf32, #tpu.memory_space<vmem_shared>>
        tpu.wait_dma2 semaphore(%run_scoped3A : memref<!tpu.dma_semaphore, #tpu.memory_space<semaphore_mem>>) src(%dma_wait3A_142 : memref<64x128xf32, #tpu.memory_space<vmem_shared>>) dst(%arg22 : memref<64x128xf32, #tpu.memory_space<vmem>>)
        tpu.yield
      }) : () -> ()
      %add3A_109 = arith.constant 192 : i32
      %add3A_110 = arith.addi %mul3A_0, %add3A_109 : i32
      "tpu.region"() ({
        %run_scoped3A = tpu.sem_alloc : memref<!tpu.dma_semaphore, #tpu.memory_space<semaphore_mem>>
        %dma_start3A_135 = arith.constant 0 : i32
        %dma_start3A_136 = tpu.memref_slice %arg6[%add3A_110, %dma_start3A_135] : memref<10112x128xf32, #tpu.memory_space<hbm>> -> memref<64x128xf32, #tpu.memory_space<hbm>>
        %dma_start3A_137 = arith.constant 0 : i32
        %dma_start3A_138 = tpu.memref_slice %arg6[%add3A_110, %dma_start3A_137] : memref<10112x128xf32, #tpu.memory_space<hbm>> -> memref<64x128xf32, #tpu.memory_space<hbm>>
        tpu.enqueue_dma source(%arg22 : memref<64x128xf32, #tpu.memory_space<vmem>>) target(%dma_start3A_138 : memref<64x128xf32, #tpu.memory_space<hbm>>) target_semaphore(%run_scoped3A : memref<!tpu.dma_semaphore, #tpu.memory_space<semaphore_mem>>)
        %dma_wait3A_139 = arith.constant 0 : i32
        %dma_wait3A_140 = tpu.memref_slice %arg6[%add3A_110, %dma_wait3A_139] : memref<10112x128xf32, #tpu.memory_space<hbm>> -> memref<64x128xf32, #tpu.memory_space<hbm>>
        %dma_wait3A_141 = arith.constant 0 : i32
        %dma_wait3A_142 = tpu.memref_slice %arg6[%add3A_110, %dma_wait3A_141] : memref<10112x128xf32, #tpu.memory_space<hbm>> -> memref<64x128xf32, #tpu.memory_space<hbm>>
        tpu.wait_dma2 semaphore(%run_scoped3A : memref<!tpu.dma_semaphore, #tpu.memory_space<semaphore_mem>>) src(%arg22 : memref<64x128xf32, #tpu.memory_space<vmem>>) dst(%dma_wait3A_142 : memref<64x128xf32, #tpu.memory_space<hbm>>)
        tpu.yield
      }) : () -> ()
      %add3A_111 = arith.constant 256 : i32
      %add3A_112 = arith.addi %mul3A_0, %add3A_111 : i32
      "tpu.region"() ({
        %run_scoped3A = tpu.sem_alloc : memref<!tpu.dma_semaphore, #tpu.memory_space<semaphore_mem>>
        %dma_start3A_135 = arith.constant 0 : i32
        %dma_start3A_136 = tpu.memref_slice %arg25[%add3A_112, %dma_start3A_135] : memref<10112x128xf32, #tpu.memory_space<vmem_shared>> -> memref<64x128xf32, #tpu.memory_space<vmem_shared>>
        %dma_start3A_137 = arith.constant 0 : i32
        %dma_start3A_138 = tpu.memref_slice %arg25[%add3A_112, %dma_start3A_137] : memref<10112x128xf32, #tpu.memory_space<vmem_shared>> -> memref<64x128xf32, #tpu.memory_space<vmem_shared>>
        tpu.enqueue_dma source(%dma_start3A_138 : memref<64x128xf32, #tpu.memory_space<vmem_shared>>) target(%arg22 : memref<64x128xf32, #tpu.memory_space<vmem>>) target_semaphore(%run_scoped3A : memref<!tpu.dma_semaphore, #tpu.memory_space<semaphore_mem>>)
        %dma_wait3A_139 = arith.constant 0 : i32
        %dma_wait3A_140 = tpu.memref_slice %arg25[%add3A_112, %dma_wait3A_139] : memref<10112x128xf32, #tpu.memory_space<vmem_shared>> -> memref<64x128xf32, #tpu.memory_space<vmem_shared>>
        %dma_wait3A_141 = arith.constant 0 : i32
        %dma_wait3A_142 = tpu.memref_slice %arg25[%add3A_112, %dma_wait3A_141] : memref<10112x128xf32, #tpu.memory_space<vmem_shared>> -> memref<64x128xf32, #tpu.memory_space<vmem_shared>>
        tpu.wait_dma2 semaphore(%run_scoped3A : memref<!tpu.dma_semaphore, #tpu.memory_space<semaphore_mem>>) src(%dma_wait3A_142 : memref<64x128xf32, #tpu.memory_space<vmem_shared>>) dst(%arg22 : memref<64x128xf32, #tpu.memory_space<vmem>>)
        tpu.yield
      }) : () -> ()
      %add3A_113 = arith.constant 256 : i32
      %add3A_114 = arith.addi %mul3A_0, %add3A_113 : i32
      "tpu.region"() ({
        %run_scoped3A = tpu.sem_alloc : memref<!tpu.dma_semaphore, #tpu.memory_space<semaphore_mem>>
        %dma_start3A_135 = arith.constant 0 : i32
        %dma_start3A_136 = tpu.memref_slice %arg6[%add3A_114, %dma_start3A_135] : memref<10112x128xf32, #tpu.memory_space<hbm>> -> memref<64x128xf32, #tpu.memory_space<hbm>>
        %dma_start3A_137 = arith.constant 0 : i32
        %dma_start3A_138 = tpu.memref_slice %arg6[%add3A_114, %dma_start3A_137] : memref<10112x128xf32, #tpu.memory_space<hbm>> -> memref<64x128xf32, #tpu.memory_space<hbm>>
        tpu.enqueue_dma source(%arg22 : memref<64x128xf32, #tpu.memory_space<vmem>>) target(%dma_start3A_138 : memref<64x128xf32, #tpu.memory_space<hbm>>) target_semaphore(%run_scoped3A : memref<!tpu.dma_semaphore, #tpu.memory_space<semaphore_mem>>)
        %dma_wait3A_139 = arith.constant 0 : i32
        %dma_wait3A_140 = tpu.memref_slice %arg6[%add3A_114, %dma_wait3A_139] : memref<10112x128xf32, #tpu.memory_space<hbm>> -> memref<64x128xf32, #tpu.memory_space<hbm>>
        %dma_wait3A_141 = arith.constant 0 : i32
        %dma_wait3A_142 = tpu.memref_slice %arg6[%add3A_114, %dma_wait3A_141] : memref<10112x128xf32, #tpu.memory_space<hbm>> -> memref<64x128xf32, #tpu.memory_space<hbm>>
        tpu.wait_dma2 semaphore(%run_scoped3A : memref<!tpu.dma_semaphore, #tpu.memory_space<semaphore_mem>>) src(%arg22 : memref<64x128xf32, #tpu.memory_space<vmem>>) dst(%dma_wait3A_142 : memref<64x128xf32, #tpu.memory_space<hbm>>)
        tpu.yield
      }) : () -> ()
      %add3A_115 = arith.constant 320 : i32
      %add3A_116 = arith.addi %mul3A_0, %add3A_115 : i32
      "tpu.region"() ({
        %run_scoped3A = tpu.sem_alloc : memref<!tpu.dma_semaphore, #tpu.memory_space<semaphore_mem>>
        %dma_start3A_135 = arith.constant 0 : i32
        %dma_start3A_136 = tpu.memref_slice %arg25[%add3A_116, %dma_start3A_135] : memref<10112x128xf32, #tpu.memory_space<vmem_shared>> -> memref<64x128xf32, #tpu.memory_space<vmem_shared>>
        %dma_start3A_137 = arith.constant 0 : i32
        %dma_start3A_138 = tpu.memref_slice %arg25[%add3A_116, %dma_start3A_137] : memref<10112x128xf32, #tpu.memory_space<vmem_shared>> -> memref<64x128xf32, #tpu.memory_space<vmem_shared>>
        tpu.enqueue_dma source(%dma_start3A_138 : memref<64x128xf32, #tpu.memory_space<vmem_shared>>) target(%arg22 : memref<64x128xf32, #tpu.memory_space<vmem>>) target_semaphore(%run_scoped3A : memref<!tpu.dma_semaphore, #tpu.memory_space<semaphore_mem>>)
        %dma_wait3A_139 = arith.constant 0 : i32
        %dma_wait3A_140 = tpu.memref_slice %arg25[%add3A_116, %dma_wait3A_139] : memref<10112x128xf32, #tpu.memory_space<vmem_shared>> -> memref<64x128xf32, #tpu.memory_space<vmem_shared>>
        %dma_wait3A_141 = arith.constant 0 : i32
        %dma_wait3A_142 = tpu.memref_slice %arg25[%add3A_116, %dma_wait3A_141] : memref<10112x128xf32, #tpu.memory_space<vmem_shared>> -> memref<64x128xf32, #tpu.memory_space<vmem_shared>>
        tpu.wait_dma2 semaphore(%run_scoped3A : memref<!tpu.dma_semaphore, #tpu.memory_space<semaphore_mem>>) src(%dma_wait3A_142 : memref<64x128xf32, #tpu.memory_space<vmem_shared>>) dst(%arg22 : memref<64x128xf32, #tpu.memory_space<vmem>>)
        tpu.yield
      }) : () -> ()
      %add3A_117 = arith.constant 320 : i32
      %add3A_118 = arith.addi %mul3A_0, %add3A_117 : i32
      "tpu.region"() ({
        %run_scoped3A = tpu.sem_alloc : memref<!tpu.dma_semaphore, #tpu.memory_space<semaphore_mem>>
        %dma_start3A_135 = arith.constant 0 : i32
        %dma_start3A_136 = tpu.memref_slice %arg6[%add3A_118, %dma_start3A_135] : memref<10112x128xf32, #tpu.memory_space<hbm>> -> memref<64x128xf32, #tpu.memory_space<hbm>>
        %dma_start3A_137 = arith.constant 0 : i32
        %dma_start3A_138 = tpu.memref_slice %arg6[%add3A_118, %dma_start3A_137] : memref<10112x128xf32, #tpu.memory_space<hbm>> -> memref<64x128xf32, #tpu.memory_space<hbm>>
        tpu.enqueue_dma source(%arg22 : memref<64x128xf32, #tpu.memory_space<vmem>>) target(%dma_start3A_138 : memref<64x128xf32, #tpu.memory_space<hbm>>) target_semaphore(%run_scoped3A : memref<!tpu.dma_semaphore, #tpu.memory_space<semaphore_mem>>)
        %dma_wait3A_139 = arith.constant 0 : i32
        %dma_wait3A_140 = tpu.memref_slice %arg6[%add3A_118, %dma_wait3A_139] : memref<10112x128xf32, #tpu.memory_space<hbm>> -> memref<64x128xf32, #tpu.memory_space<hbm>>
        %dma_wait3A_141 = arith.constant 0 : i32
        %dma_wait3A_142 = tpu.memref_slice %arg6[%add3A_118, %dma_wait3A_141] : memref<10112x128xf32, #tpu.memory_space<hbm>> -> memref<64x128xf32, #tpu.memory_space<hbm>>
        tpu.wait_dma2 semaphore(%run_scoped3A : memref<!tpu.dma_semaphore, #tpu.memory_space<semaphore_mem>>) src(%arg22 : memref<64x128xf32, #tpu.memory_space<vmem>>) dst(%dma_wait3A_142 : memref<64x128xf32, #tpu.memory_space<hbm>>)
        tpu.yield
      }) : () -> ()
      %add3A_119 = arith.constant 384 : i32
      %add3A_120 = arith.addi %mul3A_0, %add3A_119 : i32
      "tpu.region"() ({
        %run_scoped3A = tpu.sem_alloc : memref<!tpu.dma_semaphore, #tpu.memory_space<semaphore_mem>>
        %dma_start3A_135 = arith.constant 0 : i32
        %dma_start3A_136 = tpu.memref_slice %arg25[%add3A_120, %dma_start3A_135] : memref<10112x128xf32, #tpu.memory_space<vmem_shared>> -> memref<64x128xf32, #tpu.memory_space<vmem_shared>>
        %dma_start3A_137 = arith.constant 0 : i32
        %dma_start3A_138 = tpu.memref_slice %arg25[%add3A_120, %dma_start3A_137] : memref<10112x128xf32, #tpu.memory_space<vmem_shared>> -> memref<64x128xf32, #tpu.memory_space<vmem_shared>>
        tpu.enqueue_dma source(%dma_start3A_138 : memref<64x128xf32, #tpu.memory_space<vmem_shared>>) target(%arg22 : memref<64x128xf32, #tpu.memory_space<vmem>>) target_semaphore(%run_scoped3A : memref<!tpu.dma_semaphore, #tpu.memory_space<semaphore_mem>>)
        %dma_wait3A_139 = arith.constant 0 : i32
        %dma_wait3A_140 = tpu.memref_slice %arg25[%add3A_120, %dma_wait3A_139] : memref<10112x128xf32, #tpu.memory_space<vmem_shared>> -> memref<64x128xf32, #tpu.memory_space<vmem_shared>>
        %dma_wait3A_141 = arith.constant 0 : i32
        %dma_wait3A_142 = tpu.memref_slice %arg25[%add3A_120, %dma_wait3A_141] : memref<10112x128xf32, #tpu.memory_space<vmem_shared>> -> memref<64x128xf32, #tpu.memory_space<vmem_shared>>
        tpu.wait_dma2 semaphore(%run_scoped3A : memref<!tpu.dma_semaphore, #tpu.memory_space<semaphore_mem>>) src(%dma_wait3A_142 : memref<64x128xf32, #tpu.memory_space<vmem_shared>>) dst(%arg22 : memref<64x128xf32, #tpu.memory_space<vmem>>)
        tpu.yield
      }) : () -> ()
      %add3A_121 = arith.constant 384 : i32
      %add3A_122 = arith.addi %mul3A_0, %add3A_121 : i32
      "tpu.region"() ({
        %run_scoped3A = tpu.sem_alloc : memref<!tpu.dma_semaphore, #tpu.memory_space<semaphore_mem>>
        %dma_start3A_135 = arith.constant 0 : i32
        %dma_start3A_136 = tpu.memref_slice %arg6[%add3A_122, %dma_start3A_135] : memref<10112x128xf32, #tpu.memory_space<hbm>> -> memref<64x128xf32, #tpu.memory_space<hbm>>
        %dma_start3A_137 = arith.constant 0 : i32
        %dma_start3A_138 = tpu.memref_slice %arg6[%add3A_122, %dma_start3A_137] : memref<10112x128xf32, #tpu.memory_space<hbm>> -> memref<64x128xf32, #tpu.memory_space<hbm>>
        tpu.enqueue_dma source(%arg22 : memref<64x128xf32, #tpu.memory_space<vmem>>) target(%dma_start3A_138 : memref<64x128xf32, #tpu.memory_space<hbm>>) target_semaphore(%run_scoped3A : memref<!tpu.dma_semaphore, #tpu.memory_space<semaphore_mem>>)
        %dma_wait3A_139 = arith.constant 0 : i32
        %dma_wait3A_140 = tpu.memref_slice %arg6[%add3A_122, %dma_wait3A_139] : memref<10112x128xf32, #tpu.memory_space<hbm>> -> memref<64x128xf32, #tpu.memory_space<hbm>>
        %dma_wait3A_141 = arith.constant 0 : i32
        %dma_wait3A_142 = tpu.memref_slice %arg6[%add3A_122, %dma_wait3A_141] : memref<10112x128xf32, #tpu.memory_space<hbm>> -> memref<64x128xf32, #tpu.memory_space<hbm>>
        tpu.wait_dma2 semaphore(%run_scoped3A : memref<!tpu.dma_semaphore, #tpu.memory_space<semaphore_mem>>) src(%arg22 : memref<64x128xf32, #tpu.memory_space<vmem>>) dst(%dma_wait3A_142 : memref<64x128xf32, #tpu.memory_space<hbm>>)
        tpu.yield
      }) : () -> ()
      %add3A_123 = arith.constant 448 : i32
      %add3A_124 = arith.addi %mul3A_0, %add3A_123 : i32
      "tpu.region"() ({
        %run_scoped3A = tpu.sem_alloc : memref<!tpu.dma_semaphore, #tpu.memory_space<semaphore_mem>>
        %dma_start3A_135 = arith.constant 0 : i32
        %dma_start3A_136 = tpu.memref_slice %arg25[%add3A_124, %dma_start3A_135] : memref<10112x128xf32, #tpu.memory_space<vmem_shared>> -> memref<64x128xf32, #tpu.memory_space<vmem_shared>>
        %dma_start3A_137 = arith.constant 0 : i32
        %dma_start3A_138 = tpu.memref_slice %arg25[%add3A_124, %dma_start3A_137] : memref<10112x128xf32, #tpu.memory_space<vmem_shared>> -> memref<64x128xf32, #tpu.memory_space<vmem_shared>>
        tpu.enqueue_dma source(%dma_start3A_138 : memref<64x128xf32, #tpu.memory_space<vmem_shared>>) target(%arg22 : memref<64x128xf32, #tpu.memory_space<vmem>>) target_semaphore(%run_scoped3A : memref<!tpu.dma_semaphore, #tpu.memory_space<semaphore_mem>>)
        %dma_wait3A_139 = arith.constant 0 : i32
        %dma_wait3A_140 = tpu.memref_slice %arg25[%add3A_124, %dma_wait3A_139] : memref<10112x128xf32, #tpu.memory_space<vmem_shared>> -> memref<64x128xf32, #tpu.memory_space<vmem_shared>>
        %dma_wait3A_141 = arith.constant 0 : i32
        %dma_wait3A_142 = tpu.memref_slice %arg25[%add3A_124, %dma_wait3A_141] : memref<10112x128xf32, #tpu.memory_space<vmem_shared>> -> memref<64x128xf32, #tpu.memory_space<vmem_shared>>
        tpu.wait_dma2 semaphore(%run_scoped3A : memref<!tpu.dma_semaphore, #tpu.memory_space<semaphore_mem>>) src(%dma_wait3A_142 : memref<64x128xf32, #tpu.memory_space<vmem_shared>>) dst(%arg22 : memref<64x128xf32, #tpu.memory_space<vmem>>)
        tpu.yield
      }) : () -> ()
      %add3A_125 = arith.constant 448 : i32
      %add3A_126 = arith.addi %mul3A_0, %add3A_125 : i32
      "tpu.region"() ({
        %run_scoped3A = tpu.sem_alloc : memref<!tpu.dma_semaphore, #tpu.memory_space<semaphore_mem>>
        %dma_start3A_135 = arith.constant 0 : i32
        %dma_start3A_136 = tpu.memref_slice %arg6[%add3A_126, %dma_start3A_135] : memref<10112x128xf32, #tpu.memory_space<hbm>> -> memref<64x128xf32, #tpu.memory_space<hbm>>
        %dma_start3A_137 = arith.constant 0 : i32
        %dma_start3A_138 = tpu.memref_slice %arg6[%add3A_126, %dma_start3A_137] : memref<10112x128xf32, #tpu.memory_space<hbm>> -> memref<64x128xf32, #tpu.memory_space<hbm>>
        tpu.enqueue_dma source(%arg22 : memref<64x128xf32, #tpu.memory_space<vmem>>) target(%dma_start3A_138 : memref<64x128xf32, #tpu.memory_space<hbm>>) target_semaphore(%run_scoped3A : memref<!tpu.dma_semaphore, #tpu.memory_space<semaphore_mem>>)
        %dma_wait3A_139 = arith.constant 0 : i32
        %dma_wait3A_140 = tpu.memref_slice %arg6[%add3A_126, %dma_wait3A_139] : memref<10112x128xf32, #tpu.memory_space<hbm>> -> memref<64x128xf32, #tpu.memory_space<hbm>>
        %dma_wait3A_141 = arith.constant 0 : i32
        %dma_wait3A_142 = tpu.memref_slice %arg6[%add3A_126, %dma_wait3A_141] : memref<10112x128xf32, #tpu.memory_space<hbm>> -> memref<64x128xf32, #tpu.memory_space<hbm>>
        tpu.wait_dma2 semaphore(%run_scoped3A : memref<!tpu.dma_semaphore, #tpu.memory_space<semaphore_mem>>) src(%arg22 : memref<64x128xf32, #tpu.memory_space<vmem>>) dst(%dma_wait3A_142 : memref<64x128xf32, #tpu.memory_space<hbm>>)
        tpu.yield
      }) : () -> ()
      %add3A_127 = arith.constant 512 : i32
      %add3A_128 = arith.addi %mul3A_0, %add3A_127 : i32
      "tpu.region"() ({
        %run_scoped3A = tpu.sem_alloc : memref<!tpu.dma_semaphore, #tpu.memory_space<semaphore_mem>>
        %dma_start3A_135 = arith.constant 0 : i32
        %dma_start3A_136 = tpu.memref_slice %arg25[%add3A_128, %dma_start3A_135] : memref<10112x128xf32, #tpu.memory_space<vmem_shared>> -> memref<64x128xf32, #tpu.memory_space<vmem_shared>>
        %dma_start3A_137 = arith.constant 0 : i32
        %dma_start3A_138 = tpu.memref_slice %arg25[%add3A_128, %dma_start3A_137] : memref<10112x128xf32, #tpu.memory_space<vmem_shared>> -> memref<64x128xf32, #tpu.memory_space<vmem_shared>>
        tpu.enqueue_dma source(%dma_start3A_138 : memref<64x128xf32, #tpu.memory_space<vmem_shared>>) target(%arg22 : memref<64x128xf32, #tpu.memory_space<vmem>>) target_semaphore(%run_scoped3A : memref<!tpu.dma_semaphore, #tpu.memory_space<semaphore_mem>>)
        %dma_wait3A_139 = arith.constant 0 : i32
        %dma_wait3A_140 = tpu.memref_slice %arg25[%add3A_128, %dma_wait3A_139] : memref<10112x128xf32, #tpu.memory_space<vmem_shared>> -> memref<64x128xf32, #tpu.memory_space<vmem_shared>>
        %dma_wait3A_141 = arith.constant 0 : i32
        %dma_wait3A_142 = tpu.memref_slice %arg25[%add3A_128, %dma_wait3A_141] : memref<10112x128xf32, #tpu.memory_space<vmem_shared>> -> memref<64x128xf32, #tpu.memory_space<vmem_shared>>
        tpu.wait_dma2 semaphore(%run_scoped3A : memref<!tpu.dma_semaphore, #tpu.memory_space<semaphore_mem>>) src(%dma_wait3A_142 : memref<64x128xf32, #tpu.memory_space<vmem_shared>>) dst(%arg22 : memref<64x128xf32, #tpu.memory_space<vmem>>)
        tpu.yield
      }) : () -> ()
      %add3A_129 = arith.constant 512 : i32
      %add3A_130 = arith.addi %mul3A_0, %add3A_129 : i32
      "tpu.region"() ({
        %run_scoped3A = tpu.sem_alloc : memref<!tpu.dma_semaphore, #tpu.memory_space<semaphore_mem>>
        %dma_start3A_135 = arith.constant 0 : i32
        %dma_start3A_136 = tpu.memref_slice %arg6[%add3A_130, %dma_start3A_135] : memref<10112x128xf32, #tpu.memory_space<hbm>> -> memref<64x128xf32, #tpu.memory_space<hbm>>
        %dma_start3A_137 = arith.constant 0 : i32
        %dma_start3A_138 = tpu.memref_slice %arg6[%add3A_130, %dma_start3A_137] : memref<10112x128xf32, #tpu.memory_space<hbm>> -> memref<64x128xf32, #tpu.memory_space<hbm>>
        tpu.enqueue_dma source(%arg22 : memref<64x128xf32, #tpu.memory_space<vmem>>) target(%dma_start3A_138 : memref<64x128xf32, #tpu.memory_space<hbm>>) target_semaphore(%run_scoped3A : memref<!tpu.dma_semaphore, #tpu.memory_space<semaphore_mem>>)
        %dma_wait3A_139 = arith.constant 0 : i32
        %dma_wait3A_140 = tpu.memref_slice %arg6[%add3A_130, %dma_wait3A_139] : memref<10112x128xf32, #tpu.memory_space<hbm>> -> memref<64x128xf32, #tpu.memory_space<hbm>>
        %dma_wait3A_141 = arith.constant 0 : i32
        %dma_wait3A_142 = tpu.memref_slice %arg6[%add3A_130, %dma_wait3A_141] : memref<10112x128xf32, #tpu.memory_space<hbm>> -> memref<64x128xf32, #tpu.memory_space<hbm>>
        tpu.wait_dma2 semaphore(%run_scoped3A : memref<!tpu.dma_semaphore, #tpu.memory_space<semaphore_mem>>) src(%arg22 : memref<64x128xf32, #tpu.memory_space<vmem>>) dst(%dma_wait3A_142 : memref<64x128xf32, #tpu.memory_space<hbm>>)
        tpu.yield
      }) : () -> ()
      %add3A_131 = arith.constant 576 : i32
      %add3A_132 = arith.addi %mul3A_0, %add3A_131 : i32
      "tpu.region"() ({
        %run_scoped3A = tpu.sem_alloc : memref<!tpu.dma_semaphore, #tpu.memory_space<semaphore_mem>>
        %dma_start3A_135 = arith.constant 0 : i32
        %dma_start3A_136 = arith.constant 0 : i32
        %dma_start3A_137 = tpu.memref_slice %arg22[%dma_start3A_135, %dma_start3A_136] : memref<64x128xf32, #tpu.memory_space<vmem>> -> memref<56x128xf32, #tpu.memory_space<vmem>>
        %dma_start3A_138 = arith.constant 0 : i32
        %dma_start3A_139 = tpu.memref_slice %arg25[%add3A_132, %dma_start3A_138] : memref<10112x128xf32, #tpu.memory_space<vmem_shared>> -> memref<56x128xf32, #tpu.memory_space<vmem_shared>>
        %dma_start3A_140 = arith.constant 0 : i32
        %dma_start3A_141 = arith.constant 0 : i32
        %dma_start3A_142 = tpu.memref_slice %arg22[%dma_start3A_140, %dma_start3A_141] : memref<64x128xf32, #tpu.memory_space<vmem>> -> memref<56x128xf32, #tpu.memory_space<vmem>>
        %dma_start3A_143 = arith.constant 0 : i32
        %dma_start3A_144 = tpu.memref_slice %arg25[%add3A_132, %dma_start3A_143] : memref<10112x128xf32, #tpu.memory_space<vmem_shared>> -> memref<56x128xf32, #tpu.memory_space<vmem_shared>>
        tpu.enqueue_dma source(%dma_start3A_144 : memref<56x128xf32, #tpu.memory_space<vmem_shared>>) target(%dma_start3A_142 : memref<56x128xf32, #tpu.memory_space<vmem>>) target_semaphore(%run_scoped3A : memref<!tpu.dma_semaphore, #tpu.memory_space<semaphore_mem>>)
        %dma_wait3A_145 = arith.constant 0 : i32
        %dma_wait3A_146 = arith.constant 0 : i32
        %dma_wait3A_147 = tpu.memref_slice %arg22[%dma_wait3A_145, %dma_wait3A_146] : memref<64x128xf32, #tpu.memory_space<vmem>> -> memref<56x128xf32, #tpu.memory_space<vmem>>
        %dma_wait3A_148 = arith.constant 0 : i32
        %dma_wait3A_149 = tpu.memref_slice %arg25[%add3A_132, %dma_wait3A_148] : memref<10112x128xf32, #tpu.memory_space<vmem_shared>> -> memref<56x128xf32, #tpu.memory_space<vmem_shared>>
        %dma_wait3A_150 = arith.constant 0 : i32
        %dma_wait3A_151 = arith.constant 0 : i32
        %dma_wait3A_152 = tpu.memref_slice %arg22[%dma_wait3A_150, %dma_wait3A_151] : memref<64x128xf32, #tpu.memory_space<vmem>> -> memref<56x128xf32, #tpu.memory_space<vmem>>
        %dma_wait3A_153 = arith.constant 0 : i32
        %dma_wait3A_154 = tpu.memref_slice %arg25[%add3A_132, %dma_wait3A_153] : memref<10112x128xf32, #tpu.memory_space<vmem_shared>> -> memref<56x128xf32, #tpu.memory_space<vmem_shared>>
        tpu.wait_dma2 semaphore(%run_scoped3A : memref<!tpu.dma_semaphore, #tpu.memory_space<semaphore_mem>>) src(%dma_wait3A_154 : memref<56x128xf32, #tpu.memory_space<vmem_shared>>) dst(%dma_wait3A_152 : memref<56x128xf32, #tpu.memory_space<vmem>>)
        tpu.yield
      }) : () -> ()
      %add3A_133 = arith.constant 576 : i32
      %add3A_134 = arith.addi %mul3A_0, %add3A_133 : i32
      "tpu.region"() ({
        %run_scoped3A = tpu.sem_alloc : memref<!tpu.dma_semaphore, #tpu.memory_space<semaphore_mem>>
        %dma_start3A_135 = arith.constant 0 : i32
        %dma_start3A_136 = arith.constant 0 : i32
        %dma_start3A_137 = tpu.memref_slice %arg22[%dma_start3A_135, %dma_start3A_136] : memref<64x128xf32, #tpu.memory_space<vmem>> -> memref<56x128xf32, #tpu.memory_space<vmem>>
        %dma_start3A_138 = arith.constant 0 : i32
        %dma_start3A_139 = tpu.memref_slice %arg6[%add3A_134, %dma_start3A_138] : memref<10112x128xf32, #tpu.memory_space<hbm>> -> memref<56x128xf32, #tpu.memory_space<hbm>>
        %dma_start3A_140 = arith.constant 0 : i32
        %dma_start3A_141 = tpu.memref_slice %arg6[%add3A_134, %dma_start3A_140] : memref<10112x128xf32, #tpu.memory_space<hbm>> -> memref<56x128xf32, #tpu.memory_space<hbm>>
        %dma_start3A_142 = arith.constant 0 : i32
        %dma_start3A_143 = arith.constant 0 : i32
        %dma_start3A_144 = tpu.memref_slice %arg22[%dma_start3A_142, %dma_start3A_143] : memref<64x128xf32, #tpu.memory_space<vmem>> -> memref<56x128xf32, #tpu.memory_space<vmem>>
        tpu.enqueue_dma source(%dma_start3A_144 : memref<56x128xf32, #tpu.memory_space<vmem>>) target(%dma_start3A_141 : memref<56x128xf32, #tpu.memory_space<hbm>>) target_semaphore(%run_scoped3A : memref<!tpu.dma_semaphore, #tpu.memory_space<semaphore_mem>>)
        %dma_wait3A_145 = arith.constant 0 : i32
        %dma_wait3A_146 = arith.constant 0 : i32
        %dma_wait3A_147 = tpu.memref_slice %arg22[%dma_wait3A_145, %dma_wait3A_146] : memref<64x128xf32, #tpu.memory_space<vmem>> -> memref<56x128xf32, #tpu.memory_space<vmem>>
        %dma_wait3A_148 = arith.constant 0 : i32
        %dma_wait3A_149 = tpu.memref_slice %arg6[%add3A_134, %dma_wait3A_148] : memref<10112x128xf32, #tpu.memory_space<hbm>> -> memref<56x128xf32, #tpu.memory_space<hbm>>
        %dma_wait3A_150 = arith.constant 0 : i32
        %dma_wait3A_151 = tpu.memref_slice %arg6[%add3A_134, %dma_wait3A_150] : memref<10112x128xf32, #tpu.memory_space<hbm>> -> memref<56x128xf32, #tpu.memory_space<hbm>>
        %dma_wait3A_152 = arith.constant 0 : i32
        %dma_wait3A_153 = arith.constant 0 : i32
        %dma_wait3A_154 = tpu.memref_slice %arg22[%dma_wait3A_152, %dma_wait3A_153] : memref<64x128xf32, #tpu.memory_space<vmem>> -> memref<56x128xf32, #tpu.memory_space<vmem>>
        tpu.wait_dma2 semaphore(%run_scoped3A : memref<!tpu.dma_semaphore, #tpu.memory_space<semaphore_mem>>) src(%dma_wait3A_154 : memref<56x128xf32, #tpu.memory_space<vmem>>) dst(%dma_wait3A_151 : memref<56x128xf32, #tpu.memory_space<hbm>>)
        tpu.yield
      }) : () -> ()
    } else {
    }
    %eq3A_90 = arith.constant 1 : i32
    %eq3A_91 = arith.cmpi eq, %arg0, %eq3A_90 : i32
    %convert_element_type3A_92 = arith.extui %eq3A_91 : i1 to i32
    %cond3A_93 = arith.constant 0 : i32
    %cond3A_94 = arith.cmpi ne, %convert_element_type3A_92, %cond3A_93 : i32
    scf.if %cond3A_94 {
      %add3A_95 = arith.constant 0 : i32
      %add3A_96 = arith.addi %mul3A_0, %add3A_95 : i32
      "tpu.region"() ({
        %run_scoped3A = tpu.sem_alloc : memref<!tpu.dma_semaphore, #tpu.memory_space<semaphore_mem>>
        %dma_start3A_135 = arith.constant 0 : i32
        %dma_start3A_136 = tpu.memref_slice %arg25[%add3A_96, %dma_start3A_135] : memref<10112x128xf32, #tpu.memory_space<vmem_shared>> -> memref<64x128xf32, #tpu.memory_space<vmem_shared>>
        %dma_start3A_137 = arith.constant 0 : i32
        %dma_start3A_138 = tpu.memref_slice %arg25[%add3A_96, %dma_start3A_137] : memref<10112x128xf32, #tpu.memory_space<vmem_shared>> -> memref<64x128xf32, #tpu.memory_space<vmem_shared>>
        tpu.enqueue_dma source(%dma_start3A_138 : memref<64x128xf32, #tpu.memory_space<vmem_shared>>) target(%arg22 : memref<64x128xf32, #tpu.memory_space<vmem>>) target_semaphore(%run_scoped3A : memref<!tpu.dma_semaphore, #tpu.memory_space<semaphore_mem>>)
        %dma_wait3A_139 = arith.constant 0 : i32
        %dma_wait3A_140 = tpu.memref_slice %arg25[%add3A_96, %dma_wait3A_139] : memref<10112x128xf32, #tpu.memory_space<vmem_shared>> -> memref<64x128xf32, #tpu.memory_space<vmem_shared>>
        %dma_wait3A_141 = arith.constant 0 : i32
        %dma_wait3A_142 = tpu.memref_slice %arg25[%add3A_96, %dma_wait3A_141] : memref<10112x128xf32, #tpu.memory_space<vmem_shared>> -> memref<64x128xf32, #tpu.memory_space<vmem_shared>>
        tpu.wait_dma2 semaphore(%run_scoped3A : memref<!tpu.dma_semaphore, #tpu.memory_space<semaphore_mem>>) src(%dma_wait3A_142 : memref<64x128xf32, #tpu.memory_space<vmem_shared>>) dst(%arg22 : memref<64x128xf32, #tpu.memory_space<vmem>>)
        tpu.yield
      }) : () -> ()
      %add3A_97 = arith.constant 0 : i32
      %add3A_98 = arith.addi %mul3A_0, %add3A_97 : i32
      "tpu.region"() ({
        %run_scoped3A = tpu.sem_alloc : memref<!tpu.dma_semaphore, #tpu.memory_space<semaphore_mem>>
        %dma_start3A_135 = arith.constant 0 : i32
        %dma_start3A_136 = tpu.memref_slice %arg7[%add3A_98, %dma_start3A_135] : memref<10112x128xf32, #tpu.memory_space<hbm>> -> memref<64x128xf32, #tpu.memory_space<hbm>>
        %dma_start3A_137 = arith.constant 0 : i32
        %dma_start3A_138 = tpu.memref_slice %arg7[%add3A_98, %dma_start3A_137] : memref<10112x128xf32, #tpu.memory_space<hbm>> -> memref<64x128xf32, #tpu.memory_space<hbm>>
        tpu.enqueue_dma source(%arg22 : memref<64x128xf32, #tpu.memory_space<vmem>>) target(%dma_start3A_138 : memref<64x128xf32, #tpu.memory_space<hbm>>) target_semaphore(%run_scoped3A : memref<!tpu.dma_semaphore, #tpu.memory_space<semaphore_mem>>)
        %dma_wait3A_139 = arith.constant 0 : i32
        %dma_wait3A_140 = tpu.memref_slice %arg7[%add3A_98, %dma_wait3A_139] : memref<10112x128xf32, #tpu.memory_space<hbm>> -> memref<64x128xf32, #tpu.memory_space<hbm>>
        %dma_wait3A_141 = arith.constant 0 : i32
        %dma_wait3A_142 = tpu.memref_slice %arg7[%add3A_98, %dma_wait3A_141] : memref<10112x128xf32, #tpu.memory_space<hbm>> -> memref<64x128xf32, #tpu.memory_space<hbm>>
        tpu.wait_dma2 semaphore(%run_scoped3A : memref<!tpu.dma_semaphore, #tpu.memory_space<semaphore_mem>>) src(%arg22 : memref<64x128xf32, #tpu.memory_space<vmem>>) dst(%dma_wait3A_142 : memref<64x128xf32, #tpu.memory_space<hbm>>)
        tpu.yield
      }) : () -> ()
      %add3A_99 = arith.constant 64 : i32
      %add3A_100 = arith.addi %mul3A_0, %add3A_99 : i32
      "tpu.region"() ({
        %run_scoped3A = tpu.sem_alloc : memref<!tpu.dma_semaphore, #tpu.memory_space<semaphore_mem>>
        %dma_start3A_135 = arith.constant 0 : i32
        %dma_start3A_136 = tpu.memref_slice %arg25[%add3A_100, %dma_start3A_135] : memref<10112x128xf32, #tpu.memory_space<vmem_shared>> -> memref<64x128xf32, #tpu.memory_space<vmem_shared>>
        %dma_start3A_137 = arith.constant 0 : i32
        %dma_start3A_138 = tpu.memref_slice %arg25[%add3A_100, %dma_start3A_137] : memref<10112x128xf32, #tpu.memory_space<vmem_shared>> -> memref<64x128xf32, #tpu.memory_space<vmem_shared>>
        tpu.enqueue_dma source(%dma_start3A_138 : memref<64x128xf32, #tpu.memory_space<vmem_shared>>) target(%arg22 : memref<64x128xf32, #tpu.memory_space<vmem>>) target_semaphore(%run_scoped3A : memref<!tpu.dma_semaphore, #tpu.memory_space<semaphore_mem>>)
        %dma_wait3A_139 = arith.constant 0 : i32
        %dma_wait3A_140 = tpu.memref_slice %arg25[%add3A_100, %dma_wait3A_139] : memref<10112x128xf32, #tpu.memory_space<vmem_shared>> -> memref<64x128xf32, #tpu.memory_space<vmem_shared>>
        %dma_wait3A_141 = arith.constant 0 : i32
        %dma_wait3A_142 = tpu.memref_slice %arg25[%add3A_100, %dma_wait3A_141] : memref<10112x128xf32, #tpu.memory_space<vmem_shared>> -> memref<64x128xf32, #tpu.memory_space<vmem_shared>>
        tpu.wait_dma2 semaphore(%run_scoped3A : memref<!tpu.dma_semaphore, #tpu.memory_space<semaphore_mem>>) src(%dma_wait3A_142 : memref<64x128xf32, #tpu.memory_space<vmem_shared>>) dst(%arg22 : memref<64x128xf32, #tpu.memory_space<vmem>>)
        tpu.yield
      }) : () -> ()
      %add3A_101 = arith.constant 64 : i32
      %add3A_102 = arith.addi %mul3A_0, %add3A_101 : i32
      "tpu.region"() ({
        %run_scoped3A = tpu.sem_alloc : memref<!tpu.dma_semaphore, #tpu.memory_space<semaphore_mem>>
        %dma_start3A_135 = arith.constant 0 : i32
        %dma_start3A_136 = tpu.memref_slice %arg7[%add3A_102, %dma_start3A_135] : memref<10112x128xf32, #tpu.memory_space<hbm>> -> memref<64x128xf32, #tpu.memory_space<hbm>>
        %dma_start3A_137 = arith.constant 0 : i32
        %dma_start3A_138 = tpu.memref_slice %arg7[%add3A_102, %dma_start3A_137] : memref<10112x128xf32, #tpu.memory_space<hbm>> -> memref<64x128xf32, #tpu.memory_space<hbm>>
        tpu.enqueue_dma source(%arg22 : memref<64x128xf32, #tpu.memory_space<vmem>>) target(%dma_start3A_138 : memref<64x128xf32, #tpu.memory_space<hbm>>) target_semaphore(%run_scoped3A : memref<!tpu.dma_semaphore, #tpu.memory_space<semaphore_mem>>)
        %dma_wait3A_139 = arith.constant 0 : i32
        %dma_wait3A_140 = tpu.memref_slice %arg7[%add3A_102, %dma_wait3A_139] : memref<10112x128xf32, #tpu.memory_space<hbm>> -> memref<64x128xf32, #tpu.memory_space<hbm>>
        %dma_wait3A_141 = arith.constant 0 : i32
        %dma_wait3A_142 = tpu.memref_slice %arg7[%add3A_102, %dma_wait3A_141] : memref<10112x128xf32, #tpu.memory_space<hbm>> -> memref<64x128xf32, #tpu.memory_space<hbm>>
        tpu.wait_dma2 semaphore(%run_scoped3A : memref<!tpu.dma_semaphore, #tpu.memory_space<semaphore_mem>>) src(%arg22 : memref<64x128xf32, #tpu.memory_space<vmem>>) dst(%dma_wait3A_142 : memref<64x128xf32, #tpu.memory_space<hbm>>)
        tpu.yield
      }) : () -> ()
      %add3A_103 = arith.constant 128 : i32
      %add3A_104 = arith.addi %mul3A_0, %add3A_103 : i32
      "tpu.region"() ({
        %run_scoped3A = tpu.sem_alloc : memref<!tpu.dma_semaphore, #tpu.memory_space<semaphore_mem>>
        %dma_start3A_135 = arith.constant 0 : i32
        %dma_start3A_136 = tpu.memref_slice %arg25[%add3A_104, %dma_start3A_135] : memref<10112x128xf32, #tpu.memory_space<vmem_shared>> -> memref<64x128xf32, #tpu.memory_space<vmem_shared>>
        %dma_start3A_137 = arith.constant 0 : i32
        %dma_start3A_138 = tpu.memref_slice %arg25[%add3A_104, %dma_start3A_137] : memref<10112x128xf32, #tpu.memory_space<vmem_shared>> -> memref<64x128xf32, #tpu.memory_space<vmem_shared>>
        tpu.enqueue_dma source(%dma_start3A_138 : memref<64x128xf32, #tpu.memory_space<vmem_shared>>) target(%arg22 : memref<64x128xf32, #tpu.memory_space<vmem>>) target_semaphore(%run_scoped3A : memref<!tpu.dma_semaphore, #tpu.memory_space<semaphore_mem>>)
        %dma_wait3A_139 = arith.constant 0 : i32
        %dma_wait3A_140 = tpu.memref_slice %arg25[%add3A_104, %dma_wait3A_139] : memref<10112x128xf32, #tpu.memory_space<vmem_shared>> -> memref<64x128xf32, #tpu.memory_space<vmem_shared>>
        %dma_wait3A_141 = arith.constant 0 : i32
        %dma_wait3A_142 = tpu.memref_slice %arg25[%add3A_104, %dma_wait3A_141] : memref<10112x128xf32, #tpu.memory_space<vmem_shared>> -> memref<64x128xf32, #tpu.memory_space<vmem_shared>>
        tpu.wait_dma2 semaphore(%run_scoped3A : memref<!tpu.dma_semaphore, #tpu.memory_space<semaphore_mem>>) src(%dma_wait3A_142 : memref<64x128xf32, #tpu.memory_space<vmem_shared>>) dst(%arg22 : memref<64x128xf32, #tpu.memory_space<vmem>>)
        tpu.yield
      }) : () -> ()
      %add3A_105 = arith.constant 128 : i32
      %add3A_106 = arith.addi %mul3A_0, %add3A_105 : i32
      "tpu.region"() ({
        %run_scoped3A = tpu.sem_alloc : memref<!tpu.dma_semaphore, #tpu.memory_space<semaphore_mem>>
        %dma_start3A_135 = arith.constant 0 : i32
        %dma_start3A_136 = tpu.memref_slice %arg7[%add3A_106, %dma_start3A_135] : memref<10112x128xf32, #tpu.memory_space<hbm>> -> memref<64x128xf32, #tpu.memory_space<hbm>>
        %dma_start3A_137 = arith.constant 0 : i32
        %dma_start3A_138 = tpu.memref_slice %arg7[%add3A_106, %dma_start3A_137] : memref<10112x128xf32, #tpu.memory_space<hbm>> -> memref<64x128xf32, #tpu.memory_space<hbm>>
        tpu.enqueue_dma source(%arg22 : memref<64x128xf32, #tpu.memory_space<vmem>>) target(%dma_start3A_138 : memref<64x128xf32, #tpu.memory_space<hbm>>) target_semaphore(%run_scoped3A : memref<!tpu.dma_semaphore, #tpu.memory_space<semaphore_mem>>)
        %dma_wait3A_139 = arith.constant 0 : i32
        %dma_wait3A_140 = tpu.memref_slice %arg7[%add3A_106, %dma_wait3A_139] : memref<10112x128xf32, #tpu.memory_space<hbm>> -> memref<64x128xf32, #tpu.memory_space<hbm>>
        %dma_wait3A_141 = arith.constant 0 : i32
        %dma_wait3A_142 = tpu.memref_slice %arg7[%add3A_106, %dma_wait3A_141] : memref<10112x128xf32, #tpu.memory_space<hbm>> -> memref<64x128xf32, #tpu.memory_space<hbm>>
        tpu.wait_dma2 semaphore(%run_scoped3A : memref<!tpu.dma_semaphore, #tpu.memory_space<semaphore_mem>>) src(%arg22 : memref<64x128xf32, #tpu.memory_space<vmem>>) dst(%dma_wait3A_142 : memref<64x128xf32, #tpu.memory_space<hbm>>)
        tpu.yield
      }) : () -> ()
      %add3A_107 = arith.constant 192 : i32
      %add3A_108 = arith.addi %mul3A_0, %add3A_107 : i32
      "tpu.region"() ({
        %run_scoped3A = tpu.sem_alloc : memref<!tpu.dma_semaphore, #tpu.memory_space<semaphore_mem>>
        %dma_start3A_135 = arith.constant 0 : i32
        %dma_start3A_136 = tpu.memref_slice %arg25[%add3A_108, %dma_start3A_135] : memref<10112x128xf32, #tpu.memory_space<vmem_shared>> -> memref<64x128xf32, #tpu.memory_space<vmem_shared>>
        %dma_start3A_137 = arith.constant 0 : i32
        %dma_start3A_138 = tpu.memref_slice %arg25[%add3A_108, %dma_start3A_137] : memref<10112x128xf32, #tpu.memory_space<vmem_shared>> -> memref<64x128xf32, #tpu.memory_space<vmem_shared>>
        tpu.enqueue_dma source(%dma_start3A_138 : memref<64x128xf32, #tpu.memory_space<vmem_shared>>) target(%arg22 : memref<64x128xf32, #tpu.memory_space<vmem>>) target_semaphore(%run_scoped3A : memref<!tpu.dma_semaphore, #tpu.memory_space<semaphore_mem>>)
        %dma_wait3A_139 = arith.constant 0 : i32
        %dma_wait3A_140 = tpu.memref_slice %arg25[%add3A_108, %dma_wait3A_139] : memref<10112x128xf32, #tpu.memory_space<vmem_shared>> -> memref<64x128xf32, #tpu.memory_space<vmem_shared>>
        %dma_wait3A_141 = arith.constant 0 : i32
        %dma_wait3A_142 = tpu.memref_slice %arg25[%add3A_108, %dma_wait3A_141] : memref<10112x128xf32, #tpu.memory_space<vmem_shared>> -> memref<64x128xf32, #tpu.memory_space<vmem_shared>>
        tpu.wait_dma2 semaphore(%run_scoped3A : memref<!tpu.dma_semaphore, #tpu.memory_space<semaphore_mem>>) src(%dma_wait3A_142 : memref<64x128xf32, #tpu.memory_space<vmem_shared>>) dst(%arg22 : memref<64x128xf32, #tpu.memory_space<vmem>>)
        tpu.yield
      }) : () -> ()
      %add3A_109 = arith.constant 192 : i32
      %add3A_110 = arith.addi %mul3A_0, %add3A_109 : i32
      "tpu.region"() ({
        %run_scoped3A = tpu.sem_alloc : memref<!tpu.dma_semaphore, #tpu.memory_space<semaphore_mem>>
        %dma_start3A_135 = arith.constant 0 : i32
        %dma_start3A_136 = tpu.memref_slice %arg7[%add3A_110, %dma_start3A_135] : memref<10112x128xf32, #tpu.memory_space<hbm>> -> memref<64x128xf32, #tpu.memory_space<hbm>>
        %dma_start3A_137 = arith.constant 0 : i32
        %dma_start3A_138 = tpu.memref_slice %arg7[%add3A_110, %dma_start3A_137] : memref<10112x128xf32, #tpu.memory_space<hbm>> -> memref<64x128xf32, #tpu.memory_space<hbm>>
        tpu.enqueue_dma source(%arg22 : memref<64x128xf32, #tpu.memory_space<vmem>>) target(%dma_start3A_138 : memref<64x128xf32, #tpu.memory_space<hbm>>) target_semaphore(%run_scoped3A : memref<!tpu.dma_semaphore, #tpu.memory_space<semaphore_mem>>)
        %dma_wait3A_139 = arith.constant 0 : i32
        %dma_wait3A_140 = tpu.memref_slice %arg7[%add3A_110, %dma_wait3A_139] : memref<10112x128xf32, #tpu.memory_space<hbm>> -> memref<64x128xf32, #tpu.memory_space<hbm>>
        %dma_wait3A_141 = arith.constant 0 : i32
        %dma_wait3A_142 = tpu.memref_slice %arg7[%add3A_110, %dma_wait3A_141] : memref<10112x128xf32, #tpu.memory_space<hbm>> -> memref<64x128xf32, #tpu.memory_space<hbm>>
        tpu.wait_dma2 semaphore(%run_scoped3A : memref<!tpu.dma_semaphore, #tpu.memory_space<semaphore_mem>>) src(%arg22 : memref<64x128xf32, #tpu.memory_space<vmem>>) dst(%dma_wait3A_142 : memref<64x128xf32, #tpu.memory_space<hbm>>)
        tpu.yield
      }) : () -> ()
      %add3A_111 = arith.constant 256 : i32
      %add3A_112 = arith.addi %mul3A_0, %add3A_111 : i32
      "tpu.region"() ({
        %run_scoped3A = tpu.sem_alloc : memref<!tpu.dma_semaphore, #tpu.memory_space<semaphore_mem>>
        %dma_start3A_135 = arith.constant 0 : i32
        %dma_start3A_136 = tpu.memref_slice %arg25[%add3A_112, %dma_start3A_135] : memref<10112x128xf32, #tpu.memory_space<vmem_shared>> -> memref<64x128xf32, #tpu.memory_space<vmem_shared>>
        %dma_start3A_137 = arith.constant 0 : i32
        %dma_start3A_138 = tpu.memref_slice %arg25[%add3A_112, %dma_start3A_137] : memref<10112x128xf32, #tpu.memory_space<vmem_shared>> -> memref<64x128xf32, #tpu.memory_space<vmem_shared>>
        tpu.enqueue_dma source(%dma_start3A_138 : memref<64x128xf32, #tpu.memory_space<vmem_shared>>) target(%arg22 : memref<64x128xf32, #tpu.memory_space<vmem>>) target_semaphore(%run_scoped3A : memref<!tpu.dma_semaphore, #tpu.memory_space<semaphore_mem>>)
        %dma_wait3A_139 = arith.constant 0 : i32
        %dma_wait3A_140 = tpu.memref_slice %arg25[%add3A_112, %dma_wait3A_139] : memref<10112x128xf32, #tpu.memory_space<vmem_shared>> -> memref<64x128xf32, #tpu.memory_space<vmem_shared>>
        %dma_wait3A_141 = arith.constant 0 : i32
        %dma_wait3A_142 = tpu.memref_slice %arg25[%add3A_112, %dma_wait3A_141] : memref<10112x128xf32, #tpu.memory_space<vmem_shared>> -> memref<64x128xf32, #tpu.memory_space<vmem_shared>>
        tpu.wait_dma2 semaphore(%run_scoped3A : memref<!tpu.dma_semaphore, #tpu.memory_space<semaphore_mem>>) src(%dma_wait3A_142 : memref<64x128xf32, #tpu.memory_space<vmem_shared>>) dst(%arg22 : memref<64x128xf32, #tpu.memory_space<vmem>>)
        tpu.yield
      }) : () -> ()
      %add3A_113 = arith.constant 256 : i32
      %add3A_114 = arith.addi %mul3A_0, %add3A_113 : i32
      "tpu.region"() ({
        %run_scoped3A = tpu.sem_alloc : memref<!tpu.dma_semaphore, #tpu.memory_space<semaphore_mem>>
        %dma_start3A_135 = arith.constant 0 : i32
        %dma_start3A_136 = tpu.memref_slice %arg7[%add3A_114, %dma_start3A_135] : memref<10112x128xf32, #tpu.memory_space<hbm>> -> memref<64x128xf32, #tpu.memory_space<hbm>>
        %dma_start3A_137 = arith.constant 0 : i32
        %dma_start3A_138 = tpu.memref_slice %arg7[%add3A_114, %dma_start3A_137] : memref<10112x128xf32, #tpu.memory_space<hbm>> -> memref<64x128xf32, #tpu.memory_space<hbm>>
        tpu.enqueue_dma source(%arg22 : memref<64x128xf32, #tpu.memory_space<vmem>>) target(%dma_start3A_138 : memref<64x128xf32, #tpu.memory_space<hbm>>) target_semaphore(%run_scoped3A : memref<!tpu.dma_semaphore, #tpu.memory_space<semaphore_mem>>)
        %dma_wait3A_139 = arith.constant 0 : i32
        %dma_wait3A_140 = tpu.memref_slice %arg7[%add3A_114, %dma_wait3A_139] : memref<10112x128xf32, #tpu.memory_space<hbm>> -> memref<64x128xf32, #tpu.memory_space<hbm>>
        %dma_wait3A_141 = arith.constant 0 : i32
        %dma_wait3A_142 = tpu.memref_slice %arg7[%add3A_114, %dma_wait3A_141] : memref<10112x128xf32, #tpu.memory_space<hbm>> -> memref<64x128xf32, #tpu.memory_space<hbm>>
        tpu.wait_dma2 semaphore(%run_scoped3A : memref<!tpu.dma_semaphore, #tpu.memory_space<semaphore_mem>>) src(%arg22 : memref<64x128xf32, #tpu.memory_space<vmem>>) dst(%dma_wait3A_142 : memref<64x128xf32, #tpu.memory_space<hbm>>)
        tpu.yield
      }) : () -> ()
      %add3A_115 = arith.constant 320 : i32
      %add3A_116 = arith.addi %mul3A_0, %add3A_115 : i32
      "tpu.region"() ({
        %run_scoped3A = tpu.sem_alloc : memref<!tpu.dma_semaphore, #tpu.memory_space<semaphore_mem>>
        %dma_start3A_135 = arith.constant 0 : i32
        %dma_start3A_136 = tpu.memref_slice %arg25[%add3A_116, %dma_start3A_135] : memref<10112x128xf32, #tpu.memory_space<vmem_shared>> -> memref<64x128xf32, #tpu.memory_space<vmem_shared>>
        %dma_start3A_137 = arith.constant 0 : i32
        %dma_start3A_138 = tpu.memref_slice %arg25[%add3A_116, %dma_start3A_137] : memref<10112x128xf32, #tpu.memory_space<vmem_shared>> -> memref<64x128xf32, #tpu.memory_space<vmem_shared>>
        tpu.enqueue_dma source(%dma_start3A_138 : memref<64x128xf32, #tpu.memory_space<vmem_shared>>) target(%arg22 : memref<64x128xf32, #tpu.memory_space<vmem>>) target_semaphore(%run_scoped3A : memref<!tpu.dma_semaphore, #tpu.memory_space<semaphore_mem>>)
        %dma_wait3A_139 = arith.constant 0 : i32
        %dma_wait3A_140 = tpu.memref_slice %arg25[%add3A_116, %dma_wait3A_139] : memref<10112x128xf32, #tpu.memory_space<vmem_shared>> -> memref<64x128xf32, #tpu.memory_space<vmem_shared>>
        %dma_wait3A_141 = arith.constant 0 : i32
        %dma_wait3A_142 = tpu.memref_slice %arg25[%add3A_116, %dma_wait3A_141] : memref<10112x128xf32, #tpu.memory_space<vmem_shared>> -> memref<64x128xf32, #tpu.memory_space<vmem_shared>>
        tpu.wait_dma2 semaphore(%run_scoped3A : memref<!tpu.dma_semaphore, #tpu.memory_space<semaphore_mem>>) src(%dma_wait3A_142 : memref<64x128xf32, #tpu.memory_space<vmem_shared>>) dst(%arg22 : memref<64x128xf32, #tpu.memory_space<vmem>>)
        tpu.yield
      }) : () -> ()
      %add3A_117 = arith.constant 320 : i32
      %add3A_118 = arith.addi %mul3A_0, %add3A_117 : i32
      "tpu.region"() ({
        %run_scoped3A = tpu.sem_alloc : memref<!tpu.dma_semaphore, #tpu.memory_space<semaphore_mem>>
        %dma_start3A_135 = arith.constant 0 : i32
        %dma_start3A_136 = tpu.memref_slice %arg7[%add3A_118, %dma_start3A_135] : memref<10112x128xf32, #tpu.memory_space<hbm>> -> memref<64x128xf32, #tpu.memory_space<hbm>>
        %dma_start3A_137 = arith.constant 0 : i32
        %dma_start3A_138 = tpu.memref_slice %arg7[%add3A_118, %dma_start3A_137] : memref<10112x128xf32, #tpu.memory_space<hbm>> -> memref<64x128xf32, #tpu.memory_space<hbm>>
        tpu.enqueue_dma source(%arg22 : memref<64x128xf32, #tpu.memory_space<vmem>>) target(%dma_start3A_138 : memref<64x128xf32, #tpu.memory_space<hbm>>) target_semaphore(%run_scoped3A : memref<!tpu.dma_semaphore, #tpu.memory_space<semaphore_mem>>)
        %dma_wait3A_139 = arith.constant 0 : i32
        %dma_wait3A_140 = tpu.memref_slice %arg7[%add3A_118, %dma_wait3A_139] : memref<10112x128xf32, #tpu.memory_space<hbm>> -> memref<64x128xf32, #tpu.memory_space<hbm>>
        %dma_wait3A_141 = arith.constant 0 : i32
        %dma_wait3A_142 = tpu.memref_slice %arg7[%add3A_118, %dma_wait3A_141] : memref<10112x128xf32, #tpu.memory_space<hbm>> -> memref<64x128xf32, #tpu.memory_space<hbm>>
        tpu.wait_dma2 semaphore(%run_scoped3A : memref<!tpu.dma_semaphore, #tpu.memory_space<semaphore_mem>>) src(%arg22 : memref<64x128xf32, #tpu.memory_space<vmem>>) dst(%dma_wait3A_142 : memref<64x128xf32, #tpu.memory_space<hbm>>)
        tpu.yield
      }) : () -> ()
      %add3A_119 = arith.constant 384 : i32
      %add3A_120 = arith.addi %mul3A_0, %add3A_119 : i32
      "tpu.region"() ({
        %run_scoped3A = tpu.sem_alloc : memref<!tpu.dma_semaphore, #tpu.memory_space<semaphore_mem>>
        %dma_start3A_135 = arith.constant 0 : i32
        %dma_start3A_136 = tpu.memref_slice %arg25[%add3A_120, %dma_start3A_135] : memref<10112x128xf32, #tpu.memory_space<vmem_shared>> -> memref<64x128xf32, #tpu.memory_space<vmem_shared>>
        %dma_start3A_137 = arith.constant 0 : i32
        %dma_start3A_138 = tpu.memref_slice %arg25[%add3A_120, %dma_start3A_137] : memref<10112x128xf32, #tpu.memory_space<vmem_shared>> -> memref<64x128xf32, #tpu.memory_space<vmem_shared>>
        tpu.enqueue_dma source(%dma_start3A_138 : memref<64x128xf32, #tpu.memory_space<vmem_shared>>) target(%arg22 : memref<64x128xf32, #tpu.memory_space<vmem>>) target_semaphore(%run_scoped3A : memref<!tpu.dma_semaphore, #tpu.memory_space<semaphore_mem>>)
        %dma_wait3A_139 = arith.constant 0 : i32
        %dma_wait3A_140 = tpu.memref_slice %arg25[%add3A_120, %dma_wait3A_139] : memref<10112x128xf32, #tpu.memory_space<vmem_shared>> -> memref<64x128xf32, #tpu.memory_space<vmem_shared>>
        %dma_wait3A_141 = arith.constant 0 : i32
        %dma_wait3A_142 = tpu.memref_slice %arg25[%add3A_120, %dma_wait3A_141] : memref<10112x128xf32, #tpu.memory_space<vmem_shared>> -> memref<64x128xf32, #tpu.memory_space<vmem_shared>>
        tpu.wait_dma2 semaphore(%run_scoped3A : memref<!tpu.dma_semaphore, #tpu.memory_space<semaphore_mem>>) src(%dma_wait3A_142 : memref<64x128xf32, #tpu.memory_space<vmem_shared>>) dst(%arg22 : memref<64x128xf32, #tpu.memory_space<vmem>>)
        tpu.yield
      }) : () -> ()
      %add3A_121 = arith.constant 384 : i32
      %add3A_122 = arith.addi %mul3A_0, %add3A_121 : i32
      "tpu.region"() ({
        %run_scoped3A = tpu.sem_alloc : memref<!tpu.dma_semaphore, #tpu.memory_space<semaphore_mem>>
        %dma_start3A_135 = arith.constant 0 : i32
        %dma_start3A_136 = tpu.memref_slice %arg7[%add3A_122, %dma_start3A_135] : memref<10112x128xf32, #tpu.memory_space<hbm>> -> memref<64x128xf32, #tpu.memory_space<hbm>>
        %dma_start3A_137 = arith.constant 0 : i32
        %dma_start3A_138 = tpu.memref_slice %arg7[%add3A_122, %dma_start3A_137] : memref<10112x128xf32, #tpu.memory_space<hbm>> -> memref<64x128xf32, #tpu.memory_space<hbm>>
        tpu.enqueue_dma source(%arg22 : memref<64x128xf32, #tpu.memory_space<vmem>>) target(%dma_start3A_138 : memref<64x128xf32, #tpu.memory_space<hbm>>) target_semaphore(%run_scoped3A : memref<!tpu.dma_semaphore, #tpu.memory_space<semaphore_mem>>)
        %dma_wait3A_139 = arith.constant 0 : i32
        %dma_wait3A_140 = tpu.memref_slice %arg7[%add3A_122, %dma_wait3A_139] : memref<10112x128xf32, #tpu.memory_space<hbm>> -> memref<64x128xf32, #tpu.memory_space<hbm>>
        %dma_wait3A_141 = arith.constant 0 : i32
        %dma_wait3A_142 = tpu.memref_slice %arg7[%add3A_122, %dma_wait3A_141] : memref<10112x128xf32, #tpu.memory_space<hbm>> -> memref<64x128xf32, #tpu.memory_space<hbm>>
        tpu.wait_dma2 semaphore(%run_scoped3A : memref<!tpu.dma_semaphore, #tpu.memory_space<semaphore_mem>>) src(%arg22 : memref<64x128xf32, #tpu.memory_space<vmem>>) dst(%dma_wait3A_142 : memref<64x128xf32, #tpu.memory_space<hbm>>)
        tpu.yield
      }) : () -> ()
      %add3A_123 = arith.constant 448 : i32
      %add3A_124 = arith.addi %mul3A_0, %add3A_123 : i32
      "tpu.region"() ({
        %run_scoped3A = tpu.sem_alloc : memref<!tpu.dma_semaphore, #tpu.memory_space<semaphore_mem>>
        %dma_start3A_135 = arith.constant 0 : i32
        %dma_start3A_136 = tpu.memref_slice %arg25[%add3A_124, %dma_start3A_135] : memref<10112x128xf32, #tpu.memory_space<vmem_shared>> -> memref<64x128xf32, #tpu.memory_space<vmem_shared>>
        %dma_start3A_137 = arith.constant 0 : i32
        %dma_start3A_138 = tpu.memref_slice %arg25[%add3A_124, %dma_start3A_137] : memref<10112x128xf32, #tpu.memory_space<vmem_shared>> -> memref<64x128xf32, #tpu.memory_space<vmem_shared>>
        tpu.enqueue_dma source(%dma_start3A_138 : memref<64x128xf32, #tpu.memory_space<vmem_shared>>) target(%arg22 : memref<64x128xf32, #tpu.memory_space<vmem>>) target_semaphore(%run_scoped3A : memref<!tpu.dma_semaphore, #tpu.memory_space<semaphore_mem>>)
        %dma_wait3A_139 = arith.constant 0 : i32
        %dma_wait3A_140 = tpu.memref_slice %arg25[%add3A_124, %dma_wait3A_139] : memref<10112x128xf32, #tpu.memory_space<vmem_shared>> -> memref<64x128xf32, #tpu.memory_space<vmem_shared>>
        %dma_wait3A_141 = arith.constant 0 : i32
        %dma_wait3A_142 = tpu.memref_slice %arg25[%add3A_124, %dma_wait3A_141] : memref<10112x128xf32, #tpu.memory_space<vmem_shared>> -> memref<64x128xf32, #tpu.memory_space<vmem_shared>>
        tpu.wait_dma2 semaphore(%run_scoped3A : memref<!tpu.dma_semaphore, #tpu.memory_space<semaphore_mem>>) src(%dma_wait3A_142 : memref<64x128xf32, #tpu.memory_space<vmem_shared>>) dst(%arg22 : memref<64x128xf32, #tpu.memory_space<vmem>>)
        tpu.yield
      }) : () -> ()
      %add3A_125 = arith.constant 448 : i32
      %add3A_126 = arith.addi %mul3A_0, %add3A_125 : i32
      "tpu.region"() ({
        %run_scoped3A = tpu.sem_alloc : memref<!tpu.dma_semaphore, #tpu.memory_space<semaphore_mem>>
        %dma_start3A_135 = arith.constant 0 : i32
        %dma_start3A_136 = tpu.memref_slice %arg7[%add3A_126, %dma_start3A_135] : memref<10112x128xf32, #tpu.memory_space<hbm>> -> memref<64x128xf32, #tpu.memory_space<hbm>>
        %dma_start3A_137 = arith.constant 0 : i32
        %dma_start3A_138 = tpu.memref_slice %arg7[%add3A_126, %dma_start3A_137] : memref<10112x128xf32, #tpu.memory_space<hbm>> -> memref<64x128xf32, #tpu.memory_space<hbm>>
        tpu.enqueue_dma source(%arg22 : memref<64x128xf32, #tpu.memory_space<vmem>>) target(%dma_start3A_138 : memref<64x128xf32, #tpu.memory_space<hbm>>) target_semaphore(%run_scoped3A : memref<!tpu.dma_semaphore, #tpu.memory_space<semaphore_mem>>)
        %dma_wait3A_139 = arith.constant 0 : i32
        %dma_wait3A_140 = tpu.memref_slice %arg7[%add3A_126, %dma_wait3A_139] : memref<10112x128xf32, #tpu.memory_space<hbm>> -> memref<64x128xf32, #tpu.memory_space<hbm>>
        %dma_wait3A_141 = arith.constant 0 : i32
        %dma_wait3A_142 = tpu.memref_slice %arg7[%add3A_126, %dma_wait3A_141] : memref<10112x128xf32, #tpu.memory_space<hbm>> -> memref<64x128xf32, #tpu.memory_space<hbm>>
        tpu.wait_dma2 semaphore(%run_scoped3A : memref<!tpu.dma_semaphore, #tpu.memory_space<semaphore_mem>>) src(%arg22 : memref<64x128xf32, #tpu.memory_space<vmem>>) dst(%dma_wait3A_142 : memref<64x128xf32, #tpu.memory_space<hbm>>)
        tpu.yield
      }) : () -> ()
      %add3A_127 = arith.constant 512 : i32
      %add3A_128 = arith.addi %mul3A_0, %add3A_127 : i32
      "tpu.region"() ({
        %run_scoped3A = tpu.sem_alloc : memref<!tpu.dma_semaphore, #tpu.memory_space<semaphore_mem>>
        %dma_start3A_135 = arith.constant 0 : i32
        %dma_start3A_136 = tpu.memref_slice %arg25[%add3A_128, %dma_start3A_135] : memref<10112x128xf32, #tpu.memory_space<vmem_shared>> -> memref<64x128xf32, #tpu.memory_space<vmem_shared>>
        %dma_start3A_137 = arith.constant 0 : i32
        %dma_start3A_138 = tpu.memref_slice %arg25[%add3A_128, %dma_start3A_137] : memref<10112x128xf32, #tpu.memory_space<vmem_shared>> -> memref<64x128xf32, #tpu.memory_space<vmem_shared>>
        tpu.enqueue_dma source(%dma_start3A_138 : memref<64x128xf32, #tpu.memory_space<vmem_shared>>) target(%arg22 : memref<64x128xf32, #tpu.memory_space<vmem>>) target_semaphore(%run_scoped3A : memref<!tpu.dma_semaphore, #tpu.memory_space<semaphore_mem>>)
        %dma_wait3A_139 = arith.constant 0 : i32
        %dma_wait3A_140 = tpu.memref_slice %arg25[%add3A_128, %dma_wait3A_139] : memref<10112x128xf32, #tpu.memory_space<vmem_shared>> -> memref<64x128xf32, #tpu.memory_space<vmem_shared>>
        %dma_wait3A_141 = arith.constant 0 : i32
        %dma_wait3A_142 = tpu.memref_slice %arg25[%add3A_128, %dma_wait3A_141] : memref<10112x128xf32, #tpu.memory_space<vmem_shared>> -> memref<64x128xf32, #tpu.memory_space<vmem_shared>>
        tpu.wait_dma2 semaphore(%run_scoped3A : memref<!tpu.dma_semaphore, #tpu.memory_space<semaphore_mem>>) src(%dma_wait3A_142 : memref<64x128xf32, #tpu.memory_space<vmem_shared>>) dst(%arg22 : memref<64x128xf32, #tpu.memory_space<vmem>>)
        tpu.yield
      }) : () -> ()
      %add3A_129 = arith.constant 512 : i32
      %add3A_130 = arith.addi %mul3A_0, %add3A_129 : i32
      "tpu.region"() ({
        %run_scoped3A = tpu.sem_alloc : memref<!tpu.dma_semaphore, #tpu.memory_space<semaphore_mem>>
        %dma_start3A_135 = arith.constant 0 : i32
        %dma_start3A_136 = tpu.memref_slice %arg7[%add3A_130, %dma_start3A_135] : memref<10112x128xf32, #tpu.memory_space<hbm>> -> memref<64x128xf32, #tpu.memory_space<hbm>>
        %dma_start3A_137 = arith.constant 0 : i32
        %dma_start3A_138 = tpu.memref_slice %arg7[%add3A_130, %dma_start3A_137] : memref<10112x128xf32, #tpu.memory_space<hbm>> -> memref<64x128xf32, #tpu.memory_space<hbm>>
        tpu.enqueue_dma source(%arg22 : memref<64x128xf32, #tpu.memory_space<vmem>>) target(%dma_start3A_138 : memref<64x128xf32, #tpu.memory_space<hbm>>) target_semaphore(%run_scoped3A : memref<!tpu.dma_semaphore, #tpu.memory_space<semaphore_mem>>)
        %dma_wait3A_139 = arith.constant 0 : i32
        %dma_wait3A_140 = tpu.memref_slice %arg7[%add3A_130, %dma_wait3A_139] : memref<10112x128xf32, #tpu.memory_space<hbm>> -> memref<64x128xf32, #tpu.memory_space<hbm>>
        %dma_wait3A_141 = arith.constant 0 : i32
        %dma_wait3A_142 = tpu.memref_slice %arg7[%add3A_130, %dma_wait3A_141] : memref<10112x128xf32, #tpu.memory_space<hbm>> -> memref<64x128xf32, #tpu.memory_space<hbm>>
        tpu.wait_dma2 semaphore(%run_scoped3A : memref<!tpu.dma_semaphore, #tpu.memory_space<semaphore_mem>>) src(%arg22 : memref<64x128xf32, #tpu.memory_space<vmem>>) dst(%dma_wait3A_142 : memref<64x128xf32, #tpu.memory_space<hbm>>)
        tpu.yield
      }) : () -> ()
      %add3A_131 = arith.constant 576 : i32
      %add3A_132 = arith.addi %mul3A_0, %add3A_131 : i32
      "tpu.region"() ({
        %run_scoped3A = tpu.sem_alloc : memref<!tpu.dma_semaphore, #tpu.memory_space<semaphore_mem>>
        %dma_start3A_135 = arith.constant 0 : i32
        %dma_start3A_136 = arith.constant 0 : i32
        %dma_start3A_137 = tpu.memref_slice %arg22[%dma_start3A_135, %dma_start3A_136] : memref<64x128xf32, #tpu.memory_space<vmem>> -> memref<56x128xf32, #tpu.memory_space<vmem>>
        %dma_start3A_138 = arith.constant 0 : i32
        %dma_start3A_139 = tpu.memref_slice %arg25[%add3A_132, %dma_start3A_138] : memref<10112x128xf32, #tpu.memory_space<vmem_shared>> -> memref<56x128xf32, #tpu.memory_space<vmem_shared>>
        %dma_start3A_140 = arith.constant 0 : i32
        %dma_start3A_141 = arith.constant 0 : i32
        %dma_start3A_142 = tpu.memref_slice %arg22[%dma_start3A_140, %dma_start3A_141] : memref<64x128xf32, #tpu.memory_space<vmem>> -> memref<56x128xf32, #tpu.memory_space<vmem>>
        %dma_start3A_143 = arith.constant 0 : i32
        %dma_start3A_144 = tpu.memref_slice %arg25[%add3A_132, %dma_start3A_143] : memref<10112x128xf32, #tpu.memory_space<vmem_shared>> -> memref<56x128xf32, #tpu.memory_space<vmem_shared>>
        tpu.enqueue_dma source(%dma_start3A_144 : memref<56x128xf32, #tpu.memory_space<vmem_shared>>) target(%dma_start3A_142 : memref<56x128xf32, #tpu.memory_space<vmem>>) target_semaphore(%run_scoped3A : memref<!tpu.dma_semaphore, #tpu.memory_space<semaphore_mem>>)
        %dma_wait3A_145 = arith.constant 0 : i32
        %dma_wait3A_146 = arith.constant 0 : i32
        %dma_wait3A_147 = tpu.memref_slice %arg22[%dma_wait3A_145, %dma_wait3A_146] : memref<64x128xf32, #tpu.memory_space<vmem>> -> memref<56x128xf32, #tpu.memory_space<vmem>>
        %dma_wait3A_148 = arith.constant 0 : i32
        %dma_wait3A_149 = tpu.memref_slice %arg25[%add3A_132, %dma_wait3A_148] : memref<10112x128xf32, #tpu.memory_space<vmem_shared>> -> memref<56x128xf32, #tpu.memory_space<vmem_shared>>
        %dma_wait3A_150 = arith.constant 0 : i32
        %dma_wait3A_151 = arith.constant 0 : i32
        %dma_wait3A_152 = tpu.memref_slice %arg22[%dma_wait3A_150, %dma_wait3A_151] : memref<64x128xf32, #tpu.memory_space<vmem>> -> memref<56x128xf32, #tpu.memory_space<vmem>>
        %dma_wait3A_153 = arith.constant 0 : i32
        %dma_wait3A_154 = tpu.memref_slice %arg25[%add3A_132, %dma_wait3A_153] : memref<10112x128xf32, #tpu.memory_space<vmem_shared>> -> memref<56x128xf32, #tpu.memory_space<vmem_shared>>
        tpu.wait_dma2 semaphore(%run_scoped3A : memref<!tpu.dma_semaphore, #tpu.memory_space<semaphore_mem>>) src(%dma_wait3A_154 : memref<56x128xf32, #tpu.memory_space<vmem_shared>>) dst(%dma_wait3A_152 : memref<56x128xf32, #tpu.memory_space<vmem>>)
        tpu.yield
      }) : () -> ()
      %add3A_133 = arith.constant 576 : i32
      %add3A_134 = arith.addi %mul3A_0, %add3A_133 : i32
      "tpu.region"() ({
        %run_scoped3A = tpu.sem_alloc : memref<!tpu.dma_semaphore, #tpu.memory_space<semaphore_mem>>
        %dma_start3A_135 = arith.constant 0 : i32
        %dma_start3A_136 = arith.constant 0 : i32
        %dma_start3A_137 = tpu.memref_slice %arg22[%dma_start3A_135, %dma_start3A_136] : memref<64x128xf32, #tpu.memory_space<vmem>> -> memref<56x128xf32, #tpu.memory_space<vmem>>
        %dma_start3A_138 = arith.constant 0 : i32
        %dma_start3A_139 = tpu.memref_slice %arg7[%add3A_134, %dma_start3A_138] : memref<10112x128xf32, #tpu.memory_space<hbm>> -> memref<56x128xf32, #tpu.memory_space<hbm>>
        %dma_start3A_140 = arith.constant 0 : i32
        %dma_start3A_141 = tpu.memref_slice %arg7[%add3A_134, %dma_start3A_140] : memref<10112x128xf32, #tpu.memory_space<hbm>> -> memref<56x128xf32, #tpu.memory_space<hbm>>
        %dma_start3A_142 = arith.constant 0 : i32
        %dma_start3A_143 = arith.constant 0 : i32
        %dma_start3A_144 = tpu.memref_slice %arg22[%dma_start3A_142, %dma_start3A_143] : memref<64x128xf32, #tpu.memory_space<vmem>> -> memref<56x128xf32, #tpu.memory_space<vmem>>
        tpu.enqueue_dma source(%dma_start3A_144 : memref<56x128xf32, #tpu.memory_space<vmem>>) target(%dma_start3A_141 : memref<56x128xf32, #tpu.memory_space<hbm>>) target_semaphore(%run_scoped3A : memref<!tpu.dma_semaphore, #tpu.memory_space<semaphore_mem>>)
        %dma_wait3A_145 = arith.constant 0 : i32
        %dma_wait3A_146 = arith.constant 0 : i32
        %dma_wait3A_147 = tpu.memref_slice %arg22[%dma_wait3A_145, %dma_wait3A_146] : memref<64x128xf32, #tpu.memory_space<vmem>> -> memref<56x128xf32, #tpu.memory_space<vmem>>
        %dma_wait3A_148 = arith.constant 0 : i32
        %dma_wait3A_149 = tpu.memref_slice %arg7[%add3A_134, %dma_wait3A_148] : memref<10112x128xf32, #tpu.memory_space<hbm>> -> memref<56x128xf32, #tpu.memory_space<hbm>>
        %dma_wait3A_150 = arith.constant 0 : i32
        %dma_wait3A_151 = tpu.memref_slice %arg7[%add3A_134, %dma_wait3A_150] : memref<10112x128xf32, #tpu.memory_space<hbm>> -> memref<56x128xf32, #tpu.memory_space<hbm>>
        %dma_wait3A_152 = arith.constant 0 : i32
        %dma_wait3A_153 = arith.constant 0 : i32
        %dma_wait3A_154 = tpu.memref_slice %arg22[%dma_wait3A_152, %dma_wait3A_153] : memref<64x128xf32, #tpu.memory_space<vmem>> -> memref<56x128xf32, #tpu.memory_space<vmem>>
        tpu.wait_dma2 semaphore(%run_scoped3A : memref<!tpu.dma_semaphore, #tpu.memory_space<semaphore_mem>>) src(%dma_wait3A_154 : memref<56x128xf32, #tpu.memory_space<vmem>>) dst(%dma_wait3A_151 : memref<56x128xf32, #tpu.memory_space<hbm>>)
        tpu.yield
      }) : () -> ()
    } else {
    }
    return
  }
}

module attributes {stable_mosaic.version = 14 : i64} {
  func.func @body(%arg0: i32, %arg1: memref<400x128xf32, #tpu.memory_space<vmem>>, %arg2: memref<128x128xf32, #tpu.memory_space<vmem>>, %arg3: memref<128x128xf32, #tpu.memory_space<vmem>>, %arg4: memref<128x128xf32, #tpu.memory_space<vmem>>, %arg5: memref<128x8xf32, #tpu.memory_space<vmem>>, %arg6: memref<128x8xf32, #tpu.memory_space<vmem>>, %arg7: memref<2x400x128xf32, #tpu.memory_space<vmem>>, %arg8: memref<400x128xf32, #tpu.memory_space<vmem>>, %arg9: memref<400x8xf32, #tpu.memory_space<vmem>>) attributes {dimension_semantics = [#tpu.dimension_semantics<arbitrary>], iteration_bounds = array<i64: 25>, scalar_prefetch = 0 : i64, scratch_operands = 0 : i64, tpu.core_type = #tpu.core_type<tc>, window_params = [{transform_indices = @transform_0, window_bounds = array<i64: 400, 128>}, {pipeline_mode = #tpu.pipeline_mode<synchronous>, transform_indices = @transform_1, window_bounds = array<i64: 128, 128>}, {pipeline_mode = #tpu.pipeline_mode<synchronous>, transform_indices = @transform_2, window_bounds = array<i64: 128, 128>}, {pipeline_mode = #tpu.pipeline_mode<synchronous>, transform_indices = @transform_3, window_bounds = array<i64: 128, 128>}, {pipeline_mode = #tpu.pipeline_mode<synchronous>, transform_indices = @transform_4, window_bounds = array<i64: 128, 8>}, {pipeline_mode = #tpu.pipeline_mode<synchronous>, transform_indices = @transform_5, window_bounds = array<i64: 128, 8>}, {transform_indices = @transform_6, window_bounds = array<i64: 2, 400, 128>}, {transform_indices = @transform_7, window_bounds = array<i64: 400, 128>}, {transform_indices = @transform_8, window_bounds = array<i64: 400, 8>}]} {
    %get3A = arith.constant 0 : index
    %get3A_0 = arith.constant 0 : index
    %get3A_1 = vector.load %arg1[%get3A, %get3A_0] : memref<400x128xf32, #tpu.memory_space<vmem>>, vector<400x128xf32>
    %get3A_2 = arith.constant 0 : index
    %get3A_3 = arith.constant 0 : index
    %get3A_4 = vector.load %arg2[%get3A_2, %get3A_3] : memref<128x128xf32, #tpu.memory_space<vmem>>, vector<128x128xf32>
    %dot_general3A = arith.constant dense<0.000000e+00> : vector<400x128xf32>
    %dot_general3A_5 = tpu.matmul %get3A_1, %get3A_4, %dot_general3A {dimension_numbers = #tpu.dot_dimension_numbers<[1], [0], [0], [1], [0, 0, 1, 1], [], []>, transpose_lhs_hint = false} : vector<400x128xf32>, vector<128x128xf32>, vector<400x128xf32> -> vector<400x128xf32>
    %get3A_6 = arith.constant 0 : index
    %get3A_7 = arith.constant 0 : index
    %get3A_8 = vector.load %arg3[%get3A_6, %get3A_7] : memref<128x128xf32, #tpu.memory_space<vmem>>, vector<128x128xf32>
    %dot_general3A_9 = arith.constant dense<0.000000e+00> : vector<400x128xf32>
    %dot_general3A_10 = tpu.matmul %get3A_1, %get3A_8, %dot_general3A_9 {dimension_numbers = #tpu.dot_dimension_numbers<[1], [0], [0], [1], [0, 0, 1, 1], [], []>, transpose_lhs_hint = false} : vector<400x128xf32>, vector<128x128xf32>, vector<400x128xf32> -> vector<400x128xf32>
    %swap3A = arith.constant 0 : index
    %swap3A_11 = arith.constant 0 : index
    %swap3A_12 = arith.constant 0 : index
    %swap3A_13 = vector.load %arg7[%swap3A, %swap3A_11, %swap3A_12] : memref<2x400x128xf32, #tpu.memory_space<vmem>>, vector<1x400x128xf32>
    %swap3A_14 = vector.shape_cast %swap3A_13 : vector<1x400x128xf32> to vector<400x128xf32>
    %swap3A_15 = vector.shape_cast %dot_general3A_5 : vector<400x128xf32> to vector<1x400x128xf32>
    tpu.vector_store %arg7[%swap3A, %swap3A_11, %swap3A_12], %swap3A_15 {strides = array<i32>} : memref<2x400x128xf32, #tpu.memory_space<vmem>>, vector<1x400x128xf32>,
    %swap3A_16 = arith.constant 1 : index
    %swap3A_17 = arith.constant 0 : index
    %swap3A_18 = arith.constant 0 : index
    %swap3A_19 = vector.load %arg7[%swap3A_16, %swap3A_17, %swap3A_18] : memref<2x400x128xf32, #tpu.memory_space<vmem>>, vector<1x400x128xf32>
    %swap3A_20 = vector.shape_cast %swap3A_19 : vector<1x400x128xf32> to vector<400x128xf32>
    %swap3A_21 = vector.shape_cast %dot_general3A_10 : vector<400x128xf32> to vector<1x400x128xf32>
    tpu.vector_store %arg7[%swap3A_16, %swap3A_17, %swap3A_18], %swap3A_21 {strides = array<i32>} : memref<2x400x128xf32, #tpu.memory_space<vmem>>, vector<1x400x128xf32>,
    %get3A_22 = arith.constant 0 : index
    %get3A_23 = arith.constant 0 : index
    %get3A_24 = vector.load %arg4[%get3A_22, %get3A_23] : memref<128x128xf32, #tpu.memory_space<vmem>>, vector<128x128xf32>
    %dot_general3A_25 = arith.constant dense<0.000000e+00> : vector<400x128xf32>
    %dot_general3A_26 = tpu.matmul %get3A_1, %get3A_24, %dot_general3A_25 {dimension_numbers = #tpu.dot_dimension_numbers<[1], [0], [0], [1], [0, 0, 1, 1], [], []>, transpose_lhs_hint = false} : vector<400x128xf32>, vector<128x128xf32>, vector<400x128xf32> -> vector<400x128xf32>
    %mul3A = arith.constant 1.00000095 : f32
    %mul3A_27 = vector.broadcast %mul3A : f32 to vector<400x128xf32>
    %mul3A_28 = arith.mulf %dot_general3A_26, %mul3A_27 : vector<400x128xf32>
    %swap3A_29 = arith.constant 0 : index
    %swap3A_30 = arith.constant 0 : index
    %swap3A_31 = vector.load %arg8[%swap3A_29, %swap3A_30] : memref<400x128xf32, #tpu.memory_space<vmem>>, vector<400x128xf32>
    tpu.vector_store %arg8[%swap3A_29, %swap3A_30], %mul3A_28 {strides = array<i32>} : memref<400x128xf32, #tpu.memory_space<vmem>>, vector<400x128xf32>,
    %get3A_32 = arith.constant 0 : index
    %get3A_33 = arith.constant 0 : index
    %get3A_34 = vector.load %arg5[%get3A_32, %get3A_33] : memref<128x8xf32, #tpu.memory_space<vmem>>, vector<128x8xf32>
    %dot_general3A_35 = arith.constant dense<0.000000e+00> : vector<400x8xf32>
    %dot_general3A_36 = tpu.matmul %dot_general3A_5, %get3A_34, %dot_general3A_35 {dimension_numbers = #tpu.dot_dimension_numbers<[1], [0], [0], [1], [0, 0, 1, 1], [], []>, transpose_lhs_hint = false} : vector<400x128xf32>, vector<128x8xf32>, vector<400x8xf32> -> vector<400x8xf32>
    %get3A_37 = arith.constant 0 : index
    %get3A_38 = arith.constant 0 : index
    %get3A_39 = vector.load %arg6[%get3A_37, %get3A_38] : memref<128x8xf32, #tpu.memory_space<vmem>>, vector<128x8xf32>
    %dot_general3A_40 = arith.constant dense<0.000000e+00> : vector<400x8xf32>
    %dot_general3A_41 = tpu.matmul %dot_general3A_10, %get3A_39, %dot_general3A_40 {dimension_numbers = #tpu.dot_dimension_numbers<[1], [0], [0], [1], [0, 0, 1, 1], [], []>, transpose_lhs_hint = false} : vector<400x128xf32>, vector<128x8xf32>, vector<400x8xf32> -> vector<400x8xf32>
    %add3A = arith.addf %dot_general3A_36, %dot_general3A_41 : vector<400x8xf32>
    %swap3A_42 = arith.constant 0 : index
    %swap3A_43 = arith.constant 0 : index
    %swap3A_44 = vector.load %arg9[%swap3A_42, %swap3A_43] : memref<400x8xf32, #tpu.memory_space<vmem>>, vector<400x8xf32>
    tpu.vector_store %arg9[%swap3A_42, %swap3A_43], %add3A {strides = array<i32>} : memref<400x8xf32, #tpu.memory_space<vmem>>, vector<400x8xf32>,
    return
  }
  func.func @transform_0(%arg0: i32) -> (i32, i32) {
    %c0_i32 = arith.constant 0 : i32
    %c0_i32_0 = arith.constant 0 : i32
    return %arg0, %c0_i32 : i32, i32
  }
  func.func @transform_1(%arg0: i32) -> (i32, i32) {
    %c0_i32 = arith.constant 0 : i32
    %c0_i32_0 = arith.constant 0 : i32
    %c0_i32_1 = arith.constant 0 : i32
    return %c0_i32, %c0_i32_0 : i32, i32
  }
  func.func @transform_2(%arg0: i32) -> (i32, i32) {
    %c0_i32 = arith.constant 0 : i32
    %c0_i32_0 = arith.constant 0 : i32
    %c0_i32_1 = arith.constant 0 : i32
    return %c0_i32, %c0_i32_0 : i32, i32
  }
  func.func @transform_3(%arg0: i32) -> (i32, i32) {
    %c0_i32 = arith.constant 0 : i32
    %c0_i32_0 = arith.constant 0 : i32
    %c0_i32_1 = arith.constant 0 : i32
    return %c0_i32, %c0_i32_0 : i32, i32
  }
  func.func @transform_4(%arg0: i32) -> (i32, i32) {
    %c0_i32 = arith.constant 0 : i32
    %c0_i32_0 = arith.constant 0 : i32
    %c0_i32_1 = arith.constant 0 : i32
    return %c0_i32, %c0_i32_0 : i32, i32
  }
  func.func @transform_5(%arg0: i32) -> (i32, i32) {
    %c0_i32 = arith.constant 0 : i32
    %c0_i32_0 = arith.constant 0 : i32
    %c0_i32_1 = arith.constant 0 : i32
    return %c0_i32, %c0_i32_0 : i32, i32
  }
  func.func @transform_6(%arg0: i32) -> (i32, i32, i32) {
    %c0_i32 = arith.constant 0 : i32
    %c0_i32_0 = arith.constant 0 : i32
    %c0_i32_1 = arith.constant 0 : i32
    return %c0_i32, %arg0, %c0_i32_0 : i32, i32, i32
  }
  func.func @transform_7(%arg0: i32) -> (i32, i32) {
    %c0_i32 = arith.constant 0 : i32
    %c0_i32_0 = arith.constant 0 : i32
    return %arg0, %c0_i32 : i32, i32
  }
  func.func @transform_8(%arg0: i32) -> (i32, i32) {
    %c0_i32 = arith.constant 0 : i32
    %c0_i32_0 = arith.constant 0 : i32
    return %arg0, %c0_i32 : i32, i32
  }
}

module attributes {stable_mosaic.version = 14 : i64} {
  func.func @body(%arg0: i32, %arg1: memref<400x128xf32, #tpu.memory_space<vmem>>, %arg2: memref<400x128xf32, #tpu.memory_space<vmem>>, %arg3: memref<400x128xf32, #tpu.memory_space<vmem>>, %arg4: memref<400x128xf32, #tpu.memory_space<vmem>>) attributes {dimension_semantics = [#tpu.dimension_semantics<arbitrary>], iteration_bounds = array<i64: 25>, scalar_prefetch = 0 : i64, scratch_operands = 0 : i64, tpu.core_type = #tpu.core_type<tc>, window_params = [{transform_indices = @transform_0, window_bounds = array<i64: 400, 128>}, {transform_indices = @transform_1, window_bounds = array<i64: 400, 128>}, {transform_indices = @transform_2, window_bounds = array<i64: 400, 128>}, {transform_indices = @transform_3, window_bounds = array<i64: 400, 128>}]} {
    %get3A = arith.constant 0 : index
    %get3A_0 = arith.constant 0 : index
    %get3A_1 = vector.load %arg1[%get3A, %get3A_0] : memref<400x128xf32, #tpu.memory_space<vmem>>, vector<400x128xf32>
    %get3A_2 = arith.constant 0 : index
    %get3A_3 = arith.constant 0 : index
    %get3A_4 = vector.load %arg2[%get3A_2, %get3A_3] : memref<400x128xf32, #tpu.memory_space<vmem>>, vector<400x128xf32>
    %add3A = arith.addf %get3A_1, %get3A_4 : vector<400x128xf32>
    %get3A_5 = arith.constant 0 : index
    %get3A_6 = arith.constant 0 : index
    %get3A_7 = vector.load %arg3[%get3A_5, %get3A_6] : memref<400x128xf32, #tpu.memory_space<vmem>>, vector<400x128xf32>
    %add3A_8 = arith.addf %add3A, %get3A_7 : vector<400x128xf32>
    %max3A = arith.constant 0.000000e+00 : f32
    %max3A_9 = vector.broadcast %max3A : f32 to vector<400x128xf32>
    %max3A_10 = arith.maximumf %add3A_8, %max3A_9 : vector<400x128xf32>
    %swap3A = arith.constant 0 : index
    %swap3A_11 = arith.constant 0 : index
    %swap3A_12 = vector.load %arg4[%swap3A, %swap3A_11] : memref<400x128xf32, #tpu.memory_space<vmem>>, vector<400x128xf32>
    tpu.vector_store %arg4[%swap3A, %swap3A_11], %max3A_10 {strides = array<i32>} : memref<400x128xf32, #tpu.memory_space<vmem>>, vector<400x128xf32>,
    return
  }
  func.func @transform_0(%arg0: i32) -> (i32, i32) {
    %c0_i32 = arith.constant 0 : i32
    %c0_i32_0 = arith.constant 0 : i32
    return %arg0, %c0_i32 : i32, i32
  }
  func.func @transform_1(%arg0: i32) -> (i32, i32) {
    %c0_i32 = arith.constant 0 : i32
    %c0_i32_0 = arith.constant 0 : i32
    return %arg0, %c0_i32 : i32, i32
  }
  func.func @transform_2(%arg0: i32) -> (i32, i32) {
    %c0_i32 = arith.constant 0 : i32
    %c0_i32_0 = arith.constant 0 : i32
    return %arg0, %c0_i32 : i32, i32
  }
  func.func @transform_3(%arg0: i32) -> (i32, i32) {
    %c0_i32 = arith.constant 0 : i32
    %c0_i32_0 = arith.constant 0 : i32
    return %arg0, %c0_i32 : i32, i32
  }
}

</mosaic_0001>

<sc_bundles>
// kernel: kernel.5.cloned.1.call-start
scs
__scs_entry_jumppad:
0x0: {  	(pc) =	sbr.rel $0x88, $3  }
0x1: {  	(tag) =	ssettag $0x0;
	lr =	simm.s32 $0x1  }
0x2: {  	[smem:$0x3F97] =	sst lr;
	_ =	strace $0xD0000000  }
0x3: {  	_ = 	snop  }
0x4: {  	_ = 	snop  }
0x5: {  	_ = 	snop  }
0x6: {  	_ = 	snop  }
0x7: {  	_ = 	snop  }
__scs_overlays_trampoline_lowered:
0x8: {  	[smem:$0x3FA6] =	sst s0  }
0x9: {  	[smem:$0x3FA7] =	sst s1  }
0xa: {  	[smem:$0x3FA8] =	sst s2  }
0xb: {  	[smem:$0x3FA9] =	sst s3  }
0xc: {  	[smem:$0x3FAA] =	sst s4  }
0xd: {  	[smem:$0x3FAB] =	sst s5  }
0xe: {  	[smem:$0x3FAC] =	sst s6  }
0xf: {  	[smem:$0x3FAD] =	sst s7  }
0x10: {  	[smem:$0x3FAE] =	sst s8  }
0x11: {  	[smem:$0x3FAF] =	sst s9;
	s0 =	simm.s32 @!p0 $0x0  }
0x12: {  	s1 =	sld [smem:$0x3F95];
	s0 =	simm.s32 @p0 $0x1  }
0x13: {  	[smem:$0x3FB0] =	sst s0;
	s0 =	simm.s32 @!p1 $0x0  }
0x14: {  	s2 =	sld [smem:$0x3F94];
	s0 =	simm.s32 @p1 $0x1  }
0x15: {  	[smem:$0x3FB1] =	sst s0;
	s0 =	simm.s32 @!p2 $0x0  }
0x16: {  	s3 =	sld [smem:$0x3FDB];
	s0 =	simm.s32 @p2 $0x1  }
0x17: {  	s4 =	simm.s32 $0x1BF5;
	[smem:$0x3FB3] =	sst s0  }
0x18: {  	s0 =	sld [smem:$0x3F96];
	_ =	swait.ge [sflag:s4], $0x0  }
0x19: {  	s7 =	sld [smem:$0x3F97]  }
0x1a: {  	s8 =	sadd.s32 $0xFFFFE003, lr  }
0x1b: {  	s9 =	sadd.s32 $0xFFFFFEF7, lr;
	s5 =	simm.s32 $0xFFFFFFFF;
	p2 =	slt.u32 s8, $0xFFFFF086  }
0x1c: {  	p1 =	slt.u32 s9, $0xF7A;
	s5 =	simm.s32 @!p2 $0x0  }
0x1d: {  	s5 =	simm.s32 @p1 $0x1;
	p0 =	seq.s32 s7, s2  }
0x1e: {  	s7 =	smul.u32 @!p0 $0xF7A, s2;
	p2 =	seq.s32 @!p0 s5, $0x0  }
0x1f: {  	s9 =	smul.u32 $0xF7A, s1;
	s8 =	simm.s32 @!p0 $0x1BF5;
	p2 =	por !p2, p0  }
0x20: {  	[sflag:s8] =	ssyncset.s32 @!p0 $0xFFFFF086;
	s6 =	sadd.s32 @!p0 s3, s7;
	s7 =	simm.s32 @!p0 $0x108  }
0x21: {  	s3 =	sadd.s32 s3, s9;
	s6 =	sadd.s32 @!p0 $0x88, s6;
	s7 =	simm.s32 @p2 $0x1082  }
0x22: {  	[simem:s7], [sflag:s8] =	dma.local @!p0 [hbm:s6], $0xF7A  }
0x23: {  	s9 =	sor.u32 $0xD0000000, s2;
	s6 =	simm.s32 $0x108;
	_ =	swait.ge @!p0 [sflag:s8], $0x0  }
0x24: {  	s3 =	sadd.s32 $0x88, s3;
	s6 =	simm.s32 @!p1 $0x1082;
	[sflag:s4] =	ssyncset.s32 $0xFFFFF086  }
0x25: {  	[simem:s6], [sflag:s4] =	dma.local [hbm:s3], $0xF7A  }
0x26: {  	[smem:$0x3F97] =	sst s1;
	(tag) =	ssettag s2;
	_ =	strace s9  }
0x27: {  	s1 =	sld [smem:$0x3FA7]  }
0x28: {  	s2 =	sld [smem:$0x3FA8]  }
0x29: {  	s4 =	sld [smem:$0x3FAA]  }
0x2a: {  	p0 =	seq.s32 s5, $0x0;
	s5 =	sld [smem:$0x3FAB]  }
0x2b: {  	s6 =	sld [smem:$0x3FAC]  }
0x2c: {  	s7 =	sld [smem:$0x3FAD]  }
0x2d: {  	s3 =	simm.s32 $0x108;
	s8 =	sld [smem:$0x3FAE]  }
0x2e: {  	s3 =	simm.s32 @!p0 $0x1082;
	s9 =	sld [smem:$0x3FAF]  }
0x2f: {  	lr =	sadd.s32 s0, s3;
	s0 =	sld [smem:$0x3FA6]  }
0x30: {  	s3 =	sld [smem:$0x3FA9]  }
0x31: {  	[smem:$0x3FB2] =	sst s10  }
0x32: {  	s10 =	sld [smem:$0x3FB0];
	_ =	sdelay $0x3  }
0x33: {  	p0 =	seq.s32 s10, $0x1;
	s10 =	sld [smem:$0x3FB2];
	_ =	sdelay $0x3  }
0x34: {  	[smem:$0x3FB2] =	sst s10  }
0x35: {  	s10 =	sld [smem:$0x3FB1];
	_ =	sdelay $0x3  }
0x36: {  	p1 =	seq.s32 s10, $0x1;
	s10 =	sld [smem:$0x3FB2];
	_ =	sdelay $0x3  }
0x37: {  	[smem:$0x3FB2] =	sst s10  }
0x38: {  	s10 =	sld [smem:$0x3FB3]  }
0x39: {  	_ = 	snop;
	(pc) =	sbr.ind lr, $3  }
0x3a: {  	_ = 	snop  }
0x3b: {  	_ = 	snop  }
0x3c: {  	p2 =	seq.s32 s10, $0x1;
	s10 =	sld [smem:$0x3FB2]  }
0x3d: {  	_ =	shalt  }
0x3e: {  	_ =	shalt  }
0x3f: {  	_ =	shalt  }
0x40: {  	_ =	shalt  }
0x41: {  	_ =	shalt  }
0x42: {  	_ =	shalt  }
0x43: {  	_ =	shalt  }
0x44: {  	_ =	shalt  }
0x45: {  	_ =	shalt  }
0x46: {  	_ =	shalt  }
0x47: {  	_ =	shalt  }
0x48: {  	_ =	shalt  }
0x49: {  	_ =	shalt  }
0x4a: {  	_ =	shalt  }
0x4b: {  	_ =	shalt  }
0x4c: {  	_ =	shalt  }
0x4d: {  	_ =	shalt  }
0x4e: {  	_ =	shalt  }
0x4f: {  	_ =	shalt  }
0x50: {  	_ =	shalt  }
0x51: {  	_ =	shalt  }
0x52: {  	_ =	shalt  }
0x53: {  	_ =	shalt  }
0x54: {  	_ =	shalt  }
0x55: {  	_ =	shalt  }
0x56: {  	_ =	shalt  }
0x57: {  	_ =	shalt  }
0x58: {  	_ =	shalt  }
0x59: {  	_ =	shalt  }
0x5a: {  	_ =	shalt  }
0x5b: {  	_ =	shalt  }
0x5c: {  	_ =	shalt  }
0x5d: {  	_ =	shalt  }
0x5e: {  	_ =	shalt  }
0x5f: {  	_ =	shalt  }
0x60: {  	_ =	shalt  }
0x61: {  	_ =	shalt  }
0x62: {  	_ =	shalt  }
0x63: {  	_ =	shalt  }
0x64: {  	_ =	shalt  }
0x65: {  	_ =	shalt  }
0x66: {  	_ =	shalt  }
0x67: {  	_ =	shalt  }
0x68: {  	_ =	shalt  }
0x69: {  	_ =	shalt  }
0x6a: {  	_ =	shalt  }
0x6b: {  	_ =	shalt  }
0x6c: {  	_ =	shalt  }
0x6d: {  	_ =	shalt  }
0x6e: {  	_ =	shalt  }
0x6f: {  	_ =	shalt  }
0x70: {  	_ =	shalt  }
0x71: {  	_ =	shalt  }
0x72: {  	_ =	shalt  }
0x73: {  	_ =	shalt  }
0x74: {  	_ =	shalt  }
0x75: {  	_ =	shalt  }
0x76: {  	_ =	shalt  }
0x77: {  	_ =	shalt  }
0x78: {  	_ =	shalt  }
0x79: {  	_ =	shalt  }
0x7a: {  	_ =	shalt  }
0x7b: {  	_ =	shalt  }
0x7c: {  	_ =	shalt  }
0x7d: {  	_ =	shalt  }
0x7e: {  	_ =	shalt  }
0x7f: {  	_ =	shalt  }
0x80: {  	_ =	shalt  }
0x81: {  	_ =	shalt  }
0x82: {  	_ =	shalt  }
0x83: {  	_ =	shalt  }
0x84: {  	_ =	shalt  }
0x85: {  	_ =	shalt  }
0x86: {  	_ =	shalt  }
0x87: {  	_ =	shalt  }
.Lfunc_end0:
.L_simem_size_0:
called_computation_lowered:
.L_overlay_start_0:
0x88: {  	s2 =	sld [smem:$0x3FD9]  }
0x89: {  	s3 =	sld [smem:$0x3FFE];
	_ =	sdelay $0x1  }
0x8a: {  	s1 =	srdreg.scid  }
0x8b: {  	s0 =	sand.u32 $0x1, s1  }
0x8c: {  	s17 =	sshll.u32 s0, $0xA;
	s2 =	sadd.s32 s3, s2  }
0x8d: {  	s2 =	sadd.s32 s2, s17  }
0x8e: {  	[smem:$0x3FBE] =	sst s2  }
0x8f: {  	_ = 	snop  }
0x90: {  	s2 =	sld [smem:$0x3FD0];
	(tm) =	ssettm $0x1  }
0x91: {  	s18 =	sld [smem:$0x3FFB];
	_ =	sdelay $0x3  }
0x92: {  	_ =	strace s18  }
0x93: {  	s3 =	sld [smem:$0x3FFC];
	_ =	sdelay $0x3  }
0x94: {  	_ =	strace s3  }
0x95: {  	s3 =	sld [smem:$0x3FFD];
	_ =	sdelay $0x3  }
0x96: {  	_ =	strace s3  }
0x97: {  	_ =	strace $0x8FFFFFFF  }
0x98: {  	s19 =	sld [smem:$0x3FDB];
	_ =	sdelay $0x1  }
0x99: {  	s4 =	simm.s32 $_scs_section_size  }
0x9a: {  	s5 =	simm.s32 $_size__tile_overlayer_lowered;
	s6 =	simm.s32 $_tile_overlayer_lowered  }
0x9b: {  	s22 =	simm.s32 $0x1BFF;
	s21 =	sshll.u32 s6, $0x1;
	s3 =	sadd.s32 s4, s19  }
0x9c: {  	s7 =	simm.s32 $0x0;
	s20 =	sshll.u32 s5, $0x1;
	s5 =	sadd.s32 s21, s3  }
0x9d: {  	[timem:s7], [sflag:s22] =	dma.local [hbm:s5], s20  }
0x9e: {  	_ =	swait.ge [sflag:s22], s20  }
0x9f: {  	s4 =	ssub.s32 $0x0, s20;
	[sflag:s22] =	ssyncset.done $0x0  }
0xa0: {  	[sflag:s22] =	ssyncadd.s32 s4;
	_ =	sdelay $0x1  }
0xa1: {  	s23 =	simm.s32 $0x1B8B  }
0xa2: {  	_ =	swait.ge [sflag:s23], $0x1  }
0xa3: {  	[sflag:s23] =	ssyncset.done $0x0  }
0xa4: {  	s25 =	simm.s32 $0x1B8E;
	s24 =	sld [smem:$0x3FFE];
	[sflag:s23] =	ssyncadd.s32 $0xFFFFFFFF  }
0xa5: {  	s26 =	simm.s32 $execute0_lowered;
	[smem:$0x3FD2] =	sst s25  }
0xa6: {  	s5 =	sshll.u32 s26, $0x1;
	_ =	strace $0x80000046;
	[dreg:$0x1] =	wrdreg $0xFFFFFFFF  }
0xa7: {  	s28 =	simm.s32 $_size_execute0_lowered;
	s3 =	sadd.s32 s3, s5;
	[dreg:$0x0] =	wrdreg $0x0  }
0xa8: {  	s5 =	sshll.u32 s28, $0x1;
	[dreg:$0x2] =	wrdreg s3  }
0xa9: {  	[dreg:$0x3] =	wrdreg s5  }
0xaa: {  	[dreg:$0x4] =	wrdreg $0xC0  }
0xab: {  	_ =	task [dreg:s7], $0x5FFFF  }
0xac: {  	[dreg:$0x1] =	wrdreg $0xFFFFFFFF  }
0xad: {  	[dreg:$0x0] =	wrdreg $0x60  }
0xae: {  	[dreg:$0x2] =	wrdreg s24  }
0xaf: {  	[dreg:$0x3] =	wrdreg s2  }
0xb0: {  	[dreg:$0x4] =	wrdreg $0xB9800  }
0xb1: {  	[dreg:$0x5] =	wrdreg $0x9  }
0xb2: {  	_ =	task.clear_ibuf [dreg:s7], $0x6FFFF;
	_ =	strace $0x90000046  }
0xb3: {  	s29 =	simm.s32 $0x9;
	_ =	strace $0x80000048  }
0xb4: {  	_ =	swait.ge [sflag:s29], $0x1  }
0xb5: {  	[sflag:s29] =	ssyncadd.s32 $0xFFFFFFFF  }
0xb6: {  	_ =	strace $0x90000048  }
0xb7: {  	_ =	sfence  }
0xb8: {  	s30 =	sld [smem:$0x0];
	_ =	sdelay $0x2  }
0xb9: {  	s31 =	sshll.u32 s1, $0xD;
	s1 =	sshrl.u32 s1, $0x2  }
0xba: {  	s3 =	sand.u32 $0x4000, s31;
	s1 =	sadd.s32 s1, s30  }
0xbb: {  	s0 =	sor.u32 s3, s0;
	s1 =	sshll.u32 s1, $0x11  }
0xbc: {  	s0 =	sor.u32 s1, s0  }
0xbd: {  	s0 =	sadd.s32 $0x8F2B, s0  }
0xbe: {  	[sflag:s0] =	ssyncadd.remote.s32 $0x1  }
0xbf: {  	_ =	sfence.sel $0xFFFF  }
0xc0: {  	[dreg:$0x0] =	wrdreg $0xFFFFFFFF;
	(pc) =	sbr.abs _section_cstart, $3  }
0xc1: {  	[dreg:$0x1] =	wrdreg $0xFFFFFFFF  }
0xc2: {  	_ =	task.clear_ibuf [dreg:s7], $0x2FFFF;
	_ =	strace $0x9FFFFFFF  }
0xc3: {  	(tm) =	ssettm $0x7FFFFFFF  }
tec
execute0_lowered:
.L_overlay_start_1:
0x0: {  	(tag) =	ssettag $0x1  }
0x1: {  	s0 =	rddreg [dreg:$0x0]  }
0x2: {  	s1 =	rddreg [dreg:$0x1];
	s3 =	srdreg.scid  }
0x3: {  	s2 =	rddreg [dreg:$0x2];
	s25 =	stileid.u32  }
0x4: {  	s18 =	simm.s32 $0x113C00;
	s28 =	simm.s32 $0x5800;
	s6 =	smul.u32 $0x278, s25  }
0x5: {  	s30 =	simm.s32 $0x3;
	s5 =	sand.u32 $0x1, s3;
	s12 =	smul.u32 $0x2780, s25  }
0x6: {  	s3 =	simm.s32 $0x0;
	s29 =	smul.u32 $0x4F000, s25;
	s4 =	ssub.s32 $0x2, s5  }
0x7: {  	[smem:$0x7FF] =	sst s3;
	p0 =	seq.s32 s5, $0x1;
	s7 =	sshrl.u32 s4, $0x1  }
0x8: {  	s8 =	sadd.s32 $0x80, s6;
	s9 =	sadd.s32 $0xC0, s6;
	s10 =	sadd.s32 $0x100, s6  }
0x9: {  	s11 =	sadd.s32 $0x140, s6;
	s13 =	sadd.s32 $0x180, s6;
	s14 =	sadd.s32 $0x1C0, s6  }
0xa: {  	s15 =	sadd.s32 $0x200, s6;
	s18 =	simm.s32 @!p0 $0xEC400;
	s4 =	ssub.s32 s4, s7  }
0xb: {  	s7 =	sadd.s32 $0x40, s6;
	s6 =	sadd.s32 $0x240, s6;
	s18 =	sadd.s32 s18, s0  }
0xc: {  	s17 =	sshll.u32 s8, $0x4;
	s19 =	sshll.u32 s9, $0x4;
	s12 =	sadd.s32 s18, s12  }
0xd: {  	s20 =	sshll.u32 s10, $0x4;
	s17 =	sadd.s32 s18, s17;
	[dreg:$0x4] =	wrdreg s12  }
0xe: {  	s21 =	sshll.u32 s11, $0x4;
	s19 =	sadd.s32 s18, s19;
	[dreg:$0x6] =	wrdreg s17  }
0xf: {  	s22 =	sshll.u32 s13, $0x4;
	s20 =	sadd.s32 s18, s20;
	[dreg:$0x7] =	wrdreg s19  }
0x10: {  	s23 =	sshll.u32 s14, $0x4;
	s21 =	sadd.s32 s18, s21;
	[dreg:$0x8] =	wrdreg s20  }
0x11: {  	s24 =	sshll.u32 s15, $0x4;
	s22 =	sadd.s32 s18, s22;
	[dreg:$0x9] =	wrdreg s21  }
0x12: {  	s16 =	sshll.u32 s7, $0x4;
	s23 =	sadd.s32 s18, s23;
	[dreg:$0xa] =	wrdreg s22  }
0x13: {  	s26 =	sadd.s32 s18, s24;
	s24 =	sshll.u32 s8, $0x7;
	[dreg:$0xb] =	wrdreg s23  }
0x14: {  	s4 =	smax.u32 s4, $0x1;
	s16 =	sadd.s32 s18, s16;
	[dreg:$0xc] =	wrdreg s26  }
0x15: {  	s12 =	smul.u32 $0x2710, s5;
	s19 =	sshll.u32 s6, $0x4;
	s22 =	sshll.u32 s7, $0x7  }
0x16: {  	s5 =	sshll.u32 s5, $0x4;
	s7 =	simm.s32 $0x2780;
	[dreg:$0x5] =	wrdreg s16  }
0x17: {  	s17 =	sadd.s32 s18, s19;
	s16 =	sshrl.u32 s29, $0x2;
	s26 =	sadd.s32 s22, s2  }
0x18: {  	s29 =	sshll.u32 s9, $0x7;
	s9 =	sshll.u32 s10, $0x7;
	s10 =	sshll.u32 s11, $0x7  }
0x19: {  	s11 =	sshll.u32 s13, $0x7;
	s5 =	sor.u32 s25, s5;
	s13 =	sshll.u32 s14, $0x7  }
0x1a: {  	s14 =	sshll.u32 s15, $0x7;
	s18 =	sshll.u32 s6, $0x7;
	s6 =	simm.s32 $0xA  }
0x1b: {  	[dreg:$0xd] =	wrdreg s17;
	s23 =	sadd.s32 s16, s2;
	s8 =	sadd.s32 s29, s2  }
0x1c: {  	s16 =	sadd.s32 s13, s2;
	_ =	strace $0x80000047;
	[dreg:$0x13] =	wrdreg s8  }
0x1d: {  	s20 =	sshrl.u32 s12, $0x3;
	s17 =	sadd.s32 s14, s2;
	[dreg:$0x17] =	wrdreg s16  }
0x1e: {  	s15 =	smul.u32 $0x27600, s5;
	s25 =	sadd.s32 s11, s2;
	[dreg:$0x18] =	wrdreg s17  }
0x1f: {  	s11 =	simm.s32 $0x40;
	s13 =	simm.s32 $0x2;
	[dreg:$0x1d] =	wrdreg s4  }
0x20: {  	v0 =	vmov s12;
	s12 =	simm.s32 $0x0;
	s1 =	sadd.s32 s1, s20;
	[dreg:$0x10] =	wrdreg s23  }
0x21: {  	s21 =	sadd.s32 s20, s0;
	s20 =	smul.u32 $0x4EC0, s5;
	[dreg:$0x11] =	wrdreg s26  }
0x22: {  	s16 =	simm.s32 $0x4;
	s17 =	simm.s32 $0x9980;
	[dreg:$0x16] =	wrdreg s25  }
0x23: {  	[dreg:$0xe] =	wrdreg s1;
	s1 =	sadd.s32 $0xEBA00, s21;
	s19 =	sshrl.u32 s15, $0x3  }
0x24: {  	s21 =	smul.u32 $0x13B, s5;
	s15 =	simm.s32 $0x7980;
	[dreg:$0xf] =	wrdreg s1  }
0x25: {  	s1 =	sadd.s32 s24, s2;
	s22 =	sadd.s32 s0, s19;
	s24 =	sadd.s32 s0, s20  }
0x26: {  	s19 =	simm.s32 $0x5880;
	s20 =	simm.s32 $0x5580;
	[dreg:$0x12] =	wrdreg s1  }
0x27: {  	s1 =	sadd.s32 s9, s2;
	[dreg:$0x1a] =	wrdreg s24;
	s29 =	sadd.s32 $0x40, s22  }
0x28: {  	s5 =	sadd.s32 $0x80, s22;
	s31 =	sadd.s32 $0x3, s21;
	s8 =	sadd.s32 $0x4, s21  }
0x29: {  	s9 =	simm.s32 $0x5980;
	s22 =	simm.s32 $0x5900;
	[dreg:$0x14] =	wrdreg s1  }
0x2a: {  	s24 =	simm.s32 $0x8;
	s1 =	sadd.s32 s10, s2;
	[dreg:$0x1b] =	wrdreg s29  }
0x2b: {  	[dreg:$0x1c] =	wrdreg s5;
	s5 =	sadd.s32 $0x9D800, s0;
	s10 =	simm.s32 $0x1  }
0x2c: {  	[dreg:$0x15] =	wrdreg s1;
	s1 =	sadd.s32 s18, s2;
	s18 =	simm.s32 $0x5  }
0x2d: {  	v1 =	vimm.f32 $0.0e+00;
	[dreg:$0x19] =	wrdreg s1;
	s1 =	sadd.s32 $0x5, s21;
	s21 =	simm.s32 $0x6  }
.LBB2_1:
0x2e: {  	[dreg:$0x1e] =	wrdreg s12  }
0x2f: {  	s4 =	rddreg [dreg:$0xe]  }
0x30: {  	[tilespmem:s3], [sflag:$0xA] =	stream.linear.gather [hbm4b:s4+s3], $0x2710, $0x38;
	[tilespmem:$0x1F580] =	vst v63  }
0x31: {  	_ =	swait.ge [sflag:s6], $0x2710  }
0x32: {  	[sflag:s6] =	ssyncset.done $0x0  }
0x33: {  	s29 =	rddreg [dreg:$0xf];
	[sflag:s6] =	ssyncadd.s32 $0xFFFFD8F0  }
0x34: {  	[tilespmem:s7], [sflag:$0xA] =	stream.linear.gather [hbm4b:s29+s3], $0x2710, $0x38;
	[tilespmem:$0x1F580] =	vst v63  }
0x35: {  	_ =	swait.ge [sflag:s6], $0x2710  }
0x36: {  	[sflag:s6] =	ssyncset.done $0x0  }
0x37: {  	s12 =	simm.s32 $0x0;
	s14 =	simm.s32 $0x200;
	[sflag:s6] =	ssyncadd.s32 $0xFFFFD8F0  }
.LBB2_2:
0x38: {  	p0 =	sne.s32 s14, $0x7E00;
	[tilespmem:s12+$0x59F0] =	vst v1  }
0x39: {  	[tilespmem:s12+$0x5980] =	vst v1  }
0x3a: {  	[tilespmem:s12+$0x5990] =	vst v1  }
.Ltmp0:
0x3b: {  	[tilespmem:s12+$0x59A0] =	vst v1;
	(pc) =	sbr.rel @p0 .LBB2_2-.Ltmp0, $4  }
0x3c: {  	[tilespmem:s12+$0x59B0] =	vst v1  }
0x3d: {  	[tilespmem:s12+$0x59C0] =	vst v1  }
0x3e: {  	[tilespmem:s12+$0x59D0] =	vst v1  }
0x3f: {  	[tilespmem:s12+$0x59E0] =	vst v1;
	s12 =	sshra.s32 s14, $0x2;
	s14 =	sadd.s32 $0x200, s14  }
0x40: {  	[tilespmem:s12+$0x59F0] =	vst v1  }
0x41: {  	[tilespmem:s12+$0x5980] =	vst v1  }
0x42: {  	[tilespmem:s12+$0x5990] =	vst v1  }
0x43: {  	[tilespmem:s12+$0x59A0] =	vst v1  }
0x44: {  	[tilespmem:s12+$0x59B0] =	vst v1  }
0x45: {  	[tilespmem:s12+$0x59C0] =	vst v1  }
0x46: {  	[tilespmem:s12+$0x59D0] =	vst v1  }
0x47: {  	[tilespmem:s12+$0x59E0] =	vst v1  }
0x48: {  	[spmem:s23] =	stream.linear.scatter [tilespmem:s9], [sflag:$0xA], $0x2000, $0x38;
	[tilespmem:$0x1F580] =	vst v63  }
0x49: {  	_ =	swait.ge [sflag:s6], $0x2000  }
0x4a: {  	[sflag:s6] =	ssyncset.done $0x0  }
0x4b: {  	[sflag:s6] =	ssyncadd.s32 $0xFFFFE000  }
0x4c: {  	[spmem:s26] =	stream.linear.scatter [tilespmem:s9], [sflag:$0xA], $0x2000, $0x38;
	[tilespmem:$0x1F580] =	vst v63  }
0x4d: {  	_ =	swait.ge [sflag:s6], $0x2000  }
0x4e: {  	[sflag:s6] =	ssyncset.done $0x0  }
0x4f: {  	s4 =	rddreg [dreg:$0x12];
	[sflag:s6] =	ssyncadd.s32 $0xFFFFE000  }
0x50: {  	[spmem:s4] =	stream.linear.scatter [tilespmem:s9], [sflag:$0xA], $0x2000, $0x38;
	[tilespmem:$0x1F580] =	vst v63  }
0x51: {  	_ =	swait.ge [sflag:s6], $0x2000  }
0x52: {  	[sflag:s6] =	ssyncset.done $0x0  }
0x53: {  	s23 =	rddreg [dreg:$0x13];
	[sflag:s6] =	ssyncadd.s32 $0xFFFFE000  }
0x54: {  	[spmem:s23] =	stream.linear.scatter [tilespmem:s9], [sflag:$0xA], $0x2000, $0x38;
	[tilespmem:$0x1F580] =	vst v63  }
0x55: {  	_ =	swait.ge [sflag:s6], $0x2000  }
0x56: {  	[sflag:s6] =	ssyncset.done $0x0  }
0x57: {  	s26 =	rddreg [dreg:$0x14];
	[sflag:s6] =	ssyncadd.s32 $0xFFFFE000  }
0x58: {  	[spmem:s26] =	stream.linear.scatter [tilespmem:s9], [sflag:$0xA], $0x2000, $0x38;
	[tilespmem:$0x1F580] =	vst v63  }
0x59: {  	_ =	swait.ge [sflag:s6], $0x2000  }
0x5a: {  	[sflag:s6] =	ssyncset.done $0x0  }
0x5b: {  	s29 =	rddreg [dreg:$0x15];
	[sflag:s6] =	ssyncadd.s32 $0xFFFFE000  }
0x5c: {  	[spmem:s29] =	stream.linear.scatter [tilespmem:s9], [sflag:$0xA], $0x2000, $0x38;
	[tilespmem:$0x1F580] =	vst v63  }
0x5d: {  	_ =	swait.ge [sflag:s6], $0x2000  }
0x5e: {  	[sflag:s6] =	ssyncset.done $0x0  }
0x5f: {  	[sflag:s6] =	ssyncadd.s32 $0xFFFFE000  }
0x60: {  	[spmem:s25] =	stream.linear.scatter [tilespmem:s9], [sflag:$0xA], $0x2000, $0x38;
	[tilespmem:$0x1F580] =	vst v63  }
0x61: {  	_ =	swait.ge [sflag:s6], $0x2000  }
0x62: {  	[sflag:s6] =	ssyncset.done $0x0  }
0x63: {  	s12 =	rddreg [dreg:$0x17];
	[sflag:s6] =	ssyncadd.s32 $0xFFFFE000  }
0x64: {  	[spmem:s12] =	stream.linear.scatter [tilespmem:s9], [sflag:$0xA], $0x2000, $0x38;
	[tilespmem:$0x1F580] =	vst v63  }
0x65: {  	_ =	swait.ge [sflag:s6], $0x2000  }
0x66: {  	[sflag:s6] =	ssyncset.done $0x0  }
0x67: {  	s14 =	rddreg [dreg:$0x18];
	[sflag:s6] =	ssyncadd.s32 $0xFFFFE000  }
0x68: {  	[spmem:s14] =	stream.linear.scatter [tilespmem:s9], [sflag:$0xA], $0x2000, $0x38;
	[tilespmem:$0x1F580] =	vst v63  }
0x69: {  	_ =	swait.ge [sflag:s6], $0x2000  }
0x6a: {  	[sflag:s6] =	ssyncset.done $0x0  }
0x6b: {  	s23 =	rddreg [dreg:$0x19];
	[sflag:s6] =	ssyncadd.s32 $0xFFFFE000  }
0x6c: {  	[spmem:s23] =	stream.linear.scatter [tilespmem:s9], [sflag:$0xA], $0x1C00, $0x38;
	[tilespmem:$0x1F580] =	vst v63  }
0x6d: {  	_ =	swait.ge [sflag:s6], $0x1C00  }
0x6e: {  	[sflag:s6] =	ssyncset.done $0x0  }
0x6f: {  	[sflag:s6] =	ssyncadd.s32 $0xFFFFE400  }
0x70: {  	[bflag:$0x0] =	sbarrier.arrive $0xFFFF  }
0x71: {  	s26 =	simm.s32 $0x0;
	s29 =	simm.s32 $0x4F00;
	s25 =	rddreg [dreg:$0x1a]  }
0x72: {  	[tilespmem:s29], [sflag:$0x1] =	stream.linear.gather [hbm4b:s25+s26], $0x180, $0x38;
	[tilespmem:$0x1F580] =	vst v63  }
0x73: {  	s23 =	simm.s32 $0x5100;
	s14 =	rddreg [dreg:$0x1b]  }
0x74: {  	[tilespmem:s23], [sflag:$0x2] =	stream.linear.gather [hbm4b:s14+s26], $0x180, $0x38;
	[tilespmem:$0x1F580] =	vst v63  }
0x75: {  	s25 =	rddreg [dreg:$0x1c];
	s29 =	simm.s32 $0x5300  }
0x76: {  	[tilespmem:s29], [sflag:$0x3] =	stream.linear.gather [hbm4b:s25+s26], $0x180, $0x38;
	[tilespmem:$0x1F580] =	vst v63  }
.LBB2_4:
0x77: {  	_ =	swait.ge [sflag:s10], $0x180  }
0x78: {  	p1 =	seq.s32 s26, $0x0;
	[sflag:s10] =	ssyncset.done $0x0  }
0x79: {  	s12 =	simm.s32 @!p1 $0x7;
	[sflag:s10] =	ssyncadd.s32 $0xFFFFFE80  }
0x7a: {  	_ =	swait.ge @!p1 [sflag:s12], $0x2000  }
0x7b: {  	[sflag:s12] =	ssyncset.done @!p1 $0x0  }
0x7c: {  	[sflag:s12] =	ssyncadd.s32 @!p1 $0xFFFFE000  }
0x7d: {  	v2 =	vld [tilespmem:$0x4F00]  }
0x7e: {  	v3 =	vld [tilespmem:$0x4F80];
	_ =	sdelay $0x3  }
0x7f: {  	v4 =	vsub.s32 v2, v0;
	_ =	sdelay $0x3  }
0x80: {  	v5 =	vld.idx.msk [tilespmem:v3+s7+$0x0], $0xffff  }
0x81: {  	v4 =	vld.idx.msk [tilespmem:v4+s3+$0x0], $0xffff;
	_ =	sdelay $0x4  }
0x82: {  	v4 =	vadd.f32 v5, v4;
	_ =	sdelay $0x1  }
0x83: {  	v5 =	vmul.f32 $1.442695020e+00, v4;
	_ =	sdelay $0x1  }
0x84: {  	(erf) = vpow2.f32 v5;
	_ =	sdelay $0x5  }
0x85: {  	v6 =	vld [tilespmem:$0x4F10];
	_ =	sdelay $0x1  }
0x86: {  	v55 =	vld [tilespmem:$0x5000]  }
0x87: {  	v8 =	vld [tilespmem:$0x4F90];
	v7 =	vpop (erf)  }
0x88: {  	v7 =	vadd.f32 $-1.000000000e+00, v7  }
0x89: {  	v56 =	vsub.s32 v6, v0;
	vm0 =	vgt.f32 v4, $0.0e+00  }
0x8a: {  	v4 =	vsel vm0, v4, v7  }
0x8b: {  	[tilespmem:$0x5500] =	vst v3;
	v4 =	vmul.f32 v4, v55  }
0x8c: {  	[tilespmem:$0x5680] =	vst v2  }
0x8d: {  	[tilespmem:$0x5800] =	vst v4  }
0x8e: {  	v2 =	vld.idx.msk [tilespmem:v56+s3+$0x0], $0xffff  }
0x8f: {  	v3 =	vld.idx.msk [tilespmem:v8+s7+$0x0], $0xffff;
	_ =	sdelay $0x4  }
0x90: {  	v2 =	vadd.f32 v3, v2;
	_ =	sdelay $0x1  }
0x91: {  	v3 =	vmul.f32 $1.442695020e+00, v2;
	_ =	sdelay $0x1  }
0x92: {  	(erf) = vpow2.f32 v3;
	_ =	sdelay $0x6  }
0x93: {  	v57 =	vld [tilespmem:$0x4F20]  }
0x94: {  	v3 =	vld [tilespmem:$0x5010]  }
0x95: {  	v58 =	vpop (erf)  }
0x96: {  	v5 =	vadd.f32 $-1.000000000e+00, v58  }
0x97: {  	v59 =	vld [tilespmem:$0x4FA0];
	vm13 =	vgt.f32 v2, $0.0e+00  }
0x98: {  	v2 =	vsel vm13, v2, v5  }
0x99: {  	v2 =	vmul.f32 v2, v3;
	v3 =	vsub.s32 v57, v0;
	_ =	sdelay $0x1  }
0x9a: {  	[tilespmem:$0x5510] =	vst v8  }
0x9b: {  	[tilespmem:$0x5690] =	vst v6  }
0x9c: {  	[tilespmem:$0x5810] =	vst v2  }
0x9d: {  	v2 =	vld.idx.msk [tilespmem:v3+s3+$0x0], $0xffff  }
0x9e: {  	v3 =	vld.idx.msk [tilespmem:v59+s7+$0x0], $0xffff;
	_ =	sdelay $0x4  }
0x9f: {  	v2 =	vadd.f32 v3, v2;
	_ =	sdelay $0x1  }
0xa0: {  	v3 =	vmul.f32 $1.442695020e+00, v2;
	_ =	sdelay $0x1  }
0xa1: {  	(erf) = vpow2.f32 v3;
	_ =	sdelay $0x6  }
0xa2: {  	v60 =	vld [tilespmem:$0x4F30]  }
0xa3: {  	v3 =	vld [tilespmem:$0x5020]  }
0xa4: {  	v61 =	vpop (erf)  }
0xa5: {  	v6 =	vadd.f32 $-1.000000000e+00, v61  }
0xa6: {  	v62 =	vld [tilespmem:$0x4FB0];
	vm14 =	vgt.f32 v2, $0.0e+00  }
0xa7: {  	v2 =	vsel vm14, v2, v6  }
0xa8: {  	v2 =	vmul.f32 v2, v3;
	v3 =	vsub.s32 v60, v0;
	_ =	sdelay $0x1  }
0xa9: {  	[tilespmem:$0x5520] =	vst v59  }
0xaa: {  	[tilespmem:$0x56A0] =	vst v57  }
0xab: {  	[tilespmem:$0x5820] =	vst v2  }
0xac: {  	v2 =	vld.idx.msk [tilespmem:v3+s3+$0x0], $0xffff  }
0xad: {  	v3 =	vld.idx.msk [tilespmem:v62+s7+$0x0], $0xffff;
	_ =	sdelay $0x4  }
0xae: {  	v2 =	vadd.f32 v3, v2;
	_ =	sdelay $0x1  }
0xaf: {  	v3 =	vmul.f32 $1.442695020e+00, v2;
	_ =	sdelay $0x1  }
0xb0: {  	(erf) = vpow2.f32 v3;
	_ =	sdelay $0x7  }
0xb1: {  	v3 =	vld [tilespmem:$0x5030]  }
0xb2: {  	v63 =	vpop (erf)  }
0xb3: {  	v4 =	vadd.f32 $-1.000000000e+00, v63  }
0xb4: {  	s25 =	smul.u32 $0x3, s26;
	p0 =	seq.s32 s26, $0x68;
	vm15 =	vgt.f32 v2, $0.0e+00  }
0xb5: {  	p2 =	seq.s32 @!p0 s26, $0x0;
	v2 =	vsel vm15, v2, v4  }
0xb6: {  	p2 =	por p0, !p2;
	s12 =	sadd.s32 @!p0 s25, s31;
	[tilespmem:$0x5530] =	vst v62;
	v2 =	vmul.f32 v2, v3  }
.Ltmp1:
0xb7: {  	s12 =	sshll.u32 @!p0 s12, $0x6;
	[tilespmem:$0x56B0] =	vst v60;
	(pc) =	sbr.rel @!p2 .LBB2_8-.Ltmp1, $4  }
0xb8: {  	s4 =	simm.s32 $0x5680;
	s12 =	sand.u32 @!p0 $0x1FFFFFC0, s12;
	[tilespmem:$0x5830] =	vst v2  }
0xb9: {  	[tilespmem:s9], [sflag:$0x4] =	stream.indirect.gather [hbm4b:s5+s11], $0x80, s4, s11, $0xb8;
	[tilespmem:$0x1F580] =	vst v63  }
0xba: {  	s14 =	simm.s32 @!p0 $0x0;
	s23 =	simm.s32 @!p0 $0x4F00;
	s12 =	sadd.s32 @!p0 s0, s12  }
0xbb: {  	[tilespmem:s23], [sflag:$0x1] =	stream.linear.gather @!p0 [hbm4b:s12+s14], $0x180, $0x38;
	[tilespmem:$0x1F580] =	vst v63  }
0xbc: {  	s12 =	simm.s32 $0x0  }
0xbd: {  	s4 =	simm.s32 $0x2;
	v2 =	vmov s12  }
0xbe: {  	_ =	swait.ge [sflag:s21], $0x2000;
	v3 =	vmov s4;
	v2 =	vand.u32 $0xFFFFFFFC, v2  }
0xbf: {  	[sflag:s21] =	ssyncset.done $0x0;
	v3 =	vand.u32 $0xFFFFFFFE, v3;
	v2 =	vbroadcast v2, $0x0  }
0xc0: {  	s23 =	simm.s32 $0x9A80;
	[sflag:s21] =	ssyncadd.s32 $0xFFFFE000;
	v3 =	vbroadcast v3, $0x0  }
0xc1: {  	v5 =	vld [tilespmem:s23+$0x70]  }
0xc2: {  	v6 =	vld [tilespmem:s23+$0xFFFFFF00]  }
0xc3: {  	s14 =	simm.s32 $0x1;
	v7 =	vld [tilespmem:s23+$0xFFFFFF10]  }
0xc4: {  	v4 =	vmov s14;
	v8 =	vld [tilespmem:s23+$0xFFFFFF20]  }
0xc5: {  	v4 =	vand.u32 $0xFFFFFFFD, v4;
	v2 =	vld.idx.msk [tilespmem:v2+s22+$0x0], $0xffff  }
0xc6: {  	v4 =	vbroadcast v4, $0x0;
	v3 =	vld.idx.msk [tilespmem:v3+s22+$0x0], $0xffff  }
0xc7: {  	v9 =	vld [tilespmem:s23+$0xFFFFFF30]  }
0xc8: {  	v10 =	vld [tilespmem:s23+$0xFFFFFF40]  }
0xc9: {  	v11 =	vld [tilespmem:s23+$0xFFFFFF50]  }
0xca: {  	v12 =	vld [tilespmem:s23+$0xFFFFFF60];
	v6 =	vmul.f32 v6, v2  }
0xcb: {  	v14 =	vld [tilespmem:s23+$0x40];
	v5 =	vmul.f32 v5, v3  }
0xcc: {  	v4 =	vld.idx.msk [tilespmem:v4+s22+$0x0], $0xffff;
	[tilespmem:s23+$0xFFFFFF00] =	vst v6;
	v6 =	vmul.f32 v7, v2  }
0xcd: {  	v7 =	vld [tilespmem:s23+$0xFFFFFF70];
	[tilespmem:s23+$0x70] =	vst v5;
	v5 =	vmul.f32 v8, v2  }
0xce: {  	v8 =	vld [tilespmem:s23+$0xFFFFFF80];
	[tilespmem:s23+$0xFFFFFF10] =	vst v6;
	v6 =	vmul.f32 v9, v2  }
0xcf: {  	v9 =	vld [tilespmem:s23+$0xFFFFFF90];
	[tilespmem:s23+$0xFFFFFF20] =	vst v5;
	v5 =	vmul.f32 v10, v2  }
0xd0: {  	v10 =	vld [tilespmem:s23+$0xFFFFFFA0];
	[tilespmem:s23+$0xFFFFFF30] =	vst v6;
	v6 =	vmul.f32 v11, v2  }
0xd1: {  	v11 =	vld [tilespmem:s23+$0xFFFFFFB0];
	[tilespmem:s23+$0xFFFFFF40] =	vst v5;
	v5 =	vmul.f32 v12, v2  }
0xd2: {  	v12 =	vld [tilespmem:s23+$0xFFFFFFC0];
	v7 =	vmul.f32 v7, v2;
	[tilespmem:s23+$0xFFFFFF50] =	vst v6  }
0xd3: {  	v6 =	vmul.f32 v8, v4;
	v8 =	vld [tilespmem:s23+$0xFFFFFFD0];
	[tilespmem:s23+$0xFFFFFF60] =	vst v5  }
0xd4: {  	s4 =	simm.s32 $0x3;
	v5 =	vld [tilespmem:s23+$0xFFFFFFE0];
	v9 =	vmul.f32 v9, v4;
	[tilespmem:s23+$0xFFFFFF70] =	vst v7  }
0xd5: {  	v13 =	vmov s4;
	v7 =	vld [tilespmem:s23+$0xFFFFFFF0];
	[tilespmem:s23+$0xFFFFFF80] =	vst v6;
	v6 =	vmul.f32 v10, v4  }
0xd6: {  	v10 =	vld [tilespmem:s23+$0x0];
	[tilespmem:s23+$0xFFFFFF90] =	vst v9;
	v9 =	vmul.f32 v11, v4  }
0xd7: {  	v11 =	vld [tilespmem:s23+$0x10];
	[tilespmem:s23+$0xFFFFFFA0] =	vst v6;
	v6 =	vmul.f32 v12, v4  }
0xd8: {  	[tilespmem:s23+$0xFFFFFFB0] =	vst v9;
	v8 =	vmul.f32 v8, v4;
	v9 =	vld [tilespmem:s23+$0x20]  }
0xd9: {  	v12 =	vld [tilespmem:s23+$0x30];
	v5 =	vmul.f32 v5, v4;
	[tilespmem:s23+$0xFFFFFFC0] =	vst v6  }
0xda: {  	v2 =	vld.idx.msk [tilespmem:v13+s22+$0x0], $0xffff;
	v4 =	vmul.f32 v7, v4;
	[tilespmem:s23+$0xFFFFFFD0] =	vst v8  }
0xdb: {  	[tilespmem:s23+$0xFFFFFFE0] =	vst v5;
	v6 =	vmul.f32 v10, v3;
	v5 =	vld [tilespmem:s23+$0x50]  }
0xdc: {  	s14 =	simm.s32 $0x4;
	[tilespmem:s23+$0xFFFFFFF0] =	vst v4;
	v7 =	vmul.f32 v11, v3;
	v4 =	vld [tilespmem:s23+$0x60]  }
0xdd: {  	s4 =	simm.s32 $0x7;
	v8 =	vmov s14;
	[tilespmem:s23+$0x0] =	vst v6;
	v10 =	vmul.f32 v9, v3;
	v9 =	vld [tilespmem:s23+$0x80]  }
0xde: {  	s14 =	simm.s32 $0x5;
	v13 =	vand.u32 $0xFFFFFFFC, v8;
	v8 =	vld [tilespmem:s23+$0x90];
	v6 =	vmov s4;
	v11 =	vmul.f32 v12, v3;
	[tilespmem:s23+$0x10] =	vst v7  }
0xdf: {  	s29 =	simm.s32 $0x6;
	s12 =	simm.s32 $0x9A80;
	v12 =	vmul.f32 v14, v3;
	v7 =	vbroadcast v13, $0x0;
	v13 =	vmov s14;
	s14 =	simm.s32 $0x8;
	[tilespmem:s23+$0x20] =	vst v10;
	v10 =	vld [tilespmem:s23+$0xA0]  }
.LBB2_6:
0xe0: {  	p2 =	slt.u32 s14, $0x3C;
	v13 =	vand.u32 $0xFFFFFFFD, v13;
	v14 =	vmov s29;
	[tilespmem:s23+$0x30] =	vst v11;
	v5 =	vmul.f32 v5, v3;
	v11 =	vld [tilespmem:s23+$0xB0]  }
0xe1: {  	v13 =	vbroadcast v13, $0x0;
	v14 =	vand.u32 $0xFFFFFFFE, v14;
	[tilespmem:s23+$0x40] =	vst v12;
	v3 =	vmul.f32 v4, v3;
	v4 =	vld [tilespmem:s23+$0xC0]  }
0xe2: {  	v12 =	vbroadcast v14, $0x0;
	[tilespmem:s23+$0x50] =	vst v5;
	v5 =	vmul.f32 v9, v2;
	v9 =	vld [tilespmem:s23+$0xD0]  }
0xe3: {  	[tilespmem:s23+$0x60] =	vst v3;
	v3 =	vmul.f32 v8, v2;
	v8 =	vld [tilespmem:s23+$0xE0]  }
0xe4: {  	[tilespmem:s23+$0x80] =	vst v5;
	v5 =	vmul.f32 v10, v2;
	v10 =	vld [tilespmem:s23+$0xF0]  }
0xe5: {  	v6 =	vld.idx.msk [tilespmem:v6+s22+$0x0], $0xffff;
	[tilespmem:s23+$0x90] =	vst v3;
	v3 =	vmul.f32 v11, v2  }
0xe6: {  	v7 =	vld.idx.msk [tilespmem:v7+s22+$0x0], $0xffff;
	[tilespmem:s23+$0xA0] =	vst v5;
	v4 =	vmul.f32 v4, v2  }
0xe7: {  	v5 =	vld.idx.msk [tilespmem:v13+s22+$0x0], $0xffff;
	[tilespmem:s23+$0xB0] =	vst v3;
	v9 =	vmul.f32 v9, v2  }
0xe8: {  	s23 =	sadd.s32 $0x200, s23;
	v3 =	vld.idx.msk [tilespmem:v12+s22+$0x0], $0xffff;
	[tilespmem:s12+$0xC0] =	vst v4;
	v4 =	vmul.f32 v8, v2  }
0xe9: {  	v8 =	vld [tilespmem:s23+$0x70];
	[tilespmem:s12+$0xD0] =	vst v9;
	v10 =	vmul.f32 v10, v2  }
0xea: {  	v9 =	vld [tilespmem:s23+$0xFFFFFF00];
	[tilespmem:s12+$0xE0] =	vst v4  }
0xeb: {  	v2 =	vmov v6;
	v4 =	vld [tilespmem:s23+$0xFFFFFF10];
	[tilespmem:s12+$0xF0] =	vst v10;
	s12 =	smov.u32 s23  }
0xec: {  	v6 =	vld [tilespmem:s23+$0xFFFFFF20]  }
0xed: {  	v10 =	vld [tilespmem:s23+$0xFFFFFF30]  }
0xee: {  	v11 =	vld [tilespmem:s23+$0xFFFFFF40];
	v8 =	vmul.f32 v8, v3  }
0xef: {  	v9 =	vmul.f32 v9, v7;
	v12 =	vld [tilespmem:s23+$0xFFFFFF50]  }
0xf0: {  	v4 =	vmul.f32 v4, v7;
	v13 =	vld [tilespmem:s23+$0xFFFFFF60];
	[tilespmem:s23+$0x70] =	vst v8  }
0xf1: {  	[tilespmem:s23+$0xFFFFFF00] =	vst v9;
	v6 =	vmul.f32 v6, v7;
	v8 =	vld [tilespmem:s23+$0xFFFFFF70]  }
0xf2: {  	[tilespmem:s23+$0xFFFFFF10] =	vst v4;
	v4 =	vmul.f32 v10, v7;
	v9 =	vld [tilespmem:s23+$0xFFFFFF80]  }
0xf3: {  	[tilespmem:s23+$0xFFFFFF20] =	vst v6;
	v6 =	vmul.f32 v11, v7;
	v10 =	vld [tilespmem:s23+$0xFFFFFF90]  }
0xf4: {  	[tilespmem:s23+$0xFFFFFF30] =	vst v4;
	v4 =	vmul.f32 v12, v7;
	v11 =	vld [tilespmem:s23+$0xFFFFFFA0]  }
0xf5: {  	[tilespmem:s23+$0xFFFFFF40] =	vst v6;
	v6 =	vmul.f32 v13, v7;
	v12 =	vld [tilespmem:s23+$0xFFFFFFB0]  }
0xf6: {  	[tilespmem:s23+$0xFFFFFF50] =	vst v4;
	v4 =	vmul.f32 v8, v7;
	v7 =	vld [tilespmem:s23+$0xFFFFFFC0]  }
0xf7: {  	[tilespmem:s23+$0xFFFFFF60] =	vst v6;
	v6 =	vmul.f32 v9, v5;
	v8 =	vld [tilespmem:s23+$0xFFFFFFD0]  }
0xf8: {  	[tilespmem:s23+$0xFFFFFF70] =	vst v4;
	v4 =	vmul.f32 v10, v5;
	v9 =	vld [tilespmem:s23+$0xFFFFFFE0]  }
0xf9: {  	[tilespmem:s23+$0xFFFFFF80] =	vst v6;
	v6 =	vmul.f32 v11, v5;
	v10 =	vld [tilespmem:s23+$0xFFFFFFF0]  }
0xfa: {  	[tilespmem:s23+$0xFFFFFF90] =	vst v4;
	v4 =	vmul.f32 v12, v5;
	v11 =	vld [tilespmem:s23+$0x0]  }
0xfb: {  	[tilespmem:s23+$0xFFFFFFA0] =	vst v6;
	v6 =	vmul.f32 v7, v5;
	v7 =	vld [tilespmem:s23+$0x10]  }
0xfc: {  	[tilespmem:s23+$0xFFFFFFB0] =	vst v4;
	v4 =	vmul.f32 v8, v5;
	v8 =	vld [tilespmem:s23+$0x20]  }
0xfd: {  	[tilespmem:s23+$0xFFFFFFC0] =	vst v6;
	v6 =	vmul.f32 v9, v5;
	v12 =	vld [tilespmem:s23+$0x30]  }
0xfe: {  	[tilespmem:s23+$0xFFFFFFD0] =	vst v4;
	v4 =	vmul.f32 v10, v5;
	v10 =	vld [tilespmem:s23+$0x40]  }
.Ltmp2:
0xff: {  	[tilespmem:s23+$0xFFFFFFE0] =	vst v6;
	v6 =	vmul.f32 v11, v3;
	v5 =	vld [tilespmem:s23+$0x50];
	(pc) =	sbr.rel @p2 .LBB2_6-.Ltmp2, $4  }
0x100: {  	[tilespmem:s23+$0xFFFFFFF0] =	vst v4;
	v7 =	vmul.f32 v7, v3;
	v4 =	vld [tilespmem:s23+$0x60]  }
0x101: {  	s29 =	sadd.s32 $0x3, s14;
	v11 =	vmov s14;
	[tilespmem:s23+$0x0] =	vst v6;
	v14 =	vmul.f32 v8, v3;
	v9 =	vld [tilespmem:s23+$0x80]  }
0x102: {  	s4 =	sadd.s32 $0x1, s14;
	v13 =	vand.u32 $0xFFFFFFFC, v11;
	v6 =	vmov s29;
	[tilespmem:s23+$0x10] =	vst v7;
	v11 =	vmul.f32 v12, v3;
	v8 =	vld [tilespmem:s23+$0x90]  }
0x103: {  	s29 =	sadd.s32 $0x2, s14;
	s14 =	sadd.s32 $0x4, s14;
	v7 =	vbroadcast v13, $0x0;
	v13 =	vmov s4;
	[tilespmem:s23+$0x20] =	vst v14;
	v12 =	vmul.f32 v10, v3;
	v10 =	vld [tilespmem:s23+$0xA0]  }
0x104: {  	v14 =	vld [tilespmem:s23+$0xB0]  }
0x105: {  	v16 =	vld [tilespmem:s23+$0xC0]  }
0x106: {  	v17 =	vld [tilespmem:s23+$0xD0]  }
0x107: {  	v18 =	vld [tilespmem:s23+$0xE0]  }
0x108: {  	v24 =	vld [tilespmem:s23+$0xF0];
	[tilespmem:s23+$0x30] =	vst v11;
	v5 =	vmul.f32 v5, v3  }
0x109: {  	v6 =	vld.idx.msk [tilespmem:v6+s22+$0x0], $0xffff;
	[tilespmem:s23+$0x40] =	vst v12;
	v3 =	vmul.f32 v4, v3  }
0x10a: {  	s14 =	sadd.s32 $0x200, s23;
	v25 =	vld.idx.msk [tilespmem:v7+s22+$0x0], $0xffff;
	v9 =	vmul.f32 v9, v2;
	[tilespmem:s23+$0x50] =	vst v5  }
0x10b: {  	v30 =	vld [tilespmem:s14+$0x70];
	v26 =	vmul.f32 v8, v2;
	[tilespmem:s23+$0x60] =	vst v3  }
0x10c: {  	v31 =	vld [tilespmem:s14+$0xFFFFFF00];
	[tilespmem:s23+$0x80] =	vst v9;
	v3 =	vmul.f32 v10, v2  }
0x10d: {  	v15 =	vmov s29;
	v33 =	vld [tilespmem:s14+$0xFFFFFF10];
	[tilespmem:s23+$0x90] =	vst v26;
	v29 =	vmul.f32 v14, v2  }
0x10e: {  	v15 =	vand.u32 $0xFFFFFFFE, v15;
	v34 =	vld [tilespmem:s14+$0xFFFFFF20];
	[tilespmem:s23+$0xA0] =	vst v3;
	v3 =	vmul.f32 v16, v2  }
0x10f: {  	v13 =	vand.u32 $0xFFFFFFFD, v13;
	v35 =	vld [tilespmem:s14+$0xFFFFFF30];
	v15 =	vbroadcast v15, $0x0;
	v32 =	vmul.f32 v17, v2;
	[tilespmem:s23+$0xB0] =	vst v29  }
0x110: {  	v13 =	vbroadcast v13, $0x0;
	v37 =	vld [tilespmem:s14+$0xFFFFFF50];
	[tilespmem:s12+$0xC0] =	vst v3;
	v3 =	vmul.f32 v18, v2  }
0x111: {  	v39 =	vld [tilespmem:s14+$0xFFFFFF60];
	[tilespmem:s12+$0xD0] =	vst v32;
	v2 =	vmul.f32 v24, v2  }
0x112: {  	v38 =	vmul.f32 v33, v25;
	[tilespmem:s12+$0xE0] =	vst v3;
	v3 =	vld [tilespmem:s14+$0xFFFFFF40]  }
0x113: {  	v40 =	vld [tilespmem:s14+$0xFFFFFF70];
	[tilespmem:s12+$0xF0] =	vst v2;
	v2 =	vmul.f32 v31, v25  }
0x114: {  	v41 =	vld [tilespmem:s14+$0xFFFFFF80];
	v5 =	vmul.f32 v35, v25;
	[tilespmem:s14+$0xFFFFFF10] =	vst v38  }
0x115: {  	v28 =	vld.idx.msk [tilespmem:v15+s22+$0x0], $0xffff;
	[tilespmem:s14+$0xFFFFFF00] =	vst v2;
	v2 =	vmul.f32 v34, v25  }
0x116: {  	v42 =	vmul.f32 v37, v25;
	v27 =	vld.idx.msk [tilespmem:v13+s22+$0x0], $0xffff;
	[tilespmem:s14+$0xFFFFFF30] =	vst v5  }
0x117: {  	[tilespmem:s14+$0xFFFFFF20] =	vst v2;
	v2 =	vmul.f32 v3, v25;
	v3 =	vld [tilespmem:s14+$0xFFFFFF90]  }
0x118: {  	v43 =	vld [tilespmem:s14+$0xFFFFFFA0];
	v4 =	vmul.f32 v40, v25;
	[tilespmem:s14+$0xFFFFFF50] =	vst v42  }
0x119: {  	v44 =	vld [tilespmem:s14+$0xFFFFFFB0];
	[tilespmem:s14+$0xFFFFFF40] =	vst v2;
	v2 =	vmul.f32 v39, v25  }
0x11a: {  	v45 =	vld [tilespmem:s14+$0xFFFFFFC0];
	[tilespmem:s14+$0xFFFFFF70] =	vst v4;
	v36 =	vmul.f32 v30, v28  }
0x11b: {  	v46 =	vld [tilespmem:s14+$0xFFFFFFD0];
	[tilespmem:s14+$0xFFFFFF60] =	vst v2;
	v2 =	vmul.f32 v41, v27  }
0x11c: {  	v47 =	vld [tilespmem:s14+$0xFFFFFFE0];
	[tilespmem:s14+$0x70] =	vst v36;
	v3 =	vmul.f32 v3, v27  }
0x11d: {  	v48 =	vld [tilespmem:s14+$0xFFFFFFF0];
	[tilespmem:s14+$0xFFFFFF80] =	vst v2;
	v2 =	vmul.f32 v43, v27  }
0x11e: {  	v49 =	vld [tilespmem:s14+$0x0];
	[tilespmem:s14+$0xFFFFFF90] =	vst v3;
	v3 =	vmul.f32 v44, v27  }
0x11f: {  	v50 =	vld [tilespmem:s14+$0x10];
	[tilespmem:s14+$0xFFFFFFA0] =	vst v2;
	v2 =	vmul.f32 v45, v27  }
0x120: {  	v51 =	vld [tilespmem:s14+$0x20];
	[tilespmem:s14+$0xFFFFFFB0] =	vst v3;
	v3 =	vmul.f32 v46, v27  }
0x121: {  	v52 =	vld [tilespmem:s14+$0x30];
	[tilespmem:s14+$0xFFFFFFC0] =	vst v2;
	v2 =	vmul.f32 v47, v27  }
0x122: {  	v53 =	vld [tilespmem:s14+$0x40];
	[tilespmem:s14+$0xFFFFFFD0] =	vst v3;
	v3 =	vmul.f32 v48, v27  }
0x123: {  	v54 =	vld [tilespmem:s14+$0x50];
	[tilespmem:s14+$0xFFFFFFE0] =	vst v2;
	v2 =	vmul.f32 v49, v28  }
0x124: {  	v55 =	vld [tilespmem:s14+$0x60];
	[tilespmem:s14+$0xFFFFFFF0] =	vst v3;
	v3 =	vmul.f32 v50, v28  }
0x125: {  	v56 =	vld [tilespmem:s14+$0x80];
	[tilespmem:s14+$0x0] =	vst v2;
	v2 =	vmul.f32 v51, v28  }
0x126: {  	v57 =	vld [tilespmem:s14+$0x90];
	[tilespmem:s14+$0x10] =	vst v3;
	v3 =	vmul.f32 v52, v28  }
0x127: {  	v58 =	vld [tilespmem:s14+$0xA0];
	[tilespmem:s14+$0x20] =	vst v2;
	v2 =	vmul.f32 v53, v28  }
0x128: {  	v59 =	vld [tilespmem:s14+$0xB0];
	[tilespmem:s14+$0x30] =	vst v3;
	v3 =	vmul.f32 v54, v28  }
0x129: {  	v60 =	vld [tilespmem:s14+$0xC0];
	[tilespmem:s14+$0x40] =	vst v2;
	v2 =	vmul.f32 v55, v28  }
0x12a: {  	v61 =	vld [tilespmem:s14+$0xD0];
	[tilespmem:s14+$0x50] =	vst v3;
	v3 =	vmul.f32 v56, v6  }
0x12b: {  	v62 =	vld [tilespmem:s14+$0xE0];
	[tilespmem:s14+$0x60] =	vst v2;
	v2 =	vmul.f32 v57, v6  }
0x12c: {  	v63 =	vld [tilespmem:s14+$0xF0];
	[tilespmem:s14+$0x80] =	vst v3;
	v3 =	vmul.f32 v58, v6  }
0x12d: {  	[tilespmem:s14+$0x90] =	vst v2;
	v2 =	vmul.f32 v59, v6  }
0x12e: {  	[tilespmem:s14+$0xA0] =	vst v3;
	v3 =	vmul.f32 v60, v6  }
0x12f: {  	[tilespmem:s14+$0xB0] =	vst v2;
	v2 =	vmul.f32 v61, v6  }
0x130: {  	[tilespmem:s14+$0xC0] =	vst v3;
	v3 =	vmul.f32 v62, v6  }
0x131: {  	[tilespmem:s14+$0xD0] =	vst v2;
	v2 =	vmul.f32 v63, v6  }
0x132: {  	[tilespmem:s14+$0xE0] =	vst v3  }
0x133: {  	s4 =	simm.s32 $0x5600;
	[tilespmem:s14+$0xF0] =	vst v2  }
0x134: {  	[spmem:s2] =	stream.indirect.scatter.add.f32 [tilespmem:s17], [sflag:$0x9], $0x80, s4, s11, $0xb8;
	[tilespmem:$0x1F580] =	vst v63  }
0x135: {  	_ =	swait.ge [sflag:s13], $0x180  }
.Ltmp3:
0x136: {  	[sflag:s13] =	ssyncset.done $0x0;
	(pc) =	sbr.rel .LBB2_9-.Ltmp3, $4  }
0x137: {  	[sflag:s13] =	ssyncadd.s32 $0xFFFFFE80  }
0x138: {  	_ =	swait.ge [sflag:s24], $0x2000  }
0x139: {  	[sflag:s24] =	ssyncset.done $0x0  }
0x13a: {  	[sflag:s24] =	ssyncadd.s32 $0xFFFFE000  }
.LBB2_8:
0x13b: {  	_ =	swait.ge [sflag:s13], $0x180  }
0x13c: {  	[sflag:s13] =	ssyncset.done $0x0  }
0x13d: {  	[sflag:s13] =	ssyncadd.s32 $0xFFFFFE80  }
.LBB2_9:
0x13e: {  	v2 =	vld [tilespmem:$0x5100]  }
0x13f: {  	v3 =	vld [tilespmem:$0x5180];
	_ =	sdelay $0x3  }
0x140: {  	v4 =	vsub.s32 v2, v0;
	_ =	sdelay $0x3  }
0x141: {  	v5 =	vld.idx.msk [tilespmem:v3+s7+$0x0], $0xffff  }
0x142: {  	v4 =	vld.idx.msk [tilespmem:v4+s3+$0x0], $0xffff;
	_ =	sdelay $0x4  }
0x143: {  	v4 =	vadd.f32 v5, v4;
	_ =	sdelay $0x1  }
0x144: {  	v5 =	vmul.f32 $1.442695020e+00, v4;
	_ =	sdelay $0x1  }
0x145: {  	(erf) = vpow2.f32 v5;
	_ =	sdelay $0x6  }
0x146: {  	v6 =	vld [tilespmem:$0x5110]  }
0x147: {  	v5 =	vld [tilespmem:$0x5200]  }
0x148: {  	v8 =	vld [tilespmem:$0x5190];
	v7 =	vpop (erf)  }
0x149: {  	v7 =	vadd.f32 $-1.000000000e+00, v7  }
0x14a: {  	vm0 =	vgt.f32 v4, $0.0e+00  }
0x14b: {  	v4 =	vsel vm0, v4, v7  }
0x14c: {  	v4 =	vmul.f32 v4, v5;
	v5 =	vsub.s32 v6, v0  }
0x14d: {  	[tilespmem:$0x5580] =	vst v3  }
0x14e: {  	[tilespmem:$0x5700] =	vst v2  }
0x14f: {  	[tilespmem:$0x5880] =	vst v4  }
0x150: {  	v3 =	vld.idx.msk [tilespmem:v8+s7+$0x0], $0xffff  }
0x151: {  	v2 =	vld.idx.msk [tilespmem:v5+s3+$0x0], $0xffff;
	_ =	sdelay $0x4  }
0x152: {  	v2 =	vadd.f32 v3, v2;
	_ =	sdelay $0x1  }
0x153: {  	v3 =	vmul.f32 $1.442695020e+00, v2;
	_ =	sdelay $0x1  }
0x154: {  	(erf) = vpow2.f32 v3;
	_ =	sdelay $0x6  }
0x155: {  	v4 =	vld [tilespmem:$0x5120]  }
0x156: {  	v3 =	vld [tilespmem:$0x5210]  }
0x157: {  	v5 =	vpop (erf)  }
0x158: {  	v5 =	vadd.f32 $-1.000000000e+00, v5  }
0x159: {  	v7 =	vld [tilespmem:$0x51A0];
	vm13 =	vgt.f32 v2, $0.0e+00  }
0x15a: {  	v2 =	vsel vm13, v2, v5  }
0x15b: {  	v2 =	vmul.f32 v2, v3;
	v3 =	vsub.s32 v4, v0;
	_ =	sdelay $0x1  }
0x15c: {  	[tilespmem:$0x5590] =	vst v8  }
0x15d: {  	[tilespmem:$0x5710] =	vst v6  }
0x15e: {  	[tilespmem:$0x5890] =	vst v2  }
0x15f: {  	v2 =	vld.idx.msk [tilespmem:v3+s3+$0x0], $0xffff  }
0x160: {  	v3 =	vld.idx.msk [tilespmem:v7+s7+$0x0], $0xffff;
	_ =	sdelay $0x4  }
0x161: {  	v2 =	vadd.f32 v3, v2;
	_ =	sdelay $0x1  }
0x162: {  	v3 =	vmul.f32 $1.442695020e+00, v2;
	_ =	sdelay $0x1  }
0x163: {  	(erf) = vpow2.f32 v3;
	_ =	sdelay $0x6  }
0x164: {  	v5 =	vld [tilespmem:$0x5130]  }
0x165: {  	v3 =	vld [tilespmem:$0x5220]  }
0x166: {  	v6 =	vpop (erf)  }
0x167: {  	v6 =	vadd.f32 $-1.000000000e+00, v6  }
0x168: {  	v8 =	vld [tilespmem:$0x51B0];
	vm14 =	vgt.f32 v2, $0.0e+00  }
0x169: {  	v2 =	vsel vm14, v2, v6  }
0x16a: {  	v2 =	vmul.f32 v2, v3;
	v3 =	vsub.s32 v5, v0;
	_ =	sdelay $0x1  }
0x16b: {  	[tilespmem:$0x55A0] =	vst v7  }
0x16c: {  	[tilespmem:$0x5720] =	vst v4  }
0x16d: {  	[tilespmem:$0x58A0] =	vst v2  }
0x16e: {  	v2 =	vld.idx.msk [tilespmem:v3+s3+$0x0], $0xffff  }
0x16f: {  	v3 =	vld.idx.msk [tilespmem:v8+s7+$0x0], $0xffff;
	_ =	sdelay $0x4  }
0x170: {  	v2 =	vadd.f32 v3, v2;
	_ =	sdelay $0x1  }
0x171: {  	v3 =	vmul.f32 $1.442695020e+00, v2;
	_ =	sdelay $0x1  }
0x172: {  	(erf) = vpow2.f32 v3;
	_ =	sdelay $0x7  }
0x173: {  	v3 =	vld [tilespmem:$0x5230]  }
0x174: {  	v4 =	vpop (erf)  }
0x175: {  	v4 =	vadd.f32 $-1.000000000e+00, v4  }
0x176: {  	vm15 =	vgt.f32 v2, $0.0e+00  }
0x177: {  	v2 =	vsel vm15, v2, v4  }
0x178: {  	[tilespmem:$0x55B0] =	vst v8;
	v2 =	vmul.f32 v2, v3  }
0x179: {  	s12 =	sadd.s32 @!p0 s25, s8;
	s23 =	simm.s32 $0x2;
	[tilespmem:$0x5730] =	vst v5  }
0x17a: {  	s4 =	simm.s32 $0x5700;
	s12 =	sshll.u32 @!p0 s12, $0x6;
	v3 =	vmov s23;
	[tilespmem:$0x58B0] =	vst v2  }
0x17b: {  	v3 =	vand.u32 $0xFFFFFFFE, v3;
	[tilespmem:s15], [sflag:$0x5] =	stream.indirect.gather [hbm4b:s5+s11], $0x80, s4, s11, $0xb8;
	[tilespmem:$0x1F580] =	vst v63  }
0x17c: {  	s14 =	simm.s32 $0x0;
	v3 =	vbroadcast v3, $0x0;
	s4 =	sand.u32 @!p0 $0x1FFFFFC0, s12  }
0x17d: {  	v2 =	vmov s14;
	s14 =	simm.s32 @!p0 $0x5100;
	s12 =	simm.s32 @!p0 $0x0;
	s4 =	sadd.s32 @!p0 s0, s4  }
0x17e: {  	[tilespmem:s14], [sflag:$0x2] =	stream.linear.gather @!p0 [hbm4b:s4+s12], $0x180, $0x38;
	[tilespmem:$0x1F580] =	vst v63  }
0x17f: {  	_ =	swait.ge [sflag:s16], $0x2000  }
0x180: {  	v2 =	vand.u32 $0xFFFFFFFC, v2;
	[sflag:s16] =	ssyncset.done $0x0  }
0x181: {  	v2 =	vbroadcast v2, $0x0;
	[sflag:s16] =	ssyncadd.s32 $0xFFFFE000  }
0x182: {  	s23 =	simm.s32 $0x5A80;
	v3 =	vld.idx.msk [tilespmem:v3+s28+$0x0], $0xffff  }
0x183: {  	v5 =	vld [tilespmem:s23+$0x70]  }
0x184: {  	s14 =	simm.s32 $0x1;
	v6 =	vld [tilespmem:s23+$0xFFFFFF00]  }
0x185: {  	v4 =	vmov s14;
	v7 =	vld [tilespmem:s23+$0xFFFFFF10]  }
0x186: {  	v4 =	vand.u32 $0xFFFFFFFD, v4;
	v8 =	vld [tilespmem:s23+$0xFFFFFF20]  }
0x187: {  	v4 =	vbroadcast v4, $0x0;
	v2 =	vld.idx.msk [tilespmem:v2+s28+$0x0], $0xffff  }
0x188: {  	v9 =	vld [tilespmem:s23+$0xFFFFFF30]  }
0x189: {  	v10 =	vld [tilespmem:s23+$0xFFFFFF40]  }
0x18a: {  	v11 =	vld [tilespmem:s23+$0xFFFFFF50]  }
0x18b: {  	v12 =	vld [tilespmem:s23+$0xFFFFFF60];
	v5 =	vmul.f32 v5, v3  }
0x18c: {  	v14 =	vld [tilespmem:s23+$0x40];
	v6 =	vmul.f32 v6, v2  }
0x18d: {  	v4 =	vld.idx.msk [tilespmem:v4+s28+$0x0], $0xffff;
	[tilespmem:s23+$0x70] =	vst v5;
	v5 =	vmul.f32 v8, v2  }
0x18e: {  	[tilespmem:s23+$0xFFFFFF00] =	vst v6;
	v6 =	vmul.f32 v7, v2;
	v7 =	vld [tilespmem:s23+$0xFFFFFF70]  }
0x18f: {  	v8 =	vld [tilespmem:s23+$0xFFFFFF80];
	[tilespmem:s23+$0xFFFFFF20] =	vst v5;
	v5 =	vmul.f32 v10, v2  }
0x190: {  	[tilespmem:s23+$0xFFFFFF10] =	vst v6;
	v6 =	vmul.f32 v9, v2;
	v9 =	vld [tilespmem:s23+$0xFFFFFF90]  }
0x191: {  	v10 =	vld [tilespmem:s23+$0xFFFFFFA0];
	[tilespmem:s23+$0xFFFFFF40] =	vst v5;
	v5 =	vmul.f32 v12, v2  }
0x192: {  	[tilespmem:s23+$0xFFFFFF30] =	vst v6;
	v6 =	vmul.f32 v11, v2;
	v11 =	vld [tilespmem:s23+$0xFFFFFFB0]  }
0x193: {  	v12 =	vld [tilespmem:s23+$0xFFFFFFC0];
	v7 =	vmul.f32 v7, v2;
	[tilespmem:s23+$0xFFFFFF60] =	vst v5  }
0x194: {  	v5 =	vld [tilespmem:s23+$0xFFFFFFE0];
	[tilespmem:s23+$0xFFFFFF50] =	vst v6;
	v6 =	vmul.f32 v8, v4  }
0x195: {  	s12 =	simm.s32 $0x3;
	v8 =	vld [tilespmem:s23+$0xFFFFFFD0];
	v9 =	vmul.f32 v9, v4;
	[tilespmem:s23+$0xFFFFFF70] =	vst v7  }
0x196: {  	v13 =	vmov s12;
	v7 =	vld [tilespmem:s23+$0xFFFFFFF0];
	[tilespmem:s23+$0xFFFFFF80] =	vst v6;
	v6 =	vmul.f32 v10, v4  }
0x197: {  	v10 =	vld [tilespmem:s23+$0x0];
	[tilespmem:s23+$0xFFFFFF90] =	vst v9;
	v9 =	vmul.f32 v11, v4  }
0x198: {  	v11 =	vld [tilespmem:s23+$0x10];
	[tilespmem:s23+$0xFFFFFFA0] =	vst v6;
	v6 =	vmul.f32 v12, v4  }
0x199: {  	v5 =	vmul.f32 v5, v4;
	[tilespmem:s23+$0xFFFFFFB0] =	vst v9;
	v9 =	vld [tilespmem:s23+$0x20]  }
0x19a: {  	v12 =	vld [tilespmem:s23+$0x30];
	v8 =	vmul.f32 v8, v4;
	[tilespmem:s23+$0xFFFFFFC0] =	vst v6  }
0x19b: {  	v2 =	vld.idx.msk [tilespmem:v13+s28+$0x0], $0xffff;
	v4 =	vmul.f32 v7, v4;
	[tilespmem:s23+$0xFFFFFFE0] =	vst v5  }
0x19c: {  	v5 =	vld [tilespmem:s23+$0x50];
	[tilespmem:s23+$0xFFFFFFD0] =	vst v8;
	v6 =	vmul.f32 v10, v3  }
0x19d: {  	s14 =	simm.s32 $0x4;
	[tilespmem:s23+$0xFFFFFFF0] =	vst v4;
	v7 =	vmul.f32 v11, v3;
	v4 =	vld [tilespmem:s23+$0x60]  }
0x19e: {  	s12 =	simm.s32 $0x7;
	v8 =	vmov s14;
	[tilespmem:s23+$0x0] =	vst v6;
	v10 =	vmul.f32 v9, v3;
	v9 =	vld [tilespmem:s23+$0x80]  }
0x19f: {  	s14 =	simm.s32 $0x5;
	v13 =	vand.u32 $0xFFFFFFFC, v8;
	v8 =	vld [tilespmem:s23+$0x90];
	v6 =	vmov s12;
	v11 =	vmul.f32 v12, v3;
	[tilespmem:s23+$0x10] =	vst v7  }
0x1a0: {  	s29 =	simm.s32 $0x6;
	v12 =	vmul.f32 v14, v3;
	s12 =	simm.s32 $0x5A80;
	v7 =	vbroadcast v13, $0x0;
	v13 =	vmov s14;
	s14 =	simm.s32 $0x8;
	[tilespmem:s23+$0x20] =	vst v10;
	v10 =	vld [tilespmem:s23+$0xA0]  }
.LBB2_10:
0x1a1: {  	p2 =	slt.u32 s14, $0x3C;
	v13 =	vand.u32 $0xFFFFFFFD, v13;
	v14 =	vmov s29;
	[tilespmem:s23+$0x30] =	vst v11;
	v5 =	vmul.f32 v5, v3;
	v11 =	vld [tilespmem:s23+$0xB0]  }
0x1a2: {  	v13 =	vbroadcast v13, $0x0;
	v14 =	vand.u32 $0xFFFFFFFE, v14;
	[tilespmem:s23+$0x40] =	vst v12;
	v3 =	vmul.f32 v4, v3;
	v4 =	vld [tilespmem:s23+$0xC0]  }
0x1a3: {  	v12 =	vbroadcast v14, $0x0;
	[tilespmem:s23+$0x50] =	vst v5;
	v5 =	vmul.f32 v9, v2;
	v9 =	vld [tilespmem:s23+$0xD0]  }
0x1a4: {  	[tilespmem:s23+$0x60] =	vst v3;
	v3 =	vmul.f32 v8, v2;
	v8 =	vld [tilespmem:s23+$0xE0]  }
0x1a5: {  	[tilespmem:s23+$0x80] =	vst v5;
	v5 =	vmul.f32 v10, v2;
	v10 =	vld [tilespmem:s23+$0xF0]  }
0x1a6: {  	v6 =	vld.idx.msk [tilespmem:v6+s28+$0x0], $0xffff;
	[tilespmem:s23+$0x90] =	vst v3;
	v3 =	vmul.f32 v11, v2  }
0x1a7: {  	v7 =	vld.idx.msk [tilespmem:v7+s28+$0x0], $0xffff;
	[tilespmem:s23+$0xA0] =	vst v5;
	v4 =	vmul.f32 v4, v2  }
0x1a8: {  	v5 =	vld.idx.msk [tilespmem:v13+s28+$0x0], $0xffff;
	[tilespmem:s23+$0xB0] =	vst v3;
	v9 =	vmul.f32 v9, v2  }
0x1a9: {  	s23 =	sadd.s32 $0x200, s23;
	v3 =	vld.idx.msk [tilespmem:v12+s28+$0x0], $0xffff;
	[tilespmem:s12+$0xC0] =	vst v4;
	v4 =	vmul.f32 v8, v2  }
0x1aa: {  	v8 =	vld [tilespmem:s23+$0x70];
	[tilespmem:s12+$0xD0] =	vst v9;
	v10 =	vmul.f32 v10, v2  }
0x1ab: {  	v9 =	vld [tilespmem:s23+$0xFFFFFF00];
	[tilespmem:s12+$0xE0] =	vst v4  }
0x1ac: {  	v2 =	vmov v6;
	v4 =	vld [tilespmem:s23+$0xFFFFFF10];
	[tilespmem:s12+$0xF0] =	vst v10;
	s12 =	smov.u32 s23  }
0x1ad: {  	v6 =	vld [tilespmem:s23+$0xFFFFFF20]  }
0x1ae: {  	v10 =	vld [tilespmem:s23+$0xFFFFFF30]  }
0x1af: {  	v11 =	vld [tilespmem:s23+$0xFFFFFF40];
	v8 =	vmul.f32 v8, v3  }
0x1b0: {  	v9 =	vmul.f32 v9, v7;
	v12 =	vld [tilespmem:s23+$0xFFFFFF50]  }
0x1b1: {  	v4 =	vmul.f32 v4, v7;
	v13 =	vld [tilespmem:s23+$0xFFFFFF60];
	[tilespmem:s23+$0x70] =	vst v8  }
0x1b2: {  	[tilespmem:s23+$0xFFFFFF00] =	vst v9;
	v6 =	vmul.f32 v6, v7;
	v8 =	vld [tilespmem:s23+$0xFFFFFF70]  }
0x1b3: {  	[tilespmem:s23+$0xFFFFFF10] =	vst v4;
	v4 =	vmul.f32 v10, v7;
	v9 =	vld [tilespmem:s23+$0xFFFFFF80]  }
0x1b4: {  	[tilespmem:s23+$0xFFFFFF20] =	vst v6;
	v6 =	vmul.f32 v11, v7;
	v10 =	vld [tilespmem:s23+$0xFFFFFF90]  }
0x1b5: {  	[tilespmem:s23+$0xFFFFFF30] =	vst v4;
	v4 =	vmul.f32 v12, v7;
	v11 =	vld [tilespmem:s23+$0xFFFFFFA0]  }
0x1b6: {  	[tilespmem:s23+$0xFFFFFF40] =	vst v6;
	v6 =	vmul.f32 v13, v7;
	v12 =	vld [tilespmem:s23+$0xFFFFFFB0]  }
0x1b7: {  	[tilespmem:s23+$0xFFFFFF50] =	vst v4;
	v4 =	vmul.f32 v8, v7;
	v7 =	vld [tilespmem:s23+$0xFFFFFFC0]  }
0x1b8: {  	[tilespmem:s23+$0xFFFFFF60] =	vst v6;
	v6 =	vmul.f32 v9, v5;
	v8 =	vld [tilespmem:s23+$0xFFFFFFD0]  }
0x1b9: {  	[tilespmem:s23+$0xFFFFFF70] =	vst v4;
	v4 =	vmul.f32 v10, v5;
	v9 =	vld [tilespmem:s23+$0xFFFFFFE0]  }
0x1ba: {  	[tilespmem:s23+$0xFFFFFF80] =	vst v6;
	v6 =	vmul.f32 v11, v5;
	v10 =	vld [tilespmem:s23+$0xFFFFFFF0]  }
0x1bb: {  	[tilespmem:s23+$0xFFFFFF90] =	vst v4;
	v4 =	vmul.f32 v12, v5;
	v11 =	vld [tilespmem:s23+$0x0]  }
0x1bc: {  	[tilespmem:s23+$0xFFFFFFA0] =	vst v6;
	v6 =	vmul.f32 v7, v5;
	v7 =	vld [tilespmem:s23+$0x10]  }
0x1bd: {  	[tilespmem:s23+$0xFFFFFFB0] =	vst v4;
	v4 =	vmul.f32 v8, v5;
	v8 =	vld [tilespmem:s23+$0x20]  }
0x1be: {  	[tilespmem:s23+$0xFFFFFFC0] =	vst v6;
	v6 =	vmul.f32 v9, v5;
	v12 =	vld [tilespmem:s23+$0x30]  }
0x1bf: {  	[tilespmem:s23+$0xFFFFFFD0] =	vst v4;
	v4 =	vmul.f32 v10, v5;
	v10 =	vld [tilespmem:s23+$0x40]  }
.Ltmp4:
0x1c0: {  	[tilespmem:s23+$0xFFFFFFE0] =	vst v6;
	v6 =	vmul.f32 v11, v3;
	v5 =	vld [tilespmem:s23+$0x50];
	(pc) =	sbr.rel @p2 .LBB2_10-.Ltmp4, $4  }
0x1c1: {  	[tilespmem:s23+$0xFFFFFFF0] =	vst v4;
	v7 =	vmul.f32 v7, v3;
	v4 =	vld [tilespmem:s23+$0x60]  }
0x1c2: {  	s4 =	sadd.s32 $0x3, s14;
	v11 =	vmov s14;
	[tilespmem:s23+$0x0] =	vst v6;
	v14 =	vmul.f32 v8, v3;
	v9 =	vld [tilespmem:s23+$0x80]  }
0x1c3: {  	s29 =	sadd.s32 $0x1, s14;
	v13 =	vand.u32 $0xFFFFFFFC, v11;
	v6 =	vmov s4;
	[tilespmem:s23+$0x10] =	vst v7;
	v11 =	vmul.f32 v12, v3;
	v8 =	vld [tilespmem:s23+$0x90]  }
0x1c4: {  	v7 =	vbroadcast v13, $0x0;
	v13 =	vmov s29;
	s29 =	sadd.s32 $0x2, s14;
	s14 =	sadd.s32 $0x4, s14;
	[tilespmem:s23+$0x20] =	vst v14;
	v12 =	vmul.f32 v10, v3;
	v10 =	vld [tilespmem:s23+$0xA0]  }
0x1c5: {  	v14 =	vld [tilespmem:s23+$0xB0]  }
0x1c6: {  	v16 =	vld [tilespmem:s23+$0xC0]  }
0x1c7: {  	v15 =	vmov s29;
	v17 =	vld [tilespmem:s23+$0xD0]  }
0x1c8: {  	v18 =	vld [tilespmem:s23+$0xE0];
	[tilespmem:s23+$0x30] =	vst v11;
	v5 =	vmul.f32 v5, v3;
	v15 =	vand.u32 $0xFFFFFFFE, v15  }
0x1c9: {  	v13 =	vand.u32 $0xFFFFFFFD, v13;
	v6 =	vld.idx.msk [tilespmem:v6+s28+$0x0], $0xffff;
	[tilespmem:s23+$0x40] =	vst v12;
	v3 =	vmul.f32 v4, v3;
	v15 =	vbroadcast v15, $0x0  }
0x1ca: {  	s14 =	sadd.s32 $0x200, s23;
	v13 =	vbroadcast v13, $0x0;
	v4 =	vld.idx.msk [tilespmem:v7+s28+$0x0], $0xffff;
	v9 =	vmul.f32 v9, v2;
	[tilespmem:s23+$0x50] =	vst v5  }
0x1cb: {  	v11 =	vld [tilespmem:s14+$0xFFFFFF00];
	v5 =	vmul.f32 v8, v2;
	[tilespmem:s23+$0x60] =	vst v3  }
0x1cc: {  	[tilespmem:s23+$0x80] =	vst v9;
	v9 =	vld [tilespmem:s23+$0xF0];
	v3 =	vmul.f32 v10, v2  }
0x1cd: {  	v12 =	vld [tilespmem:s14+$0xFFFFFF10];
	[tilespmem:s23+$0x90] =	vst v5;
	v5 =	vmul.f32 v14, v2  }
0x1ce: {  	v10 =	vld [tilespmem:s14+$0x70];
	[tilespmem:s23+$0xA0] =	vst v3;
	v3 =	vmul.f32 v16, v2  }
0x1cf: {  	[tilespmem:s23+$0xB0] =	vst v5;
	v5 =	vmul.f32 v17, v2;
	v8 =	vld.idx.msk [tilespmem:v15+s28+$0x0], $0xffff  }
0x1d0: {  	v7 =	vld.idx.msk [tilespmem:v13+s28+$0x0], $0xffff;
	[tilespmem:s12+$0xC0] =	vst v3;
	v3 =	vmul.f32 v18, v2  }
0x1d1: {  	v13 =	vld [tilespmem:s14+$0xFFFFFF20];
	[tilespmem:s12+$0xD0] =	vst v5;
	v2 =	vmul.f32 v9, v2  }
0x1d2: {  	v5 =	vld [tilespmem:s14+$0xFFFFFF30];
	[tilespmem:s12+$0xE0] =	vst v3  }
0x1d3: {  	v3 =	vld [tilespmem:s14+$0xFFFFFF40];
	[tilespmem:s12+$0xF0] =	vst v2;
	v2 =	vmul.f32 v11, v4  }
0x1d4: {  	v9 =	vmul.f32 v10, v8;
	v10 =	vld [tilespmem:s14+$0xFFFFFF50]  }
0x1d5: {  	v11 =	vmul.f32 v12, v4;
	v12 =	vld [tilespmem:s14+$0xFFFFFF60];
	[tilespmem:s14+$0xFFFFFF00] =	vst v2  }
0x1d6: {  	v2 =	vmul.f32 v13, v4;
	[tilespmem:s14+$0x70] =	vst v9;
	v9 =	vld [tilespmem:s14+$0xFFFFFF70]  }
0x1d7: {  	[tilespmem:s14+$0xFFFFFF10] =	vst v11;
	v11 =	vld [tilespmem:s14+$0xFFFFFF80];
	v5 =	vmul.f32 v5, v4  }
0x1d8: {  	[tilespmem:s14+$0xFFFFFF20] =	vst v2;
	v2 =	vmul.f32 v3, v4;
	v3 =	vld [tilespmem:s14+$0xFFFFFF90]  }
0x1d9: {  	[tilespmem:s14+$0xFFFFFF30] =	vst v5;
	v5 =	vmul.f32 v10, v4;
	v10 =	vld [tilespmem:s14+$0xFFFFFFA0]  }
0x1da: {  	[tilespmem:s14+$0xFFFFFF40] =	vst v2;
	v2 =	vmul.f32 v12, v4;
	v12 =	vld [tilespmem:s14+$0xFFFFFFB0]  }
0x1db: {  	[tilespmem:s14+$0xFFFFFF50] =	vst v5;
	v4 =	vmul.f32 v9, v4;
	v5 =	vld [tilespmem:s14+$0xFFFFFFC0]  }
0x1dc: {  	[tilespmem:s14+$0xFFFFFF60] =	vst v2;
	v2 =	vmul.f32 v11, v7;
	v9 =	vld [tilespmem:s14+$0xFFFFFFD0]  }
0x1dd: {  	v3 =	vmul.f32 v3, v7;
	[tilespmem:s14+$0xFFFFFF70] =	vst v4;
	v4 =	vld [tilespmem:s14+$0xFFFFFFE0]  }
0x1de: {  	[tilespmem:s14+$0xFFFFFF80] =	vst v2;
	v2 =	vmul.f32 v10, v7;
	v10 =	vld [tilespmem:s14+$0xFFFFFFF0]  }
0x1df: {  	v11 =	vld [tilespmem:s14+$0x0];
	[tilespmem:s14+$0xFFFFFF90] =	vst v3;
	v3 =	vmul.f32 v12, v7  }
0x1e0: {  	[tilespmem:s14+$0xFFFFFFA0] =	vst v2;
	v2 =	vmul.f32 v5, v7;
	v5 =	vld [tilespmem:s14+$0x10]  }
0x1e1: {  	[tilespmem:s14+$0xFFFFFFB0] =	vst v3;
	v3 =	vmul.f32 v9, v7;
	v9 =	vld [tilespmem:s14+$0x20]  }
0x1e2: {  	[tilespmem:s14+$0xFFFFFFC0] =	vst v2;
	v2 =	vmul.f32 v4, v7;
	v4 =	vld [tilespmem:s14+$0x30]  }
0x1e3: {  	[tilespmem:s14+$0xFFFFFFD0] =	vst v3;
	v3 =	vmul.f32 v10, v7;
	v7 =	vld [tilespmem:s14+$0x40]  }
0x1e4: {  	v10 =	vld [tilespmem:s14+$0x50];
	[tilespmem:s14+$0xFFFFFFE0] =	vst v2;
	v2 =	vmul.f32 v11, v8  }
0x1e5: {  	[tilespmem:s14+$0xFFFFFFF0] =	vst v3;
	v3 =	vmul.f32 v5, v8;
	v5 =	vld [tilespmem:s14+$0x60]  }
0x1e6: {  	[tilespmem:s14+$0x0] =	vst v2;
	v2 =	vmul.f32 v9, v8;
	v9 =	vld [tilespmem:s14+$0x80]  }
0x1e7: {  	[tilespmem:s14+$0x10] =	vst v3;
	v3 =	vmul.f32 v4, v8;
	v4 =	vld [tilespmem:s14+$0x90]  }
0x1e8: {  	[tilespmem:s14+$0x20] =	vst v2;
	v2 =	vmul.f32 v7, v8;
	v7 =	vld [tilespmem:s14+$0xA0]  }
0x1e9: {  	[tilespmem:s14+$0x30] =	vst v3;
	v3 =	vmul.f32 v10, v8;
	v10 =	vld [tilespmem:s14+$0xB0]  }
0x1ea: {  	[tilespmem:s14+$0x40] =	vst v2;
	v2 =	vmul.f32 v5, v8;
	v5 =	vld [tilespmem:s14+$0xC0]  }
0x1eb: {  	v8 =	vld [tilespmem:s14+$0xD0];
	[tilespmem:s14+$0x50] =	vst v3;
	v3 =	vmul.f32 v9, v6  }
0x1ec: {  	[tilespmem:s14+$0x60] =	vst v2;
	v2 =	vmul.f32 v4, v6;
	v4 =	vld [tilespmem:s14+$0xE0]  }
0x1ed: {  	[tilespmem:s14+$0x80] =	vst v3;
	v3 =	vmul.f32 v7, v6;
	v7 =	vld [tilespmem:s14+$0xF0]  }
0x1ee: {  	[tilespmem:s14+$0x90] =	vst v2;
	v2 =	vmul.f32 v10, v6  }
0x1ef: {  	[tilespmem:s14+$0xA0] =	vst v3;
	v3 =	vmul.f32 v5, v6  }
0x1f0: {  	[tilespmem:s14+$0xB0] =	vst v2;
	v2 =	vmul.f32 v8, v6  }
0x1f1: {  	[tilespmem:s14+$0xC0] =	vst v3;
	v3 =	vmul.f32 v4, v6  }
0x1f2: {  	[tilespmem:s14+$0xD0] =	vst v2;
	v2 =	vmul.f32 v7, v6  }
0x1f3: {  	[tilespmem:s14+$0xE0] =	vst v3  }
0x1f4: {  	s4 =	simm.s32 $0x5500;
	[tilespmem:s14+$0xF0] =	vst v2  }
0x1f5: {  	[spmem:s2] =	stream.indirect.scatter.add.f32 [tilespmem:s9], [sflag:$0x7], $0x80, s4, s11, $0xb8;
	[tilespmem:$0x1F580] =	vst v63  }
0x1f6: {  	_ =	swait.ge [sflag:s30], $0x180  }
0x1f7: {  	[sflag:s30] =	ssyncset.done $0x0  }
0x1f8: {  	s4 =	simm.s32 @!p1 $0x9;
	[sflag:s30] =	ssyncadd.s32 $0xFFFFFE80  }
0x1f9: {  	_ =	swait.ge @!p1 [sflag:s4], $0x2000  }
0x1fa: {  	[sflag:s4] =	ssyncset.done @!p1 $0x0  }
0x1fb: {  	[sflag:s4] =	ssyncadd.s32 @!p1 $0xFFFFE000  }
0x1fc: {  	v2 =	vld [tilespmem:$0x5300]  }
0x1fd: {  	v3 =	vld [tilespmem:$0x5380];
	_ =	sdelay $0x3  }
0x1fe: {  	v4 =	vsub.s32 v2, v0;
	_ =	sdelay $0x3  }
0x1ff: {  	v5 =	vld.idx.msk [tilespmem:v3+s7+$0x0], $0xffff  }
0x200: {  	v4 =	vld.idx.msk [tilespmem:v4+s3+$0x0], $0xffff;
	_ =	sdelay $0x4  }
0x201: {  	v4 =	vadd.f32 v5, v4;
	_ =	sdelay $0x1  }
0x202: {  	v5 =	vmul.f32 $1.442695020e+00, v4;
	_ =	sdelay $0x1  }
0x203: {  	(erf) = vpow2.f32 v5;
	_ =	sdelay $0x6  }
0x204: {  	v6 =	vld [tilespmem:$0x5310]  }
0x205: {  	v5 =	vld [tilespmem:$0x5400]  }
0x206: {  	v8 =	vld [tilespmem:$0x5390];
	v7 =	vpop (erf)  }
0x207: {  	v7 =	vadd.f32 $-1.000000000e+00, v7  }
0x208: {  	vm0 =	vgt.f32 v4, $0.0e+00  }
0x209: {  	v4 =	vsel vm0, v4, v7  }
0x20a: {  	v4 =	vmul.f32 v4, v5;
	v5 =	vsub.s32 v6, v0  }
0x20b: {  	[tilespmem:$0x5600] =	vst v3  }
0x20c: {  	[tilespmem:$0x5780] =	vst v2  }
0x20d: {  	[tilespmem:$0x5900] =	vst v4  }
0x20e: {  	v3 =	vld.idx.msk [tilespmem:v8+s7+$0x0], $0xffff  }
0x20f: {  	v2 =	vld.idx.msk [tilespmem:v5+s3+$0x0], $0xffff;
	_ =	sdelay $0x4  }
0x210: {  	v2 =	vadd.f32 v3, v2;
	_ =	sdelay $0x1  }
0x211: {  	v3 =	vmul.f32 $1.442695020e+00, v2;
	_ =	sdelay $0x1  }
0x212: {  	(erf) = vpow2.f32 v3;
	_ =	sdelay $0x6  }
0x213: {  	v4 =	vld [tilespmem:$0x5320]  }
0x214: {  	v3 =	vld [tilespmem:$0x5410]  }
0x215: {  	v5 =	vpop (erf)  }
0x216: {  	v5 =	vadd.f32 $-1.000000000e+00, v5  }
0x217: {  	v7 =	vld [tilespmem:$0x53A0];
	vm13 =	vgt.f32 v2, $0.0e+00  }
0x218: {  	v2 =	vsel vm13, v2, v5  }
0x219: {  	v2 =	vmul.f32 v2, v3;
	v3 =	vsub.s32 v4, v0;
	_ =	sdelay $0x1  }
0x21a: {  	[tilespmem:$0x5610] =	vst v8  }
0x21b: {  	[tilespmem:$0x5790] =	vst v6  }
0x21c: {  	[tilespmem:$0x5910] =	vst v2  }
0x21d: {  	v2 =	vld.idx.msk [tilespmem:v3+s3+$0x0], $0xffff  }
0x21e: {  	v3 =	vld.idx.msk [tilespmem:v7+s7+$0x0], $0xffff;
	_ =	sdelay $0x4  }
0x21f: {  	v2 =	vadd.f32 v3, v2;
	_ =	sdelay $0x1  }
0x220: {  	v3 =	vmul.f32 $1.442695020e+00, v2;
	_ =	sdelay $0x1  }
0x221: {  	(erf) = vpow2.f32 v3;
	_ =	sdelay $0x6  }
0x222: {  	v5 =	vld [tilespmem:$0x5330]  }
0x223: {  	v3 =	vld [tilespmem:$0x5420]  }
0x224: {  	v6 =	vpop (erf)  }
0x225: {  	v6 =	vadd.f32 $-1.000000000e+00, v6  }
0x226: {  	v8 =	vld [tilespmem:$0x53B0];
	vm14 =	vgt.f32 v2, $0.0e+00  }
0x227: {  	v2 =	vsel vm14, v2, v6  }
0x228: {  	v2 =	vmul.f32 v2, v3;
	v3 =	vsub.s32 v5, v0;
	_ =	sdelay $0x1  }
0x229: {  	[tilespmem:$0x5620] =	vst v7  }
0x22a: {  	[tilespmem:$0x57A0] =	vst v4  }
0x22b: {  	[tilespmem:$0x5920] =	vst v2  }
0x22c: {  	v2 =	vld.idx.msk [tilespmem:v3+s3+$0x0], $0xffff  }
0x22d: {  	v3 =	vld.idx.msk [tilespmem:v8+s7+$0x0], $0xffff;
	_ =	sdelay $0x4  }
0x22e: {  	v2 =	vadd.f32 v3, v2;
	_ =	sdelay $0x1  }
0x22f: {  	v3 =	vmul.f32 $1.442695020e+00, v2;
	_ =	sdelay $0x1  }
0x230: {  	(erf) = vpow2.f32 v3;
	_ =	sdelay $0x7  }
0x231: {  	v3 =	vld [tilespmem:$0x5430]  }
0x232: {  	v4 =	vpop (erf)  }
0x233: {  	v4 =	vadd.f32 $-1.000000000e+00, v4  }
0x234: {  	vm15 =	vgt.f32 v2, $0.0e+00  }
0x235: {  	v2 =	vsel vm15, v2, v4  }
0x236: {  	s12 =	sadd.s32 @!p0 s25, s1;
	s25 =	simm.s32 $0x2;
	[tilespmem:$0x5630] =	vst v8;
	v2 =	vmul.f32 v2, v3  }
0x237: {  	s12 =	sshll.u32 @!p0 s12, $0x6;
	[tilespmem:$0x57B0] =	vst v5;
	v3 =	vmov s25  }
0x238: {  	s23 =	simm.s32 $0x0;
	s14 =	simm.s32 $0x5780;
	s4 =	sand.u32 @!p0 $0x1FFFFFC0, s12;
	v3 =	vand.u32 $0xFFFFFFFE, v3;
	[tilespmem:$0x5930] =	vst v2  }
0x239: {  	v3 =	vbroadcast v3, $0x0;
	[tilespmem:s17], [sflag:$0x6] =	stream.indirect.gather [hbm4b:s5+s11], $0x80, s14, s11, $0xb8;
	[tilespmem:$0x1F580] =	vst v63  }
0x23a: {  	s12 =	simm.s32 @!p0 $0x0;
	s4 =	sadd.s32 @!p0 s0, s4;
	s14 =	simm.s32 @!p0 $0x5300  }
0x23b: {  	[tilespmem:s14], [sflag:$0x3] =	stream.linear.gather @!p0 [hbm4b:s4+s12], $0x180, $0x38;
	[tilespmem:$0x1F580] =	vst v63  }
0x23c: {  	v2 =	vmov s23;
	_ =	swait.ge [sflag:s18], $0x2000  }
0x23d: {  	v2 =	vand.u32 $0xFFFFFFFC, v2;
	[sflag:s18] =	ssyncset.done $0x0  }
0x23e: {  	v2 =	vbroadcast v2, $0x0;
	[sflag:s18] =	ssyncadd.s32 $0xFFFFE000  }
0x23f: {  	s23 =	simm.s32 $0x7A80;
	v3 =	vld.idx.msk [tilespmem:v3+s19+$0x0], $0xffff  }
0x240: {  	s29 =	simm.s32 $0x1;
	v5 =	vld [tilespmem:s23+$0x70]  }
0x241: {  	v4 =	vmov s29;
	v6 =	vld [tilespmem:s23+$0xFFFFFF00]  }
0x242: {  	v4 =	vand.u32 $0xFFFFFFFD, v4;
	v7 =	vld [tilespmem:s23+$0xFFFFFF10]  }
0x243: {  	v4 =	vbroadcast v4, $0x0;
	v8 =	vld [tilespmem:s23+$0xFFFFFF20]  }
0x244: {  	v2 =	vld.idx.msk [tilespmem:v2+s19+$0x0], $0xffff  }
0x245: {  	v9 =	vld [tilespmem:s23+$0xFFFFFF30]  }
0x246: {  	v10 =	vld [tilespmem:s23+$0xFFFFFF40]  }
0x247: {  	v11 =	vld [tilespmem:s23+$0xFFFFFF50]  }
0x248: {  	v12 =	vld [tilespmem:s23+$0xFFFFFF60];
	v5 =	vmul.f32 v5, v3  }
0x249: {  	v4 =	vld.idx.msk [tilespmem:v4+s19+$0x0], $0xffff;
	v6 =	vmul.f32 v6, v2  }
0x24a: {  	v14 =	vld [tilespmem:s23+$0x40];
	[tilespmem:s23+$0x70] =	vst v5;
	v5 =	vmul.f32 v8, v2  }
0x24b: {  	[tilespmem:s23+$0xFFFFFF00] =	vst v6;
	v6 =	vmul.f32 v7, v2;
	v7 =	vld [tilespmem:s23+$0xFFFFFF70]  }
0x24c: {  	v8 =	vld [tilespmem:s23+$0xFFFFFF80];
	[tilespmem:s23+$0xFFFFFF20] =	vst v5;
	v5 =	vmul.f32 v10, v2  }
0x24d: {  	[tilespmem:s23+$0xFFFFFF10] =	vst v6;
	v6 =	vmul.f32 v9, v2;
	v9 =	vld [tilespmem:s23+$0xFFFFFF90]  }
0x24e: {  	v10 =	vld [tilespmem:s23+$0xFFFFFFA0];
	[tilespmem:s23+$0xFFFFFF40] =	vst v5;
	v5 =	vmul.f32 v12, v2  }
0x24f: {  	[tilespmem:s23+$0xFFFFFF30] =	vst v6;
	v6 =	vmul.f32 v11, v2;
	v11 =	vld [tilespmem:s23+$0xFFFFFFB0]  }
0x250: {  	v12 =	vld [tilespmem:s23+$0xFFFFFFC0];
	v7 =	vmul.f32 v7, v2;
	[tilespmem:s23+$0xFFFFFF60] =	vst v5  }
0x251: {  	v5 =	vld [tilespmem:s23+$0xFFFFFFE0];
	[tilespmem:s23+$0xFFFFFF50] =	vst v6;
	v6 =	vmul.f32 v8, v4  }
0x252: {  	s12 =	simm.s32 $0x3;
	v8 =	vld [tilespmem:s23+$0xFFFFFFD0];
	v9 =	vmul.f32 v9, v4;
	[tilespmem:s23+$0xFFFFFF70] =	vst v7  }
0x253: {  	v13 =	vmov s12;
	v7 =	vld [tilespmem:s23+$0xFFFFFFF0];
	[tilespmem:s23+$0xFFFFFF80] =	vst v6;
	v6 =	vmul.f32 v10, v4  }
0x254: {  	v10 =	vld [tilespmem:s23+$0x0];
	[tilespmem:s23+$0xFFFFFF90] =	vst v9;
	v9 =	vmul.f32 v11, v4  }
0x255: {  	v11 =	vld [tilespmem:s23+$0x10];
	[tilespmem:s23+$0xFFFFFFA0] =	vst v6;
	v6 =	vmul.f32 v12, v4  }
0x256: {  	v5 =	vmul.f32 v5, v4;
	[tilespmem:s23+$0xFFFFFFB0] =	vst v9;
	v9 =	vld [tilespmem:s23+$0x20]  }
0x257: {  	v12 =	vld [tilespmem:s23+$0x30];
	v8 =	vmul.f32 v8, v4;
	[tilespmem:s23+$0xFFFFFFC0] =	vst v6  }
0x258: {  	v2 =	vld.idx.msk [tilespmem:v13+s19+$0x0], $0xffff;
	v4 =	vmul.f32 v7, v4;
	[tilespmem:s23+$0xFFFFFFE0] =	vst v5  }
0x259: {  	v5 =	vld [tilespmem:s23+$0x50];
	[tilespmem:s23+$0xFFFFFFD0] =	vst v8;
	v6 =	vmul.f32 v10, v3  }
0x25a: {  	s14 =	simm.s32 $0x4;
	[tilespmem:s23+$0xFFFFFFF0] =	vst v4;
	v7 =	vmul.f32 v11, v3;
	v4 =	vld [tilespmem:s23+$0x60]  }
0x25b: {  	s25 =	simm.s32 $0x7;
	v8 =	vmov s14;
	[tilespmem:s23+$0x0] =	vst v6;
	v10 =	vmul.f32 v9, v3;
	v9 =	vld [tilespmem:s23+$0x80]  }
0x25c: {  	s29 =	simm.s32 $0x5;
	v13 =	vand.u32 $0xFFFFFFFC, v8;
	v8 =	vld [tilespmem:s23+$0x90];
	v6 =	vmov s25;
	v11 =	vmul.f32 v12, v3;
	[tilespmem:s23+$0x10] =	vst v7  }
0x25d: {  	s12 =	simm.s32 $0x7A80;
	s14 =	simm.s32 $0x8;
	s25 =	simm.s32 $0x6;
	v12 =	vmul.f32 v14, v3;
	v7 =	vbroadcast v13, $0x0;
	v13 =	vmov s29;
	[tilespmem:s23+$0x20] =	vst v10;
	v10 =	vld [tilespmem:s23+$0xA0]  }
.LBB2_12:
0x25e: {  	p0 =	slt.u32 s14, $0x3C;
	v13 =	vand.u32 $0xFFFFFFFD, v13;
	v14 =	vmov s25;
	[tilespmem:s23+$0x30] =	vst v11;
	v5 =	vmul.f32 v5, v3;
	v11 =	vld [tilespmem:s23+$0xB0]  }
0x25f: {  	v13 =	vbroadcast v13, $0x0;
	v14 =	vand.u32 $0xFFFFFFFE, v14;
	[tilespmem:s23+$0x40] =	vst v12;
	v3 =	vmul.f32 v4, v3;
	v4 =	vld [tilespmem:s23+$0xC0]  }
0x260: {  	v12 =	vbroadcast v14, $0x0;
	[tilespmem:s23+$0x50] =	vst v5;
	v5 =	vmul.f32 v9, v2;
	v9 =	vld [tilespmem:s23+$0xD0]  }
0x261: {  	[tilespmem:s23+$0x60] =	vst v3;
	v3 =	vmul.f32 v8, v2;
	v8 =	vld [tilespmem:s23+$0xE0]  }
0x262: {  	[tilespmem:s23+$0x80] =	vst v5;
	v5 =	vmul.f32 v10, v2;
	v10 =	vld [tilespmem:s23+$0xF0]  }
0x263: {  	v6 =	vld.idx.msk [tilespmem:v6+s19+$0x0], $0xffff;
	[tilespmem:s23+$0x90] =	vst v3;
	v3 =	vmul.f32 v11, v2  }
0x264: {  	v7 =	vld.idx.msk [tilespmem:v7+s19+$0x0], $0xffff;
	[tilespmem:s23+$0xA0] =	vst v5;
	v4 =	vmul.f32 v4, v2  }
0x265: {  	v5 =	vld.idx.msk [tilespmem:v13+s19+$0x0], $0xffff;
	[tilespmem:s23+$0xB0] =	vst v3;
	v9 =	vmul.f32 v9, v2  }
0x266: {  	s23 =	sadd.s32 $0x200, s23;
	v3 =	vld.idx.msk [tilespmem:v12+s19+$0x0], $0xffff;
	[tilespmem:s12+$0xC0] =	vst v4;
	v4 =	vmul.f32 v8, v2  }
0x267: {  	v8 =	vld [tilespmem:s23+$0x70];
	[tilespmem:s12+$0xD0] =	vst v9;
	v10 =	vmul.f32 v10, v2  }
0x268: {  	v9 =	vld [tilespmem:s23+$0xFFFFFF00];
	[tilespmem:s12+$0xE0] =	vst v4  }
0x269: {  	v2 =	vmov v6;
	v4 =	vld [tilespmem:s23+$0xFFFFFF10];
	[tilespmem:s12+$0xF0] =	vst v10;
	s12 =	smov.u32 s23  }
0x26a: {  	v6 =	vld [tilespmem:s23+$0xFFFFFF20]  }
0x26b: {  	v10 =	vld [tilespmem:s23+$0xFFFFFF30]  }
0x26c: {  	v11 =	vld [tilespmem:s23+$0xFFFFFF40];
	v8 =	vmul.f32 v8, v3  }
0x26d: {  	v9 =	vmul.f32 v9, v7;
	v12 =	vld [tilespmem:s23+$0xFFFFFF50]  }
0x26e: {  	v4 =	vmul.f32 v4, v7;
	v13 =	vld [tilespmem:s23+$0xFFFFFF60];
	[tilespmem:s23+$0x70] =	vst v8  }
0x26f: {  	[tilespmem:s23+$0xFFFFFF00] =	vst v9;
	v6 =	vmul.f32 v6, v7;
	v8 =	vld [tilespmem:s23+$0xFFFFFF70]  }
0x270: {  	[tilespmem:s23+$0xFFFFFF10] =	vst v4;
	v4 =	vmul.f32 v10, v7;
	v9 =	vld [tilespmem:s23+$0xFFFFFF80]  }
0x271: {  	[tilespmem:s23+$0xFFFFFF20] =	vst v6;
	v6 =	vmul.f32 v11, v7;
	v10 =	vld [tilespmem:s23+$0xFFFFFF90]  }
0x272: {  	[tilespmem:s23+$0xFFFFFF30] =	vst v4;
	v4 =	vmul.f32 v12, v7;
	v11 =	vld [tilespmem:s23+$0xFFFFFFA0]  }
0x273: {  	[tilespmem:s23+$0xFFFFFF40] =	vst v6;
	v6 =	vmul.f32 v13, v7;
	v12 =	vld [tilespmem:s23+$0xFFFFFFB0]  }
0x274: {  	[tilespmem:s23+$0xFFFFFF50] =	vst v4;
	v4 =	vmul.f32 v8, v7;
	v7 =	vld [tilespmem:s23+$0xFFFFFFC0]  }
0x275: {  	[tilespmem:s23+$0xFFFFFF60] =	vst v6;
	v6 =	vmul.f32 v9, v5;
	v8 =	vld [tilespmem:s23+$0xFFFFFFD0]  }
0x276: {  	[tilespmem:s23+$0xFFFFFF70] =	vst v4;
	v4 =	vmul.f32 v10, v5;
	v9 =	vld [tilespmem:s23+$0xFFFFFFE0]  }
0x277: {  	[tilespmem:s23+$0xFFFFFF80] =	vst v6;
	v6 =	vmul.f32 v11, v5;
	v10 =	vld [tilespmem:s23+$0xFFFFFFF0]  }
0x278: {  	[tilespmem:s23+$0xFFFFFF90] =	vst v4;
	v4 =	vmul.f32 v12, v5;
	v11 =	vld [tilespmem:s23+$0x0]  }
0x279: {  	[tilespmem:s23+$0xFFFFFFA0] =	vst v6;
	v6 =	vmul.f32 v7, v5;
	v7 =	vld [tilespmem:s23+$0x10]  }
0x27a: {  	[tilespmem:s23+$0xFFFFFFB0] =	vst v4;
	v4 =	vmul.f32 v8, v5;
	v8 =	vld [tilespmem:s23+$0x20]  }
0x27b: {  	[tilespmem:s23+$0xFFFFFFC0] =	vst v6;
	v6 =	vmul.f32 v9, v5;
	v12 =	vld [tilespmem:s23+$0x30]  }
0x27c: {  	[tilespmem:s23+$0xFFFFFFD0] =	vst v4;
	v4 =	vmul.f32 v10, v5;
	v10 =	vld [tilespmem:s23+$0x40]  }
.Ltmp5:
0x27d: {  	[tilespmem:s23+$0xFFFFFFE0] =	vst v6;
	v6 =	vmul.f32 v11, v3;
	v5 =	vld [tilespmem:s23+$0x50];
	(pc) =	sbr.rel @p0 .LBB2_12-.Ltmp5, $4  }
0x27e: {  	[tilespmem:s23+$0xFFFFFFF0] =	vst v4;
	v7 =	vmul.f32 v7, v3;
	v4 =	vld [tilespmem:s23+$0x60]  }
0x27f: {  	s4 =	sadd.s32 $0x3, s14;
	v11 =	vmov s14;
	[tilespmem:s23+$0x0] =	vst v6;
	v14 =	vmul.f32 v8, v3;
	v9 =	vld [tilespmem:s23+$0x80]  }
0x280: {  	s25 =	sadd.s32 $0x1, s14;
	v13 =	vand.u32 $0xFFFFFFFC, v11;
	v6 =	vmov s4;
	[tilespmem:s23+$0x10] =	vst v7;
	v11 =	vmul.f32 v12, v3;
	v8 =	vld [tilespmem:s23+$0x90]  }
0x281: {  	v7 =	vbroadcast v13, $0x0;
	v13 =	vmov s25;
	s25 =	sadd.s32 $0x2, s14;
	s14 =	sadd.s32 $0x4, s14;
	[tilespmem:s23+$0x20] =	vst v14;
	v12 =	vmul.f32 v10, v3;
	v10 =	vld [tilespmem:s23+$0xA0]  }
0x282: {  	v14 =	vld [tilespmem:s23+$0xB0]  }
0x283: {  	v16 =	vld [tilespmem:s23+$0xC0]  }
0x284: {  	v17 =	vld [tilespmem:s23+$0xD0]  }
0x285: {  	v18 =	vld [tilespmem:s23+$0xE0]  }
0x286: {  	v24 =	vld [tilespmem:s23+$0xF0];
	[tilespmem:s23+$0x30] =	vst v11;
	v5 =	vmul.f32 v5, v3  }
0x287: {  	v6 =	vld.idx.msk [tilespmem:v6+s19+$0x0], $0xffff;
	[tilespmem:s23+$0x40] =	vst v12;
	v3 =	vmul.f32 v4, v3  }
0x288: {  	s14 =	sadd.s32 $0x200, s23;
	v25 =	vld.idx.msk [tilespmem:v7+s19+$0x0], $0xffff;
	v9 =	vmul.f32 v9, v2;
	[tilespmem:s23+$0x50] =	vst v5  }
0x289: {  	v30 =	vld [tilespmem:s14+$0x70];
	v26 =	vmul.f32 v8, v2;
	[tilespmem:s23+$0x60] =	vst v3  }
0x28a: {  	v31 =	vld [tilespmem:s14+$0xFFFFFF00];
	[tilespmem:s23+$0x80] =	vst v9;
	v3 =	vmul.f32 v10, v2  }
0x28b: {  	v15 =	vmov s25;
	v33 =	vld [tilespmem:s14+$0xFFFFFF10];
	[tilespmem:s23+$0x90] =	vst v26;
	v29 =	vmul.f32 v14, v2  }
0x28c: {  	v15 =	vand.u32 $0xFFFFFFFE, v15;
	v34 =	vld [tilespmem:s14+$0xFFFFFF20];
	[tilespmem:s23+$0xA0] =	vst v3;
	v3 =	vmul.f32 v16, v2  }
0x28d: {  	v13 =	vand.u32 $0xFFFFFFFD, v13;
	v35 =	vld [tilespmem:s14+$0xFFFFFF30];
	v15 =	vbroadcast v15, $0x0;
	v32 =	vmul.f32 v17, v2;
	[tilespmem:s23+$0xB0] =	vst v29  }
0x28e: {  	v13 =	vbroadcast v13, $0x0;
	v37 =	vld [tilespmem:s14+$0xFFFFFF50];
	[tilespmem:s12+$0xC0] =	vst v3;
	v3 =	vmul.f32 v18, v2  }
0x28f: {  	v39 =	vld [tilespmem:s14+$0xFFFFFF60];
	[tilespmem:s12+$0xD0] =	vst v32;
	v2 =	vmul.f32 v24, v2  }
0x290: {  	v38 =	vmul.f32 v33, v25;
	[tilespmem:s12+$0xE0] =	vst v3;
	v3 =	vld [tilespmem:s14+$0xFFFFFF40]  }
0x291: {  	v40 =	vld [tilespmem:s14+$0xFFFFFF70];
	[tilespmem:s12+$0xF0] =	vst v2;
	v2 =	vmul.f32 v31, v25  }
0x292: {  	v41 =	vld [tilespmem:s14+$0xFFFFFF80];
	v5 =	vmul.f32 v35, v25;
	[tilespmem:s14+$0xFFFFFF10] =	vst v38  }
0x293: {  	v28 =	vld.idx.msk [tilespmem:v15+s19+$0x0], $0xffff;
	[tilespmem:s14+$0xFFFFFF00] =	vst v2;
	v2 =	vmul.f32 v34, v25  }
0x294: {  	v42 =	vmul.f32 v37, v25;
	v27 =	vld.idx.msk [tilespmem:v13+s19+$0x0], $0xffff;
	[tilespmem:s14+$0xFFFFFF30] =	vst v5  }
0x295: {  	[tilespmem:s14+$0xFFFFFF20] =	vst v2;
	v2 =	vmul.f32 v3, v25;
	v3 =	vld [tilespmem:s14+$0xFFFFFF90]  }
0x296: {  	v43 =	vld [tilespmem:s14+$0xFFFFFFA0];
	v4 =	vmul.f32 v40, v25;
	[tilespmem:s14+$0xFFFFFF50] =	vst v42  }
0x297: {  	v44 =	vld [tilespmem:s14+$0xFFFFFFB0];
	[tilespmem:s14+$0xFFFFFF40] =	vst v2;
	v2 =	vmul.f32 v39, v25  }
0x298: {  	v45 =	vld [tilespmem:s14+$0xFFFFFFC0];
	[tilespmem:s14+$0xFFFFFF70] =	vst v4;
	v36 =	vmul.f32 v30, v28  }
0x299: {  	v46 =	vld [tilespmem:s14+$0xFFFFFFD0];
	[tilespmem:s14+$0xFFFFFF60] =	vst v2;
	v2 =	vmul.f32 v41, v27  }
0x29a: {  	v47 =	vld [tilespmem:s14+$0xFFFFFFE0];
	[tilespmem:s14+$0x70] =	vst v36;
	v3 =	vmul.f32 v3, v27  }
0x29b: {  	v48 =	vld [tilespmem:s14+$0xFFFFFFF0];
	[tilespmem:s14+$0xFFFFFF80] =	vst v2;
	v2 =	vmul.f32 v43, v27  }
0x29c: {  	v49 =	vld [tilespmem:s14+$0x0];
	[tilespmem:s14+$0xFFFFFF90] =	vst v3;
	v3 =	vmul.f32 v44, v27  }
0x29d: {  	v50 =	vld [tilespmem:s14+$0x10];
	[tilespmem:s14+$0xFFFFFFA0] =	vst v2;
	v2 =	vmul.f32 v45, v27  }
0x29e: {  	v51 =	vld [tilespmem:s14+$0x20];
	[tilespmem:s14+$0xFFFFFFB0] =	vst v3;
	v3 =	vmul.f32 v46, v27  }
0x29f: {  	v52 =	vld [tilespmem:s14+$0x30];
	[tilespmem:s14+$0xFFFFFFC0] =	vst v2;
	v2 =	vmul.f32 v47, v27  }
0x2a0: {  	v53 =	vld [tilespmem:s14+$0x40];
	[tilespmem:s14+$0xFFFFFFD0] =	vst v3;
	v3 =	vmul.f32 v48, v27  }
0x2a1: {  	v54 =	vld [tilespmem:s14+$0x50];
	[tilespmem:s14+$0xFFFFFFE0] =	vst v2;
	v2 =	vmul.f32 v49, v28  }
0x2a2: {  	v55 =	vld [tilespmem:s14+$0x60];
	[tilespmem:s14+$0xFFFFFFF0] =	vst v3;
	v3 =	vmul.f32 v50, v28  }
0x2a3: {  	v56 =	vld [tilespmem:s14+$0x80];
	[tilespmem:s14+$0x0] =	vst v2;
	v2 =	vmul.f32 v51, v28  }
0x2a4: {  	v57 =	vld [tilespmem:s14+$0x90];
	[tilespmem:s14+$0x10] =	vst v3;
	v3 =	vmul.f32 v52, v28  }
0x2a5: {  	v58 =	vld [tilespmem:s14+$0xA0];
	[tilespmem:s14+$0x20] =	vst v2;
	v2 =	vmul.f32 v53, v28  }
0x2a6: {  	v59 =	vld [tilespmem:s14+$0xB0];
	[tilespmem:s14+$0x30] =	vst v3;
	v3 =	vmul.f32 v54, v28  }
0x2a7: {  	v60 =	vld [tilespmem:s14+$0xC0];
	[tilespmem:s14+$0x40] =	vst v2;
	v2 =	vmul.f32 v55, v28  }
0x2a8: {  	v61 =	vld [tilespmem:s14+$0xD0];
	[tilespmem:s14+$0x50] =	vst v3;
	v3 =	vmul.f32 v56, v6  }
0x2a9: {  	v62 =	vld [tilespmem:s14+$0xE0];
	[tilespmem:s14+$0x60] =	vst v2;
	v2 =	vmul.f32 v57, v6  }
0x2aa: {  	v63 =	vld [tilespmem:s14+$0xF0];
	[tilespmem:s14+$0x80] =	vst v3;
	v3 =	vmul.f32 v58, v6  }
0x2ab: {  	[tilespmem:s14+$0x90] =	vst v2;
	v2 =	vmul.f32 v59, v6  }
0x2ac: {  	s26 =	sadd.s32 $0x1, s26;
	[tilespmem:s14+$0xA0] =	vst v3;
	v3 =	vmul.f32 v60, v6  }
0x2ad: {  	p0 =	sne.s32 s26, $0x69;
	[tilespmem:s14+$0xB0] =	vst v2;
	v2 =	vmul.f32 v61, v6  }
.Ltmp6:
0x2ae: {  	[tilespmem:s14+$0xC0] =	vst v3;
	v3 =	vmul.f32 v62, v6;
	(pc) =	sbr.rel @p0 .LBB2_4-.Ltmp6, $4  }
0x2af: {  	[tilespmem:s14+$0xD0] =	vst v2;
	v2 =	vmul.f32 v63, v6  }
0x2b0: {  	[tilespmem:s14+$0xE0] =	vst v3  }
0x2b1: {  	[tilespmem:s14+$0xF0] =	vst v2  }
0x2b2: {  	[spmem:s2] =	stream.indirect.scatter.add.f32 [tilespmem:s15], [sflag:$0x8], $0x80, s20, s11, $0xb8;
	[tilespmem:$0x1F580] =	vst v63  }
0x2b3: {  	s4 =	simm.s32 $0x0  }
0x2b4: {  	s12 =	simm.s32 $0x2;
	v2 =	vmov s4  }
0x2b5: {  	_ =	swait.ge [sflag:s21], $0x2000;
	v3 =	vmov s12;
	v2 =	vand.u32 $0xFFFFFFFC, v2  }
0x2b6: {  	[sflag:s21] =	ssyncset.done $0x0;
	v3 =	vand.u32 $0xFFFFFFFE, v3;
	v2 =	vbroadcast v2, $0x0  }
0x2b7: {  	s23 =	simm.s32 $0x9A80;
	[sflag:s21] =	ssyncadd.s32 $0xFFFFE000;
	v3 =	vbroadcast v3, $0x0  }
0x2b8: {  	v5 =	vld [tilespmem:s23+$0x70]  }
0x2b9: {  	v6 =	vld [tilespmem:s23+$0xFFFFFF00]  }
0x2ba: {  	s14 =	simm.s32 $0x1;
	v7 =	vld [tilespmem:s23+$0xFFFFFF10]  }
0x2bb: {  	v4 =	vmov s14;
	v8 =	vld [tilespmem:s23+$0xFFFFFF20]  }
0x2bc: {  	v4 =	vand.u32 $0xFFFFFFFD, v4;
	v2 =	vld.idx.msk [tilespmem:v2+s22+$0x0], $0xffff  }
0x2bd: {  	v4 =	vbroadcast v4, $0x0;
	v3 =	vld.idx.msk [tilespmem:v3+s22+$0x0], $0xffff  }
0x2be: {  	v9 =	vld [tilespmem:s23+$0xFFFFFF30]  }
0x2bf: {  	v10 =	vld [tilespmem:s23+$0xFFFFFF40]  }
0x2c0: {  	v11 =	vld [tilespmem:s23+$0xFFFFFF50]  }
0x2c1: {  	v12 =	vld [tilespmem:s23+$0xFFFFFF60];
	v6 =	vmul.f32 v6, v2  }
0x2c2: {  	v14 =	vld [tilespmem:s23+$0x40];
	v5 =	vmul.f32 v5, v3  }
0x2c3: {  	v4 =	vld.idx.msk [tilespmem:v4+s22+$0x0], $0xffff;
	[tilespmem:s23+$0xFFFFFF00] =	vst v6;
	v6 =	vmul.f32 v7, v2  }
0x2c4: {  	v7 =	vld [tilespmem:s23+$0xFFFFFF70];
	[tilespmem:s23+$0x70] =	vst v5;
	v5 =	vmul.f32 v8, v2  }
0x2c5: {  	v8 =	vld [tilespmem:s23+$0xFFFFFF80];
	[tilespmem:s23+$0xFFFFFF10] =	vst v6;
	v6 =	vmul.f32 v9, v2  }
0x2c6: {  	v9 =	vld [tilespmem:s23+$0xFFFFFF90];
	[tilespmem:s23+$0xFFFFFF20] =	vst v5;
	v5 =	vmul.f32 v10, v2  }
0x2c7: {  	v10 =	vld [tilespmem:s23+$0xFFFFFFA0];
	[tilespmem:s23+$0xFFFFFF30] =	vst v6;
	v6 =	vmul.f32 v11, v2  }
0x2c8: {  	v11 =	vld [tilespmem:s23+$0xFFFFFFB0];
	[tilespmem:s23+$0xFFFFFF40] =	vst v5;
	v5 =	vmul.f32 v12, v2  }
0x2c9: {  	v12 =	vld [tilespmem:s23+$0xFFFFFFC0];
	v7 =	vmul.f32 v7, v2;
	[tilespmem:s23+$0xFFFFFF50] =	vst v6  }
0x2ca: {  	v6 =	vmul.f32 v8, v4;
	v8 =	vld [tilespmem:s23+$0xFFFFFFD0];
	[tilespmem:s23+$0xFFFFFF60] =	vst v5  }
0x2cb: {  	s25 =	simm.s32 $0x3;
	v5 =	vld [tilespmem:s23+$0xFFFFFFE0];
	v9 =	vmul.f32 v9, v4;
	[tilespmem:s23+$0xFFFFFF70] =	vst v7  }
0x2cc: {  	v13 =	vmov s25;
	v7 =	vld [tilespmem:s23+$0xFFFFFFF0];
	[tilespmem:s23+$0xFFFFFF80] =	vst v6;
	v6 =	vmul.f32 v10, v4  }
0x2cd: {  	v10 =	vld [tilespmem:s23+$0x0];
	[tilespmem:s23+$0xFFFFFF90] =	vst v9;
	v9 =	vmul.f32 v11, v4  }
0x2ce: {  	v11 =	vld [tilespmem:s23+$0x10];
	[tilespmem:s23+$0xFFFFFFA0] =	vst v6;
	v6 =	vmul.f32 v12, v4  }
0x2cf: {  	[tilespmem:s23+$0xFFFFFFB0] =	vst v9;
	v8 =	vmul.f32 v8, v4;
	v9 =	vld [tilespmem:s23+$0x20]  }
0x2d0: {  	v12 =	vld [tilespmem:s23+$0x30];
	v5 =	vmul.f32 v5, v4;
	[tilespmem:s23+$0xFFFFFFC0] =	vst v6  }
0x2d1: {  	v2 =	vld.idx.msk [tilespmem:v13+s22+$0x0], $0xffff;
	v4 =	vmul.f32 v7, v4;
	[tilespmem:s23+$0xFFFFFFD0] =	vst v8  }
0x2d2: {  	[tilespmem:s23+$0xFFFFFFE0] =	vst v5;
	v6 =	vmul.f32 v10, v3;
	v5 =	vld [tilespmem:s23+$0x50]  }
0x2d3: {  	s26 =	simm.s32 $0x4;
	[tilespmem:s23+$0xFFFFFFF0] =	vst v4;
	v7 =	vmul.f32 v11, v3;
	v4 =	vld [tilespmem:s23+$0x60]  }
0x2d4: {  	s29 =	simm.s32 $0x7;
	v8 =	vmov s26;
	[tilespmem:s23+$0x0] =	vst v6;
	v10 =	vmul.f32 v9, v3;
	v9 =	vld [tilespmem:s23+$0x80]  }
0x2d5: {  	s12 =	simm.s32 $0x5;
	v13 =	vand.u32 $0xFFFFFFFC, v8;
	v8 =	vld [tilespmem:s23+$0x90];
	v6 =	vmov s29;
	v11 =	vmul.f32 v12, v3;
	[tilespmem:s23+$0x10] =	vst v7  }
0x2d6: {  	s25 =	simm.s32 $0x6;
	s14 =	simm.s32 $0x8;
	v12 =	vmul.f32 v14, v3;
	v7 =	vbroadcast v13, $0x0;
	v13 =	vmov s12;
	s12 =	simm.s32 $0x9A80;
	[tilespmem:s23+$0x20] =	vst v10;
	v10 =	vld [tilespmem:s23+$0xA0]  }
.LBB2_15:
0x2d7: {  	p0 =	slt.u32 s14, $0x3C;
	v13 =	vand.u32 $0xFFFFFFFD, v13;
	v14 =	vmov s25;
	[tilespmem:s23+$0x30] =	vst v11;
	v5 =	vmul.f32 v5, v3;
	v11 =	vld [tilespmem:s23+$0xB0]  }
0x2d8: {  	v13 =	vbroadcast v13, $0x0;
	v14 =	vand.u32 $0xFFFFFFFE, v14;
	[tilespmem:s23+$0x40] =	vst v12;
	v3 =	vmul.f32 v4, v3;
	v4 =	vld [tilespmem:s23+$0xC0]  }
0x2d9: {  	v12 =	vbroadcast v14, $0x0;
	[tilespmem:s23+$0x50] =	vst v5;
	v5 =	vmul.f32 v9, v2;
	v9 =	vld [tilespmem:s23+$0xD0]  }
0x2da: {  	[tilespmem:s23+$0x60] =	vst v3;
	v3 =	vmul.f32 v8, v2;
	v8 =	vld [tilespmem:s23+$0xE0]  }
0x2db: {  	[tilespmem:s23+$0x80] =	vst v5;
	v5 =	vmul.f32 v10, v2;
	v10 =	vld [tilespmem:s23+$0xF0]  }
0x2dc: {  	v6 =	vld.idx.msk [tilespmem:v6+s22+$0x0], $0xffff;
	[tilespmem:s23+$0x90] =	vst v3;
	v3 =	vmul.f32 v11, v2  }
0x2dd: {  	v7 =	vld.idx.msk [tilespmem:v7+s22+$0x0], $0xffff;
	[tilespmem:s23+$0xA0] =	vst v5;
	v4 =	vmul.f32 v4, v2  }
0x2de: {  	v5 =	vld.idx.msk [tilespmem:v13+s22+$0x0], $0xffff;
	[tilespmem:s23+$0xB0] =	vst v3;
	v9 =	vmul.f32 v9, v2  }
0x2df: {  	s23 =	sadd.s32 $0x200, s23;
	v3 =	vld.idx.msk [tilespmem:v12+s22+$0x0], $0xffff;
	[tilespmem:s12+$0xC0] =	vst v4;
	v4 =	vmul.f32 v8, v2  }
0x2e0: {  	v8 =	vld [tilespmem:s23+$0x70];
	[tilespmem:s12+$0xD0] =	vst v9;
	v10 =	vmul.f32 v10, v2  }
0x2e1: {  	v9 =	vld [tilespmem:s23+$0xFFFFFF00];
	[tilespmem:s12+$0xE0] =	vst v4  }
0x2e2: {  	v2 =	vmov v6;
	v4 =	vld [tilespmem:s23+$0xFFFFFF10];
	[tilespmem:s12+$0xF0] =	vst v10;
	s12 =	smov.u32 s23  }
0x2e3: {  	v6 =	vld [tilespmem:s23+$0xFFFFFF20]  }
0x2e4: {  	v10 =	vld [tilespmem:s23+$0xFFFFFF30]  }
0x2e5: {  	v11 =	vld [tilespmem:s23+$0xFFFFFF40];
	v8 =	vmul.f32 v8, v3  }
0x2e6: {  	v9 =	vmul.f32 v9, v7;
	v12 =	vld [tilespmem:s23+$0xFFFFFF50]  }
0x2e7: {  	v4 =	vmul.f32 v4, v7;
	v13 =	vld [tilespmem:s23+$0xFFFFFF60];
	[tilespmem:s23+$0x70] =	vst v8  }
0x2e8: {  	[tilespmem:s23+$0xFFFFFF00] =	vst v9;
	v6 =	vmul.f32 v6, v7;
	v8 =	vld [tilespmem:s23+$0xFFFFFF70]  }
0x2e9: {  	[tilespmem:s23+$0xFFFFFF10] =	vst v4;
	v4 =	vmul.f32 v10, v7;
	v9 =	vld [tilespmem:s23+$0xFFFFFF80]  }
0x2ea: {  	[tilespmem:s23+$0xFFFFFF20] =	vst v6;
	v6 =	vmul.f32 v11, v7;
	v10 =	vld [tilespmem:s23+$0xFFFFFF90]  }
0x2eb: {  	[tilespmem:s23+$0xFFFFFF30] =	vst v4;
	v4 =	vmul.f32 v12, v7;
	v11 =	vld [tilespmem:s23+$0xFFFFFFA0]  }
0x2ec: {  	[tilespmem:s23+$0xFFFFFF40] =	vst v6;
	v6 =	vmul.f32 v13, v7;
	v12 =	vld [tilespmem:s23+$0xFFFFFFB0]  }
0x2ed: {  	[tilespmem:s23+$0xFFFFFF50] =	vst v4;
	v4 =	vmul.f32 v8, v7;
	v7 =	vld [tilespmem:s23+$0xFFFFFFC0]  }
0x2ee: {  	[tilespmem:s23+$0xFFFFFF60] =	vst v6;
	v6 =	vmul.f32 v9, v5;
	v8 =	vld [tilespmem:s23+$0xFFFFFFD0]  }
0x2ef: {  	[tilespmem:s23+$0xFFFFFF70] =	vst v4;
	v4 =	vmul.f32 v10, v5;
	v9 =	vld [tilespmem:s23+$0xFFFFFFE0]  }
0x2f0: {  	[tilespmem:s23+$0xFFFFFF80] =	vst v6;
	v6 =	vmul.f32 v11, v5;
	v10 =	vld [tilespmem:s23+$0xFFFFFFF0]  }
0x2f1: {  	[tilespmem:s23+$0xFFFFFF90] =	vst v4;
	v4 =	vmul.f32 v12, v5;
	v11 =	vld [tilespmem:s23+$0x0]  }
0x2f2: {  	[tilespmem:s23+$0xFFFFFFA0] =	vst v6;
	v6 =	vmul.f32 v7, v5;
	v7 =	vld [tilespmem:s23+$0x10]  }
0x2f3: {  	[tilespmem:s23+$0xFFFFFFB0] =	vst v4;
	v4 =	vmul.f32 v8, v5;
	v8 =	vld [tilespmem:s23+$0x20]  }
0x2f4: {  	[tilespmem:s23+$0xFFFFFFC0] =	vst v6;
	v6 =	vmul.f32 v9, v5;
	v12 =	vld [tilespmem:s23+$0x30]  }
0x2f5: {  	[tilespmem:s23+$0xFFFFFFD0] =	vst v4;
	v4 =	vmul.f32 v10, v5;
	v10 =	vld [tilespmem:s23+$0x40]  }
.Ltmp7:
0x2f6: {  	[tilespmem:s23+$0xFFFFFFE0] =	vst v6;
	v6 =	vmul.f32 v11, v3;
	v5 =	vld [tilespmem:s23+$0x50];
	(pc) =	sbr.rel @p0 .LBB2_15-.Ltmp7, $4  }
0x2f7: {  	[tilespmem:s23+$0xFFFFFFF0] =	vst v4;
	v7 =	vmul.f32 v7, v3;
	v4 =	vld [tilespmem:s23+$0x60]  }
0x2f8: {  	s4 =	sadd.s32 $0x3, s14;
	v11 =	vmov s14;
	[tilespmem:s23+$0x0] =	vst v6;
	v14 =	vmul.f32 v8, v3;
	v9 =	vld [tilespmem:s23+$0x80]  }
0x2f9: {  	s25 =	sadd.s32 $0x1, s14;
	v13 =	vand.u32 $0xFFFFFFFC, v11;
	v6 =	vmov s4;
	[tilespmem:s23+$0x10] =	vst v7;
	v11 =	vmul.f32 v12, v3;
	v8 =	vld [tilespmem:s23+$0x90]  }
0x2fa: {  	v7 =	vbroadcast v13, $0x0;
	v13 =	vmov s25;
	s25 =	sadd.s32 $0x2, s14;
	s14 =	sadd.s32 $0x4, s14;
	[tilespmem:s23+$0x20] =	vst v14;
	v12 =	vmul.f32 v10, v3;
	v10 =	vld [tilespmem:s23+$0xA0]  }
0x2fb: {  	v14 =	vld [tilespmem:s23+$0xB0]  }
0x2fc: {  	v16 =	vld [tilespmem:s23+$0xC0]  }
0x2fd: {  	v17 =	vld [tilespmem:s23+$0xD0]  }
0x2fe: {  	v18 =	vld [tilespmem:s23+$0xE0]  }
0x2ff: {  	v24 =	vld [tilespmem:s23+$0xF0];
	[tilespmem:s23+$0x30] =	vst v11;
	v5 =	vmul.f32 v5, v3  }
0x300: {  	v6 =	vld.idx.msk [tilespmem:v6+s22+$0x0], $0xffff;
	[tilespmem:s23+$0x40] =	vst v12;
	v3 =	vmul.f32 v4, v3  }
0x301: {  	s14 =	sadd.s32 $0x200, s23;
	v25 =	vld.idx.msk [tilespmem:v7+s22+$0x0], $0xffff;
	v9 =	vmul.f32 v9, v2;
	[tilespmem:s23+$0x50] =	vst v5  }
0x302: {  	v30 =	vld [tilespmem:s14+$0x70];
	v26 =	vmul.f32 v8, v2;
	[tilespmem:s23+$0x60] =	vst v3  }
0x303: {  	v31 =	vld [tilespmem:s14+$0xFFFFFF00];
	[tilespmem:s23+$0x80] =	vst v9;
	v3 =	vmul.f32 v10, v2  }
0x304: {  	v15 =	vmov s25;
	v33 =	vld [tilespmem:s14+$0xFFFFFF10];
	[tilespmem:s23+$0x90] =	vst v26;
	v29 =	vmul.f32 v14, v2  }
0x305: {  	v15 =	vand.u32 $0xFFFFFFFE, v15;
	v34 =	vld [tilespmem:s14+$0xFFFFFF20];
	[tilespmem:s23+$0xA0] =	vst v3;
	v3 =	vmul.f32 v16, v2  }
0x306: {  	v13 =	vand.u32 $0xFFFFFFFD, v13;
	v35 =	vld [tilespmem:s14+$0xFFFFFF30];
	v15 =	vbroadcast v15, $0x0;
	v32 =	vmul.f32 v17, v2;
	[tilespmem:s23+$0xB0] =	vst v29  }
0x307: {  	v13 =	vbroadcast v13, $0x0;
	v37 =	vld [tilespmem:s14+$0xFFFFFF50];
	[tilespmem:s12+$0xC0] =	vst v3;
	v3 =	vmul.f32 v18, v2  }
0x308: {  	v39 =	vld [tilespmem:s14+$0xFFFFFF60];
	[tilespmem:s12+$0xD0] =	vst v32;
	v2 =	vmul.f32 v24, v2  }
0x309: {  	v38 =	vmul.f32 v33, v25;
	[tilespmem:s12+$0xE0] =	vst v3;
	v3 =	vld [tilespmem:s14+$0xFFFFFF40]  }
0x30a: {  	v40 =	vld [tilespmem:s14+$0xFFFFFF70];
	[tilespmem:s12+$0xF0] =	vst v2;
	v2 =	vmul.f32 v31, v25  }
0x30b: {  	v41 =	vld [tilespmem:s14+$0xFFFFFF80];
	v5 =	vmul.f32 v35, v25;
	[tilespmem:s14+$0xFFFFFF10] =	vst v38  }
0x30c: {  	v28 =	vld.idx.msk [tilespmem:v15+s22+$0x0], $0xffff;
	[tilespmem:s14+$0xFFFFFF00] =	vst v2;
	v2 =	vmul.f32 v34, v25  }
0x30d: {  	v42 =	vmul.f32 v37, v25;
	v27 =	vld.idx.msk [tilespmem:v13+s22+$0x0], $0xffff;
	[tilespmem:s14+$0xFFFFFF30] =	vst v5  }
0x30e: {  	[tilespmem:s14+$0xFFFFFF20] =	vst v2;
	v2 =	vmul.f32 v3, v25;
	v3 =	vld [tilespmem:s14+$0xFFFFFF90]  }
0x30f: {  	v43 =	vld [tilespmem:s14+$0xFFFFFFA0];
	v4 =	vmul.f32 v40, v25;
	[tilespmem:s14+$0xFFFFFF50] =	vst v42  }
0x310: {  	v44 =	vld [tilespmem:s14+$0xFFFFFFB0];
	[tilespmem:s14+$0xFFFFFF40] =	vst v2;
	v2 =	vmul.f32 v39, v25  }
0x311: {  	v45 =	vld [tilespmem:s14+$0xFFFFFFC0];
	[tilespmem:s14+$0xFFFFFF70] =	vst v4;
	v36 =	vmul.f32 v30, v28  }
0x312: {  	v46 =	vld [tilespmem:s14+$0xFFFFFFD0];
	[tilespmem:s14+$0xFFFFFF60] =	vst v2;
	v2 =	vmul.f32 v41, v27  }
0x313: {  	v47 =	vld [tilespmem:s14+$0xFFFFFFE0];
	[tilespmem:s14+$0x70] =	vst v36;
	v3 =	vmul.f32 v3, v27  }
0x314: {  	v48 =	vld [tilespmem:s14+$0xFFFFFFF0];
	[tilespmem:s14+$0xFFFFFF80] =	vst v2;
	v2 =	vmul.f32 v43, v27  }
0x315: {  	v49 =	vld [tilespmem:s14+$0x0];
	[tilespmem:s14+$0xFFFFFF90] =	vst v3;
	v3 =	vmul.f32 v44, v27  }
0x316: {  	v50 =	vld [tilespmem:s14+$0x10];
	[tilespmem:s14+$0xFFFFFFA0] =	vst v2;
	v2 =	vmul.f32 v45, v27  }
0x317: {  	v51 =	vld [tilespmem:s14+$0x20];
	[tilespmem:s14+$0xFFFFFFB0] =	vst v3;
	v3 =	vmul.f32 v46, v27  }
0x318: {  	v52 =	vld [tilespmem:s14+$0x30];
	[tilespmem:s14+$0xFFFFFFC0] =	vst v2;
	v2 =	vmul.f32 v47, v27  }
0x319: {  	v53 =	vld [tilespmem:s14+$0x40];
	[tilespmem:s14+$0xFFFFFFD0] =	vst v3;
	v3 =	vmul.f32 v48, v27  }
0x31a: {  	v54 =	vld [tilespmem:s14+$0x50];
	[tilespmem:s14+$0xFFFFFFE0] =	vst v2;
	v2 =	vmul.f32 v49, v28  }
0x31b: {  	v55 =	vld [tilespmem:s14+$0x60];
	[tilespmem:s14+$0xFFFFFFF0] =	vst v3;
	v3 =	vmul.f32 v50, v28  }
0x31c: {  	v56 =	vld [tilespmem:s14+$0x80];
	[tilespmem:s14+$0x0] =	vst v2;
	v2 =	vmul.f32 v51, v28  }
0x31d: {  	v57 =	vld [tilespmem:s14+$0x90];
	[tilespmem:s14+$0x10] =	vst v3;
	v3 =	vmul.f32 v52, v28  }
0x31e: {  	v58 =	vld [tilespmem:s14+$0xA0];
	[tilespmem:s14+$0x20] =	vst v2;
	v2 =	vmul.f32 v53, v28  }
0x31f: {  	v59 =	vld [tilespmem:s14+$0xB0];
	[tilespmem:s14+$0x30] =	vst v3;
	v3 =	vmul.f32 v54, v28  }
0x320: {  	v60 =	vld [tilespmem:s14+$0xC0];
	[tilespmem:s14+$0x40] =	vst v2;
	v2 =	vmul.f32 v55, v28  }
0x321: {  	v61 =	vld [tilespmem:s14+$0xD0];
	[tilespmem:s14+$0x50] =	vst v3;
	v3 =	vmul.f32 v56, v6  }
0x322: {  	v62 =	vld [tilespmem:s14+$0xE0];
	[tilespmem:s14+$0x60] =	vst v2;
	v2 =	vmul.f32 v57, v6  }
0x323: {  	v63 =	vld [tilespmem:s14+$0xF0];
	[tilespmem:s14+$0x80] =	vst v3;
	v3 =	vmul.f32 v58, v6  }
0x324: {  	[tilespmem:s14+$0x90] =	vst v2;
	v2 =	vmul.f32 v59, v6  }
0x325: {  	[tilespmem:s14+$0xA0] =	vst v3;
	v3 =	vmul.f32 v60, v6  }
0x326: {  	[tilespmem:s14+$0xB0] =	vst v2;
	v2 =	vmul.f32 v61, v6  }
0x327: {  	[tilespmem:s14+$0xC0] =	vst v3;
	v3 =	vmul.f32 v62, v6  }
0x328: {  	[tilespmem:s14+$0xD0] =	vst v2;
	v2 =	vmul.f32 v63, v6  }
0x329: {  	[tilespmem:s14+$0xE0] =	vst v3  }
0x32a: {  	s4 =	simm.s32 $0x5600;
	s23 =	simm.s32 $0x7;
	[tilespmem:s14+$0xF0] =	vst v2  }
0x32b: {  	[spmem:s2] =	stream.indirect.scatter.add.f32 [tilespmem:s17], [sflag:$0x9], $0x80, s4, s11, $0xb8;
	[tilespmem:$0x1F580] =	vst v63  }
0x32c: {  	_ =	swait.ge [sflag:s23], $0x2000  }
0x32d: {  	[sflag:s23] =	ssyncset.done $0x0  }
0x32e: {  	[sflag:s23] =	ssyncadd.s32 $0xFFFFE000  }
0x32f: {  	_ =	swait.ge [sflag:s24], $0x2000  }
0x330: {  	[sflag:s24] =	ssyncset.done $0x0  }
0x331: {  	s25 =	simm.s32 $0x9;
	[sflag:s24] =	ssyncadd.s32 $0xFFFFE000  }
0x332: {  	_ =	swait.ge [sflag:s25], $0x2000  }
0x333: {  	[sflag:s25] =	ssyncset.done $0x0  }
0x334: {  	[sflag:s25] =	ssyncadd.s32 $0xFFFFE000  }
0x335: {  	[bflag:$0x0] =	sbarrier.arrive $0xFFFF  }
0x336: {  	s23 =	rddreg [dreg:$0x10]  }
0x337: {  	[tilespmem:s9], [sflag:$0xA] =	stream.linear.gather [spmem:s23], $0x2000, $0x38;
	[tilespmem:$0x1F580] =	vst v63  }
0x338: {  	_ =	swait.ge [sflag:s6], $0x2000  }
0x339: {  	[sflag:s6] =	ssyncset.done $0x0  }
0x33a: {  	s26 =	rddreg [dreg:$0x4];
	[sflag:s6] =	ssyncadd.s32 $0xFFFFE000  }
0x33b: {  	[hbm4b:s26+s3] =	stream.linear.scatter [tilespmem:s9], [sflag:$0xA], $0x2000, $0x38;
	[tilespmem:$0x1F580] =	vst v63  }
0x33c: {  	_ =	swait.ge [sflag:s6], $0x2000  }
0x33d: {  	[sflag:s6] =	ssyncset.done $0x0  }
0x33e: {  	s26 =	rddreg [dreg:$0x11];
	[sflag:s6] =	ssyncadd.s32 $0xFFFFE000  }
0x33f: {  	[tilespmem:s9], [sflag:$0xA] =	stream.linear.gather [spmem:s26], $0x2000, $0x38;
	[tilespmem:$0x1F580] =	vst v63  }
0x340: {  	_ =	swait.ge [sflag:s6], $0x2000  }
0x341: {  	[sflag:s6] =	ssyncset.done $0x0  }
0x342: {  	s29 =	rddreg [dreg:$0x5];
	[sflag:s6] =	ssyncadd.s32 $0xFFFFE000  }
0x343: {  	[hbm4b:s29+s3] =	stream.linear.scatter [tilespmem:s9], [sflag:$0xA], $0x2000, $0x38;
	[tilespmem:$0x1F580] =	vst v63  }
0x344: {  	_ =	swait.ge [sflag:s6], $0x2000  }
0x345: {  	[sflag:s6] =	ssyncset.done $0x0  }
0x346: {  	s12 =	rddreg [dreg:$0x12];
	[sflag:s6] =	ssyncadd.s32 $0xFFFFE000  }
0x347: {  	[tilespmem:s9], [sflag:$0xA] =	stream.linear.gather [spmem:s12], $0x2000, $0x38;
	[tilespmem:$0x1F580] =	vst v63  }
0x348: {  	_ =	swait.ge [sflag:s6], $0x2000  }
0x349: {  	[sflag:s6] =	ssyncset.done $0x0  }
0x34a: {  	s14 =	rddreg [dreg:$0x6];
	[sflag:s6] =	ssyncadd.s32 $0xFFFFE000  }
0x34b: {  	[hbm4b:s14+s3] =	stream.linear.scatter [tilespmem:s9], [sflag:$0xA], $0x2000, $0x38;
	[tilespmem:$0x1F580] =	vst v63  }
0x34c: {  	_ =	swait.ge [sflag:s6], $0x2000  }
0x34d: {  	[sflag:s6] =	ssyncset.done $0x0  }
0x34e: {  	s25 =	rddreg [dreg:$0x13];
	[sflag:s6] =	ssyncadd.s32 $0xFFFFE000  }
0x34f: {  	[tilespmem:s9], [sflag:$0xA] =	stream.linear.gather [spmem:s25], $0x2000, $0x38;
	[tilespmem:$0x1F580] =	vst v63  }
0x350: {  	_ =	swait.ge [sflag:s6], $0x2000  }
0x351: {  	[sflag:s6] =	ssyncset.done $0x0  }
0x352: {  	s29 =	rddreg [dreg:$0x7];
	[sflag:s6] =	ssyncadd.s32 $0xFFFFE000  }
0x353: {  	[hbm4b:s29+s3] =	stream.linear.scatter [tilespmem:s9], [sflag:$0xA], $0x2000, $0x38;
	[tilespmem:$0x1F580] =	vst v63  }
0x354: {  	_ =	swait.ge [sflag:s6], $0x2000  }
0x355: {  	[sflag:s6] =	ssyncset.done $0x0  }
0x356: {  	s12 =	rddreg [dreg:$0x14];
	[sflag:s6] =	ssyncadd.s32 $0xFFFFE000  }
0x357: {  	[tilespmem:s9], [sflag:$0xA] =	stream.linear.gather [spmem:s12], $0x2000, $0x38;
	[tilespmem:$0x1F580] =	vst v63  }
0x358: {  	_ =	swait.ge [sflag:s6], $0x2000  }
0x359: {  	[sflag:s6] =	ssyncset.done $0x0  }
0x35a: {  	s14 =	rddreg [dreg:$0x8];
	[sflag:s6] =	ssyncadd.s32 $0xFFFFE000  }
0x35b: {  	[hbm4b:s14+s3] =	stream.linear.scatter [tilespmem:s9], [sflag:$0xA], $0x2000, $0x38;
	[tilespmem:$0x1F580] =	vst v63  }
0x35c: {  	_ =	swait.ge [sflag:s6], $0x2000  }
0x35d: {  	[sflag:s6] =	ssyncset.done $0x0  }
0x35e: {  	s25 =	rddreg [dreg:$0x15];
	[sflag:s6] =	ssyncadd.s32 $0xFFFFE000  }
0x35f: {  	[tilespmem:s9], [sflag:$0xA] =	stream.linear.gather [spmem:s25], $0x2000, $0x38;
	[tilespmem:$0x1F580] =	vst v63  }
0x360: {  	_ =	swait.ge [sflag:s6], $0x2000  }
0x361: {  	[sflag:s6] =	ssyncset.done $0x0  }
0x362: {  	s29 =	rddreg [dreg:$0x9];
	[sflag:s6] =	ssyncadd.s32 $0xFFFFE000  }
0x363: {  	[hbm4b:s29+s3] =	stream.linear.scatter [tilespmem:s9], [sflag:$0xA], $0x2000, $0x38;
	[tilespmem:$0x1F580] =	vst v63  }
0x364: {  	_ =	swait.ge [sflag:s6], $0x2000  }
0x365: {  	[sflag:s6] =	ssyncset.done $0x0  }
0x366: {  	s25 =	rddreg [dreg:$0x16];
	[sflag:s6] =	ssyncadd.s32 $0xFFFFE000  }
0x367: {  	[tilespmem:s9], [sflag:$0xA] =	stream.linear.gather [spmem:s25], $0x2000, $0x38;
	[tilespmem:$0x1F580] =	vst v63  }
0x368: {  	_ =	swait.ge [sflag:s6], $0x2000  }
0x369: {  	[sflag:s6] =	ssyncset.done $0x0  }
0x36a: {  	s12 =	rddreg [dreg:$0xa];
	[sflag:s6] =	ssyncadd.s32 $0xFFFFE000  }
0x36b: {  	[hbm4b:s12+s3] =	stream.linear.scatter [tilespmem:s9], [sflag:$0xA], $0x2000, $0x38;
	[tilespmem:$0x1F580] =	vst v63  }
0x36c: {  	_ =	swait.ge [sflag:s6], $0x2000  }
0x36d: {  	[sflag:s6] =	ssyncset.done $0x0  }
0x36e: {  	s14 =	rddreg [dreg:$0x17];
	[sflag:s6] =	ssyncadd.s32 $0xFFFFE000  }
0x36f: {  	[tilespmem:s9], [sflag:$0xA] =	stream.linear.gather [spmem:s14], $0x2000, $0x38;
	[tilespmem:$0x1F580] =	vst v63  }
0x370: {  	_ =	swait.ge [sflag:s6], $0x2000  }
0x371: {  	[sflag:s6] =	ssyncset.done $0x0  }
0x372: {  	s29 =	rddreg [dreg:$0xb];
	[sflag:s6] =	ssyncadd.s32 $0xFFFFE000  }
0x373: {  	[hbm4b:s29+s3] =	stream.linear.scatter [tilespmem:s9], [sflag:$0xA], $0x2000, $0x38;
	[tilespmem:$0x1F580] =	vst v63  }
0x374: {  	_ =	swait.ge [sflag:s6], $0x2000  }
0x375: {  	[sflag:s6] =	ssyncset.done $0x0  }
0x376: {  	s12 =	rddreg [dreg:$0x18];
	[sflag:s6] =	ssyncadd.s32 $0xFFFFE000  }
0x377: {  	[tilespmem:s9], [sflag:$0xA] =	stream.linear.gather [spmem:s12], $0x2000, $0x38;
	[tilespmem:$0x1F580] =	vst v63  }
0x378: {  	_ =	swait.ge [sflag:s6], $0x2000  }
0x379: {  	[sflag:s6] =	ssyncset.done $0x0  }
0x37a: {  	s14 =	rddreg [dreg:$0xc];
	[sflag:s6] =	ssyncadd.s32 $0xFFFFE000  }
0x37b: {  	[hbm4b:s14+s3] =	stream.linear.scatter [tilespmem:s9], [sflag:$0xA], $0x2000, $0x38;
	[tilespmem:$0x1F580] =	vst v63  }
0x37c: {  	_ =	swait.ge [sflag:s6], $0x2000  }
0x37d: {  	[sflag:s6] =	ssyncset.done $0x0  }
0x37e: {  	s29 =	rddreg [dreg:$0x19];
	[sflag:s6] =	ssyncadd.s32 $0xFFFFE000  }
0x37f: {  	[tilespmem:s9], [sflag:$0xA] =	stream.linear.gather [spmem:s29], $0x1C00, $0x38;
	[tilespmem:$0x1F580] =	vst v63  }
0x380: {  	_ =	swait.ge [sflag:s6], $0x1C00  }
0x381: {  	[sflag:s6] =	ssyncset.done $0x0  }
0x382: {  	s12 =	rddreg [dreg:$0xd];
	[sflag:s6] =	ssyncadd.s32 $0xFFFFE400  }
0x383: {  	[hbm4b:s12+s3] =	stream.linear.scatter [tilespmem:s9], [sflag:$0xA], $0x1C00, $0x38;
	[tilespmem:$0x1F580] =	vst v63  }
0x384: {  	_ =	swait.ge [sflag:s6], $0x1C00  }
0x385: {  	s14 =	rddreg [dreg:$0x1e]  }
0x386: {  	s29 =	rddreg [dreg:$0x1d];
	s12 =	sadd.s32 $0x1, s14  }
0x387: {  	p0 =	sne.s32 s12, s29  }
.Ltmp8:
0x388: {  	_ = 	snop;
	(pc) =	sbr.rel @p0 .LBB2_1-.Ltmp8, $3  }
0x389: {  	_ =	sdelay $0x1  }
0x38a: {  	[sflag:s6] =	ssyncset.done $0x0  }
0x38b: {  	[sflag:s6] =	ssyncadd.s32 $0xFFFFE400  }
0x38c: {  	_ =	sfence.sel $0x180000  }
0x38d: {  	[bflag:$0x0] =	sbarrier.arrive $0xFFFF  }
0x38e: {  	_ =	strace $0x90000047  }
0x38f: {  	s0 =	stileid.u32;
	[bflag:$0x2] =	sbarrier.arrive $0xFFFF  }
0x390: {  	p0 =	sne.s32 s0, $0x0;
	s0 =	rddreg [dreg:$0x3]  }
0x391: {  	s0 =	sadd.s32 @!p0 $0x100000, s0  }
0x392: {  	[sflag:s0] =	ssyncadd.tile.s32 @!p0 $0x1;
	_ =	shalt  }
.Lfunc_end2:
_tile_overlayer_lowered:
.L_overlay_start_2:
0x393: {  	(tag) =	ssettag $0x2  }
0x394: {  	s0 =	rddreg [dreg:$0x0];
	s2 =	stileid.u32  }
0x395: {  	s1 =	rddreg [dreg:$0x1];
	p0 =	sne.s32 s2, $0x0  }
0x396: {  	s3 =	rddreg [dreg:$0x2];
	[bflag:$0x3] =	sbarrier.arrive $0xFFFF;
	s2 =	simm.s32 @!p0 $0x1C0A  }
0x397: {  	[timem:s3], [sflag:s2] =	dma.local @!p0 [hbm:s0], s1  }
0x398: {  	s0 =	simm.s32 @!p0 $0xA  }
0x399: {  	_ =	swait.ge @!p0 [sflag:s0], s1  }
0x39a: {  	s1 =	ssub.s32 @!p0 $0x0, s1;
	[sflag:s0] =	ssyncset.done @!p0 $0x0  }
0x39b: {  	[sflag:s0] =	ssyncadd.s32 @!p0 s1  }
0x39c: {  	[bflag:$0x3] =	sbarrier.arrive $0xFFFF  }
0x39d: {  	_ =	shalt  }

</sc_bundles>
